<compile_context>
chip_gen: v7x
topology: tpu7x:2x2x1
jax: 0.10.2.dev20260603
libtpu: 0.0.44.dev20260713+nightly
codegen_flags: <defaults>
</compile_context>

<pallas_src>
import functools

import jax
import jax.numpy as jnp
from jax import lax
from jax.experimental import pallas as pl
from jax.experimental.pallas import tpu as pltpu
from jax.experimental.pallas import tpu_sc as plsc

_B = 16384
_C = 1000
_K = 64
_LN2 = 0.6931471805599453


def _plog16(x):
    xi = lax.bitcast_convert_type(x, jnp.int32)
    ef = lax.shift_right_logical(xi, 23).astype(jnp.float32)
    mi = (xi & 0x007FFFFF) | 0x3F800000
    m = lax.bitcast_convert_type(mi, jnp.float32)
    s = (m - 1.0) / (m + 1.0)
    z = s * s
    p = z * (1.0 / 7.0) + (1.0 / 5.0)
    p = p * z + (1.0 / 3.0)
    p = p * z + 1.0
    return (ef * _LN2 + (s + s) * p) - (127.0 * _LN2)


_GATHER_DNUMS = lax.GatherDimensionNumbers(
    offset_dims=(), collapsed_slice_dims=(0,), start_index_map=(0,))


def _shuffle_xor(x, k):
    idx = lax.iota(jnp.int32, 16) ^ k
    return lax.gather(x, idx[:, None], dimension_numbers=_GATHER_DNUMS,
                      slice_sizes=(1,),
                      mode=lax.GatherScatterMode.PROMISE_IN_BOUNDS)


def _all_reduce16(x, op):
    for k in (1, 2, 4, 8):
        x = op(x, _shuffle_xor(x, k))
    return x


def _sc_partials(score, targets):
    info = plsc.get_sparse_core_info()
    NC, NS, L = info.num_cores, info.num_subcores, info.num_lanes
    NW = NC * NS
    RPW = _B // NW
    RB = 16
    NCH = RPW // RB
    NFULL = _C // L
    AW = (NFULL + 1) * L
    BW = RB * _C + L
    mesh = plsc.VectorSubcoreMesh(core_axis_name="c", subcore_axis_name="s")

    @functools.partial(
        pl.kernel,
        mesh=mesh,
        out_type=jax.ShapeDtypeStruct((NW, _K, AW), jnp.float32),
        scratch_types=[
            pltpu.VMEM((RPW,), jnp.int32),
            pltpu.VMEM((BW,), jnp.float32),
            pltpu.VMEM((BW,), jnp.float32),
            pltpu.VMEM((_K, AW), jnp.float32),
            pltpu.SemaphoreType.DMA,
            pltpu.SemaphoreType.DMA,
            pltpu.SemaphoreType.DMA,
        ],
    )
    def k(score_h, tgt_h, out_h, tgt_v, buf0, buf1, acc, sem0, sem1, tsem):
        wid = lax.axis_index("s") * NC + lax.axis_index("c")
        row0 = wid * RPW
        pltpu.async_copy(tgt_h.at[pl.ds(row0, RPW)], tgt_v, tsem).wait()

        zero = jnp.zeros((L,), jnp.float32)

        def zbody(i, carry):
            def zrow(c, carry2):
                acc[i, pl.ds(c * L, L)] = zero
                return carry2
            lax.fori_loop(0, NFULL + 1, zrow, 0, unroll=9)
            return carry

        lax.fori_loop(0, _K, zbody, 0)
        iota = lax.iota(jnp.int32, L)

        def process(buf, g):
            tvec = tgt_v[pl.ds(g * RB, L)]

            @plsc.parallel_loop(0, RB, unroll=2)
            def row_body(r):
                tsel = jnp.where(iota == r, tvec, 0)
                t = _all_reduce16(tsel, jnp.add)[0]
                roff = r * _C

                @plsc.parallel_loop(
                    0, NFULL, carry=jnp.full((L,), -1.0, jnp.float32),
                    unroll=16)
                def p1out(c, vmax):
                    v = buf[pl.ds(roff + c * L, L)]
                    return jnp.maximum(vmax, v)

                vmax = p1out
                vt = buf[pl.ds(roff + NFULL * L, L)]
                colt = NFULL * L + iota
                maskt = colt < _C
                vmax = jnp.maximum(vmax, jnp.where(maskt, vt, -1.0))
                mxv = _all_reduce16(vmax, jnp.maximum)

                tsplat = jnp.zeros((L,), jnp.int32) + t
                tch = buf[pl.ds(roff + ((t >> 4) << 4), L)]
                s_tv = _all_reduce16(
                    jnp.where(iota == (t & 15), tch, 0.0), jnp.add)
                hit = jnp.zeros((L,), jnp.int32)
                for cc in range(4):
                    vv = buf[pl.ds(roff + cc * L, L)]
                    colv = cc * L + iota
                    hit = hit + jnp.where(
                        (vv == mxv) & (colv < tsplat), 1, 0)
                hitsum = _all_reduce16(hit, jnp.add)
                w = jnp.where((s_tv == mxv) & (hitsum == 0), s_tv,
                              jnp.float32(1.0))

                @plsc.parallel_loop(0, NFULL, unroll=11)
                def _(c):
                    v = buf[pl.ds(roff + c * L, L)]
                    gval = w * _plog16(v + 1e-12)
                    plsc.addupdate(acc.at[t, pl.ds(c * L, L)], gval)
                vt2 = buf[pl.ds(roff + NFULL * L, L)]
                gt = w * _plog16(vt2 + 1e-12)
                gt = jnp.where(maskt, gt, 0.0)
                plsc.addupdate(acc.at[t, pl.ds(NFULL * L, L)], gt)

        pltpu.async_copy(score_h.at[pl.ds(row0 * _C, RB * _C)],
                         buf0.at[pl.ds(0, RB * _C)], sem0)

        def outer(gg, carry):
            for b in range(2):
                g = 2 * gg + b
                buf, sem = (buf0, sem0) if b == 0 else (buf1, sem1)
                nbuf, nsem = (buf1, sem1) if b == 0 else (buf0, sem0)

                @pl.when(g + 1 < NCH)
                def _():
                    pltpu.async_copy(
                        score_h.at[pl.ds((row0 + (g + 1) * RB) * _C, RB * _C)],
                        nbuf.at[pl.ds(0, RB * _C)], nsem)

                pltpu.make_async_copy(
                    score_h.at[pl.ds(0, RB * _C)],
                    buf.at[pl.ds(0, RB * _C)], sem).wait()
                process(buf, g)
            return carry

        lax.fori_loop(0, NCH // 2, outer, 0)
        pltpu.sync_copy(acc, out_h.at[wid])

    return k(score.reshape(-1), targets)


def _finalize(partials, tg2d):

    def body(p_ref, t_ref, o_ref):
        M = jnp.sum(p_ref[...], axis=0)[:, :_C]
        tg = t_ref[...]
        ks = lax.broadcasted_iota(jnp.int32, (_K,) + tg.shape, 0)
        cnt = jnp.sum((tg[None] == ks).astype(jnp.float32), axis=(1, 2))
        dmask = (lax.broadcasted_iota(jnp.int32, (_K, _C), 0)
                 == lax.broadcasted_iota(jnp.int32, (_K, _C), 1))
        dg = jnp.sum(jnp.where(dmask, M, 0.0), axis=1)
        rs = jnp.sum(M, axis=1) - dg
        ss = jnp.sum(M * M, axis=1) - dg * dg
        n = jnp.float32(_C - 1)
        var = (ss - rs * rs / n) / (n - 1.0)
        std = jnp.sqrt(jnp.maximum(var, 0.0))
        present = cnt > 0.5
        kf = jnp.sum(present.astype(jnp.float32))
        invc = jnp.where(present, 1.0 / jnp.maximum(cnt, 1.0), 0.0)
        loss = jnp.sum(invc) * jnp.sum(jnp.where(present, std, 0.0)) / kf
        o_ref[...] = jnp.broadcast_to(loss, (1, 1))

    out = pl.pallas_call(
        body, out_shape=jax.ShapeDtypeStruct((1, 1), jnp.float32))(
            partials, tg2d)
    return out[0, 0]


def kernel(substitute_score, targets):
    parts = _sc_partials(substitute_score, targets)
    tg2d = targets.reshape(128, 128)
    return _finalize(parts, tg2d)

# --- scband reference (transcript-rebuilt; emitter-appended) ---
"""Pipeline reference for scband-intra-diversity-loss-49392123904102 (READ-ONLY COPY).

The authoritative reference and input builder live on the scoring server;
editing this copy changes nothing except your own understanding.
"""

import jax, jax.numpy as jnp
import numpy as np


def setup_inputs(seed: int = 0) -> dict:
    key = jax.random.key(seed)
    k1, k2 = jax.random.split(key)
    substitute_score = jax.random.uniform(k1, (16384, 1000), dtype=jnp.float32)
    targets = jax.random.randint(k2, (16384,), 0, 64, dtype=jnp.int32)
    return {"substitute_score": substitute_score, "targets": targets}


def reference(substitute_score, targets):
    B, C = substitute_score.shape
    # select_or_exclude_labelcol(exclude=True): per-row columns != target, row-major order
    base = jnp.arange(C - 1, dtype=targets.dtype)
    excl_cols = base[None, :] + (base[None, :] >= targets[:, None]).astype(targets.dtype)
    # idx_false = rows where argmax prediction != target
    pred = jnp.argmax(substitute_score, axis=1)
    out_score_exclude = jnp.take_along_axis(substitute_score, excl_cols, axis=1)
    out_score_target = substitute_score[jnp.arange(B), targets][:, None]
    out_score_target = jnp.where((pred != targets)[:, None], jnp.asarray(1.0, out_score_target.dtype), out_score_target)
    # weight_energy_distance
    adjusted = -out_score_target * jnp.log(out_score_exclude + 1e-12)
    norm_mtx = jax.nn.log_softmax(adjusted, axis=1)
    # criticize=False branch
    K_max = 64
    onehot = jnp.zeros((B, K_max), dtype=norm_mtx.dtype).at[jnp.arange(B), targets].set(1.0)
    out_t_score = onehot.T @ norm_mtx
    std_k = jnp.std(out_t_score, axis=1, ddof=1)
    counts = onehot.T.sum(axis=1)[:, None]
    present = counts[:, 0] > 0
    K = jnp.sum(present).astype(norm_mtx.dtype)
    # NB: faithful to torch broadcasting bug: [K] / [K,1] -> [K,K]
    res = jnp.where(present[:, None] & present[None, :], std_k / counts, jnp.asarray(0.0, norm_mtx.dtype))
    loss = res.sum() / K
    return loss

if __name__ == "__main__":
    import jax
    _d = setup_inputs()
    print(jax.jit(kernel)(*tuple(_d.values())))

</pallas_src>

<mosaic_0001>
#map = affine_map<(d0, d1) -> (0)>
#map1 = affine_map<(d0, d1) -> (0, 0, 0)>
module attributes {stable_mosaic.version = 14 : i64} {
  func.func @k(%arg0: i32, %arg1: i32, %arg2: memref<16384000xf32, #tpu.memory_space<hbm>>, %arg3: memref<16384xi32, #tpu.memory_space<hbm>>, %arg4: memref<32x64x1008xf32, #tpu.memory_space<hbm>>, %arg5: memref<512xi32, #tpu.memory_space<vmem>>, %arg6: memref<16016xf32, #tpu.memory_space<vmem>>, %arg7: memref<16016xf32, #tpu.memory_space<vmem>>, %arg8: memref<64x1008xf32, #tpu.memory_space<vmem>>, %arg9: memref<!tpu.dma_semaphore, #tpu.memory_space<semaphore_mem>>, %arg10: memref<!tpu.dma_semaphore, #tpu.memory_space<semaphore_mem>>, %arg11: memref<!tpu.dma_semaphore, #tpu.memory_space<semaphore_mem>>) attributes {dimension_semantics = [#tpu.dimension_semantics<core_parallel>, #tpu.dimension_semantics<subcore_parallel>], iteration_bounds = array<i64: 2, 16>, scalar_prefetch = 0 : i64, scratch_operands = 7 : i64, tpu.core_type = #tpu.core_type<sc_vector_subcore>, window_params = [{transform_indices = #map}, {transform_indices = #map}, {transform_indices = #map1}]} {
    %mul3A = arith.constant 2 : i32
    %mul3A_0 = arith.muli %arg1, %mul3A : i32
    %add3A = arith.addi %mul3A_0, %arg0 : i32
    %mul3A_1 = arith.constant 512 : i32
    %mul3A_2 = arith.muli %add3A, %mul3A_1 : i32
    %dma_start3A = tpu.memref_slice %arg3[%mul3A_2] : memref<16384xi32, #tpu.memory_space<hbm>> -> memref<512xi32, #tpu.memory_space<hbm>>
    %dma_start3A_3 = tpu.memref_slice %arg3[%mul3A_2] : memref<16384xi32, #tpu.memory_space<hbm>> -> memref<512xi32, #tpu.memory_space<hbm>>
    tpu.enqueue_dma source(%dma_start3A_3 : memref<512xi32, #tpu.memory_space<hbm>>) target(%arg5 : memref<512xi32, #tpu.memory_space<vmem>>) target_semaphore(%arg11 : memref<!tpu.dma_semaphore, #tpu.memory_space<semaphore_mem>>)
    %dma_wait3A = tpu.memref_slice %arg3[%mul3A_2] : memref<16384xi32, #tpu.memory_space<hbm>> -> memref<512xi32, #tpu.memory_space<hbm>>
    %dma_wait3A_4 = tpu.memref_slice %arg3[%mul3A_2] : memref<16384xi32, #tpu.memory_space<hbm>> -> memref<512xi32, #tpu.memory_space<hbm>>
    tpu.wait_dma2 semaphore(%arg11 : memref<!tpu.dma_semaphore, #tpu.memory_space<semaphore_mem>>) src(%dma_wait3A_4 : memref<512xi32, #tpu.memory_space<hbm>>) dst(%arg5 : memref<512xi32, #tpu.memory_space<vmem>>)
    %broadcast_in_dim3A = arith.constant 0.000000e+00 : f32
    %broadcast_in_dim3A_5 = vector.broadcast %broadcast_in_dim3A : f32 to vector<16xf32>
    %scan3A = arith.constant 0 : i32
    %scan3A_6 = arith.constant 0 : i32
    %scan3A_7 = arith.constant 64 : i32
    %scan3A_8 = arith.addi %scan3A_6, %scan3A_7 : i32
    %scan3A_9 = arith.constant 1 : i32
    scf.for %scan3A_25 = %scan3A_6 to %scan3A_8 step %scan3A_9  : i32 {
      %scan3A_26 = arith.constant 0 : i32
      %scan3A_27 = arith.constant 0 : i32
      %scan3A_28 = arith.constant 63 : i32
      %scan3A_29 = arith.addi %scan3A_27, %scan3A_28 : i32
      %scan3A_30 = arith.constant 9 : i32
      scf.for %scan3A_32 = %scan3A_27 to %scan3A_29 step %scan3A_30  : i32 {
        %mul3A_33 = arith.constant 16 : i32
        %mul3A_34 = arith.muli %scan3A_32, %mul3A_33 : i32
        %swap3A = arith.index_cast %scan3A_25 : i32 to index
        %swap3A_35 = arith.index_cast %mul3A_34 : i32 to index
        %swap3A_36 = tpu.vector_load %arg8[%swap3A, %swap3A_35] {strides = array<i32>} : memref<64x1008xf32, #tpu.memory_space<vmem>>, vector<1x16xf32>,
        %swap3A_37 = vector.shape_cast %swap3A_36 : vector<1x16xf32> to vector<16xf32>
        %swap3A_38 = vector.shape_cast %broadcast_in_dim3A_5 : vector<16xf32> to vector<1x16xf32>
        tpu.vector_store %arg8[%swap3A, %swap3A_35], %swap3A_38 {strides = array<i32>} : memref<64x1008xf32, #tpu.memory_space<vmem>>, vector<1x16xf32>,
        %scan3A_39 = arith.constant 1 : i32
        %scan3A_40 = arith.addi %scan3A_32, %scan3A_39 : i32
        %mul3A_41 = arith.constant 16 : i32
        %mul3A_42 = arith.muli %scan3A_40, %mul3A_41 : i32
        %swap3A_43 = arith.index_cast %scan3A_25 : i32 to index
        %swap3A_44 = arith.index_cast %mul3A_42 : i32 to index
        %swap3A_45 = tpu.vector_load %arg8[%swap3A_43, %swap3A_44] {strides = array<i32>} : memref<64x1008xf32, #tpu.memory_space<vmem>>, vector<1x16xf32>,
        %swap3A_46 = vector.shape_cast %swap3A_45 : vector<1x16xf32> to vector<16xf32>
        %swap3A_47 = vector.shape_cast %broadcast_in_dim3A_5 : vector<16xf32> to vector<1x16xf32>
        tpu.vector_store %arg8[%swap3A_43, %swap3A_44], %swap3A_47 {strides = array<i32>} : memref<64x1008xf32, #tpu.memory_space<vmem>>, vector<1x16xf32>,
        %scan3A_48 = arith.constant 2 : i32
        %scan3A_49 = arith.addi %scan3A_32, %scan3A_48 : i32
        %mul3A_50 = arith.constant 16 : i32
        %mul3A_51 = arith.muli %scan3A_49, %mul3A_50 : i32
        %swap3A_52 = arith.index_cast %scan3A_25 : i32 to index
        %swap3A_53 = arith.index_cast %mul3A_51 : i32 to index
        %swap3A_54 = tpu.vector_load %arg8[%swap3A_52, %swap3A_53] {strides = array<i32>} : memref<64x1008xf32, #tpu.memory_space<vmem>>, vector<1x16xf32>,
        %swap3A_55 = vector.shape_cast %swap3A_54 : vector<1x16xf32> to vector<16xf32>
        %swap3A_56 = vector.shape_cast %broadcast_in_dim3A_5 : vector<16xf32> to vector<1x16xf32>
        tpu.vector_store %arg8[%swap3A_52, %swap3A_53], %swap3A_56 {strides = array<i32>} : memref<64x1008xf32, #tpu.memory_space<vmem>>, vector<1x16xf32>,
        %scan3A_57 = arith.constant 3 : i32
        %scan3A_58 = arith.addi %scan3A_32, %scan3A_57 : i32
        %mul3A_59 = arith.constant 16 : i32
        %mul3A_60 = arith.muli %scan3A_58, %mul3A_59 : i32
        %swap3A_61 = arith.index_cast %scan3A_25 : i32 to index
        %swap3A_62 = arith.index_cast %mul3A_60 : i32 to index
        %swap3A_63 = tpu.vector_load %arg8[%swap3A_61, %swap3A_62] {strides = array<i32>} : memref<64x1008xf32, #tpu.memory_space<vmem>>, vector<1x16xf32>,
        %swap3A_64 = vector.shape_cast %swap3A_63 : vector<1x16xf32> to vector<16xf32>
        %swap3A_65 = vector.shape_cast %broadcast_in_dim3A_5 : vector<16xf32> to vector<1x16xf32>
        tpu.vector_store %arg8[%swap3A_61, %swap3A_62], %swap3A_65 {strides = array<i32>} : memref<64x1008xf32, #tpu.memory_space<vmem>>, vector<1x16xf32>,
        %scan3A_66 = arith.constant 4 : i32
        %scan3A_67 = arith.addi %scan3A_32, %scan3A_66 : i32
        %mul3A_68 = arith.constant 16 : i32
        %mul3A_69 = arith.muli %scan3A_67, %mul3A_68 : i32
        %swap3A_70 = arith.index_cast %scan3A_25 : i32 to index
        %swap3A_71 = arith.index_cast %mul3A_69 : i32 to index
        %swap3A_72 = tpu.vector_load %arg8[%swap3A_70, %swap3A_71] {strides = array<i32>} : memref<64x1008xf32, #tpu.memory_space<vmem>>, vector<1x16xf32>,
        %swap3A_73 = vector.shape_cast %swap3A_72 : vector<1x16xf32> to vector<16xf32>
        %swap3A_74 = vector.shape_cast %broadcast_in_dim3A_5 : vector<16xf32> to vector<1x16xf32>
        tpu.vector_store %arg8[%swap3A_70, %swap3A_71], %swap3A_74 {strides = array<i32>} : memref<64x1008xf32, #tpu.memory_space<vmem>>, vector<1x16xf32>,
        %scan3A_75 = arith.constant 5 : i32
        %scan3A_76 = arith.addi %scan3A_32, %scan3A_75 : i32
        %mul3A_77 = arith.constant 16 : i32
        %mul3A_78 = arith.muli %scan3A_76, %mul3A_77 : i32
        %swap3A_79 = arith.index_cast %scan3A_25 : i32 to index
        %swap3A_80 = arith.index_cast %mul3A_78 : i32 to index
        %swap3A_81 = tpu.vector_load %arg8[%swap3A_79, %swap3A_80] {strides = array<i32>} : memref<64x1008xf32, #tpu.memory_space<vmem>>, vector<1x16xf32>,
        %swap3A_82 = vector.shape_cast %swap3A_81 : vector<1x16xf32> to vector<16xf32>
        %swap3A_83 = vector.shape_cast %broadcast_in_dim3A_5 : vector<16xf32> to vector<1x16xf32>
        tpu.vector_store %arg8[%swap3A_79, %swap3A_80], %swap3A_83 {strides = array<i32>} : memref<64x1008xf32, #tpu.memory_space<vmem>>, vector<1x16xf32>,
        %scan3A_84 = arith.constant 6 : i32
        %scan3A_85 = arith.addi %scan3A_32, %scan3A_84 : i32
        %mul3A_86 = arith.constant 16 : i32
        %mul3A_87 = arith.muli %scan3A_85, %mul3A_86 : i32
        %swap3A_88 = arith.index_cast %scan3A_25 : i32 to index
        %swap3A_89 = arith.index_cast %mul3A_87 : i32 to index
        %swap3A_90 = tpu.vector_load %arg8[%swap3A_88, %swap3A_89] {strides = array<i32>} : memref<64x1008xf32, #tpu.memory_space<vmem>>, vector<1x16xf32>,
        %swap3A_91 = vector.shape_cast %swap3A_90 : vector<1x16xf32> to vector<16xf32>
        %swap3A_92 = vector.shape_cast %broadcast_in_dim3A_5 : vector<16xf32> to vector<1x16xf32>
        tpu.vector_store %arg8[%swap3A_88, %swap3A_89], %swap3A_92 {strides = array<i32>} : memref<64x1008xf32, #tpu.memory_space<vmem>>, vector<1x16xf32>,
        %scan3A_93 = arith.constant 7 : i32
        %scan3A_94 = arith.addi %scan3A_32, %scan3A_93 : i32
        %mul3A_95 = arith.constant 16 : i32
        %mul3A_96 = arith.muli %scan3A_94, %mul3A_95 : i32
        %swap3A_97 = arith.index_cast %scan3A_25 : i32 to index
        %swap3A_98 = arith.index_cast %mul3A_96 : i32 to index
        %swap3A_99 = tpu.vector_load %arg8[%swap3A_97, %swap3A_98] {strides = array<i32>} : memref<64x1008xf32, #tpu.memory_space<vmem>>, vector<1x16xf32>,
        %swap3A_100 = vector.shape_cast %swap3A_99 : vector<1x16xf32> to vector<16xf32>
        %swap3A_101 = vector.shape_cast %broadcast_in_dim3A_5 : vector<16xf32> to vector<1x16xf32>
        tpu.vector_store %arg8[%swap3A_97, %swap3A_98], %swap3A_101 {strides = array<i32>} : memref<64x1008xf32, #tpu.memory_space<vmem>>, vector<1x16xf32>,
        %scan3A_102 = arith.constant 8 : i32
        %scan3A_103 = arith.addi %scan3A_32, %scan3A_102 : i32
        %mul3A_104 = arith.constant 16 : i32
        %mul3A_105 = arith.muli %scan3A_103, %mul3A_104 : i32
        %swap3A_106 = arith.index_cast %scan3A_25 : i32 to index
        %swap3A_107 = arith.index_cast %mul3A_105 : i32 to index
        %swap3A_108 = tpu.vector_load %arg8[%swap3A_106, %swap3A_107] {strides = array<i32>} : memref<64x1008xf32, #tpu.memory_space<vmem>>, vector<1x16xf32>,
        %swap3A_109 = vector.shape_cast %swap3A_108 : vector<1x16xf32> to vector<16xf32>
        %swap3A_110 = vector.shape_cast %broadcast_in_dim3A_5 : vector<16xf32> to vector<1x16xf32>
        tpu.vector_store %arg8[%swap3A_106, %swap3A_107], %swap3A_110 {strides = array<i32>} : memref<64x1008xf32, #tpu.memory_space<vmem>>, vector<1x16xf32>,
      }
      %scan3A_31 = arith.constant 63 : i32
    }
    %scan3A_10 = arith.constant 64 : i32
    %iota3A = tpu.iota {dimensions = array<i32: 0>} : vector<16xi32>
    %mul3A_11 = arith.constant 1000 : i32
    %mul3A_12 = arith.muli %mul3A_2, %mul3A_11 : i32
    %dma_start3A_13 = arith.constant 0 : i32
    %dma_start3A_14 = tpu.memref_slice %arg6[%dma_start3A_13] : memref<16016xf32, #tpu.memory_space<vmem>> -> memref<16000xf32, #tpu.memory_space<vmem>>
    %dma_start3A_15 = tpu.memref_slice %arg2[%mul3A_12] : memref<16384000xf32, #tpu.memory_space<hbm>> -> memref<16000xf32, #tpu.memory_space<hbm>>
    %dma_start3A_16 = arith.constant 0 : i32
    %dma_start3A_17 = tpu.memref_slice %arg6[%dma_start3A_16] : memref<16016xf32, #tpu.memory_space<vmem>> -> memref<16000xf32, #tpu.memory_space<vmem>>
    %dma_start3A_18 = tpu.memref_slice %arg2[%mul3A_12] : memref<16384000xf32, #tpu.memory_space<hbm>> -> memref<16000xf32, #tpu.memory_space<hbm>>
    tpu.enqueue_dma source(%dma_start3A_18 : memref<16000xf32, #tpu.memory_space<hbm>>) target(%dma_start3A_17 : memref<16000xf32, #tpu.memory_space<vmem>>) target_semaphore(%arg9 : memref<!tpu.dma_semaphore, #tpu.memory_space<semaphore_mem>>)
    %scan3A_19 = arith.constant 0 : i32
    %scan3A_20 = arith.constant 0 : i32
    %scan3A_21 = arith.constant 16 : i32
    %scan3A_22 = arith.addi %scan3A_20, %scan3A_21 : i32
    %scan3A_23 = arith.constant 1 : i32
    scf.for %scan3A_25 = %scan3A_20 to %scan3A_22 step %scan3A_23  : i32 {
      %mul3A_26 = arith.constant 2 : i32
      %mul3A_27 = arith.muli %mul3A_26, %scan3A_25 : i32
      %add3A_28 = arith.constant 0 : i32
      %add3A_29 = arith.addi %mul3A_27, %add3A_28 : i32
      %add3A_30 = arith.constant 1 : i32
      %add3A_31 = arith.addi %add3A_29, %add3A_30 : i32
      %lt3A = arith.constant 32 : i32
      %lt3A_32 = arith.cmpi slt, %add3A_31, %lt3A : i32
      %convert_element_type3A = arith.extui %lt3A_32 : i1 to i32
      %cond3A = arith.constant 0 : i32
      %cond3A_33 = arith.cmpi ne, %convert_element_type3A, %cond3A : i32
      scf.if %cond3A_33 {
        %add3A_75 = arith.constant 1 : i32
        %add3A_76 = arith.addi %add3A_29, %add3A_75 : i32
        %mul3A_77 = arith.constant 16 : i32
        %mul3A_78 = arith.muli %add3A_76, %mul3A_77 : i32
        %add3A_79 = arith.addi %mul3A_2, %mul3A_78 : i32
        %mul3A_80 = arith.constant 1000 : i32
        %mul3A_81 = arith.muli %add3A_79, %mul3A_80 : i32
        %dma_start3A_82 = arith.constant 0 : i32
        %dma_start3A_83 = tpu.memref_slice %arg7[%dma_start3A_82] : memref<16016xf32, #tpu.memory_space<vmem>> -> memref<16000xf32, #tpu.memory_space<vmem>>
        %dma_start3A_84 = tpu.memref_slice %arg2[%mul3A_81] : memref<16384000xf32, #tpu.memory_space<hbm>> -> memref<16000xf32, #tpu.memory_space<hbm>>
        %dma_start3A_85 = arith.constant 0 : i32
        %dma_start3A_86 = tpu.memref_slice %arg7[%dma_start3A_85] : memref<16016xf32, #tpu.memory_space<vmem>> -> memref<16000xf32, #tpu.memory_space<vmem>>
        %dma_start3A_87 = tpu.memref_slice %arg2[%mul3A_81] : memref<16384000xf32, #tpu.memory_space<hbm>> -> memref<16000xf32, #tpu.memory_space<hbm>>
        tpu.enqueue_dma source(%dma_start3A_87 : memref<16000xf32, #tpu.memory_space<hbm>>) target(%dma_start3A_86 : memref<16000xf32, #tpu.memory_space<vmem>>) target_semaphore(%arg10 : memref<!tpu.dma_semaphore, #tpu.memory_space<semaphore_mem>>)
      } else {
      }
      %dma_wait3A_34 = arith.constant 0 : i32
      %dma_wait3A_35 = tpu.memref_slice %arg6[%dma_wait3A_34] : memref<16016xf32, #tpu.memory_space<vmem>> -> memref<16000xf32, #tpu.memory_space<vmem>>
      %dma_wait3A_36 = arith.constant 0 : i32
      %dma_wait3A_37 = tpu.memref_slice %arg2[%dma_wait3A_36] : memref<16384000xf32, #tpu.memory_space<hbm>> -> memref<16000xf32, #tpu.memory_space<hbm>>
      %dma_wait3A_38 = arith.constant 0 : i32
      %dma_wait3A_39 = tpu.memref_slice %arg6[%dma_wait3A_38] : memref<16016xf32, #tpu.memory_space<vmem>> -> memref<16000xf32, #tpu.memory_space<vmem>>
      %dma_wait3A_40 = arith.constant 0 : i32
      %dma_wait3A_41 = tpu.memref_slice %arg2[%dma_wait3A_40] : memref<16384000xf32, #tpu.memory_space<hbm>> -> memref<16000xf32, #tpu.memory_space<hbm>>
      tpu.wait_dma2 semaphore(%arg9 : memref<!tpu.dma_semaphore, #tpu.memory_space<semaphore_mem>>) src(%dma_wait3A_41 : memref<16000xf32, #tpu.memory_space<hbm>>) dst(%dma_wait3A_39 : memref<16000xf32, #tpu.memory_space<vmem>>)
      %mul3A_42 = arith.constant 16 : i32
      %mul3A_43 = arith.muli %add3A_29, %mul3A_42 : i32
      %get3A = arith.index_cast %mul3A_43 : i32 to index
      %get3A_44 = tpu.vector_load %arg5[%get3A] {strides = array<i32>} : memref<512xi32, #tpu.memory_space<vmem>>, vector<16xi32>,
      %get3A_45 = vector.shape_cast %get3A_44 : vector<16xi32> to vector<16xi32>
      %parallel_loop3A = arith.constant 0 : i32
      %parallel_loop3A_46 = arith.constant 16 : i32
      %parallel_loop3A_47 = arith.constant 1 : i32
      scf.for %parallel_loop3A_75 = %parallel_loop3A to %parallel_loop3A_46 step %parallel_loop3A_47  : i32 {
        %parallel_loop3A_76 = vector.broadcast %parallel_loop3A_75 : i32 to vector<16xi32>
        %parallel_loop3A_77 = arith.cmpi eq, %iota3A, %parallel_loop3A_76 : vector<16xi32>
        %parallel_loop3A_78 = arith.constant 0 : i32
        %parallel_loop3A_79 = vector.broadcast %parallel_loop3A_78 : i32 to vector<16xi32>
        %parallel_loop3A_80 = arith.select %parallel_loop3A_77, %get3A_45, %parallel_loop3A_79 : vector<16xi1>, vector<16xi32>
        %parallel_loop3A_81 = tpu.iota {dimensions = array<i32: 0>} : vector<16xi32>
        %parallel_loop3A_82 = arith.constant 1 : i32
        %parallel_loop3A_83 = vector.broadcast %parallel_loop3A_82 : i32 to vector<16xi32>
        %parallel_loop3A_84 = arith.xori %parallel_loop3A_81, %parallel_loop3A_83 : vector<16xi32>
        %parallel_loop3A_85 = vector.shape_cast %parallel_loop3A_84 : vector<16xi32> to vector<16x1xi32>
        %parallel_loop3A_86 = vector.shape_cast %parallel_loop3A_85 : vector<16x1xi32> to vector<16xi32>
        %parallel_loop3A_87 = tpu.dynamic_gather %parallel_loop3A_80[%parallel_loop3A_86] in [0] : vector<16xi32>, vector<16xi32> -> vector<16xi32>
        %parallel_loop3A_88 = arith.addi %parallel_loop3A_80, %parallel_loop3A_87 : vector<16xi32>
        %parallel_loop3A_89 = tpu.iota {dimensions = array<i32: 0>} : vector<16xi32>
        %parallel_loop3A_90 = arith.constant 2 : i32
        %parallel_loop3A_91 = vector.broadcast %parallel_loop3A_90 : i32 to vector<16xi32>
        %parallel_loop3A_92 = arith.xori %parallel_loop3A_89, %parallel_loop3A_91 : vector<16xi32>
        %parallel_loop3A_93 = vector.shape_cast %parallel_loop3A_92 : vector<16xi32> to vector<16x1xi32>
        %parallel_loop3A_94 = vector.shape_cast %parallel_loop3A_93 : vector<16x1xi32> to vector<16xi32>
        %parallel_loop3A_95 = tpu.dynamic_gather %parallel_loop3A_88[%parallel_loop3A_94] in [0] : vector<16xi32>, vector<16xi32> -> vector<16xi32>
        %parallel_loop3A_96 = arith.addi %parallel_loop3A_88, %parallel_loop3A_95 : vector<16xi32>
        %parallel_loop3A_97 = tpu.iota {dimensions = array<i32: 0>} : vector<16xi32>
        %parallel_loop3A_98 = arith.constant 4 : i32
        %parallel_loop3A_99 = vector.broadcast %parallel_loop3A_98 : i32 to vector<16xi32>
        %parallel_loop3A_100 = arith.xori %parallel_loop3A_97, %parallel_loop3A_99 : vector<16xi32>
        %parallel_loop3A_101 = vector.shape_cast %parallel_loop3A_100 : vector<16xi32> to vector<16x1xi32>
        %parallel_loop3A_102 = vector.shape_cast %parallel_loop3A_101 : vector<16x1xi32> to vector<16xi32>
        %parallel_loop3A_103 = tpu.dynamic_gather %parallel_loop3A_96[%parallel_loop3A_102] in [0] : vector<16xi32>, vector<16xi32> -> vector<16xi32>
        %parallel_loop3A_104 = arith.addi %parallel_loop3A_96, %parallel_loop3A_103 : vector<16xi32>
        %parallel_loop3A_105 = tpu.iota {dimensions = array<i32: 0>} : vector<16xi32>
        %parallel_loop3A_106 = arith.constant 8 : i32
        %parallel_loop3A_107 = vector.broadcast %parallel_loop3A_106 : i32 to vector<16xi32>
        %parallel_loop3A_108 = arith.xori %parallel_loop3A_105, %parallel_loop3A_107 : vector<16xi32>
        %parallel_loop3A_109 = vector.shape_cast %parallel_loop3A_108 : vector<16xi32> to vector<16x1xi32>
        %parallel_loop3A_110 = vector.shape_cast %parallel_loop3A_109 : vector<16x1xi32> to vector<16xi32>
        %parallel_loop3A_111 = tpu.dynamic_gather %parallel_loop3A_104[%parallel_loop3A_110] in [0] : vector<16xi32>, vector<16xi32> -> vector<16xi32>
        %parallel_loop3A_112 = arith.addi %parallel_loop3A_104, %parallel_loop3A_111 : vector<16xi32>
        %parallel_loop3A_113 = vector.extract_strided_slice %parallel_loop3A_112 {offsets = [0], sizes = [1], strides = [1]} : vector<16xi32> to vector<1xi32>
        %parallel_loop3A_114 = vector.extract %parallel_loop3A_113[0] : i32 from vector<1xi32>
        %parallel_loop3A_115 = arith.constant 1000 : i32
        %parallel_loop3A_116 = arith.muli %parallel_loop3A_75, %parallel_loop3A_115 : i32
        %parallel_loop3A_117 = arith.constant -1.000000e+00 : f32
        %parallel_loop3A_118 = vector.broadcast %parallel_loop3A_117 : f32 to vector<16xf32>
        %parallel_loop3A_119 = arith.constant 0 : i32
        %parallel_loop3A_120 = arith.constant 62 : i32
        %parallel_loop3A_121 = arith.constant 1 : i32
        %parallel_loop3A_122 = scf.for %parallel_loop3A_394 = %parallel_loop3A_119 to %parallel_loop3A_120 step %parallel_loop3A_121 iter_args(%parallel_loop3A_395 = %parallel_loop3A_118) -> (vector<16xf32>)  : i32 {
          %parallel_loop3A_396 = arith.constant 16 : i32
          %parallel_loop3A_397 = arith.muli %parallel_loop3A_394, %parallel_loop3A_396 : i32
          %parallel_loop3A_398 = arith.addi %parallel_loop3A_116, %parallel_loop3A_397 : i32
          %parallel_loop3A_399 = arith.index_cast %parallel_loop3A_398 : i32 to index
          %parallel_loop3A_400 = tpu.vector_load %arg6[%parallel_loop3A_399] {strides = array<i32>} : memref<16016xf32, #tpu.memory_space<vmem>>, vector<16xf32>,
          %parallel_loop3A_401 = vector.shape_cast %parallel_loop3A_400 : vector<16xf32> to vector<16xf32>
          %parallel_loop3A_402 = arith.maximumf %parallel_loop3A_395, %parallel_loop3A_401 : vector<16xf32>
          scf.yield %parallel_loop3A_402 : vector<16xf32>
        } {sc.loop_unroll_factor = 16 : i64, sc.parallel_access}
        %parallel_loop3A_123 = arith.constant 992 : i32
        %parallel_loop3A_124 = arith.addi %parallel_loop3A_116, %parallel_loop3A_123 : i32
        %parallel_loop3A_125 = arith.index_cast %parallel_loop3A_124 : i32 to index
        %parallel_loop3A_126 = tpu.vector_load %arg6[%parallel_loop3A_125] {strides = array<i32>} : memref<16016xf32, #tpu.memory_space<vmem>>, vector<16xf32>,
        %parallel_loop3A_127 = vector.shape_cast %parallel_loop3A_126 : vector<16xf32> to vector<16xf32>
        %parallel_loop3A_128 = arith.constant 992 : i32
        %parallel_loop3A_129 = vector.broadcast %parallel_loop3A_128 : i32 to vector<16xi32>
        %parallel_loop3A_130 = arith.addi %parallel_loop3A_129, %iota3A : vector<16xi32>
        %parallel_loop3A_131 = arith.constant 1000 : i32
        %parallel_loop3A_132 = vector.broadcast %parallel_loop3A_131 : i32 to vector<16xi32>
        %parallel_loop3A_133 = arith.cmpi slt, %parallel_loop3A_130, %parallel_loop3A_132 : vector<16xi32>
        %parallel_loop3A_134 = arith.constant -1.000000e+00 : f32
        %parallel_loop3A_135 = vector.broadcast %parallel_loop3A_134 : f32 to vector<16xf32>
        %parallel_loop3A_136 = arith.select %parallel_loop3A_133, %parallel_loop3A_127, %parallel_loop3A_135 : vector<16xi1>, vector<16xf32>
        %parallel_loop3A_137 = arith.maximumf %parallel_loop3A_122, %parallel_loop3A_136 : vector<16xf32>
        %parallel_loop3A_138 = tpu.iota {dimensions = array<i32: 0>} : vector<16xi32>
        %parallel_loop3A_139 = arith.constant 1 : i32
        %parallel_loop3A_140 = vector.broadcast %parallel_loop3A_139 : i32 to vector<16xi32>
        %parallel_loop3A_141 = arith.xori %parallel_loop3A_138, %parallel_loop3A_140 : vector<16xi32>
        %parallel_loop3A_142 = vector.shape_cast %parallel_loop3A_141 : vector<16xi32> to vector<16x1xi32>
        %parallel_loop3A_143 = vector.shape_cast %parallel_loop3A_142 : vector<16x1xi32> to vector<16xi32>
        %parallel_loop3A_144 = tpu.dynamic_gather %parallel_loop3A_137[%parallel_loop3A_143] in [0] : vector<16xf32>, vector<16xi32> -> vector<16xf32>
        %parallel_loop3A_145 = arith.maximumf %parallel_loop3A_137, %parallel_loop3A_144 : vector<16xf32>
        %parallel_loop3A_146 = tpu.iota {dimensions = array<i32: 0>} : vector<16xi32>
        %parallel_loop3A_147 = arith.constant 2 : i32
        %parallel_loop3A_148 = vector.broadcast %parallel_loop3A_147 : i32 to vector<16xi32>
        %parallel_loop3A_149 = arith.xori %parallel_loop3A_146, %parallel_loop3A_148 : vector<16xi32>
        %parallel_loop3A_150 = vector.shape_cast %parallel_loop3A_149 : vector<16xi32> to vector<16x1xi32>
        %parallel_loop3A_151 = vector.shape_cast %parallel_loop3A_150 : vector<16x1xi32> to vector<16xi32>
        %parallel_loop3A_152 = tpu.dynamic_gather %parallel_loop3A_145[%parallel_loop3A_151] in [0] : vector<16xf32>, vector<16xi32> -> vector<16xf32>
        %parallel_loop3A_153 = arith.maximumf %parallel_loop3A_145, %parallel_loop3A_152 : vector<16xf32>
        %parallel_loop3A_154 = tpu.iota {dimensions = array<i32: 0>} : vector<16xi32>
        %parallel_loop3A_155 = arith.constant 4 : i32
        %parallel_loop3A_156 = vector.broadcast %parallel_loop3A_155 : i32 to vector<16xi32>
        %parallel_loop3A_157 = arith.xori %parallel_loop3A_154, %parallel_loop3A_156 : vector<16xi32>
        %parallel_loop3A_158 = vector.shape_cast %parallel_loop3A_157 : vector<16xi32> to vector<16x1xi32>
        %parallel_loop3A_159 = vector.shape_cast %parallel_loop3A_158 : vector<16x1xi32> to vector<16xi32>
        %parallel_loop3A_160 = tpu.dynamic_gather %parallel_loop3A_153[%parallel_loop3A_159] in [0] : vector<16xf32>, vector<16xi32> -> vector<16xf32>
        %parallel_loop3A_161 = arith.maximumf %parallel_loop3A_153, %parallel_loop3A_160 : vector<16xf32>
        %parallel_loop3A_162 = tpu.iota {dimensions = array<i32: 0>} : vector<16xi32>
        %parallel_loop3A_163 = arith.constant 8 : i32
        %parallel_loop3A_164 = vector.broadcast %parallel_loop3A_163 : i32 to vector<16xi32>
        %parallel_loop3A_165 = arith.xori %parallel_loop3A_162, %parallel_loop3A_164 : vector<16xi32>
        %parallel_loop3A_166 = vector.shape_cast %parallel_loop3A_165 : vector<16xi32> to vector<16x1xi32>
        %parallel_loop3A_167 = vector.shape_cast %parallel_loop3A_166 : vector<16x1xi32> to vector<16xi32>
        %parallel_loop3A_168 = tpu.dynamic_gather %parallel_loop3A_161[%parallel_loop3A_167] in [0] : vector<16xf32>, vector<16xi32> -> vector<16xf32>
        %parallel_loop3A_169 = arith.maximumf %parallel_loop3A_161, %parallel_loop3A_168 : vector<16xf32>
        %parallel_loop3A_170 = arith.constant 0 : i32
        %parallel_loop3A_171 = vector.broadcast %parallel_loop3A_170 : i32 to vector<16xi32>
        %parallel_loop3A_172 = vector.broadcast %parallel_loop3A_114 : i32 to vector<16xi32>
        %parallel_loop3A_173 = arith.addi %parallel_loop3A_171, %parallel_loop3A_172 : vector<16xi32>
        %parallel_loop3A_174 = arith.constant 4 : i32
        %parallel_loop3A_175 = arith.shrsi %parallel_loop3A_114, %parallel_loop3A_174 : i32
        %parallel_loop3A_176 = arith.constant 4 : i32
        %parallel_loop3A_177 = arith.shli %parallel_loop3A_175, %parallel_loop3A_176 : i32
        %parallel_loop3A_178 = arith.addi %parallel_loop3A_116, %parallel_loop3A_177 : i32
        %parallel_loop3A_179 = arith.index_cast %parallel_loop3A_178 : i32 to index
        %parallel_loop3A_180 = tpu.vector_load %arg6[%parallel_loop3A_179] {strides = array<i32>} : memref<16016xf32, #tpu.memory_space<vmem>>, vector<16xf32>,
        %parallel_loop3A_181 = vector.shape_cast %parallel_loop3A_180 : vector<16xf32> to vector<16xf32>
        %parallel_loop3A_182 = arith.constant 15 : i32
        %parallel_loop3A_183 = arith.andi %parallel_loop3A_114, %parallel_loop3A_182 : i32
        %parallel_loop3A_184 = vector.broadcast %parallel_loop3A_183 : i32 to vector<16xi32>
        %parallel_loop3A_185 = arith.cmpi eq, %iota3A, %parallel_loop3A_184 : vector<16xi32>
        %parallel_loop3A_186 = arith.constant 0.000000e+00 : f32
        %parallel_loop3A_187 = vector.broadcast %parallel_loop3A_186 : f32 to vector<16xf32>
        %parallel_loop3A_188 = arith.select %parallel_loop3A_185, %parallel_loop3A_181, %parallel_loop3A_187 : vector<16xi1>, vector<16xf32>
        %parallel_loop3A_189 = tpu.iota {dimensions = array<i32: 0>} : vector<16xi32>
        %parallel_loop3A_190 = arith.constant 1 : i32
        %parallel_loop3A_191 = vector.broadcast %parallel_loop3A_190 : i32 to vector<16xi32>
        %parallel_loop3A_192 = arith.xori %parallel_loop3A_189, %parallel_loop3A_191 : vector<16xi32>
        %parallel_loop3A_193 = vector.shape_cast %parallel_loop3A_192 : vector<16xi32> to vector<16x1xi32>
        %parallel_loop3A_194 = vector.shape_cast %parallel_loop3A_193 : vector<16x1xi32> to vector<16xi32>
        %parallel_loop3A_195 = tpu.dynamic_gather %parallel_loop3A_188[%parallel_loop3A_194] in [0] : vector<16xf32>, vector<16xi32> -> vector<16xf32>
        %parallel_loop3A_196 = arith.addf %parallel_loop3A_188, %parallel_loop3A_195 : vector<16xf32>
        %parallel_loop3A_197 = tpu.iota {dimensions = array<i32: 0>} : vector<16xi32>
        %parallel_loop3A_198 = arith.constant 2 : i32
        %parallel_loop3A_199 = vector.broadcast %parallel_loop3A_198 : i32 to vector<16xi32>
        %parallel_loop3A_200 = arith.xori %parallel_loop3A_197, %parallel_loop3A_199 : vector<16xi32>
        %parallel_loop3A_201 = vector.shape_cast %parallel_loop3A_200 : vector<16xi32> to vector<16x1xi32>
        %parallel_loop3A_202 = vector.shape_cast %parallel_loop3A_201 : vector<16x1xi32> to vector<16xi32>
        %parallel_loop3A_203 = tpu.dynamic_gather %parallel_loop3A_196[%parallel_loop3A_202] in [0] : vector<16xf32>, vector<16xi32> -> vector<16xf32>
        %parallel_loop3A_204 = arith.addf %parallel_loop3A_196, %parallel_loop3A_203 : vector<16xf32>
        %parallel_loop3A_205 = tpu.iota {dimensions = array<i32: 0>} : vector<16xi32>
        %parallel_loop3A_206 = arith.constant 4 : i32
        %parallel_loop3A_207 = vector.broadcast %parallel_loop3A_206 : i32 to vector<16xi32>
        %parallel_loop3A_208 = arith.xori %parallel_loop3A_205, %parallel_loop3A_207 : vector<16xi32>
        %parallel_loop3A_209 = vector.shape_cast %parallel_loop3A_208 : vector<16xi32> to vector<16x1xi32>
        %parallel_loop3A_210 = vector.shape_cast %parallel_loop3A_209 : vector<16x1xi32> to vector<16xi32>
        %parallel_loop3A_211 = tpu.dynamic_gather %parallel_loop3A_204[%parallel_loop3A_210] in [0] : vector<16xf32>, vector<16xi32> -> vector<16xf32>
        %parallel_loop3A_212 = arith.addf %parallel_loop3A_204, %parallel_loop3A_211 : vector<16xf32>
        %parallel_loop3A_213 = tpu.iota {dimensions = array<i32: 0>} : vector<16xi32>
        %parallel_loop3A_214 = arith.constant 8 : i32
        %parallel_loop3A_215 = vector.broadcast %parallel_loop3A_214 : i32 to vector<16xi32>
        %parallel_loop3A_216 = arith.xori %parallel_loop3A_213, %parallel_loop3A_215 : vector<16xi32>
        %parallel_loop3A_217 = vector.shape_cast %parallel_loop3A_216 : vector<16xi32> to vector<16x1xi32>
        %parallel_loop3A_218 = vector.shape_cast %parallel_loop3A_217 : vector<16x1xi32> to vector<16xi32>
        %parallel_loop3A_219 = tpu.dynamic_gather %parallel_loop3A_212[%parallel_loop3A_218] in [0] : vector<16xf32>, vector<16xi32> -> vector<16xf32>
        %parallel_loop3A_220 = arith.addf %parallel_loop3A_212, %parallel_loop3A_219 : vector<16xf32>
        %parallel_loop3A_221 = arith.constant 0 : i32
        %parallel_loop3A_222 = vector.broadcast %parallel_loop3A_221 : i32 to vector<16xi32>
        %parallel_loop3A_223 = arith.constant 0 : i32
        %parallel_loop3A_224 = arith.addi %parallel_loop3A_116, %parallel_loop3A_223 : i32
        %parallel_loop3A_225 = arith.index_cast %parallel_loop3A_224 : i32 to index
        %parallel_loop3A_226 = tpu.vector_load %arg6[%parallel_loop3A_225] {strides = array<i32>} : memref<16016xf32, #tpu.memory_space<vmem>>, vector<16xf32>,
        %parallel_loop3A_227 = vector.shape_cast %parallel_loop3A_226 : vector<16xf32> to vector<16xf32>
        %parallel_loop3A_228 = arith.constant 0 : i32
        %parallel_loop3A_229 = vector.broadcast %parallel_loop3A_228 : i32 to vector<16xi32>
        %parallel_loop3A_230 = arith.addi %parallel_loop3A_229, %iota3A : vector<16xi32>
        %parallel_loop3A_231 = arith.cmpf oeq, %parallel_loop3A_227, %parallel_loop3A_169 : vector<16xf32>
        %parallel_loop3A_232 = arith.cmpi slt, %parallel_loop3A_230, %parallel_loop3A_173 : vector<16xi32>
        %parallel_loop3A_233 = arith.andi %parallel_loop3A_231, %parallel_loop3A_232 : vector<16xi1>
        %parallel_loop3A_234 = arith.constant 1 : i32
        %parallel_loop3A_235 = arith.constant 0 : i32
        %parallel_loop3A_236 = vector.broadcast %parallel_loop3A_234 : i32 to vector<16xi32>
        %parallel_loop3A_237 = vector.broadcast %parallel_loop3A_235 : i32 to vector<16xi32>
        %parallel_loop3A_238 = arith.select %parallel_loop3A_233, %parallel_loop3A_236, %parallel_loop3A_237 : vector<16xi1>, vector<16xi32>
        %parallel_loop3A_239 = arith.addi %parallel_loop3A_222, %parallel_loop3A_238 : vector<16xi32>
        %parallel_loop3A_240 = arith.constant 16 : i32
        %parallel_loop3A_241 = arith.addi %parallel_loop3A_116, %parallel_loop3A_240 : i32
        %parallel_loop3A_242 = arith.index_cast %parallel_loop3A_241 : i32 to index
        %parallel_loop3A_243 = tpu.vector_load %arg6[%parallel_loop3A_242] {strides = array<i32>} : memref<16016xf32, #tpu.memory_space<vmem>>, vector<16xf32>,
        %parallel_loop3A_244 = vector.shape_cast %parallel_loop3A_243 : vector<16xf32> to vector<16xf32>
        %parallel_loop3A_245 = arith.constant 16 : i32
        %parallel_loop3A_246 = vector.broadcast %parallel_loop3A_245 : i32 to vector<16xi32>
        %parallel_loop3A_247 = arith.addi %parallel_loop3A_246, %iota3A : vector<16xi32>
        %parallel_loop3A_248 = arith.cmpf oeq, %parallel_loop3A_244, %parallel_loop3A_169 : vector<16xf32>
        %parallel_loop3A_249 = arith.cmpi slt, %parallel_loop3A_247, %parallel_loop3A_173 : vector<16xi32>
        %parallel_loop3A_250 = arith.andi %parallel_loop3A_248, %parallel_loop3A_249 : vector<16xi1>
        %parallel_loop3A_251 = arith.constant 1 : i32
        %parallel_loop3A_252 = arith.constant 0 : i32
        %parallel_loop3A_253 = vector.broadcast %parallel_loop3A_251 : i32 to vector<16xi32>
        %parallel_loop3A_254 = vector.broadcast %parallel_loop3A_252 : i32 to vector<16xi32>
        %parallel_loop3A_255 = arith.select %parallel_loop3A_250, %parallel_loop3A_253, %parallel_loop3A_254 : vector<16xi1>, vector<16xi32>
        %parallel_loop3A_256 = arith.addi %parallel_loop3A_239, %parallel_loop3A_255 : vector<16xi32>
        %parallel_loop3A_257 = arith.constant 32 : i32
        %parallel_loop3A_258 = arith.addi %parallel_loop3A_116, %parallel_loop3A_257 : i32
        %parallel_loop3A_259 = arith.index_cast %parallel_loop3A_258 : i32 to index
        %parallel_loop3A_260 = tpu.vector_load %arg6[%parallel_loop3A_259] {strides = array<i32>} : memref<16016xf32, #tpu.memory_space<vmem>>, vector<16xf32>,
        %parallel_loop3A_261 = vector.shape_cast %parallel_loop3A_260 : vector<16xf32> to vector<16xf32>
        %parallel_loop3A_262 = arith.constant 32 : i32
        %parallel_loop3A_263 = vector.broadcast %parallel_loop3A_262 : i32 to vector<16xi32>
        %parallel_loop3A_264 = arith.addi %parallel_loop3A_263, %iota3A : vector<16xi32>
        %parallel_loop3A_265 = arith.cmpf oeq, %parallel_loop3A_261, %parallel_loop3A_169 : vector<16xf32>
        %parallel_loop3A_266 = arith.cmpi slt, %parallel_loop3A_264, %parallel_loop3A_173 : vector<16xi32>
        %parallel_loop3A_267 = arith.andi %parallel_loop3A_265, %parallel_loop3A_266 : vector<16xi1>
        %parallel_loop3A_268 = arith.constant 1 : i32
        %parallel_loop3A_269 = arith.constant 0 : i32
        %parallel_loop3A_270 = vector.broadcast %parallel_loop3A_268 : i32 to vector<16xi32>
        %parallel_loop3A_271 = vector.broadcast %parallel_loop3A_269 : i32 to vector<16xi32>
        %parallel_loop3A_272 = arith.select %parallel_loop3A_267, %parallel_loop3A_270, %parallel_loop3A_271 : vector<16xi1>, vector<16xi32>
        %parallel_loop3A_273 = arith.addi %parallel_loop3A_256, %parallel_loop3A_272 : vector<16xi32>
        %parallel_loop3A_274 = arith.constant 48 : i32
        %parallel_loop3A_275 = arith.addi %parallel_loop3A_116, %parallel_loop3A_274 : i32
        %parallel_loop3A_276 = arith.index_cast %parallel_loop3A_275 : i32 to index
        %parallel_loop3A_277 = tpu.vector_load %arg6[%parallel_loop3A_276] {strides = array<i32>} : memref<16016xf32, #tpu.memory_space<vmem>>, vector<16xf32>,
        %parallel_loop3A_278 = vector.shape_cast %parallel_loop3A_277 : vector<16xf32> to vector<16xf32>
        %parallel_loop3A_279 = arith.constant 48 : i32
        %parallel_loop3A_280 = vector.broadcast %parallel_loop3A_279 : i32 to vector<16xi32>
        %parallel_loop3A_281 = arith.addi %parallel_loop3A_280, %iota3A : vector<16xi32>
        %parallel_loop3A_282 = arith.cmpf oeq, %parallel_loop3A_278, %parallel_loop3A_169 : vector<16xf32>
        %parallel_loop3A_283 = arith.cmpi slt, %parallel_loop3A_281, %parallel_loop3A_173 : vector<16xi32>
        %parallel_loop3A_284 = arith.andi %parallel_loop3A_282, %parallel_loop3A_283 : vector<16xi1>
        %parallel_loop3A_285 = arith.constant 1 : i32
        %parallel_loop3A_286 = arith.constant 0 : i32
        %parallel_loop3A_287 = vector.broadcast %parallel_loop3A_285 : i32 to vector<16xi32>
        %parallel_loop3A_288 = vector.broadcast %parallel_loop3A_286 : i32 to vector<16xi32>
        %parallel_loop3A_289 = arith.select %parallel_loop3A_284, %parallel_loop3A_287, %parallel_loop3A_288 : vector<16xi1>, vector<16xi32>
        %parallel_loop3A_290 = arith.addi %parallel_loop3A_273, %parallel_loop3A_289 : vector<16xi32>
        %parallel_loop3A_291 = tpu.iota {dimensions = array<i32: 0>} : vector<16xi32>
        %parallel_loop3A_292 = arith.constant 1 : i32
        %parallel_loop3A_293 = vector.broadcast %parallel_loop3A_292 : i32 to vector<16xi32>
        %parallel_loop3A_294 = arith.xori %parallel_loop3A_291, %parallel_loop3A_293 : vector<16xi32>
        %parallel_loop3A_295 = vector.shape_cast %parallel_loop3A_294 : vector<16xi32> to vector<16x1xi32>
        %parallel_loop3A_296 = vector.shape_cast %parallel_loop3A_295 : vector<16x1xi32> to vector<16xi32>
        %parallel_loop3A_297 = tpu.dynamic_gather %parallel_loop3A_290[%parallel_loop3A_296] in [0] : vector<16xi32>, vector<16xi32> -> vector<16xi32>
        %parallel_loop3A_298 = arith.addi %parallel_loop3A_290, %parallel_loop3A_297 : vector<16xi32>
        %parallel_loop3A_299 = tpu.iota {dimensions = array<i32: 0>} : vector<16xi32>
        %parallel_loop3A_300 = arith.constant 2 : i32
        %parallel_loop3A_301 = vector.broadcast %parallel_loop3A_300 : i32 to vector<16xi32>
        %parallel_loop3A_302 = arith.xori %parallel_loop3A_299, %parallel_loop3A_301 : vector<16xi32>
        %parallel_loop3A_303 = vector.shape_cast %parallel_loop3A_302 : vector<16xi32> to vector<16x1xi32>
        %parallel_loop3A_304 = vector.shape_cast %parallel_loop3A_303 : vector<16x1xi32> to vector<16xi32>
        %parallel_loop3A_305 = tpu.dynamic_gather %parallel_loop3A_298[%parallel_loop3A_304] in [0] : vector<16xi32>, vector<16xi32> -> vector<16xi32>
        %parallel_loop3A_306 = arith.addi %parallel_loop3A_298, %parallel_loop3A_305 : vector<16xi32>
        %parallel_loop3A_307 = tpu.iota {dimensions = array<i32: 0>} : vector<16xi32>
        %parallel_loop3A_308 = arith.constant 4 : i32
        %parallel_loop3A_309 = vector.broadcast %parallel_loop3A_308 : i32 to vector<16xi32>
        %parallel_loop3A_310 = arith.xori %parallel_loop3A_307, %parallel_loop3A_309 : vector<16xi32>
        %parallel_loop3A_311 = vector.shape_cast %parallel_loop3A_310 : vector<16xi32> to vector<16x1xi32>
        %parallel_loop3A_312 = vector.shape_cast %parallel_loop3A_311 : vector<16x1xi32> to vector<16xi32>
        %parallel_loop3A_313 = tpu.dynamic_gather %parallel_loop3A_306[%parallel_loop3A_312] in [0] : vector<16xi32>, vector<16xi32> -> vector<16xi32>
        %parallel_loop3A_314 = arith.addi %parallel_loop3A_306, %parallel_loop3A_313 : vector<16xi32>
        %parallel_loop3A_315 = tpu.iota {dimensions = array<i32: 0>} : vector<16xi32>
        %parallel_loop3A_316 = arith.constant 8 : i32
        %parallel_loop3A_317 = vector.broadcast %parallel_loop3A_316 : i32 to vector<16xi32>
        %parallel_loop3A_318 = arith.xori %parallel_loop3A_315, %parallel_loop3A_317 : vector<16xi32>
        %parallel_loop3A_319 = vector.shape_cast %parallel_loop3A_318 : vector<16xi32> to vector<16x1xi32>
        %parallel_loop3A_320 = vector.shape_cast %parallel_loop3A_319 : vector<16x1xi32> to vector<16xi32>
        %parallel_loop3A_321 = tpu.dynamic_gather %parallel_loop3A_314[%parallel_loop3A_320] in [0] : vector<16xi32>, vector<16xi32> -> vector<16xi32>
        %parallel_loop3A_322 = arith.addi %parallel_loop3A_314, %parallel_loop3A_321 : vector<16xi32>
        %parallel_loop3A_323 = arith.cmpf oeq, %parallel_loop3A_220, %parallel_loop3A_169 : vector<16xf32>
        %parallel_loop3A_324 = arith.constant 0 : i32
        %parallel_loop3A_325 = vector.broadcast %parallel_loop3A_324 : i32 to vector<16xi32>
        %parallel_loop3A_326 = arith.cmpi eq, %parallel_loop3A_322, %parallel_loop3A_325 : vector<16xi32>
        %parallel_loop3A_327 = arith.andi %parallel_loop3A_323, %parallel_loop3A_326 : vector<16xi1>
        %parallel_loop3A_328 = arith.constant 1.000000e+00 : f32
        %parallel_loop3A_329 = vector.broadcast %parallel_loop3A_328 : f32 to vector<16xf32>
        %parallel_loop3A_330 = arith.select %parallel_loop3A_327, %parallel_loop3A_220, %parallel_loop3A_329 : vector<16xi1>, vector<16xf32>
        %parallel_loop3A_331 = arith.constant 0 : i32
        %parallel_loop3A_332 = arith.constant 62 : i32
        %parallel_loop3A_333 = arith.constant 1 : i32
        scf.for %parallel_loop3A_394 = %parallel_loop3A_331 to %parallel_loop3A_332 step %parallel_loop3A_333  : i32 {
          %parallel_loop3A_395 = arith.constant 16 : i32
          %parallel_loop3A_396 = arith.muli %parallel_loop3A_394, %parallel_loop3A_395 : i32
          %parallel_loop3A_397 = arith.addi %parallel_loop3A_116, %parallel_loop3A_396 : i32
          %parallel_loop3A_398 = arith.index_cast %parallel_loop3A_397 : i32 to index
          %parallel_loop3A_399 = tpu.vector_load %arg6[%parallel_loop3A_398] {strides = array<i32>} : memref<16016xf32, #tpu.memory_space<vmem>>, vector<16xf32>,
          %parallel_loop3A_400 = vector.shape_cast %parallel_loop3A_399 : vector<16xf32> to vector<16xf32>
          %parallel_loop3A_401 = arith.constant 9.99999996E-13 : f32
          %parallel_loop3A_402 = vector.broadcast %parallel_loop3A_401 : f32 to vector<16xf32>
          %parallel_loop3A_403 = arith.addf %parallel_loop3A_400, %parallel_loop3A_402 : vector<16xf32>
          %parallel_loop3A_404 = tpu.bitcast %parallel_loop3A_403 : vector<16xf32> -> vector<16xi32>
          %parallel_loop3A_405 = arith.constant 23 : i32
          %parallel_loop3A_406 = vector.broadcast %parallel_loop3A_405 : i32 to vector<16xi32>
          %parallel_loop3A_407 = arith.shrui %parallel_loop3A_404, %parallel_loop3A_406 : vector<16xi32>
          %parallel_loop3A_408 = arith.sitofp %parallel_loop3A_407 : vector<16xi32> to vector<16xf32>
          %parallel_loop3A_409 = arith.constant 8388607 : i32
          %parallel_loop3A_410 = vector.broadcast %parallel_loop3A_409 : i32 to vector<16xi32>
          %parallel_loop3A_411 = arith.andi %parallel_loop3A_404, %parallel_loop3A_410 : vector<16xi32>
          %parallel_loop3A_412 = arith.constant 1065353216 : i32
          %parallel_loop3A_413 = vector.broadcast %parallel_loop3A_412 : i32 to vector<16xi32>
          %parallel_loop3A_414 = arith.ori %parallel_loop3A_411, %parallel_loop3A_413 : vector<16xi32>
          %parallel_loop3A_415 = tpu.bitcast %parallel_loop3A_414 : vector<16xi32> -> vector<16xf32>
          %parallel_loop3A_416 = arith.constant 1.000000e+00 : f32
          %parallel_loop3A_417 = vector.broadcast %parallel_loop3A_416 : f32 to vector<16xf32>
          %parallel_loop3A_418 = arith.subf %parallel_loop3A_415, %parallel_loop3A_417 : vector<16xf32>
          %parallel_loop3A_419 = arith.constant 1.000000e+00 : f32
          %parallel_loop3A_420 = vector.broadcast %parallel_loop3A_419 : f32 to vector<16xf32>
          %parallel_loop3A_421 = arith.addf %parallel_loop3A_415, %parallel_loop3A_420 : vector<16xf32>
          %parallel_loop3A_422 = arith.divf %parallel_loop3A_418, %parallel_loop3A_421 : vector<16xf32>
          %parallel_loop3A_423 = arith.mulf %parallel_loop3A_422, %parallel_loop3A_422 : vector<16xf32>
          %parallel_loop3A_424 = arith.constant 0.142857149 : f32
          %parallel_loop3A_425 = vector.broadcast %parallel_loop3A_424 : f32 to vector<16xf32>
          %parallel_loop3A_426 = arith.mulf %parallel_loop3A_423, %parallel_loop3A_425 : vector<16xf32>
          %parallel_loop3A_427 = arith.constant 2.000000e-01 : f32
          %parallel_loop3A_428 = vector.broadcast %parallel_loop3A_427 : f32 to vector<16xf32>
          %parallel_loop3A_429 = arith.addf %parallel_loop3A_426, %parallel_loop3A_428 : vector<16xf32>
          %parallel_loop3A_430 = arith.mulf %parallel_loop3A_429, %parallel_loop3A_423 : vector<16xf32>
          %parallel_loop3A_431 = arith.constant 0.333333343 : f32
          %parallel_loop3A_432 = vector.broadcast %parallel_loop3A_431 : f32 to vector<16xf32>
          %parallel_loop3A_433 = arith.addf %parallel_loop3A_430, %parallel_loop3A_432 : vector<16xf32>
          %parallel_loop3A_434 = arith.mulf %parallel_loop3A_433, %parallel_loop3A_423 : vector<16xf32>
          %parallel_loop3A_435 = arith.constant 1.000000e+00 : f32
          %parallel_loop3A_436 = vector.broadcast %parallel_loop3A_435 : f32 to vector<16xf32>
          %parallel_loop3A_437 = arith.addf %parallel_loop3A_434, %parallel_loop3A_436 : vector<16xf32>
          %parallel_loop3A_438 = arith.constant 0.693147182 : f32
          %parallel_loop3A_439 = vector.broadcast %parallel_loop3A_438 : f32 to vector<16xf32>
          %parallel_loop3A_440 = arith.mulf %parallel_loop3A_408, %parallel_loop3A_439 : vector<16xf32>
          %parallel_loop3A_441 = arith.addf %parallel_loop3A_422, %parallel_loop3A_422 : vector<16xf32>
          %parallel_loop3A_442 = arith.mulf %parallel_loop3A_441, %parallel_loop3A_437 : vector<16xf32>
          %parallel_loop3A_443 = arith.addf %parallel_loop3A_440, %parallel_loop3A_442 : vector<16xf32>
          %parallel_loop3A_444 = arith.constant 88.0296936 : f32
          %parallel_loop3A_445 = vector.broadcast %parallel_loop3A_444 : f32 to vector<16xf32>
          %parallel_loop3A_446 = arith.subf %parallel_loop3A_443, %parallel_loop3A_445 : vector<16xf32>
          %parallel_loop3A_447 = arith.mulf %parallel_loop3A_330, %parallel_loop3A_446 : vector<16xf32>
          %parallel_loop3A_448 = arith.constant 16 : i32
          %parallel_loop3A_449 = arith.muli %parallel_loop3A_394, %parallel_loop3A_448 : i32
          %parallel_loop3A_450 = arith.index_cast %parallel_loop3A_114 : i32 to index
          %parallel_loop3A_451 = arith.index_cast %parallel_loop3A_449 : i32 to index
          %parallel_loop3A_452 = tpu.vector_load %arg8[%parallel_loop3A_450, %parallel_loop3A_451] {strides = array<i32>} : memref<64x1008xf32, #tpu.memory_space<vmem>>, vector<1x16xf32>,
          %parallel_loop3A_453 = vector.shape_cast %parallel_loop3A_452 : vector<1x16xf32> to vector<16xf32>
          %parallel_loop3A_454 = vector.shape_cast %parallel_loop3A_447 : vector<16xf32> to vector<1x16xf32>
          tpu.vector_store %arg8[%parallel_loop3A_450, %parallel_loop3A_451], %parallel_loop3A_454 {add = true, strides = array<i32>} : memref<64x1008xf32, #tpu.memory_space<vmem>>, vector<1x16xf32>,
        } {sc.loop_unroll_factor = 11 : i64, sc.parallel_access}
        %parallel_loop3A_334 = arith.constant 992 : i32
        %parallel_loop3A_335 = arith.addi %parallel_loop3A_116, %parallel_loop3A_334 : i32
        %parallel_loop3A_336 = arith.index_cast %parallel_loop3A_335 : i32 to index
        %parallel_loop3A_337 = tpu.vector_load %arg6[%parallel_loop3A_336] {strides = array<i32>} : memref<16016xf32, #tpu.memory_space<vmem>>, vector<16xf32>,
        %parallel_loop3A_338 = vector.shape_cast %parallel_loop3A_337 : vector<16xf32> to vector<16xf32>
        %parallel_loop3A_339 = arith.constant 9.99999996E-13 : f32
        %parallel_loop3A_340 = vector.broadcast %parallel_loop3A_339 : f32 to vector<16xf32>
        %parallel_loop3A_341 = arith.addf %parallel_loop3A_338, %parallel_loop3A_340 : vector<16xf32>
        %parallel_loop3A_342 = tpu.bitcast %parallel_loop3A_341 : vector<16xf32> -> vector<16xi32>
        %parallel_loop3A_343 = arith.constant 23 : i32
        %parallel_loop3A_344 = vector.broadcast %parallel_loop3A_343 : i32 to vector<16xi32>
        %parallel_loop3A_345 = arith.shrui %parallel_loop3A_342, %parallel_loop3A_344 : vector<16xi32>
        %parallel_loop3A_346 = arith.sitofp %parallel_loop3A_345 : vector<16xi32> to vector<16xf32>
        %parallel_loop3A_347 = arith.constant 8388607 : i32
        %parallel_loop3A_348 = vector.broadcast %parallel_loop3A_347 : i32 to vector<16xi32>
        %parallel_loop3A_349 = arith.andi %parallel_loop3A_342, %parallel_loop3A_348 : vector<16xi32>
        %parallel_loop3A_350 = arith.constant 1065353216 : i32
        %parallel_loop3A_351 = vector.broadcast %parallel_loop3A_350 : i32 to vector<16xi32>
        %parallel_loop3A_352 = arith.ori %parallel_loop3A_349, %parallel_loop3A_351 : vector<16xi32>
        %parallel_loop3A_353 = tpu.bitcast %parallel_loop3A_352 : vector<16xi32> -> vector<16xf32>
        %parallel_loop3A_354 = arith.constant 1.000000e+00 : f32
        %parallel_loop3A_355 = vector.broadcast %parallel_loop3A_354 : f32 to vector<16xf32>
        %parallel_loop3A_356 = arith.subf %parallel_loop3A_353, %parallel_loop3A_355 : vector<16xf32>
        %parallel_loop3A_357 = arith.constant 1.000000e+00 : f32
        %parallel_loop3A_358 = vector.broadcast %parallel_loop3A_357 : f32 to vector<16xf32>
        %parallel_loop3A_359 = arith.addf %parallel_loop3A_353, %parallel_loop3A_358 : vector<16xf32>
        %parallel_loop3A_360 = arith.divf %parallel_loop3A_356, %parallel_loop3A_359 : vector<16xf32>
        %parallel_loop3A_361 = arith.mulf %parallel_loop3A_360, %parallel_loop3A_360 : vector<16xf32>
        %parallel_loop3A_362 = arith.constant 0.142857149 : f32
        %parallel_loop3A_363 = vector.broadcast %parallel_loop3A_362 : f32 to vector<16xf32>
        %parallel_loop3A_364 = arith.mulf %parallel_loop3A_361, %parallel_loop3A_363 : vector<16xf32>
        %parallel_loop3A_365 = arith.constant 2.000000e-01 : f32
        %parallel_loop3A_366 = vector.broadcast %parallel_loop3A_365 : f32 to vector<16xf32>
        %parallel_loop3A_367 = arith.addf %parallel_loop3A_364, %parallel_loop3A_366 : vector<16xf32>
        %parallel_loop3A_368 = arith.mulf %parallel_loop3A_367, %parallel_loop3A_361 : vector<16xf32>
        %parallel_loop3A_369 = arith.constant 0.333333343 : f32
        %parallel_loop3A_370 = vector.broadcast %parallel_loop3A_369 : f32 to vector<16xf32>
        %parallel_loop3A_371 = arith.addf %parallel_loop3A_368, %parallel_loop3A_370 : vector<16xf32>
        %parallel_loop3A_372 = arith.mulf %parallel_loop3A_371, %parallel_loop3A_361 : vector<16xf32>
        %parallel_loop3A_373 = arith.constant 1.000000e+00 : f32
        %parallel_loop3A_374 = vector.broadcast %parallel_loop3A_373 : f32 to vector<16xf32>
        %parallel_loop3A_375 = arith.addf %parallel_loop3A_372, %parallel_loop3A_374 : vector<16xf32>
        %parallel_loop3A_376 = arith.constant 0.693147182 : f32
        %parallel_loop3A_377 = vector.broadcast %parallel_loop3A_376 : f32 to vector<16xf32>
        %parallel_loop3A_378 = arith.mulf %parallel_loop3A_346, %parallel_loop3A_377 : vector<16xf32>
        %parallel_loop3A_379 = arith.addf %parallel_loop3A_360, %parallel_loop3A_360 : vector<16xf32>
        %parallel_loop3A_380 = arith.mulf %parallel_loop3A_379, %parallel_loop3A_375 : vector<16xf32>
        %parallel_loop3A_381 = arith.addf %parallel_loop3A_378, %parallel_loop3A_380 : vector<16xf32>
        %parallel_loop3A_382 = arith.constant 88.0296936 : f32
        %parallel_loop3A_383 = vector.broadcast %parallel_loop3A_382 : f32 to vector<16xf32>
        %parallel_loop3A_384 = arith.subf %parallel_loop3A_381, %parallel_loop3A_383 : vector<16xf32>
        %parallel_loop3A_385 = arith.mulf %parallel_loop3A_330, %parallel_loop3A_384 : vector<16xf32>
        %parallel_loop3A_386 = arith.constant 0.000000e+00 : f32
        %parallel_loop3A_387 = vector.broadcast %parallel_loop3A_386 : f32 to vector<16xf32>
        %parallel_loop3A_388 = arith.select %parallel_loop3A_133, %parallel_loop3A_385, %parallel_loop3A_387 : vector<16xi1>, vector<16xf32>
        %parallel_loop3A_389 = arith.index_cast %parallel_loop3A_114 : i32 to index
        %parallel_loop3A_390 = arith.constant 992 : index
        %parallel_loop3A_391 = tpu.vector_load %arg8[%parallel_loop3A_389, %parallel_loop3A_390] {strides = array<i32>} : memref<64x1008xf32, #tpu.memory_space<vmem>>, vector<1x16xf32>,
        %parallel_loop3A_392 = vector.shape_cast %parallel_loop3A_391 : vector<1x16xf32> to vector<16xf32>
        %parallel_loop3A_393 = vector.shape_cast %parallel_loop3A_388 : vector<16xf32> to vector<1x16xf32>
        tpu.vector_store %arg8[%parallel_loop3A_389, %parallel_loop3A_390], %parallel_loop3A_393 {add = true, strides = array<i32>} : memref<64x1008xf32, #tpu.memory_space<vmem>>, vector<1x16xf32>,
      } {sc.loop_unroll_factor = 2 : i64, sc.parallel_access}
      %mul3A_48 = arith.constant 2 : i32
      %mul3A_49 = arith.muli %mul3A_48, %scan3A_25 : i32
      %add3A_50 = arith.constant 1 : i32
      %add3A_51 = arith.addi %mul3A_49, %add3A_50 : i32
      %add3A_52 = arith.constant 1 : i32
      %add3A_53 = arith.addi %add3A_51, %add3A_52 : i32
      %lt3A_54 = arith.constant 32 : i32
      %lt3A_55 = arith.cmpi slt, %add3A_53, %lt3A_54 : i32
      %convert_element_type3A_56 = arith.extui %lt3A_55 : i1 to i32
      %cond3A_57 = arith.constant 0 : i32
      %cond3A_58 = arith.cmpi ne, %convert_element_type3A_56, %cond3A_57 : i32
      scf.if %cond3A_58 {
        %add3A_75 = arith.constant 1 : i32
        %add3A_76 = arith.addi %add3A_51, %add3A_75 : i32
        %mul3A_77 = arith.constant 16 : i32
        %mul3A_78 = arith.muli %add3A_76, %mul3A_77 : i32
        %add3A_79 = arith.addi %mul3A_2, %mul3A_78 : i32
        %mul3A_80 = arith.constant 1000 : i32
        %mul3A_81 = arith.muli %add3A_79, %mul3A_80 : i32
        %dma_start3A_82 = arith.constant 0 : i32
        %dma_start3A_83 = tpu.memref_slice %arg6[%dma_start3A_82] : memref<16016xf32, #tpu.memory_space<vmem>> -> memref<16000xf32, #tpu.memory_space<vmem>>
        %dma_start3A_84 = tpu.memref_slice %arg2[%mul3A_81] : memref<16384000xf32, #tpu.memory_space<hbm>> -> memref<16000xf32, #tpu.memory_space<hbm>>
        %dma_start3A_85 = arith.constant 0 : i32
        %dma_start3A_86 = tpu.memref_slice %arg6[%dma_start3A_85] : memref<16016xf32, #tpu.memory_space<vmem>> -> memref<16000xf32, #tpu.memory_space<vmem>>
        %dma_start3A_87 = tpu.memref_slice %arg2[%mul3A_81] : memref<16384000xf32, #tpu.memory_space<hbm>> -> memref<16000xf32, #tpu.memory_space<hbm>>
        tpu.enqueue_dma source(%dma_start3A_87 : memref<16000xf32, #tpu.memory_space<hbm>>) target(%dma_start3A_86 : memref<16000xf32, #tpu.memory_space<vmem>>) target_semaphore(%arg9 : memref<!tpu.dma_semaphore, #tpu.memory_space<semaphore_mem>>)
      } else {
      }
      %dma_wait3A_59 = arith.constant 0 : i32
      %dma_wait3A_60 = tpu.memref_slice %arg7[%dma_wait3A_59] : memref<16016xf32, #tpu.memory_space<vmem>> -> memref<16000xf32, #tpu.memory_space<vmem>>
      %dma_wait3A_61 = arith.constant 0 : i32
      %dma_wait3A_62 = tpu.memref_slice %arg2[%dma_wait3A_61] : memref<16384000xf32, #tpu.memory_space<hbm>> -> memref<16000xf32, #tpu.memory_space<hbm>>
      %dma_wait3A_63 = arith.constant 0 : i32
      %dma_wait3A_64 = tpu.memref_slice %arg7[%dma_wait3A_63] : memref<16016xf32, #tpu.memory_space<vmem>> -> memref<16000xf32, #tpu.memory_space<vmem>>
      %dma_wait3A_65 = arith.constant 0 : i32
      %dma_wait3A_66 = tpu.memref_slice %arg2[%dma_wait3A_65] : memref<16384000xf32, #tpu.memory_space<hbm>> -> memref<16000xf32, #tpu.memory_space<hbm>>
      tpu.wait_dma2 semaphore(%arg10 : memref<!tpu.dma_semaphore, #tpu.memory_space<semaphore_mem>>) src(%dma_wait3A_66 : memref<16000xf32, #tpu.memory_space<hbm>>) dst(%dma_wait3A_64 : memref<16000xf32, #tpu.memory_space<vmem>>)
      %mul3A_67 = arith.constant 16 : i32
      %mul3A_68 = arith.muli %add3A_51, %mul3A_67 : i32
      %get3A_69 = arith.index_cast %mul3A_68 : i32 to index
      %get3A_70 = tpu.vector_load %arg5[%get3A_69] {strides = array<i32>} : memref<512xi32, #tpu.memory_space<vmem>>, vector<16xi32>,
      %get3A_71 = vector.shape_cast %get3A_70 : vector<16xi32> to vector<16xi32>
      %parallel_loop3A_72 = arith.constant 0 : i32
      %parallel_loop3A_73 = arith.constant 16 : i32
      %parallel_loop3A_74 = arith.constant 1 : i32
      scf.for %parallel_loop3A_75 = %parallel_loop3A_72 to %parallel_loop3A_73 step %parallel_loop3A_74  : i32 {
        %parallel_loop3A_76 = vector.broadcast %parallel_loop3A_75 : i32 to vector<16xi32>
        %parallel_loop3A_77 = arith.cmpi eq, %iota3A, %parallel_loop3A_76 : vector<16xi32>
        %parallel_loop3A_78 = arith.constant 0 : i32
        %parallel_loop3A_79 = vector.broadcast %parallel_loop3A_78 : i32 to vector<16xi32>
        %parallel_loop3A_80 = arith.select %parallel_loop3A_77, %get3A_71, %parallel_loop3A_79 : vector<16xi1>, vector<16xi32>
        %parallel_loop3A_81 = tpu.iota {dimensions = array<i32: 0>} : vector<16xi32>
        %parallel_loop3A_82 = arith.constant 1 : i32
        %parallel_loop3A_83 = vector.broadcast %parallel_loop3A_82 : i32 to vector<16xi32>
        %parallel_loop3A_84 = arith.xori %parallel_loop3A_81, %parallel_loop3A_83 : vector<16xi32>
        %parallel_loop3A_85 = vector.shape_cast %parallel_loop3A_84 : vector<16xi32> to vector<16x1xi32>
        %parallel_loop3A_86 = vector.shape_cast %parallel_loop3A_85 : vector<16x1xi32> to vector<16xi32>
        %parallel_loop3A_87 = tpu.dynamic_gather %parallel_loop3A_80[%parallel_loop3A_86] in [0] : vector<16xi32>, vector<16xi32> -> vector<16xi32>
        %parallel_loop3A_88 = arith.addi %parallel_loop3A_80, %parallel_loop3A_87 : vector<16xi32>
        %parallel_loop3A_89 = tpu.iota {dimensions = array<i32: 0>} : vector<16xi32>
        %parallel_loop3A_90 = arith.constant 2 : i32
        %parallel_loop3A_91 = vector.broadcast %parallel_loop3A_90 : i32 to vector<16xi32>
        %parallel_loop3A_92 = arith.xori %parallel_loop3A_89, %parallel_loop3A_91 : vector<16xi32>
        %parallel_loop3A_93 = vector.shape_cast %parallel_loop3A_92 : vector<16xi32> to vector<16x1xi32>
        %parallel_loop3A_94 = vector.shape_cast %parallel_loop3A_93 : vector<16x1xi32> to vector<16xi32>
        %parallel_loop3A_95 = tpu.dynamic_gather %parallel_loop3A_88[%parallel_loop3A_94] in [0] : vector<16xi32>, vector<16xi32> -> vector<16xi32>
        %parallel_loop3A_96 = arith.addi %parallel_loop3A_88, %parallel_loop3A_95 : vector<16xi32>
        %parallel_loop3A_97 = tpu.iota {dimensions = array<i32: 0>} : vector<16xi32>
        %parallel_loop3A_98 = arith.constant 4 : i32
        %parallel_loop3A_99 = vector.broadcast %parallel_loop3A_98 : i32 to vector<16xi32>
        %parallel_loop3A_100 = arith.xori %parallel_loop3A_97, %parallel_loop3A_99 : vector<16xi32>
        %parallel_loop3A_101 = vector.shape_cast %parallel_loop3A_100 : vector<16xi32> to vector<16x1xi32>
        %parallel_loop3A_102 = vector.shape_cast %parallel_loop3A_101 : vector<16x1xi32> to vector<16xi32>
        %parallel_loop3A_103 = tpu.dynamic_gather %parallel_loop3A_96[%parallel_loop3A_102] in [0] : vector<16xi32>, vector<16xi32> -> vector<16xi32>
        %parallel_loop3A_104 = arith.addi %parallel_loop3A_96, %parallel_loop3A_103 : vector<16xi32>
        %parallel_loop3A_105 = tpu.iota {dimensions = array<i32: 0>} : vector<16xi32>
        %parallel_loop3A_106 = arith.constant 8 : i32
        %parallel_loop3A_107 = vector.broadcast %parallel_loop3A_106 : i32 to vector<16xi32>
        %parallel_loop3A_108 = arith.xori %parallel_loop3A_105, %parallel_loop3A_107 : vector<16xi32>
        %parallel_loop3A_109 = vector.shape_cast %parallel_loop3A_108 : vector<16xi32> to vector<16x1xi32>
        %parallel_loop3A_110 = vector.shape_cast %parallel_loop3A_109 : vector<16x1xi32> to vector<16xi32>
        %parallel_loop3A_111 = tpu.dynamic_gather %parallel_loop3A_104[%parallel_loop3A_110] in [0] : vector<16xi32>, vector<16xi32> -> vector<16xi32>
        %parallel_loop3A_112 = arith.addi %parallel_loop3A_104, %parallel_loop3A_111 : vector<16xi32>
        %parallel_loop3A_113 = vector.extract_strided_slice %parallel_loop3A_112 {offsets = [0], sizes = [1], strides = [1]} : vector<16xi32> to vector<1xi32>
        %parallel_loop3A_114 = vector.extract %parallel_loop3A_113[0] : i32 from vector<1xi32>
        %parallel_loop3A_115 = arith.constant 1000 : i32
        %parallel_loop3A_116 = arith.muli %parallel_loop3A_75, %parallel_loop3A_115 : i32
        %parallel_loop3A_117 = arith.constant -1.000000e+00 : f32
        %parallel_loop3A_118 = vector.broadcast %parallel_loop3A_117 : f32 to vector<16xf32>
        %parallel_loop3A_119 = arith.constant 0 : i32
        %parallel_loop3A_120 = arith.constant 62 : i32
        %parallel_loop3A_121 = arith.constant 1 : i32
        %parallel_loop3A_122 = scf.for %parallel_loop3A_394 = %parallel_loop3A_119 to %parallel_loop3A_120 step %parallel_loop3A_121 iter_args(%parallel_loop3A_395 = %parallel_loop3A_118) -> (vector<16xf32>)  : i32 {
          %parallel_loop3A_396 = arith.constant 16 : i32
          %parallel_loop3A_397 = arith.muli %parallel_loop3A_394, %parallel_loop3A_396 : i32
          %parallel_loop3A_398 = arith.addi %parallel_loop3A_116, %parallel_loop3A_397 : i32
          %parallel_loop3A_399 = arith.index_cast %parallel_loop3A_398 : i32 to index
          %parallel_loop3A_400 = tpu.vector_load %arg7[%parallel_loop3A_399] {strides = array<i32>} : memref<16016xf32, #tpu.memory_space<vmem>>, vector<16xf32>,
          %parallel_loop3A_401 = vector.shape_cast %parallel_loop3A_400 : vector<16xf32> to vector<16xf32>
          %parallel_loop3A_402 = arith.maximumf %parallel_loop3A_395, %parallel_loop3A_401 : vector<16xf32>
          scf.yield %parallel_loop3A_402 : vector<16xf32>
        } {sc.loop_unroll_factor = 16 : i64, sc.parallel_access}
        %parallel_loop3A_123 = arith.constant 992 : i32
        %parallel_loop3A_124 = arith.addi %parallel_loop3A_116, %parallel_loop3A_123 : i32
        %parallel_loop3A_125 = arith.index_cast %parallel_loop3A_124 : i32 to index
        %parallel_loop3A_126 = tpu.vector_load %arg7[%parallel_loop3A_125] {strides = array<i32>} : memref<16016xf32, #tpu.memory_space<vmem>>, vector<16xf32>,
        %parallel_loop3A_127 = vector.shape_cast %parallel_loop3A_126 : vector<16xf32> to vector<16xf32>
        %parallel_loop3A_128 = arith.constant 992 : i32
        %parallel_loop3A_129 = vector.broadcast %parallel_loop3A_128 : i32 to vector<16xi32>
        %parallel_loop3A_130 = arith.addi %parallel_loop3A_129, %iota3A : vector<16xi32>
        %parallel_loop3A_131 = arith.constant 1000 : i32
        %parallel_loop3A_132 = vector.broadcast %parallel_loop3A_131 : i32 to vector<16xi32>
        %parallel_loop3A_133 = arith.cmpi slt, %parallel_loop3A_130, %parallel_loop3A_132 : vector<16xi32>
        %parallel_loop3A_134 = arith.constant -1.000000e+00 : f32
        %parallel_loop3A_135 = vector.broadcast %parallel_loop3A_134 : f32 to vector<16xf32>
        %parallel_loop3A_136 = arith.select %parallel_loop3A_133, %parallel_loop3A_127, %parallel_loop3A_135 : vector<16xi1>, vector<16xf32>
        %parallel_loop3A_137 = arith.maximumf %parallel_loop3A_122, %parallel_loop3A_136 : vector<16xf32>
        %parallel_loop3A_138 = tpu.iota {dimensions = array<i32: 0>} : vector<16xi32>
        %parallel_loop3A_139 = arith.constant 1 : i32
        %parallel_loop3A_140 = vector.broadcast %parallel_loop3A_139 : i32 to vector<16xi32>
        %parallel_loop3A_141 = arith.xori %parallel_loop3A_138, %parallel_loop3A_140 : vector<16xi32>
        %parallel_loop3A_142 = vector.shape_cast %parallel_loop3A_141 : vector<16xi32> to vector<16x1xi32>
        %parallel_loop3A_143 = vector.shape_cast %parallel_loop3A_142 : vector<16x1xi32> to vector<16xi32>
        %parallel_loop3A_144 = tpu.dynamic_gather %parallel_loop3A_137[%parallel_loop3A_143] in [0] : vector<16xf32>, vector<16xi32> -> vector<16xf32>
        %parallel_loop3A_145 = arith.maximumf %parallel_loop3A_137, %parallel_loop3A_144 : vector<16xf32>
        %parallel_loop3A_146 = tpu.iota {dimensions = array<i32: 0>} : vector<16xi32>
        %parallel_loop3A_147 = arith.constant 2 : i32
        %parallel_loop3A_148 = vector.broadcast %parallel_loop3A_147 : i32 to vector<16xi32>
        %parallel_loop3A_149 = arith.xori %parallel_loop3A_146, %parallel_loop3A_148 : vector<16xi32>
        %parallel_loop3A_150 = vector.shape_cast %parallel_loop3A_149 : vector<16xi32> to vector<16x1xi32>
        %parallel_loop3A_151 = vector.shape_cast %parallel_loop3A_150 : vector<16x1xi32> to vector<16xi32>
        %parallel_loop3A_152 = tpu.dynamic_gather %parallel_loop3A_145[%parallel_loop3A_151] in [0] : vector<16xf32>, vector<16xi32> -> vector<16xf32>
        %parallel_loop3A_153 = arith.maximumf %parallel_loop3A_145, %parallel_loop3A_152 : vector<16xf32>
        %parallel_loop3A_154 = tpu.iota {dimensions = array<i32: 0>} : vector<16xi32>
        %parallel_loop3A_155 = arith.constant 4 : i32
        %parallel_loop3A_156 = vector.broadcast %parallel_loop3A_155 : i32 to vector<16xi32>
        %parallel_loop3A_157 = arith.xori %parallel_loop3A_154, %parallel_loop3A_156 : vector<16xi32>
        %parallel_loop3A_158 = vector.shape_cast %parallel_loop3A_157 : vector<16xi32> to vector<16x1xi32>
        %parallel_loop3A_159 = vector.shape_cast %parallel_loop3A_158 : vector<16x1xi32> to vector<16xi32>
        %parallel_loop3A_160 = tpu.dynamic_gather %parallel_loop3A_153[%parallel_loop3A_159] in [0] : vector<16xf32>, vector<16xi32> -> vector<16xf32>
        %parallel_loop3A_161 = arith.maximumf %parallel_loop3A_153, %parallel_loop3A_160 : vector<16xf32>
        %parallel_loop3A_162 = tpu.iota {dimensions = array<i32: 0>} : vector<16xi32>
        %parallel_loop3A_163 = arith.constant 8 : i32
        %parallel_loop3A_164 = vector.broadcast %parallel_loop3A_163 : i32 to vector<16xi32>
        %parallel_loop3A_165 = arith.xori %parallel_loop3A_162, %parallel_loop3A_164 : vector<16xi32>
        %parallel_loop3A_166 = vector.shape_cast %parallel_loop3A_165 : vector<16xi32> to vector<16x1xi32>
        %parallel_loop3A_167 = vector.shape_cast %parallel_loop3A_166 : vector<16x1xi32> to vector<16xi32>
        %parallel_loop3A_168 = tpu.dynamic_gather %parallel_loop3A_161[%parallel_loop3A_167] in [0] : vector<16xf32>, vector<16xi32> -> vector<16xf32>
        %parallel_loop3A_169 = arith.maximumf %parallel_loop3A_161, %parallel_loop3A_168 : vector<16xf32>
        %parallel_loop3A_170 = arith.constant 0 : i32
        %parallel_loop3A_171 = vector.broadcast %parallel_loop3A_170 : i32 to vector<16xi32>
        %parallel_loop3A_172 = vector.broadcast %parallel_loop3A_114 : i32 to vector<16xi32>
        %parallel_loop3A_173 = arith.addi %parallel_loop3A_171, %parallel_loop3A_172 : vector<16xi32>
        %parallel_loop3A_174 = arith.constant 4 : i32
        %parallel_loop3A_175 = arith.shrsi %parallel_loop3A_114, %parallel_loop3A_174 : i32
        %parallel_loop3A_176 = arith.constant 4 : i32
        %parallel_loop3A_177 = arith.shli %parallel_loop3A_175, %parallel_loop3A_176 : i32
        %parallel_loop3A_178 = arith.addi %parallel_loop3A_116, %parallel_loop3A_177 : i32
        %parallel_loop3A_179 = arith.index_cast %parallel_loop3A_178 : i32 to index
        %parallel_loop3A_180 = tpu.vector_load %arg7[%parallel_loop3A_179] {strides = array<i32>} : memref<16016xf32, #tpu.memory_space<vmem>>, vector<16xf32>,
        %parallel_loop3A_181 = vector.shape_cast %parallel_loop3A_180 : vector<16xf32> to vector<16xf32>
        %parallel_loop3A_182 = arith.constant 15 : i32
        %parallel_loop3A_183 = arith.andi %parallel_loop3A_114, %parallel_loop3A_182 : i32
        %parallel_loop3A_184 = vector.broadcast %parallel_loop3A_183 : i32 to vector<16xi32>
        %parallel_loop3A_185 = arith.cmpi eq, %iota3A, %parallel_loop3A_184 : vector<16xi32>
        %parallel_loop3A_186 = arith.constant 0.000000e+00 : f32
        %parallel_loop3A_187 = vector.broadcast %parallel_loop3A_186 : f32 to vector<16xf32>
        %parallel_loop3A_188 = arith.select %parallel_loop3A_185, %parallel_loop3A_181, %parallel_loop3A_187 : vector<16xi1>, vector<16xf32>
        %parallel_loop3A_189 = tpu.iota {dimensions = array<i32: 0>} : vector<16xi32>
        %parallel_loop3A_190 = arith.constant 1 : i32
        %parallel_loop3A_191 = vector.broadcast %parallel_loop3A_190 : i32 to vector<16xi32>
        %parallel_loop3A_192 = arith.xori %parallel_loop3A_189, %parallel_loop3A_191 : vector<16xi32>
        %parallel_loop3A_193 = vector.shape_cast %parallel_loop3A_192 : vector<16xi32> to vector<16x1xi32>
        %parallel_loop3A_194 = vector.shape_cast %parallel_loop3A_193 : vector<16x1xi32> to vector<16xi32>
        %parallel_loop3A_195 = tpu.dynamic_gather %parallel_loop3A_188[%parallel_loop3A_194] in [0] : vector<16xf32>, vector<16xi32> -> vector<16xf32>
        %parallel_loop3A_196 = arith.addf %parallel_loop3A_188, %parallel_loop3A_195 : vector<16xf32>
        %parallel_loop3A_197 = tpu.iota {dimensions = array<i32: 0>} : vector<16xi32>
        %parallel_loop3A_198 = arith.constant 2 : i32
        %parallel_loop3A_199 = vector.broadcast %parallel_loop3A_198 : i32 to vector<16xi32>
        %parallel_loop3A_200 = arith.xori %parallel_loop3A_197, %parallel_loop3A_199 : vector<16xi32>
        %parallel_loop3A_201 = vector.shape_cast %parallel_loop3A_200 : vector<16xi32> to vector<16x1xi32>
        %parallel_loop3A_202 = vector.shape_cast %parallel_loop3A_201 : vector<16x1xi32> to vector<16xi32>
        %parallel_loop3A_203 = tpu.dynamic_gather %parallel_loop3A_196[%parallel_loop3A_202] in [0] : vector<16xf32>, vector<16xi32> -> vector<16xf32>
        %parallel_loop3A_204 = arith.addf %parallel_loop3A_196, %parallel_loop3A_203 : vector<16xf32>
        %parallel_loop3A_205 = tpu.iota {dimensions = array<i32: 0>} : vector<16xi32>
        %parallel_loop3A_206 = arith.constant 4 : i32
        %parallel_loop3A_207 = vector.broadcast %parallel_loop3A_206 : i32 to vector<16xi32>
        %parallel_loop3A_208 = arith.xori %parallel_loop3A_205, %parallel_loop3A_207 : vector<16xi32>
        %parallel_loop3A_209 = vector.shape_cast %parallel_loop3A_208 : vector<16xi32> to vector<16x1xi32>
        %parallel_loop3A_210 = vector.shape_cast %parallel_loop3A_209 : vector<16x1xi32> to vector<16xi32>
        %parallel_loop3A_211 = tpu.dynamic_gather %parallel_loop3A_204[%parallel_loop3A_210] in [0] : vector<16xf32>, vector<16xi32> -> vector<16xf32>
        %parallel_loop3A_212 = arith.addf %parallel_loop3A_204, %parallel_loop3A_211 : vector<16xf32>
        %parallel_loop3A_213 = tpu.iota {dimensions = array<i32: 0>} : vector<16xi32>
        %parallel_loop3A_214 = arith.constant 8 : i32
        %parallel_loop3A_215 = vector.broadcast %parallel_loop3A_214 : i32 to vector<16xi32>
        %parallel_loop3A_216 = arith.xori %parallel_loop3A_213, %parallel_loop3A_215 : vector<16xi32>
        %parallel_loop3A_217 = vector.shape_cast %parallel_loop3A_216 : vector<16xi32> to vector<16x1xi32>
        %parallel_loop3A_218 = vector.shape_cast %parallel_loop3A_217 : vector<16x1xi32> to vector<16xi32>
        %parallel_loop3A_219 = tpu.dynamic_gather %parallel_loop3A_212[%parallel_loop3A_218] in [0] : vector<16xf32>, vector<16xi32> -> vector<16xf32>
        %parallel_loop3A_220 = arith.addf %parallel_loop3A_212, %parallel_loop3A_219 : vector<16xf32>
        %parallel_loop3A_221 = arith.constant 0 : i32
        %parallel_loop3A_222 = vector.broadcast %parallel_loop3A_221 : i32 to vector<16xi32>
        %parallel_loop3A_223 = arith.constant 0 : i32
        %parallel_loop3A_224 = arith.addi %parallel_loop3A_116, %parallel_loop3A_223 : i32
        %parallel_loop3A_225 = arith.index_cast %parallel_loop3A_224 : i32 to index
        %parallel_loop3A_226 = tpu.vector_load %arg7[%parallel_loop3A_225] {strides = array<i32>} : memref<16016xf32, #tpu.memory_space<vmem>>, vector<16xf32>,
        %parallel_loop3A_227 = vector.shape_cast %parallel_loop3A_226 : vector<16xf32> to vector<16xf32>
        %parallel_loop3A_228 = arith.constant 0 : i32
        %parallel_loop3A_229 = vector.broadcast %parallel_loop3A_228 : i32 to vector<16xi32>
        %parallel_loop3A_230 = arith.addi %parallel_loop3A_229, %iota3A : vector<16xi32>
        %parallel_loop3A_231 = arith.cmpf oeq, %parallel_loop3A_227, %parallel_loop3A_169 : vector<16xf32>
        %parallel_loop3A_232 = arith.cmpi slt, %parallel_loop3A_230, %parallel_loop3A_173 : vector<16xi32>
        %parallel_loop3A_233 = arith.andi %parallel_loop3A_231, %parallel_loop3A_232 : vector<16xi1>
        %parallel_loop3A_234 = arith.constant 1 : i32
        %parallel_loop3A_235 = arith.constant 0 : i32
        %parallel_loop3A_236 = vector.broadcast %parallel_loop3A_234 : i32 to vector<16xi32>
        %parallel_loop3A_237 = vector.broadcast %parallel_loop3A_235 : i32 to vector<16xi32>
        %parallel_loop3A_238 = arith.select %parallel_loop3A_233, %parallel_loop3A_236, %parallel_loop3A_237 : vector<16xi1>, vector<16xi32>
        %parallel_loop3A_239 = arith.addi %parallel_loop3A_222, %parallel_loop3A_238 : vector<16xi32>
        %parallel_loop3A_240 = arith.constant 16 : i32
        %parallel_loop3A_241 = arith.addi %parallel_loop3A_116, %parallel_loop3A_240 : i32
        %parallel_loop3A_242 = arith.index_cast %parallel_loop3A_241 : i32 to index
        %parallel_loop3A_243 = tpu.vector_load %arg7[%parallel_loop3A_242] {strides = array<i32>} : memref<16016xf32, #tpu.memory_space<vmem>>, vector<16xf32>,
        %parallel_loop3A_244 = vector.shape_cast %parallel_loop3A_243 : vector<16xf32> to vector<16xf32>
        %parallel_loop3A_245 = arith.constant 16 : i32
        %parallel_loop3A_246 = vector.broadcast %parallel_loop3A_245 : i32 to vector<16xi32>
        %parallel_loop3A_247 = arith.addi %parallel_loop3A_246, %iota3A : vector<16xi32>
        %parallel_loop3A_248 = arith.cmpf oeq, %parallel_loop3A_244, %parallel_loop3A_169 : vector<16xf32>
        %parallel_loop3A_249 = arith.cmpi slt, %parallel_loop3A_247, %parallel_loop3A_173 : vector<16xi32>
        %parallel_loop3A_250 = arith.andi %parallel_loop3A_248, %parallel_loop3A_249 : vector<16xi1>
        %parallel_loop3A_251 = arith.constant 1 : i32
        %parallel_loop3A_252 = arith.constant 0 : i32
        %parallel_loop3A_253 = vector.broadcast %parallel_loop3A_251 : i32 to vector<16xi32>
        %parallel_loop3A_254 = vector.broadcast %parallel_loop3A_252 : i32 to vector<16xi32>
        %parallel_loop3A_255 = arith.select %parallel_loop3A_250, %parallel_loop3A_253, %parallel_loop3A_254 : vector<16xi1>, vector<16xi32>
        %parallel_loop3A_256 = arith.addi %parallel_loop3A_239, %parallel_loop3A_255 : vector<16xi32>
        %parallel_loop3A_257 = arith.constant 32 : i32
        %parallel_loop3A_258 = arith.addi %parallel_loop3A_116, %parallel_loop3A_257 : i32
        %parallel_loop3A_259 = arith.index_cast %parallel_loop3A_258 : i32 to index
        %parallel_loop3A_260 = tpu.vector_load %arg7[%parallel_loop3A_259] {strides = array<i32>} : memref<16016xf32, #tpu.memory_space<vmem>>, vector<16xf32>,
        %parallel_loop3A_261 = vector.shape_cast %parallel_loop3A_260 : vector<16xf32> to vector<16xf32>
        %parallel_loop3A_262 = arith.constant 32 : i32
        %parallel_loop3A_263 = vector.broadcast %parallel_loop3A_262 : i32 to vector<16xi32>
        %parallel_loop3A_264 = arith.addi %parallel_loop3A_263, %iota3A : vector<16xi32>
        %parallel_loop3A_265 = arith.cmpf oeq, %parallel_loop3A_261, %parallel_loop3A_169 : vector<16xf32>
        %parallel_loop3A_266 = arith.cmpi slt, %parallel_loop3A_264, %parallel_loop3A_173 : vector<16xi32>
        %parallel_loop3A_267 = arith.andi %parallel_loop3A_265, %parallel_loop3A_266 : vector<16xi1>
        %parallel_loop3A_268 = arith.constant 1 : i32
        %parallel_loop3A_269 = arith.constant 0 : i32
        %parallel_loop3A_270 = vector.broadcast %parallel_loop3A_268 : i32 to vector<16xi32>
        %parallel_loop3A_271 = vector.broadcast %parallel_loop3A_269 : i32 to vector<16xi32>
        %parallel_loop3A_272 = arith.select %parallel_loop3A_267, %parallel_loop3A_270, %parallel_loop3A_271 : vector<16xi1>, vector<16xi32>
        %parallel_loop3A_273 = arith.addi %parallel_loop3A_256, %parallel_loop3A_272 : vector<16xi32>
        %parallel_loop3A_274 = arith.constant 48 : i32
        %parallel_loop3A_275 = arith.addi %parallel_loop3A_116, %parallel_loop3A_274 : i32
        %parallel_loop3A_276 = arith.index_cast %parallel_loop3A_275 : i32 to index
        %parallel_loop3A_277 = tpu.vector_load %arg7[%parallel_loop3A_276] {strides = array<i32>} : memref<16016xf32, #tpu.memory_space<vmem>>, vector<16xf32>,
        %parallel_loop3A_278 = vector.shape_cast %parallel_loop3A_277 : vector<16xf32> to vector<16xf32>
        %parallel_loop3A_279 = arith.constant 48 : i32
        %parallel_loop3A_280 = vector.broadcast %parallel_loop3A_279 : i32 to vector<16xi32>
        %parallel_loop3A_281 = arith.addi %parallel_loop3A_280, %iota3A : vector<16xi32>
        %parallel_loop3A_282 = arith.cmpf oeq, %parallel_loop3A_278, %parallel_loop3A_169 : vector<16xf32>
        %parallel_loop3A_283 = arith.cmpi slt, %parallel_loop3A_281, %parallel_loop3A_173 : vector<16xi32>
        %parallel_loop3A_284 = arith.andi %parallel_loop3A_282, %parallel_loop3A_283 : vector<16xi1>
        %parallel_loop3A_285 = arith.constant 1 : i32
        %parallel_loop3A_286 = arith.constant 0 : i32
        %parallel_loop3A_287 = vector.broadcast %parallel_loop3A_285 : i32 to vector<16xi32>
        %parallel_loop3A_288 = vector.broadcast %parallel_loop3A_286 : i32 to vector<16xi32>
        %parallel_loop3A_289 = arith.select %parallel_loop3A_284, %parallel_loop3A_287, %parallel_loop3A_288 : vector<16xi1>, vector<16xi32>
        %parallel_loop3A_290 = arith.addi %parallel_loop3A_273, %parallel_loop3A_289 : vector<16xi32>
        %parallel_loop3A_291 = tpu.iota {dimensions = array<i32: 0>} : vector<16xi32>
        %parallel_loop3A_292 = arith.constant 1 : i32
        %parallel_loop3A_293 = vector.broadcast %parallel_loop3A_292 : i32 to vector<16xi32>
        %parallel_loop3A_294 = arith.xori %parallel_loop3A_291, %parallel_loop3A_293 : vector<16xi32>
        %parallel_loop3A_295 = vector.shape_cast %parallel_loop3A_294 : vector<16xi32> to vector<16x1xi32>
        %parallel_loop3A_296 = vector.shape_cast %parallel_loop3A_295 : vector<16x1xi32> to vector<16xi32>
        %parallel_loop3A_297 = tpu.dynamic_gather %parallel_loop3A_290[%parallel_loop3A_296] in [0] : vector<16xi32>, vector<16xi32> -> vector<16xi32>
        %parallel_loop3A_298 = arith.addi %parallel_loop3A_290, %parallel_loop3A_297 : vector<16xi32>
        %parallel_loop3A_299 = tpu.iota {dimensions = array<i32: 0>} : vector<16xi32>
        %parallel_loop3A_300 = arith.constant 2 : i32
        %parallel_loop3A_301 = vector.broadcast %parallel_loop3A_300 : i32 to vector<16xi32>
        %parallel_loop3A_302 = arith.xori %parallel_loop3A_299, %parallel_loop3A_301 : vector<16xi32>
        %parallel_loop3A_303 = vector.shape_cast %parallel_loop3A_302 : vector<16xi32> to vector<16x1xi32>
        %parallel_loop3A_304 = vector.shape_cast %parallel_loop3A_303 : vector<16x1xi32> to vector<16xi32>
        %parallel_loop3A_305 = tpu.dynamic_gather %parallel_loop3A_298[%parallel_loop3A_304] in [0] : vector<16xi32>, vector<16xi32> -> vector<16xi32>
        %parallel_loop3A_306 = arith.addi %parallel_loop3A_298, %parallel_loop3A_305 : vector<16xi32>
        %parallel_loop3A_307 = tpu.iota {dimensions = array<i32: 0>} : vector<16xi32>
        %parallel_loop3A_308 = arith.constant 4 : i32
        %parallel_loop3A_309 = vector.broadcast %parallel_loop3A_308 : i32 to vector<16xi32>
        %parallel_loop3A_310 = arith.xori %parallel_loop3A_307, %parallel_loop3A_309 : vector<16xi32>
        %parallel_loop3A_311 = vector.shape_cast %parallel_loop3A_310 : vector<16xi32> to vector<16x1xi32>
        %parallel_loop3A_312 = vector.shape_cast %parallel_loop3A_311 : vector<16x1xi32> to vector<16xi32>
        %parallel_loop3A_313 = tpu.dynamic_gather %parallel_loop3A_306[%parallel_loop3A_312] in [0] : vector<16xi32>, vector<16xi32> -> vector<16xi32>
        %parallel_loop3A_314 = arith.addi %parallel_loop3A_306, %parallel_loop3A_313 : vector<16xi32>
        %parallel_loop3A_315 = tpu.iota {dimensions = array<i32: 0>} : vector<16xi32>
        %parallel_loop3A_316 = arith.constant 8 : i32
        %parallel_loop3A_317 = vector.broadcast %parallel_loop3A_316 : i32 to vector<16xi32>
        %parallel_loop3A_318 = arith.xori %parallel_loop3A_315, %parallel_loop3A_317 : vector<16xi32>
        %parallel_loop3A_319 = vector.shape_cast %parallel_loop3A_318 : vector<16xi32> to vector<16x1xi32>
        %parallel_loop3A_320 = vector.shape_cast %parallel_loop3A_319 : vector<16x1xi32> to vector<16xi32>
        %parallel_loop3A_321 = tpu.dynamic_gather %parallel_loop3A_314[%parallel_loop3A_320] in [0] : vector<16xi32>, vector<16xi32> -> vector<16xi32>
        %parallel_loop3A_322 = arith.addi %parallel_loop3A_314, %parallel_loop3A_321 : vector<16xi32>
        %parallel_loop3A_323 = arith.cmpf oeq, %parallel_loop3A_220, %parallel_loop3A_169 : vector<16xf32>
        %parallel_loop3A_324 = arith.constant 0 : i32
        %parallel_loop3A_325 = vector.broadcast %parallel_loop3A_324 : i32 to vector<16xi32>
        %parallel_loop3A_326 = arith.cmpi eq, %parallel_loop3A_322, %parallel_loop3A_325 : vector<16xi32>
        %parallel_loop3A_327 = arith.andi %parallel_loop3A_323, %parallel_loop3A_326 : vector<16xi1>
        %parallel_loop3A_328 = arith.constant 1.000000e+00 : f32
        %parallel_loop3A_329 = vector.broadcast %parallel_loop3A_328 : f32 to vector<16xf32>
        %parallel_loop3A_330 = arith.select %parallel_loop3A_327, %parallel_loop3A_220, %parallel_loop3A_329 : vector<16xi1>, vector<16xf32>
        %parallel_loop3A_331 = arith.constant 0 : i32
        %parallel_loop3A_332 = arith.constant 62 : i32
        %parallel_loop3A_333 = arith.constant 1 : i32
        scf.for %parallel_loop3A_394 = %parallel_loop3A_331 to %parallel_loop3A_332 step %parallel_loop3A_333  : i32 {
          %parallel_loop3A_395 = arith.constant 16 : i32
          %parallel_loop3A_396 = arith.muli %parallel_loop3A_394, %parallel_loop3A_395 : i32
          %parallel_loop3A_397 = arith.addi %parallel_loop3A_116, %parallel_loop3A_396 : i32
          %parallel_loop3A_398 = arith.index_cast %parallel_loop3A_397 : i32 to index
          %parallel_loop3A_399 = tpu.vector_load %arg7[%parallel_loop3A_398] {strides = array<i32>} : memref<16016xf32, #tpu.memory_space<vmem>>, vector<16xf32>,
          %parallel_loop3A_400 = vector.shape_cast %parallel_loop3A_399 : vector<16xf32> to vector<16xf32>
          %parallel_loop3A_401 = arith.constant 9.99999996E-13 : f32
          %parallel_loop3A_402 = vector.broadcast %parallel_loop3A_401 : f32 to vector<16xf32>
          %parallel_loop3A_403 = arith.addf %parallel_loop3A_400, %parallel_loop3A_402 : vector<16xf32>
          %parallel_loop3A_404 = tpu.bitcast %parallel_loop3A_403 : vector<16xf32> -> vector<16xi32>
          %parallel_loop3A_405 = arith.constant 23 : i32
          %parallel_loop3A_406 = vector.broadcast %parallel_loop3A_405 : i32 to vector<16xi32>
          %parallel_loop3A_407 = arith.shrui %parallel_loop3A_404, %parallel_loop3A_406 : vector<16xi32>
          %parallel_loop3A_408 = arith.sitofp %parallel_loop3A_407 : vector<16xi32> to vector<16xf32>
          %parallel_loop3A_409 = arith.constant 8388607 : i32
          %parallel_loop3A_410 = vector.broadcast %parallel_loop3A_409 : i32 to vector<16xi32>
          %parallel_loop3A_411 = arith.andi %parallel_loop3A_404, %parallel_loop3A_410 : vector<16xi32>
          %parallel_loop3A_412 = arith.constant 1065353216 : i32
          %parallel_loop3A_413 = vector.broadcast %parallel_loop3A_412 : i32 to vector<16xi32>
          %parallel_loop3A_414 = arith.ori %parallel_loop3A_411, %parallel_loop3A_413 : vector<16xi32>
          %parallel_loop3A_415 = tpu.bitcast %parallel_loop3A_414 : vector<16xi32> -> vector<16xf32>
          %parallel_loop3A_416 = arith.constant 1.000000e+00 : f32
          %parallel_loop3A_417 = vector.broadcast %parallel_loop3A_416 : f32 to vector<16xf32>
          %parallel_loop3A_418 = arith.subf %parallel_loop3A_415, %parallel_loop3A_417 : vector<16xf32>
          %parallel_loop3A_419 = arith.constant 1.000000e+00 : f32
          %parallel_loop3A_420 = vector.broadcast %parallel_loop3A_419 : f32 to vector<16xf32>
          %parallel_loop3A_421 = arith.addf %parallel_loop3A_415, %parallel_loop3A_420 : vector<16xf32>
          %parallel_loop3A_422 = arith.divf %parallel_loop3A_418, %parallel_loop3A_421 : vector<16xf32>
          %parallel_loop3A_423 = arith.mulf %parallel_loop3A_422, %parallel_loop3A_422 : vector<16xf32>
          %parallel_loop3A_424 = arith.constant 0.142857149 : f32
          %parallel_loop3A_425 = vector.broadcast %parallel_loop3A_424 : f32 to vector<16xf32>
          %parallel_loop3A_426 = arith.mulf %parallel_loop3A_423, %parallel_loop3A_425 : vector<16xf32>
          %parallel_loop3A_427 = arith.constant 2.000000e-01 : f32
          %parallel_loop3A_428 = vector.broadcast %parallel_loop3A_427 : f32 to vector<16xf32>
          %parallel_loop3A_429 = arith.addf %parallel_loop3A_426, %parallel_loop3A_428 : vector<16xf32>
          %parallel_loop3A_430 = arith.mulf %parallel_loop3A_429, %parallel_loop3A_423 : vector<16xf32>
          %parallel_loop3A_431 = arith.constant 0.333333343 : f32
          %parallel_loop3A_432 = vector.broadcast %parallel_loop3A_431 : f32 to vector<16xf32>
          %parallel_loop3A_433 = arith.addf %parallel_loop3A_430, %parallel_loop3A_432 : vector<16xf32>
          %parallel_loop3A_434 = arith.mulf %parallel_loop3A_433, %parallel_loop3A_423 : vector<16xf32>
          %parallel_loop3A_435 = arith.constant 1.000000e+00 : f32
          %parallel_loop3A_436 = vector.broadcast %parallel_loop3A_435 : f32 to vector<16xf32>
          %parallel_loop3A_437 = arith.addf %parallel_loop3A_434, %parallel_loop3A_436 : vector<16xf32>
          %parallel_loop3A_438 = arith.constant 0.693147182 : f32
          %parallel_loop3A_439 = vector.broadcast %parallel_loop3A_438 : f32 to vector<16xf32>
          %parallel_loop3A_440 = arith.mulf %parallel_loop3A_408, %parallel_loop3A_439 : vector<16xf32>
          %parallel_loop3A_441 = arith.addf %parallel_loop3A_422, %parallel_loop3A_422 : vector<16xf32>
          %parallel_loop3A_442 = arith.mulf %parallel_loop3A_441, %parallel_loop3A_437 : vector<16xf32>
          %parallel_loop3A_443 = arith.addf %parallel_loop3A_440, %parallel_loop3A_442 : vector<16xf32>
          %parallel_loop3A_444 = arith.constant 88.0296936 : f32
          %parallel_loop3A_445 = vector.broadcast %parallel_loop3A_444 : f32 to vector<16xf32>
          %parallel_loop3A_446 = arith.subf %parallel_loop3A_443, %parallel_loop3A_445 : vector<16xf32>
          %parallel_loop3A_447 = arith.mulf %parallel_loop3A_330, %parallel_loop3A_446 : vector<16xf32>
          %parallel_loop3A_448 = arith.constant 16 : i32
          %parallel_loop3A_449 = arith.muli %parallel_loop3A_394, %parallel_loop3A_448 : i32
          %parallel_loop3A_450 = arith.index_cast %parallel_loop3A_114 : i32 to index
          %parallel_loop3A_451 = arith.index_cast %parallel_loop3A_449 : i32 to index
          %parallel_loop3A_452 = tpu.vector_load %arg8[%parallel_loop3A_450, %parallel_loop3A_451] {strides = array<i32>} : memref<64x1008xf32, #tpu.memory_space<vmem>>, vector<1x16xf32>,
          %parallel_loop3A_453 = vector.shape_cast %parallel_loop3A_452 : vector<1x16xf32> to vector<16xf32>
          %parallel_loop3A_454 = vector.shape_cast %parallel_loop3A_447 : vector<16xf32> to vector<1x16xf32>
          tpu.vector_store %arg8[%parallel_loop3A_450, %parallel_loop3A_451], %parallel_loop3A_454 {add = true, strides = array<i32>} : memref<64x1008xf32, #tpu.memory_space<vmem>>, vector<1x16xf32>,
        } {sc.loop_unroll_factor = 11 : i64, sc.parallel_access}
        %parallel_loop3A_334 = arith.constant 992 : i32
        %parallel_loop3A_335 = arith.addi %parallel_loop3A_116, %parallel_loop3A_334 : i32
        %parallel_loop3A_336 = arith.index_cast %parallel_loop3A_335 : i32 to index
        %parallel_loop3A_337 = tpu.vector_load %arg7[%parallel_loop3A_336] {strides = array<i32>} : memref<16016xf32, #tpu.memory_space<vmem>>, vector<16xf32>,
        %parallel_loop3A_338 = vector.shape_cast %parallel_loop3A_337 : vector<16xf32> to vector<16xf32>
        %parallel_loop3A_339 = arith.constant 9.99999996E-13 : f32
        %parallel_loop3A_340 = vector.broadcast %parallel_loop3A_339 : f32 to vector<16xf32>
        %parallel_loop3A_341 = arith.addf %parallel_loop3A_338, %parallel_loop3A_340 : vector<16xf32>
        %parallel_loop3A_342 = tpu.bitcast %parallel_loop3A_341 : vector<16xf32> -> vector<16xi32>
        %parallel_loop3A_343 = arith.constant 23 : i32
        %parallel_loop3A_344 = vector.broadcast %parallel_loop3A_343 : i32 to vector<16xi32>
        %parallel_loop3A_345 = arith.shrui %parallel_loop3A_342, %parallel_loop3A_344 : vector<16xi32>
        %parallel_loop3A_346 = arith.sitofp %parallel_loop3A_345 : vector<16xi32> to vector<16xf32>
        %parallel_loop3A_347 = arith.constant 8388607 : i32
        %parallel_loop3A_348 = vector.broadcast %parallel_loop3A_347 : i32 to vector<16xi32>
        %parallel_loop3A_349 = arith.andi %parallel_loop3A_342, %parallel_loop3A_348 : vector<16xi32>
        %parallel_loop3A_350 = arith.constant 1065353216 : i32
        %parallel_loop3A_351 = vector.broadcast %parallel_loop3A_350 : i32 to vector<16xi32>
        %parallel_loop3A_352 = arith.ori %parallel_loop3A_349, %parallel_loop3A_351 : vector<16xi32>
        %parallel_loop3A_353 = tpu.bitcast %parallel_loop3A_352 : vector<16xi32> -> vector<16xf32>
        %parallel_loop3A_354 = arith.constant 1.000000e+00 : f32
        %parallel_loop3A_355 = vector.broadcast %parallel_loop3A_354 : f32 to vector<16xf32>
        %parallel_loop3A_356 = arith.subf %parallel_loop3A_353, %parallel_loop3A_355 : vector<16xf32>
        %parallel_loop3A_357 = arith.constant 1.000000e+00 : f32
        %parallel_loop3A_358 = vector.broadcast %parallel_loop3A_357 : f32 to vector<16xf32>
        %parallel_loop3A_359 = arith.addf %parallel_loop3A_353, %parallel_loop3A_358 : vector<16xf32>
        %parallel_loop3A_360 = arith.divf %parallel_loop3A_356, %parallel_loop3A_359 : vector<16xf32>
        %parallel_loop3A_361 = arith.mulf %parallel_loop3A_360, %parallel_loop3A_360 : vector<16xf32>
        %parallel_loop3A_362 = arith.constant 0.142857149 : f32
        %parallel_loop3A_363 = vector.broadcast %parallel_loop3A_362 : f32 to vector<16xf32>
        %parallel_loop3A_364 = arith.mulf %parallel_loop3A_361, %parallel_loop3A_363 : vector<16xf32>
        %parallel_loop3A_365 = arith.constant 2.000000e-01 : f32
        %parallel_loop3A_366 = vector.broadcast %parallel_loop3A_365 : f32 to vector<16xf32>
        %parallel_loop3A_367 = arith.addf %parallel_loop3A_364, %parallel_loop3A_366 : vector<16xf32>
        %parallel_loop3A_368 = arith.mulf %parallel_loop3A_367, %parallel_loop3A_361 : vector<16xf32>
        %parallel_loop3A_369 = arith.constant 0.333333343 : f32
        %parallel_loop3A_370 = vector.broadcast %parallel_loop3A_369 : f32 to vector<16xf32>
        %parallel_loop3A_371 = arith.addf %parallel_loop3A_368, %parallel_loop3A_370 : vector<16xf32>
        %parallel_loop3A_372 = arith.mulf %parallel_loop3A_371, %parallel_loop3A_361 : vector<16xf32>
        %parallel_loop3A_373 = arith.constant 1.000000e+00 : f32
        %parallel_loop3A_374 = vector.broadcast %parallel_loop3A_373 : f32 to vector<16xf32>
        %parallel_loop3A_375 = arith.addf %parallel_loop3A_372, %parallel_loop3A_374 : vector<16xf32>
        %parallel_loop3A_376 = arith.constant 0.693147182 : f32
        %parallel_loop3A_377 = vector.broadcast %parallel_loop3A_376 : f32 to vector<16xf32>
        %parallel_loop3A_378 = arith.mulf %parallel_loop3A_346, %parallel_loop3A_377 : vector<16xf32>
        %parallel_loop3A_379 = arith.addf %parallel_loop3A_360, %parallel_loop3A_360 : vector<16xf32>
        %parallel_loop3A_380 = arith.mulf %parallel_loop3A_379, %parallel_loop3A_375 : vector<16xf32>
        %parallel_loop3A_381 = arith.addf %parallel_loop3A_378, %parallel_loop3A_380 : vector<16xf32>
        %parallel_loop3A_382 = arith.constant 88.0296936 : f32
        %parallel_loop3A_383 = vector.broadcast %parallel_loop3A_382 : f32 to vector<16xf32>
        %parallel_loop3A_384 = arith.subf %parallel_loop3A_381, %parallel_loop3A_383 : vector<16xf32>
        %parallel_loop3A_385 = arith.mulf %parallel_loop3A_330, %parallel_loop3A_384 : vector<16xf32>
        %parallel_loop3A_386 = arith.constant 0.000000e+00 : f32
        %parallel_loop3A_387 = vector.broadcast %parallel_loop3A_386 : f32 to vector<16xf32>
        %parallel_loop3A_388 = arith.select %parallel_loop3A_133, %parallel_loop3A_385, %parallel_loop3A_387 : vector<16xi1>, vector<16xf32>
        %parallel_loop3A_389 = arith.index_cast %parallel_loop3A_114 : i32 to index
        %parallel_loop3A_390 = arith.constant 992 : index
        %parallel_loop3A_391 = tpu.vector_load %arg8[%parallel_loop3A_389, %parallel_loop3A_390] {strides = array<i32>} : memref<64x1008xf32, #tpu.memory_space<vmem>>, vector<1x16xf32>,
        %parallel_loop3A_392 = vector.shape_cast %parallel_loop3A_391 : vector<1x16xf32> to vector<16xf32>
        %parallel_loop3A_393 = vector.shape_cast %parallel_loop3A_388 : vector<16xf32> to vector<1x16xf32>
        tpu.vector_store %arg8[%parallel_loop3A_389, %parallel_loop3A_390], %parallel_loop3A_393 {add = true, strides = array<i32>} : memref<64x1008xf32, #tpu.memory_space<vmem>>, vector<1x16xf32>,
      } {sc.loop_unroll_factor = 2 : i64, sc.parallel_access}
    }
    %scan3A_24 = arith.constant 16 : i32
    "tpu.region"() ({
      %run_scoped3A = tpu.sem_alloc : memref<!tpu.dma_semaphore, #tpu.memory_space<semaphore_mem>>
      %dma_start3A_25 = arith.constant 0 : i32
      %dma_start3A_26 = arith.constant 0 : i32
      %dma_start3A_27 = tpu.memref_slice %arg4[%add3A, %dma_start3A_25, %dma_start3A_26] : memref<32x64x1008xf32, #tpu.memory_space<hbm>> -> memref<1x64x1008xf32, #tpu.memory_space<hbm>>
      %dma_start3A_28 = tpu.memref_squeeze %dma_start3A_27 : memref<1x64x1008xf32, #tpu.memory_space<hbm>> -> memref<64x1008xf32, #tpu.memory_space<hbm>>
      %dma_start3A_29 = arith.constant 0 : i32
      %dma_start3A_30 = arith.constant 0 : i32
      %dma_start3A_31 = tpu.memref_slice %arg4[%add3A, %dma_start3A_29, %dma_start3A_30] : memref<32x64x1008xf32, #tpu.memory_space<hbm>> -> memref<1x64x1008xf32, #tpu.memory_space<hbm>>
      %dma_start3A_32 = tpu.memref_squeeze %dma_start3A_31 : memref<1x64x1008xf32, #tpu.memory_space<hbm>> -> memref<64x1008xf32, #tpu.memory_space<hbm>>
      tpu.enqueue_dma source(%arg8 : memref<64x1008xf32, #tpu.memory_space<vmem>>) target(%dma_start3A_32 : memref<64x1008xf32, #tpu.memory_space<hbm>>) target_semaphore(%run_scoped3A : memref<!tpu.dma_semaphore, #tpu.memory_space<semaphore_mem>>)
      %dma_wait3A_33 = arith.constant 0 : i32
      %dma_wait3A_34 = arith.constant 0 : i32
      %dma_wait3A_35 = tpu.memref_slice %arg4[%add3A, %dma_wait3A_33, %dma_wait3A_34] : memref<32x64x1008xf32, #tpu.memory_space<hbm>> -> memref<1x64x1008xf32, #tpu.memory_space<hbm>>
      %dma_wait3A_36 = tpu.memref_squeeze %dma_wait3A_35 : memref<1x64x1008xf32, #tpu.memory_space<hbm>> -> memref<64x1008xf32, #tpu.memory_space<hbm>>
      %dma_wait3A_37 = arith.constant 0 : i32
      %dma_wait3A_38 = arith.constant 0 : i32
      %dma_wait3A_39 = tpu.memref_slice %arg4[%add3A, %dma_wait3A_37, %dma_wait3A_38] : memref<32x64x1008xf32, #tpu.memory_space<hbm>> -> memref<1x64x1008xf32, #tpu.memory_space<hbm>>
      %dma_wait3A_40 = tpu.memref_squeeze %dma_wait3A_39 : memref<1x64x1008xf32, #tpu.memory_space<hbm>> -> memref<64x1008xf32, #tpu.memory_space<hbm>>
      tpu.wait_dma2 semaphore(%run_scoped3A : memref<!tpu.dma_semaphore, #tpu.memory_space<semaphore_mem>>) src(%arg8 : memref<64x1008xf32, #tpu.memory_space<vmem>>) dst(%dma_wait3A_40 : memref<64x1008xf32, #tpu.memory_space<hbm>>)
      tpu.yield
    }) : () -> ()
    return
  }
}

module attributes {stable_mosaic.version = 14 : i64} {
  func.func @body(%arg0: memref<32x64x1008xf32, #tpu.memory_space<vmem>>, %arg1: memref<128x128xi32, #tpu.memory_space<vmem>>, %arg2: memref<1x1xf32, #tpu.memory_space<vmem>>) attributes {dimension_semantics = [], scalar_prefetch = 0 : i64, scratch_operands = 0 : i64, tpu.core_type = #tpu.core_type<tc>} {
    %get3A = arith.constant 0 : index
    %get3A_0 = arith.constant 0 : index
    %get3A_1 = arith.constant 0 : index
    %get3A_2 = vector.load %arg0[%get3A, %get3A_0, %get3A_1] : memref<32x64x1008xf32, #tpu.memory_space<vmem>>, vector<32x64x1008xf32>
    %reduce_sum3A = arith.constant dense<0.000000e+00> : vector<64x1008xf32>
    %reduce_sum3A_3 = vector.multi_reduction <add>, %get3A_2, %reduce_sum3A [0] : vector<32x64x1008xf32> to vector<64x1008xf32>
    %slice3A = vector.extract_strided_slice %reduce_sum3A_3 {offsets = [0, 0], sizes = [64, 1000], strides = [1, 1]} : vector<64x1008xf32> to vector<64x1000xf32>
    %get3A_4 = arith.constant 0 : index
    %get3A_5 = arith.constant 0 : index
    %get3A_6 = vector.load %arg1[%get3A_4, %get3A_5] : memref<128x128xi32, #tpu.memory_space<vmem>>, vector<128x128xi32>
    %iota3A = tpu.iota {dimensions = array<i32: 0>} : vector<64x128x128xi32>
    %broadcast_in_dim3A = vector.shape_cast %get3A_6 : vector<128x128xi32> to vector<1x128x128xi32>
    %eq3A = vector.broadcast %broadcast_in_dim3A : vector<1x128x128xi32> to vector<64x128x128xi32>
    %eq3A_7 = arith.cmpi eq, %eq3A, %iota3A : vector<64x128x128xi32>
    %convert_element_type3A = arith.extui %eq3A_7 : vector<64x128x128xi1> to vector<64x128x128xi32>
    %convert_element_type3A_8 = arith.sitofp %convert_element_type3A : vector<64x128x128xi32> to vector<64x128x128xf32>
    %reduce_sum3A_9 = arith.constant dense<0.000000e+00> : vector<64xf32>
    %reduce_sum3A_10 = vector.multi_reduction <add>, %convert_element_type3A_8, %reduce_sum3A_9 [1, 2] : vector<64x128x128xf32> to vector<64xf32>
    %iota3A_11 = tpu.iota {dimensions = array<i32: 0>} : vector<64x1000xi32>
    %iota3A_12 = tpu.iota {dimensions = array<i32: 1>} : vector<64x1000xi32>
    %eq3A_13 = arith.cmpi eq, %iota3A_11, %iota3A_12 : vector<64x1000xi32>
    %jit3A = arith.constant 0.000000e+00 : f32
    %broadcast_in_dim3A_14 = vector.broadcast %jit3A : f32 to vector<64x1000xf32>
    %select_n3A = arith.select %eq3A_13, %slice3A, %broadcast_in_dim3A_14 : vector<64x1000xi1>, vector<64x1000xf32>
    %reduce_sum3A_15 = arith.constant dense<0.000000e+00> : vector<64xf32>
    %reduce_sum3A_16 = vector.multi_reduction <add>, %select_n3A, %reduce_sum3A_15 [1] : vector<64x1000xf32> to vector<64xf32>
    %reduce_sum3A_17 = arith.constant dense<0.000000e+00> : vector<64xf32>
    %reduce_sum3A_18 = vector.multi_reduction <add>, %slice3A, %reduce_sum3A_17 [1] : vector<64x1000xf32> to vector<64xf32>
    %sub3A = arith.subf %reduce_sum3A_18, %reduce_sum3A_16 : vector<64xf32>
    %mul3A = arith.mulf %slice3A, %slice3A : vector<64x1000xf32>
    %reduce_sum3A_19 = arith.constant dense<0.000000e+00> : vector<64xf32>
    %reduce_sum3A_20 = vector.multi_reduction <add>, %mul3A, %reduce_sum3A_19 [1] : vector<64x1000xf32> to vector<64xf32>
    %mul3A_21 = arith.mulf %reduce_sum3A_16, %reduce_sum3A_16 : vector<64xf32>
    %sub3A_22 = arith.subf %reduce_sum3A_20, %mul3A_21 : vector<64xf32>
    %mul3A_23 = arith.mulf %sub3A, %sub3A : vector<64xf32>
    %div3A = arith.constant 9.990000e+02 : f32
    %div3A_24 = vector.broadcast %div3A : f32 to vector<64xf32>
    %div3A_25 = arith.divf %mul3A_23, %div3A_24 : vector<64xf32>
    %sub3A_26 = arith.subf %sub3A_22, %div3A_25 : vector<64xf32>
    %sub3A_27 = arith.constant 9.990000e+02 : f32
    %sub3A_28 = arith.constant 1.000000e+00 : f32
    %sub3A_29 = arith.subf %sub3A_27, %sub3A_28 : f32
    %div3A_30 = vector.broadcast %sub3A_29 : f32 to vector<64xf32>
    %div3A_31 = arith.divf %sub3A_26, %div3A_30 : vector<64xf32>
    %max3A = arith.constant 0.000000e+00 : f32
    %max3A_32 = vector.broadcast %max3A : f32 to vector<64xf32>
    %max3A_33 = arith.maximumf %div3A_31, %max3A_32 : vector<64xf32>
    %sqrt3A = math.sqrt %max3A_33 : vector<64xf32>
    %gt3A = arith.constant 5.000000e-01 : f32
    %gt3A_34 = vector.broadcast %gt3A : f32 to vector<64xf32>
    %gt3A_35 = arith.cmpf ogt, %reduce_sum3A_10, %gt3A_34 : vector<64xf32>
    %convert_element_type3A_36 = arith.extui %gt3A_35 : vector<64xi1> to vector<64xi32>
    %convert_element_type3A_37 = arith.sitofp %convert_element_type3A_36 : vector<64xi32> to vector<64xf32>
    %reduce_sum3A_38 = vector.shape_cast %convert_element_type3A_37 : vector<64xf32> to vector<1x64xf32>
    %reduce_sum3A_39 = arith.constant dense<0.000000e+00> : vector<1xf32>
    %reduce_sum3A_40 = vector.multi_reduction <add>, %reduce_sum3A_38, %reduce_sum3A_39 [1] : vector<1x64xf32> to vector<1xf32>
    %reduce_sum3A_41 = vector.shape_cast %reduce_sum3A_40 : vector<1xf32> to vector<1x1xf32>
    %reduce_sum3A_42 = vector.extract %reduce_sum3A_41[0, 0] : f32 from vector<1x1xf32>
    %max3A_43 = arith.constant 1.000000e+00 : f32
    %max3A_44 = vector.broadcast %max3A_43 : f32 to vector<64xf32>
    %max3A_45 = arith.maximumf %reduce_sum3A_10, %max3A_44 : vector<64xf32>
    %div3A_46 = arith.constant 1.000000e+00 : f32
    %div3A_47 = vector.broadcast %div3A_46 : f32 to vector<64xf32>
    %div3A_48 = arith.divf %div3A_47, %max3A_45 : vector<64xf32>
    %jit3A_49 = arith.constant 0.000000e+00 : f32
    %broadcast_in_dim3A_50 = vector.broadcast %jit3A_49 : f32 to vector<64xf32>
    %select_n3A_51 = arith.select %gt3A_35, %div3A_48, %broadcast_in_dim3A_50 : vector<64xi1>, vector<64xf32>
    %reduce_sum3A_52 = vector.shape_cast %select_n3A_51 : vector<64xf32> to vector<1x64xf32>
    %reduce_sum3A_53 = arith.constant dense<0.000000e+00> : vector<1xf32>
    %reduce_sum3A_54 = vector.multi_reduction <add>, %reduce_sum3A_52, %reduce_sum3A_53 [1] : vector<1x64xf32> to vector<1xf32>
    %reduce_sum3A_55 = vector.shape_cast %reduce_sum3A_54 : vector<1xf32> to vector<1x1xf32>
    %reduce_sum3A_56 = vector.extract %reduce_sum3A_55[0, 0] : f32 from vector<1x1xf32>
    %jit3A_57 = arith.constant 0.000000e+00 : f32
    %broadcast_in_dim3A_58 = vector.broadcast %jit3A_57 : f32 to vector<64xf32>
    %select_n3A_59 = arith.select %gt3A_35, %sqrt3A, %broadcast_in_dim3A_58 : vector<64xi1>, vector<64xf32>
    %reduce_sum3A_60 = vector.shape_cast %select_n3A_59 : vector<64xf32> to vector<1x64xf32>
    %reduce_sum3A_61 = arith.constant dense<0.000000e+00> : vector<1xf32>
    %reduce_sum3A_62 = vector.multi_reduction <add>, %reduce_sum3A_60, %reduce_sum3A_61 [1] : vector<1x64xf32> to vector<1xf32>
    %reduce_sum3A_63 = vector.shape_cast %reduce_sum3A_62 : vector<1xf32> to vector<1x1xf32>
    %reduce_sum3A_64 = vector.extract %reduce_sum3A_63[0, 0] : f32 from vector<1x1xf32>
    %mul3A_65 = arith.mulf %reduce_sum3A_56, %reduce_sum3A_64 : f32
    %div3A_66 = arith.divf %mul3A_65, %reduce_sum3A_42 : f32
    %broadcast_in_dim3A_67 = vector.broadcast %div3A_66 : f32 to vector<1x1xf32>
    %swap3A = arith.constant 0 : index
    %swap3A_68 = arith.constant 0 : index
    %swap3A_69 = vector.load %arg2[%swap3A, %swap3A_68] : memref<1x1xf32, #tpu.memory_space<vmem>>, vector<1x1xf32>
    tpu.vector_store %arg2[%swap3A, %swap3A_68], %broadcast_in_dim3A_67 {strides = array<i32>} : memref<1x1xf32, #tpu.memory_space<vmem>>, vector<1x1xf32>,
    return
  }
}

</mosaic_0001>

<sc_bundles>
// kernel: kernel.4.cloned.1.call-start
scs
__scs_entry_jumppad:
0x0: {  	(pc) =	sbr.rel $0x88, $3  }
0x1: {  	(tag) =	ssettag $0x0;
	lr =	simm.s32 $0x1  }
0x2: {  	[smem:$0x3F9F] =	sst lr;
	_ =	strace $0xD0000000  }
0x3: {  	_ = 	snop  }
0x4: {  	_ = 	snop  }
0x5: {  	_ = 	snop  }
0x6: {  	_ = 	snop  }
0x7: {  	_ = 	snop  }
__scs_overlays_trampoline_lowered:
0x8: {  	[smem:$0x3FAE] =	sst s0  }
0x9: {  	[smem:$0x3FAF] =	sst s1  }
0xa: {  	[smem:$0x3FB0] =	sst s2  }
0xb: {  	[smem:$0x3FB1] =	sst s3  }
0xc: {  	[smem:$0x3FB2] =	sst s4  }
0xd: {  	[smem:$0x3FB3] =	sst s5  }
0xe: {  	[smem:$0x3FB4] =	sst s6  }
0xf: {  	[smem:$0x3FB5] =	sst s7  }
0x10: {  	[smem:$0x3FB6] =	sst s8  }
0x11: {  	[smem:$0x3FB7] =	sst s9;
	s0 =	simm.s32 @!p0 $0x0  }
0x12: {  	s1 =	sld [smem:$0x3F9D];
	s0 =	simm.s32 @p0 $0x1  }
0x13: {  	[smem:$0x3FB8] =	sst s0;
	s0 =	simm.s32 @!p1 $0x0  }
0x14: {  	s2 =	sld [smem:$0x3F9C];
	s0 =	simm.s32 @p1 $0x1  }
0x15: {  	[smem:$0x3FB9] =	sst s0;
	s0 =	simm.s32 @!p2 $0x0  }
0x16: {  	s3 =	sld [smem:$0x3FDB];
	s0 =	simm.s32 @p2 $0x1  }
0x17: {  	s4 =	simm.s32 $0x1BF5;
	[smem:$0x3FBB] =	sst s0  }
0x18: {  	s0 =	sld [smem:$0x3F9E];
	_ =	swait.ge [sflag:s4], $0x0  }
0x19: {  	s7 =	sld [smem:$0x3F9F]  }
0x1a: {  	s8 =	sadd.s32 $0xFFFFE003, lr  }
0x1b: {  	s9 =	sadd.s32 $0xFFFFFEF7, lr;
	s5 =	simm.s32 $0xFFFFFFFF;
	p2 =	slt.u32 s8, $0xFFFFF086  }
0x1c: {  	p1 =	slt.u32 s9, $0xF7A;
	s5 =	simm.s32 @!p2 $0x0  }
0x1d: {  	s5 =	simm.s32 @p1 $0x1;
	p0 =	seq.s32 s7, s2  }
0x1e: {  	s7 =	smul.u32 @!p0 $0xF7A, s2;
	p2 =	seq.s32 @!p0 s5, $0x0  }
0x1f: {  	s9 =	smul.u32 $0xF7A, s1;
	s8 =	simm.s32 @!p0 $0x1BF5;
	p2 =	por !p2, p0  }
0x20: {  	[sflag:s8] =	ssyncset.s32 @!p0 $0xFFFFF086;
	s6 =	sadd.s32 @!p0 s3, s7;
	s7 =	simm.s32 @!p0 $0x108  }
0x21: {  	s3 =	sadd.s32 s3, s9;
	s6 =	sadd.s32 @!p0 $0x88, s6;
	s7 =	simm.s32 @p2 $0x1082  }
0x22: {  	[simem:s7], [sflag:s8] =	dma.local @!p0 [hbm:s6], $0xF7A  }
0x23: {  	s9 =	sor.u32 $0xD0000000, s2;
	s6 =	simm.s32 $0x108;
	_ =	swait.ge @!p0 [sflag:s8], $0x0  }
0x24: {  	s3 =	sadd.s32 $0x88, s3;
	s6 =	simm.s32 @!p1 $0x1082;
	[sflag:s4] =	ssyncset.s32 $0xFFFFF086  }
0x25: {  	[simem:s6], [sflag:s4] =	dma.local [hbm:s3], $0xF7A  }
0x26: {  	[smem:$0x3F9F] =	sst s1;
	(tag) =	ssettag s2;
	_ =	strace s9  }
0x27: {  	s1 =	sld [smem:$0x3FAF]  }
0x28: {  	s2 =	sld [smem:$0x3FB0]  }
0x29: {  	s4 =	sld [smem:$0x3FB2]  }
0x2a: {  	p0 =	seq.s32 s5, $0x0;
	s5 =	sld [smem:$0x3FB3]  }
0x2b: {  	s6 =	sld [smem:$0x3FB4]  }
0x2c: {  	s7 =	sld [smem:$0x3FB5]  }
0x2d: {  	s3 =	simm.s32 $0x108;
	s8 =	sld [smem:$0x3FB6]  }
0x2e: {  	s3 =	simm.s32 @!p0 $0x1082;
	s9 =	sld [smem:$0x3FB7]  }
0x2f: {  	lr =	sadd.s32 s0, s3;
	s0 =	sld [smem:$0x3FAE]  }
0x30: {  	s3 =	sld [smem:$0x3FB1]  }
0x31: {  	[smem:$0x3FBA] =	sst s10  }
0x32: {  	s10 =	sld [smem:$0x3FB8];
	_ =	sdelay $0x3  }
0x33: {  	p0 =	seq.s32 s10, $0x1;
	s10 =	sld [smem:$0x3FBA];
	_ =	sdelay $0x3  }
0x34: {  	[smem:$0x3FBA] =	sst s10  }
0x35: {  	s10 =	sld [smem:$0x3FB9];
	_ =	sdelay $0x3  }
0x36: {  	p1 =	seq.s32 s10, $0x1;
	s10 =	sld [smem:$0x3FBA];
	_ =	sdelay $0x3  }
0x37: {  	[smem:$0x3FBA] =	sst s10  }
0x38: {  	s10 =	sld [smem:$0x3FBB]  }
0x39: {  	_ = 	snop;
	(pc) =	sbr.ind lr, $3  }
0x3a: {  	_ = 	snop  }
0x3b: {  	_ = 	snop  }
0x3c: {  	p2 =	seq.s32 s10, $0x1;
	s10 =	sld [smem:$0x3FBA]  }
0x3d: {  	_ =	shalt  }
0x3e: {  	_ =	shalt  }
0x3f: {  	_ =	shalt  }
0x40: {  	_ =	shalt  }
0x41: {  	_ =	shalt  }
0x42: {  	_ =	shalt  }
0x43: {  	_ =	shalt  }
0x44: {  	_ =	shalt  }
0x45: {  	_ =	shalt  }
0x46: {  	_ =	shalt  }
0x47: {  	_ =	shalt  }
0x48: {  	_ =	shalt  }
0x49: {  	_ =	shalt  }
0x4a: {  	_ =	shalt  }
0x4b: {  	_ =	shalt  }
0x4c: {  	_ =	shalt  }
0x4d: {  	_ =	shalt  }
0x4e: {  	_ =	shalt  }
0x4f: {  	_ =	shalt  }
0x50: {  	_ =	shalt  }
0x51: {  	_ =	shalt  }
0x52: {  	_ =	shalt  }
0x53: {  	_ =	shalt  }
0x54: {  	_ =	shalt  }
0x55: {  	_ =	shalt  }
0x56: {  	_ =	shalt  }
0x57: {  	_ =	shalt  }
0x58: {  	_ =	shalt  }
0x59: {  	_ =	shalt  }
0x5a: {  	_ =	shalt  }
0x5b: {  	_ =	shalt  }
0x5c: {  	_ =	shalt  }
0x5d: {  	_ =	shalt  }
0x5e: {  	_ =	shalt  }
0x5f: {  	_ =	shalt  }
0x60: {  	_ =	shalt  }
0x61: {  	_ =	shalt  }
0x62: {  	_ =	shalt  }
0x63: {  	_ =	shalt  }
0x64: {  	_ =	shalt  }
0x65: {  	_ =	shalt  }
0x66: {  	_ =	shalt  }
0x67: {  	_ =	shalt  }
0x68: {  	_ =	shalt  }
0x69: {  	_ =	shalt  }
0x6a: {  	_ =	shalt  }
0x6b: {  	_ =	shalt  }
0x6c: {  	_ =	shalt  }
0x6d: {  	_ =	shalt  }
0x6e: {  	_ =	shalt  }
0x6f: {  	_ =	shalt  }
0x70: {  	_ =	shalt  }
0x71: {  	_ =	shalt  }
0x72: {  	_ =	shalt  }
0x73: {  	_ =	shalt  }
0x74: {  	_ =	shalt  }
0x75: {  	_ =	shalt  }
0x76: {  	_ =	shalt  }
0x77: {  	_ =	shalt  }
0x78: {  	_ =	shalt  }
0x79: {  	_ =	shalt  }
0x7a: {  	_ =	shalt  }
0x7b: {  	_ =	shalt  }
0x7c: {  	_ =	shalt  }
0x7d: {  	_ =	shalt  }
0x7e: {  	_ =	shalt  }
0x7f: {  	_ =	shalt  }
0x80: {  	_ =	shalt  }
0x81: {  	_ =	shalt  }
0x82: {  	_ =	shalt  }
0x83: {  	_ =	shalt  }
0x84: {  	_ =	shalt  }
0x85: {  	_ =	shalt  }
0x86: {  	_ =	shalt  }
0x87: {  	_ =	shalt  }
.Lfunc_end0:
.L_simem_size_0:
called_computation_lowered:
.L_overlay_start_0:
0x88: {  	s2 =	sld [smem:$0x3FD9]  }
0x89: {  	s3 =	sld [smem:$0x3FFE];
	_ =	sdelay $0x1  }
0x8a: {  	s1 =	srdreg.scid  }
0x8b: {  	s0 =	sand.u32 $0x1, s1  }
0x8c: {  	s17 =	sshll.u32 s0, $0xA;
	s2 =	sadd.s32 s3, s2  }
0x8d: {  	s2 =	sadd.s32 s2, s17  }
0x8e: {  	[smem:$0x3FC6] =	sst s2  }
0x8f: {  	_ = 	snop  }
0x90: {  	s2 =	sld [smem:$0x3FC8];
	(tm) =	ssettm $0x1  }
0x91: {  	s18 =	sld [smem:$0x3FFB];
	_ =	sdelay $0x3  }
0x92: {  	_ =	strace s18  }
0x93: {  	s3 =	sld [smem:$0x3FFC];
	_ =	sdelay $0x3  }
0x94: {  	_ =	strace s3  }
0x95: {  	s3 =	sld [smem:$0x3FFD];
	_ =	sdelay $0x3  }
0x96: {  	_ =	strace s3  }
0x97: {  	_ =	strace $0x8FFFFFFF  }
0x98: {  	s19 =	sld [smem:$0x3FDB];
	_ =	sdelay $0x1  }
0x99: {  	s4 =	simm.s32 $_scs_section_size  }
0x9a: {  	s5 =	simm.s32 $_size__tile_overlayer_lowered;
	s6 =	simm.s32 $_tile_overlayer_lowered  }
0x9b: {  	s22 =	simm.s32 $0x1BFF;
	s21 =	sshll.u32 s6, $0x1;
	s3 =	sadd.s32 s4, s19  }
0x9c: {  	s7 =	simm.s32 $0x0;
	s20 =	sshll.u32 s5, $0x1;
	s5 =	sadd.s32 s21, s3  }
0x9d: {  	[timem:s7], [sflag:s22] =	dma.local [hbm:s5], s20  }
0x9e: {  	_ =	swait.ge [sflag:s22], s20  }
0x9f: {  	s4 =	ssub.s32 $0x0, s20;
	[sflag:s22] =	ssyncset.done $0x0  }
0xa0: {  	[sflag:s22] =	ssyncadd.s32 s4;
	_ =	sdelay $0x1  }
0xa1: {  	s23 =	simm.s32 $0x1B8B  }
0xa2: {  	_ =	swait.ge [sflag:s23], $0x1  }
0xa3: {  	[sflag:s23] =	ssyncset.done $0x0  }
0xa4: {  	s25 =	simm.s32 $0x1B8E;
	s24 =	sld [smem:$0x3FFE];
	[sflag:s23] =	ssyncadd.s32 $0xFFFFFFFF  }
0xa5: {  	s26 =	simm.s32 $execute0_lowered;
	[smem:$0x3FD2] =	sst s25  }
0xa6: {  	s5 =	sshll.u32 s26, $0x1;
	_ =	strace $0x80000046;
	[dreg:$0x1] =	wrdreg $0xFFFFFFFF  }
0xa7: {  	s28 =	simm.s32 $_size_execute0_lowered;
	s3 =	sadd.s32 s3, s5;
	[dreg:$0x0] =	wrdreg $0x0  }
0xa8: {  	s5 =	sshll.u32 s28, $0x1;
	[dreg:$0x2] =	wrdreg s3  }
0xa9: {  	[dreg:$0x3] =	wrdreg s5  }
0xaa: {  	[dreg:$0x4] =	wrdreg $0xC0  }
0xab: {  	_ =	task [dreg:s7], $0x5FFFF  }
0xac: {  	[dreg:$0x1] =	wrdreg $0xFFFFFFFF  }
0xad: {  	[dreg:$0x0] =	wrdreg $0x60  }
0xae: {  	[dreg:$0x2] =	wrdreg s24  }
0xaf: {  	[dreg:$0x3] =	wrdreg s2  }
0xb0: {  	[dreg:$0x4] =	wrdreg $0x9  }
0xb1: {  	_ =	task.clear_ibuf [dreg:s7], $0x5FFFF;
	_ =	strace $0x90000046  }
0xb2: {  	s29 =	simm.s32 $0x9;
	_ =	strace $0x80000048  }
0xb3: {  	_ =	swait.ge [sflag:s29], $0x1  }
0xb4: {  	[sflag:s29] =	ssyncadd.s32 $0xFFFFFFFF  }
0xb5: {  	_ =	strace $0x90000048  }
0xb6: {  	_ =	sfence  }
0xb7: {  	s30 =	sld [smem:$0x0];
	_ =	sdelay $0x2  }
0xb8: {  	s31 =	sshll.u32 s1, $0xD;
	s1 =	sshrl.u32 s1, $0x2  }
0xb9: {  	s3 =	sand.u32 $0x4000, s31;
	s1 =	sadd.s32 s1, s30  }
0xba: {  	s0 =	sor.u32 s3, s0;
	s1 =	sshll.u32 s1, $0x11  }
0xbb: {  	s0 =	sor.u32 s1, s0  }
0xbc: {  	s0 =	sadd.s32 $0x8F2B, s0  }
0xbd: {  	[sflag:s0] =	ssyncadd.remote.s32 $0x1  }
0xbe: {  	_ =	sfence.sel $0xFFFF  }
0xbf: {  	[dreg:$0x0] =	wrdreg $0xFFFFFFFF;
	(pc) =	sbr.abs _section_cstart, $3  }
0xc0: {  	[dreg:$0x1] =	wrdreg $0xFFFFFFFF  }
0xc1: {  	_ =	task.clear_ibuf [dreg:s7], $0x2FFFF;
	_ =	strace $0x9FFFFFFF  }
0xc2: {  	(tm) =	ssettm $0x7FFFFFFF  }
0xc3: {  	_ =	shalt  }
tec
execute0_lowered:
.L_overlay_start_1:
0x0: {  	(tag) =	ssettag $0x1  }
0x1: {  	v0 =	vimm.s32 $0xEFCDAB89;
	s0 =	rddreg [dreg:$0x0];
	v4 =	vimm.s32 $0x54761032;
	v5 =	vimm.s32 $0xBA98FEDC  }
0x2: {  	s1 =	rddreg [dreg:$0x1];
	v6 =	vimm.s32 $0x32107654;
	v7 =	vimm.s32 $0xFEDCBA98;
	v8 =	vimm.s32 $0x76543210  }
0x3: {  	s2 =	srdreg.scid;
	s3 =	stileid.u32;
	vm0 =	vmmov $0xff;
	v1 =	vunpack.c.l.s4.s8 v0;
	v0 =	vimm.s32 $0x67452301  }
0x4: {  	s7 =	simm.s32 $0x0;
	s2 =	sand.u32 $0x1, s2;
	s3 =	sshll.u32 s3, $0x1;
	v4 =	vunpack.c.l.s4.s8 v4;
	v5 =	vunpack.c.l.s4.s8 v5;
	v6 =	vunpack.c.l.s4.s8 v6  }
0x5: {  	[smem:$0x7FF] =	sst s7;
	v7 =	vunpack.c.l.s4.s8 v7;
	s8 =	sadd.s32 $0x200800, s0;
	v8 =	vunpack.c.l.s4.s8 v8;
	v2 =	vunpack.c.l.s4.s8 v0;
	s3 =	sor.u32 s2, s3  }
0x6: {  	v0 =	vimm.f32 $0.0e+00;
	_ =	strace $0x80000047;
	[dreg:$0x3] =	wrdreg s8;
	v3 =	vunpack.c.0.s8.s32 v1;
	v1 =	vimm.s32 $0xDCFE98BA;
	s4 =	sshll.u32 s3, $0xD  }
0x7: {  	v4 =	vunpack.c.0.s8.s32 v4;
	s5 =	sshll.u32 s3, $0x6;
	s6 =	smul.u32 $0xFA00, s3;
	v5 =	vunpack.c.0.s8.s32 v5;
	s3 =	sshll.u32 s3, $0x9;
	v1 =	vunpack.c.l.s4.s8 v1  }
0x8: {  	s2 =	ssub.s32 $0x2, s2;
	v6 =	vunpack.c.0.s8.s32 v6;
	v7 =	vunpack.c.0.s8.s32 v7;
	v2 =	vunpack.c.0.s8.s32 v2;
	s1 =	sadd.s32 s1, s5;
	[dreg:$0x4] =	wrdreg s3  }
0x9: {  	s28 =	sshrl.u32 s2, $0x1;
	v8 =	vunpack.c.0.s8.s32 v8;
	s30 =	sor.u32 $0x20, s3;
	[dreg:$0x5] =	wrdreg s1;
	v9 =	vunpack.c.0.s8.s32 v1;
	v1 =	vlaneseq.u32  }
0xa: {  	s0 =	sadd.s32 s4, s0;
	s29 =	sadd.s32 s8, s6;
	[dreg:$0x7] =	wrdreg s30;
	v2 =	vcombine.low v2, v3;
	v10 =	vor.u32 $0x10, v1;
	v11 =	vor.u32 $0x20, v1  }
0xb: {  	s2 =	ssub.s32 s2, s28;
	s0 =	sadd.s32 $0x800, s0;
	[dreg:$0x6] =	wrdreg s29;
	v12 =	vor.u32 $0x30, v1;
	v3 =	vcombine.low v4, v9;
	v4 =	vcombine.low v6, v5  }
0xc: {  	s31 =	smax.u32 s2, $0x1;
	[dreg:$0x8] =	wrdreg s0;
	v5 =	vand.u32 $0xF, v7;
	v6 =	vand.u32 $0xF, v2;
	v9 =	vimm.s32 $0x0  }
0xd: {  	s2 =	simm.s32 $0x0;
	[dreg:$0x9] =	wrdreg s31;
	v5 =	vcombine.low v5, v8;
	v7 =	vand.u32 $0xF, v3;
	v8 =	vand.u32 $0xF, v4  }
.LBB2_1:
0xe: {  	[dreg:$0xa] =	wrdreg s2  }
0xf: {  	s0 =	rddreg [dreg:$0x5];
	s29 =	simm.s32 $0x3  }
0x10: {  	[tilespmem:s7], [sflag:$0x3] =	stream.linear.gather [hbm4b:s0+s7], $0x200, $0x38;
	[tilespmem:$0x18000] =	vst v63  }
0x11: {  	_ =	swait.ge [sflag:s29], $0x200  }
0x12: {  	s30 =	sand.u32 $0xE000, s7;
	s1 =	sand.u32 $0x380, s7;
	[sflag:s29] =	ssyncset.done $0x0  }
0x13: {  	s0 =	sor.u32 s1, s30;
	[sflag:s29] =	ssyncadd.s32 $0xFFFFFE00  }
0x14: {  	[tilespmem:s0+$0x9C60] =	vst v0  }
0x15: {  	[tilespmem:s0+$0x8000] =	vst v0  }
0x16: {  	[tilespmem:s0+$0x8010] =	vst v0  }
0x17: {  	[tilespmem:s0+$0x8020] =	vst v0  }
0x18: {  	[tilespmem:s0+$0x8030] =	vst v0  }
0x19: {  	[tilespmem:s0+$0x8040] =	vst v0  }
0x1a: {  	[tilespmem:s0+$0x8050] =	vst v0  }
0x1b: {  	[tilespmem:s0+$0x8060] =	vst v0  }
0x1c: {  	[tilespmem:s0+$0x8070] =	vst v0  }
0x1d: {  	[tilespmem:s0+$0x8400] =	vst v0  }
0x1e: {  	[tilespmem:s0+$0x8410] =	vst v0  }
0x1f: {  	[tilespmem:s0+$0x8420] =	vst v0  }
0x20: {  	[tilespmem:s0+$0x8430] =	vst v0  }
0x21: {  	[tilespmem:s0+$0x8440] =	vst v0  }
0x22: {  	[tilespmem:s0+$0x8450] =	vst v0  }
0x23: {  	[tilespmem:s0+$0x8460] =	vst v0  }
0x24: {  	[tilespmem:s0+$0x8470] =	vst v0  }
0x25: {  	[tilespmem:s0+$0x8800] =	vst v0  }
0x26: {  	[tilespmem:s0+$0x8810] =	vst v0  }
0x27: {  	[tilespmem:s0+$0x8820] =	vst v0  }
0x28: {  	[tilespmem:s0+$0x8830] =	vst v0  }
0x29: {  	[tilespmem:s0+$0x8840] =	vst v0  }
0x2a: {  	[tilespmem:s0+$0x8850] =	vst v0  }
0x2b: {  	[tilespmem:s0+$0x8860] =	vst v0  }
0x2c: {  	[tilespmem:s0+$0x8870] =	vst v0  }
0x2d: {  	[tilespmem:s0+$0x8C00] =	vst v0  }
0x2e: {  	[tilespmem:s0+$0x8C10] =	vst v0  }
0x2f: {  	[tilespmem:s0+$0x8C20] =	vst v0  }
0x30: {  	[tilespmem:s0+$0x8C30] =	vst v0  }
0x31: {  	[tilespmem:s0+$0x8C40] =	vst v0  }
0x32: {  	[tilespmem:s0+$0x8C50] =	vst v0  }
0x33: {  	[tilespmem:s0+$0x8C60] =	vst v0  }
0x34: {  	[tilespmem:s0+$0x8C70] =	vst v0  }
0x35: {  	[tilespmem:s0+$0x9000] =	vst v0  }
0x36: {  	[tilespmem:s0+$0x9010] =	vst v0  }
0x37: {  	[tilespmem:s0+$0x9020] =	vst v0  }
0x38: {  	[tilespmem:s0+$0x9030] =	vst v0  }
0x39: {  	[tilespmem:s0+$0x9040] =	vst v0  }
0x3a: {  	[tilespmem:s0+$0x9050] =	vst v0  }
0x3b: {  	[tilespmem:s0+$0x9060] =	vst v0  }
0x3c: {  	[tilespmem:s0+$0x9070] =	vst v0  }
0x3d: {  	[tilespmem:s0+$0x9400] =	vst v0  }
0x3e: {  	[tilespmem:s0+$0x9410] =	vst v0  }
0x3f: {  	[tilespmem:s0+$0x9420] =	vst v0  }
0x40: {  	[tilespmem:s0+$0x9430] =	vst v0  }
0x41: {  	[tilespmem:s0+$0x9440] =	vst v0  }
0x42: {  	[tilespmem:s0+$0x9450] =	vst v0  }
0x43: {  	[tilespmem:s0+$0x9460] =	vst v0  }
0x44: {  	[tilespmem:s0+$0x9470] =	vst v0  }
0x45: {  	[tilespmem:s0+$0x9800] =	vst v0  }
0x46: {  	[tilespmem:s0+$0x9810] =	vst v0  }
0x47: {  	[tilespmem:s0+$0x9820] =	vst v0  }
0x48: {  	[tilespmem:s0+$0x9830] =	vst v0  }
0x49: {  	[tilespmem:s0+$0x9840] =	vst v0  }
0x4a: {  	[tilespmem:s0+$0x9850] =	vst v0  }
0x4b: {  	[tilespmem:s0+$0x9860] =	vst v0  }
0x4c: {  	[tilespmem:s0+$0x9870] =	vst v0  }
0x4d: {  	[tilespmem:s0+$0x9C00] =	vst v0  }
0x4e: {  	[tilespmem:s0+$0x9C10] =	vst v0  }
0x4f: {  	[tilespmem:s0+$0x9C20] =	vst v0  }
0x50: {  	s31 =	simm.s32 $0x400;
	s1 =	simm.s32 $0x80;
	[tilespmem:s0+$0x9C30] =	vst v0  }
0x51: {  	s2 =	simm.s32 $0x800;
	s3 =	sand.u32 $0xE000, s31;
	s4 =	sand.u32 $0x380, s1;
	[tilespmem:s0+$0x9C40] =	vst v0  }
.LBB2_2:
0x52: {  	p0 =	sne.s32 s2, $0xFC00;
	[tilespmem:s0+$0x9C50] =	vst v0;
	s0 =	sor.u32 s4, s3  }
0x53: {  	[tilespmem:s0+$0x9C60] =	vst v0  }
0x54: {  	[tilespmem:s0+$0x8000] =	vst v0  }
0x55: {  	[tilespmem:s0+$0x8010] =	vst v0  }
0x56: {  	[tilespmem:s0+$0x8020] =	vst v0  }
0x57: {  	[tilespmem:s0+$0x8030] =	vst v0  }
0x58: {  	[tilespmem:s0+$0x8040] =	vst v0  }
0x59: {  	[tilespmem:s0+$0x8050] =	vst v0  }
0x5a: {  	[tilespmem:s0+$0x8060] =	vst v0  }
0x5b: {  	[tilespmem:s0+$0x8070] =	vst v0  }
0x5c: {  	[tilespmem:s0+$0x8400] =	vst v0  }
0x5d: {  	[tilespmem:s0+$0x8410] =	vst v0  }
0x5e: {  	[tilespmem:s0+$0x8420] =	vst v0  }
0x5f: {  	[tilespmem:s0+$0x8430] =	vst v0  }
0x60: {  	[tilespmem:s0+$0x8440] =	vst v0  }
0x61: {  	[tilespmem:s0+$0x8450] =	vst v0  }
0x62: {  	[tilespmem:s0+$0x8460] =	vst v0  }
0x63: {  	[tilespmem:s0+$0x8470] =	vst v0  }
0x64: {  	[tilespmem:s0+$0x8800] =	vst v0  }
0x65: {  	[tilespmem:s0+$0x8810] =	vst v0  }
0x66: {  	[tilespmem:s0+$0x8820] =	vst v0  }
0x67: {  	[tilespmem:s0+$0x8830] =	vst v0  }
0x68: {  	[tilespmem:s0+$0x8840] =	vst v0  }
0x69: {  	[tilespmem:s0+$0x8850] =	vst v0  }
0x6a: {  	[tilespmem:s0+$0x8860] =	vst v0  }
0x6b: {  	[tilespmem:s0+$0x8870] =	vst v0  }
0x6c: {  	[tilespmem:s0+$0x8C00] =	vst v0  }
0x6d: {  	[tilespmem:s0+$0x8C10] =	vst v0  }
0x6e: {  	[tilespmem:s0+$0x8C20] =	vst v0  }
0x6f: {  	[tilespmem:s0+$0x8C30] =	vst v0  }
0x70: {  	[tilespmem:s0+$0x8C40] =	vst v0  }
0x71: {  	[tilespmem:s0+$0x8C50] =	vst v0  }
0x72: {  	[tilespmem:s0+$0x8C60] =	vst v0  }
0x73: {  	[tilespmem:s0+$0x8C70] =	vst v0  }
0x74: {  	[tilespmem:s0+$0x9000] =	vst v0  }
0x75: {  	[tilespmem:s0+$0x9010] =	vst v0  }
0x76: {  	[tilespmem:s0+$0x9020] =	vst v0  }
0x77: {  	[tilespmem:s0+$0x9030] =	vst v0  }
0x78: {  	[tilespmem:s0+$0x9040] =	vst v0  }
0x79: {  	[tilespmem:s0+$0x9050] =	vst v0  }
0x7a: {  	[tilespmem:s0+$0x9060] =	vst v0  }
0x7b: {  	[tilespmem:s0+$0x9070] =	vst v0  }
0x7c: {  	[tilespmem:s0+$0x9400] =	vst v0  }
0x7d: {  	[tilespmem:s0+$0x9410] =	vst v0  }
0x7e: {  	[tilespmem:s0+$0x9420] =	vst v0  }
0x7f: {  	[tilespmem:s0+$0x9430] =	vst v0  }
0x80: {  	[tilespmem:s0+$0x9440] =	vst v0  }
0x81: {  	[tilespmem:s0+$0x9450] =	vst v0  }
0x82: {  	[tilespmem:s0+$0x9460] =	vst v0  }
0x83: {  	[tilespmem:s0+$0x9470] =	vst v0  }
0x84: {  	[tilespmem:s0+$0x9800] =	vst v0  }
0x85: {  	[tilespmem:s0+$0x9810] =	vst v0  }
0x86: {  	[tilespmem:s0+$0x9820] =	vst v0  }
0x87: {  	[tilespmem:s0+$0x9830] =	vst v0  }
0x88: {  	[tilespmem:s0+$0x9840] =	vst v0  }
0x89: {  	[tilespmem:s0+$0x9850] =	vst v0  }
0x8a: {  	[tilespmem:s0+$0x9860] =	vst v0  }
0x8b: {  	[tilespmem:s0+$0x9870] =	vst v0  }
.Ltmp0:
0x8c: {  	[tilespmem:s0+$0x9C00] =	vst v0;
	(pc) =	sbr.rel @p0 .LBB2_2-.Ltmp0, $4  }
0x8d: {  	[tilespmem:s0+$0x9C10] =	vst v0  }
0x8e: {  	[tilespmem:s0+$0x9C20] =	vst v0  }
0x8f: {  	s1 =	sadd.s32 $0x80, s1;
	[tilespmem:s0+$0x9C30] =	vst v0  }
0x90: {  	s3 =	sand.u32 $0xE000, s2;
	s2 =	sadd.s32 $0x400, s2;
	s4 =	sand.u32 $0x380, s1;
	[tilespmem:s0+$0x9C40] =	vst v0  }
0x91: {  	s1 =	sor.u32 s4, s3;
	[tilespmem:s0+$0x9C50] =	vst v0  }
0x92: {  	[tilespmem:s1+$0x9C60] =	vst v0  }
0x93: {  	[tilespmem:s1+$0x8000] =	vst v0  }
0x94: {  	[tilespmem:s1+$0x8010] =	vst v0  }
0x95: {  	[tilespmem:s1+$0x8020] =	vst v0  }
0x96: {  	[tilespmem:s1+$0x8030] =	vst v0  }
0x97: {  	[tilespmem:s1+$0x8040] =	vst v0  }
0x98: {  	[tilespmem:s1+$0x8050] =	vst v0  }
0x99: {  	[tilespmem:s1+$0x8060] =	vst v0  }
0x9a: {  	[tilespmem:s1+$0x8070] =	vst v0  }
0x9b: {  	[tilespmem:s1+$0x8400] =	vst v0  }
0x9c: {  	[tilespmem:s1+$0x8410] =	vst v0  }
0x9d: {  	[tilespmem:s1+$0x8420] =	vst v0  }
0x9e: {  	[tilespmem:s1+$0x8430] =	vst v0  }
0x9f: {  	[tilespmem:s1+$0x8440] =	vst v0  }
0xa0: {  	[tilespmem:s1+$0x8450] =	vst v0  }
0xa1: {  	[tilespmem:s1+$0x8460] =	vst v0  }
0xa2: {  	[tilespmem:s1+$0x8470] =	vst v0  }
0xa3: {  	[tilespmem:s1+$0x8800] =	vst v0  }
0xa4: {  	[tilespmem:s1+$0x8810] =	vst v0  }
0xa5: {  	[tilespmem:s1+$0x8820] =	vst v0  }
0xa6: {  	[tilespmem:s1+$0x8830] =	vst v0  }
0xa7: {  	[tilespmem:s1+$0x8840] =	vst v0  }
0xa8: {  	[tilespmem:s1+$0x8850] =	vst v0  }
0xa9: {  	[tilespmem:s1+$0x8860] =	vst v0  }
0xaa: {  	[tilespmem:s1+$0x8870] =	vst v0  }
0xab: {  	[tilespmem:s1+$0x8C00] =	vst v0  }
0xac: {  	[tilespmem:s1+$0x8C10] =	vst v0  }
0xad: {  	[tilespmem:s1+$0x8C20] =	vst v0  }
0xae: {  	[tilespmem:s1+$0x8C30] =	vst v0  }
0xaf: {  	[tilespmem:s1+$0x8C40] =	vst v0  }
0xb0: {  	[tilespmem:s1+$0x8C50] =	vst v0  }
0xb1: {  	[tilespmem:s1+$0x8C60] =	vst v0  }
0xb2: {  	[tilespmem:s1+$0x8C70] =	vst v0  }
0xb3: {  	[tilespmem:s1+$0x9000] =	vst v0  }
0xb4: {  	[tilespmem:s1+$0x9010] =	vst v0  }
0xb5: {  	[tilespmem:s1+$0x9020] =	vst v0  }
0xb6: {  	[tilespmem:s1+$0x9030] =	vst v0  }
0xb7: {  	[tilespmem:s1+$0x9040] =	vst v0  }
0xb8: {  	[tilespmem:s1+$0x9050] =	vst v0  }
0xb9: {  	[tilespmem:s1+$0x9060] =	vst v0  }
0xba: {  	[tilespmem:s1+$0x9070] =	vst v0  }
0xbb: {  	[tilespmem:s1+$0x9400] =	vst v0  }
0xbc: {  	[tilespmem:s1+$0x9410] =	vst v0  }
0xbd: {  	[tilespmem:s1+$0x9420] =	vst v0  }
0xbe: {  	[tilespmem:s1+$0x9430] =	vst v0  }
0xbf: {  	[tilespmem:s1+$0x9440] =	vst v0  }
0xc0: {  	[tilespmem:s1+$0x9450] =	vst v0  }
0xc1: {  	[tilespmem:s1+$0x9460] =	vst v0  }
0xc2: {  	[tilespmem:s1+$0x9470] =	vst v0  }
0xc3: {  	[tilespmem:s1+$0x9800] =	vst v0  }
0xc4: {  	[tilespmem:s1+$0x9810] =	vst v0  }
0xc5: {  	[tilespmem:s1+$0x9820] =	vst v0  }
0xc6: {  	[tilespmem:s1+$0x9830] =	vst v0  }
0xc7: {  	[tilespmem:s1+$0x9840] =	vst v0  }
0xc8: {  	[tilespmem:s1+$0x9850] =	vst v0  }
0xc9: {  	[tilespmem:s1+$0x9860] =	vst v0  }
0xca: {  	[tilespmem:s1+$0x9870] =	vst v0  }
0xcb: {  	[tilespmem:s1+$0x9C00] =	vst v0  }
0xcc: {  	[tilespmem:s1+$0x9C10] =	vst v0  }
0xcd: {  	[tilespmem:s1+$0x9C20] =	vst v0  }
0xce: {  	[tilespmem:s1+$0x9C30] =	vst v0  }
0xcf: {  	s2 =	simm.s32 $0x0;
	[tilespmem:s1+$0x9C40] =	vst v0  }
0xd0: {  	s30 =	rddreg [dreg:$0x6];
	s31 =	simm.s32 $0x200;
	s3 =	simm.s32 $0x0;
	[tilespmem:s1+$0x9C50] =	vst v0  }
0xd1: {  	[tilespmem:s31], [sflag:$0x1] =	stream.linear.gather [hbm4b:s30+s2], $0x3E80, $0x38;
	[tilespmem:$0x18000] =	vst v63  }
.LBB2_4:
0xd2: {  	s0 =	sshllo.u32 s3, $0x1  }
0xd3: {  	s24 =	rddreg [dreg:$0x4];
	s1 =	sshll.u32 s0, $0x4  }
0xd4: {  	s25 =	rddreg [dreg:$0x3];
	s0 =	sadd.s32 s24, s1  }
0xd5: {  	s26 =	simm.s32 $0x4100;
	s2 =	simm.s32 $0x0;
	s0 =	smul.u32 $0x7D, s0  }
0xd6: {  	s28 =	simm.s32 $0x1;
	s29 =	sshll.u32 s3, $0x5;
	s30 =	simm.s32 $0x570  }
0xd7: {  	s31 =	simm.s32 $0x5E8;
	[dreg:$0xc] =	wrdreg s1;
	s0 =	sadd.s32 s25, s0  }
0xd8: {  	[tilespmem:s26], [sflag:$0x2] =	stream.linear.gather [hbm4b:s0+s2], $0x3E80, $0x38;
	[tilespmem:$0x18000] =	vst v63  }
0xd9: {  	s6 =	simm.s32 $0x958;
	s1 =	simm.s32 $0x0;
	_ =	swait.ge [sflag:s28], $0x3E80  }
0xda: {  	s25 =	simm.s32 $0x688;
	[dreg:$0xb] =	wrdreg s3;
	[sflag:s28] =	ssyncset.done $0x0  }
0xdb: {  	s0 =	sand.u32 $0x3FFFFFE0, s29;
	[dreg:$0x10] =	wrdreg s30;
	[sflag:s28] =	ssyncadd.s32 $0xFFFFC180  }
0xdc: {  	s2 =	simm.s32 $0x200;
	s3 =	simm.s32 $0x250;
	[dreg:$0x12] =	wrdreg s31;
	v13 =	vld [tilespmem:s0+$0x0]  }
.LBB2_5:
0xdd: {  	_ =	sdelay $0x1  }
0xde: {  	v14 =	vmov s1  }
0xdf: {  	vm1 =	veq.s32 v14, v1  }
0xe0: {  	v14 =	vnsel vm1, $0x0, v13  }
0xe1: {  	v15 =	vperm.xlane v14, v2;
	_ =	sdelay $0x1  }
0xe2: {  	v15 =	vadd.s32 v14, v15  }
0xe3: {  	v16 =	vperm.xlane v15, v3  }
0xe4: {  	v14 =	vmov s2  }
0xe5: {  	v15 =	vadd.s32 v16, v15  }
0xe6: {  	s0 =	smul.u32 $0xFA0, s1;
	v16 =	vperm.xlane v15, v4;
	_ =	sdelay $0x1  }
0xe7: {  	[dreg:$0xd] =	wrdreg s2;
	s31 =	simm.s32 $0x0;
	s4 =	sshra.s32 s0, $0x2;
	v15 =	vadd.s32 v16, v15  }
0xe8: {  	[dreg:$0x18] =	wrdreg s1;
	s1 =	simm.s32 $0x40;
	s0 =	sadd.s32 $0x200, s4;
	v18 =	vld.idx.msk [tilespmem:v14+s31+$0x0 ss:$0x1], $0xffff;
	v16 =	vimm.f32 $-1.000000000e+00;
	v17 =	vperm.xlane v15, v5  }
.LBB2_6:
0xe9: {  	p0 =	sne.s32 s1, $0xF40  }
.Ltmp1:
0xea: {  	_ = 	snop;
	(pc) =	sbr.rel @p0 .LBB2_6-.Ltmp1, $3  }
0xeb: {  	_ =	sdelay $0x1  }
0xec: {  	s2 =	sshra.s32 s1, $0x2;
	s1 =	sadd.s32 $0x40, s1  }
0xed: {  	v16 =	vmax.f32 v16, v18;
	v18 =	vld.idx.msk [tilespmem:v14+s2+$0x0 ss:$0x1], $0xffff  }
0xee: {  	v14 =	vadd.s32 v17, v15  }
0xef: {  	(v2sf) =	vpush v14, $0x0;
	_ =	sdelay $0x3  }
0xf0: {  	v15 =	vld [tilespmem:s4+$0x5E0];
	_ =	sdelay $0x4  }
0xf1: {  	v16 =	vmax.f32 v16, v18;
	v15 =	vnsel vm0, $0xBF800000, v15  }
0xf2: {  	v15 =	vmax.f32 v16, v15  }
0xf3: {  	v16 =	vperm.xlane v15, v6;
	_ =	sdelay $0x1  }
0xf4: {  	v15 =	vmax.f32 v15, v16  }
0xf5: {  	v16 =	vperm.xlane v15, v7  }
0xf6: {  	s1 =	spop (v2sf)  }
0xf7: {  	v15 =	vmax.f32 v15, v16;
	s2 =	sand.u32 $0xFFFFFFF0, s1  }
0xf8: {  	v18 =	vld [tilespmem:s4+$0x200];
	v16 =	vperm.xlane v15, v8;
	s0 =	sadd.s32 s2, s0  }
0xf9: {  	v17 =	vld [tilespmem:s0+$0x0]  }
0xfa: {  	v15 =	vmax.f32 v15, v16;
	v16 =	vld [tilespmem:s4+$0x210]  }
0xfb: {  	v19 =	vperm.xlane v15, v5;
	s10 =	sand.u32 $0xF, s1  }
0xfc: {  	v20 =	vld [tilespmem:s4+$0x220];
	v14 =	vbroadcast v14, $0x0;
	v21 =	vmov s10  }
0xfd: {  	v15 =	vmax.f32 v15, v19;
	vm1 =	veq.s32 v21, v1  }
0xfe: {  	v22 =	vld [tilespmem:s4+$0x230];
	vm2 =	veq.f32 v18, v15;
	v17 =	vnsel vm1, $0x0, v17;
	vm1 =	vgt.s32 v14, v1  }
0xff: {  	vm3 =	vgt.s32 v14, v10;
	vm1 =	vmand vm1, vm2;
	vm2 =	veq.f32 v16, v15  }
0x100: {  	v16 =	vsel vm1, $0x1, v9;
	vm2 =	vmand vm3, vm2  }
0x101: {  	[dreg:$0x16] =	wrdreg s6;
	vm1 =	veq.f32 v20, v15;
	v18 =	vsel vm2, $0x1, v9;
	vm2 =	vgt.s32 v14, v11  }
0x102: {  	[dreg:$0x19] =	wrdreg s4;
	s11 =	sshll.u32 s1, $0xA;
	vm1 =	vmand vm2, vm1;
	vm2 =	vgt.s32 v14, v12;
	v14 =	vperm.xlane v17, v6  }
0x103: {  	[dreg:$0x1d] =	wrdreg s11;
	vm3 =	veq.f32 v22, v15;
	v16 =	vadd.s32 v16, v18  }
0x104: {  	v19 =	vld [tilespmem:s3+$0xFFFFFFE0];
	vm2 =	vmand vm2, vm3;
	v18 =	vsel vm1, $0x1, v9;
	v14 =	vadd.f32 v14, v17  }
0x105: {  	v21 =	vld [tilespmem:s3+$0x0];
	v16 =	vadd.s32 v18, v16;
	v17 =	vsel vm2, $0x1, v9  }
0x106: {  	v23 =	vld [tilespmem:s3+$0x10];
	v16 =	vadd.s32 v17, v16;
	v17 =	vperm.xlane v14, v7  }
0x107: {  	v25 =	vld [tilespmem:s3+$0x20];
	v18 =	vperm.xlane v16, v6  }
0x108: {  	v28 =	vld [tilespmem:s3+$0x30];
	v14 =	vadd.f32 v17, v14  }
0x109: {  	v29 =	vld [tilespmem:s3+$0x40];
	v16 =	vadd.s32 v18, v16  }
0x10a: {  	v17 =	vperm.xlane v16, v7;
	v18 =	vperm.xlane v14, v8  }
0x10b: {  	v19 =	vadd.f32 $9.999999960e-13, v19;
	v21 =	vadd.f32 $9.999999960e-13, v21  }
0x10c: {  	v23 =	vadd.f32 $9.999999960e-13, v23;
	v16 =	vadd.s32 v17, v16;
	v14 =	vadd.f32 v18, v14  }
0x10d: {  	v25 =	vadd.f32 $9.999999960e-13, v25;
	v28 =	vadd.f32 $9.999999960e-13, v28;
	v17 =	vperm.xlane v16, v8  }
0x10e: {  	v29 =	vadd.f32 $9.999999960e-13, v29;
	v30 =	vand.u32 $0x7FFFFF, v19;
	v18 =	vperm.xlane v14, v5  }
0x10f: {  	v32 =	vand.u32 $0x7FFFFF, v21;
	v33 =	vand.u32 $0x7FFFFF, v23;
	v16 =	vadd.s32 v17, v16  }
0x110: {  	v34 =	vand.u32 $0x7FFFFF, v25;
	v17 =	vperm.xlane v16, v5;
	v14 =	vadd.f32 v18, v14  }
0x111: {  	v35 =	vand.u32 $0x7FFFFF, v28;
	v37 =	vand.u32 $0x7FFFFF, v29;
	v19 =	vshrl.u32 v19, $0x17  }
0x112: {  	v21 =	vshrl.u32 v21, $0x17;
	v17 =	vsub.s32 $0x0, v17;
	vm1 =	veq.f32 v14, v15;
	v15 =	vld [tilespmem:s3+$0x50]  }
0x113: {  	v23 =	vshrl.u32 v23, $0x17;
	v25 =	vshrl.u32 v25, $0x17;
	vm2 =	veq.s32 v16, v17;
	v16 =	vld [tilespmem:s3+$0xFFFFFFB0]  }
0x114: {  	v28 =	vshrl.u32 v28, $0x17;
	v29 =	vshrl.u32 v29, $0x17;
	v30 =	vor.u32 $0x3F800000, v30  }
0x115: {  	v32 =	vor.u32 $0x3F800000, v32;
	v33 =	vor.u32 $0x3F800000, v33;
	v34 =	vor.u32 $0x3F800000, v34  }
0x116: {  	v35 =	vor.u32 $0x3F800000, v35;
	v37 =	vor.u32 $0x3F800000, v37;
	v19 =	vcvt.s32.f32 v19  }
0x117: {  	v21 =	vcvt.s32.f32 v21;
	v23 =	vcvt.s32.f32 v23;
	v15 =	vadd.f32 $9.999999960e-13, v15  }
0x118: {  	v25 =	vcvt.s32.f32 v25;
	v40 =	vadd.f32 $1.000000000e+00, v30;
	v16 =	vadd.f32 $9.999999960e-13, v16  }
0x119: {  	v20 =	vld [tilespmem:s3+$0xFFFFFFF0];
	v63 =	vadd.f32 $1.000000000e+00, v32;
	v42 =	vadd.f32 $1.000000000e+00, v33;
	v22 =	vand.u32 $0x7FFFFF, v15  }
0x11a: {  	v48 =	vadd.f32 $1.000000000e+00, v34;
	v24 =	vand.u32 $0x7FFFFF, v16;
	v22 =	vor.u32 $0x3F800000, v22  }
0x11b: {  	v49 =	vadd.f32 $1.000000000e+00, v35;
	v17 =	vld [tilespmem:s3+$0xFFFFFFC0];
	v24 =	vor.u32 $0x3F800000, v24;
	v26 =	vadd.f32 $1.000000000e+00, v22  }
0x11c: {  	v28 =	vcvt.s32.f32 v28;
	v44 =	vadd.f32 $1.000000000e+00, v37;
	v18 =	vld [tilespmem:s3+$0xFFFFFFD0];
	v36 =	vadd.f32 $1.000000000e+00, v24  }
0x11d: {  	v30 =	vadd.f32 $-1.000000000e+00, v30;
	v32 =	vadd.f32 $-1.000000000e+00, v32;
	(erf) = vrcp.f32 v26  }
0x11e: {  	v33 =	vadd.f32 $-1.000000000e+00, v33;
	v20 =	vadd.f32 $9.999999960e-13, v20;
	(erf) = vrcp.f32 v36  }
0x11f: {  	v29 =	vcvt.s32.f32 v29;
	v34 =	vadd.f32 $-1.000000000e+00, v34;
	v35 =	vadd.f32 $-1.000000000e+00, v35  }
0x120: {  	v31 =	vand.u32 $0x7FFFFF, v20;
	v20 =	vshrl.u32 v20, $0x17;
	v17 =	vadd.f32 $9.999999960e-13, v17  }
0x121: {  	v31 =	vor.u32 $0x3F800000, v31;
	v20 =	vcvt.s32.f32 v20;
	v18 =	vadd.f32 $9.999999960e-13, v18  }
0x122: {  	v27 =	vand.u32 $0x7FFFFF, v17;
	v16 =	vshrl.u32 v16, $0x17;
	v17 =	vshrl.u32 v17, $0x17  }
0x123: {  	v15 =	vshrl.u32 v15, $0x17;
	v27 =	vor.u32 $0x3F800000, v27;
	v26 =	vand.u32 $0x7FFFFF, v18  }
0x124: {  	v15 =	vcvt.s32.f32 v15;
	v38 =	vadd.f32 $1.000000000e+00, v27;
	v26 =	vor.u32 $0x3F800000, v26  }
0x125: {  	v16 =	vcvt.s32.f32 v16;
	v22 =	vadd.f32 $-1.000000000e+00, v22;
	v39 =	vadd.f32 $1.000000000e+00, v26  }
0x126: {  	v17 =	vcvt.s32.f32 v17;
	v24 =	vadd.f32 $-1.000000000e+00, v24;
	v62 =	vpop (erf);
	(erf) = vrcp.f32 v38  }
0x127: {  	v41 =	vadd.f32 $1.000000000e+00, v31;
	v22 =	vmul.f32 v62, v22;
	(erf) = vrcp.f32 v39;
	v52 =	vpop (erf)  }
0x128: {  	v37 =	vadd.f32 $-1.000000000e+00, v37;
	(erf) = vrcp.f32 v40;
	v24 =	vmul.f32 v52, v24  }
0x129: {  	v31 =	vadd.f32 $-1.000000000e+00, v31;
	v43 =	vmul.f32 v22, v22;
	(erf) = vrcp.f32 v41  }
0x12a: {  	vm1 =	vmand vm1, vm2;
	v15 =	vmul.f32 $6.931471820e-01, v15;
	(erf) = vrcp.f32 v63  }
0x12b: {  	v14 =	vnsel vm1, $0x3F800000, v14;
	v39 =	vmul.f32 v24, v24;
	v50 =	vmul.f32 $1.428571490e-01, v43  }
0x12c: {  	v27 =	vadd.f32 $-1.000000000e+00, v27;
	v16 =	vmul.f32 $6.931471820e-01, v16;
	(erf) = vrcp.f32 v42  }
0x12d: {  	v18 =	vshrl.u32 v18, $0x17;
	v46 =	vmul.f32 $1.428571490e-01, v39;
	v51 =	vadd.f32 $2.000000030e-01, v50  }
0x12e: {  	v18 =	vcvt.s32.f32 v18;
	v26 =	vadd.f32 $-1.000000000e+00, v26;
	(erf) = vrcp.f32 v48  }
0x12f: {  	(erf) = vrcp.f32 v49;
	v46 =	vadd.f32 $2.000000030e-01, v46;
	v36 =	vmul.f32 v51, v43;
	v53 =	vpop (erf)  }
0x130: {  	v22 =	vadd.f32 v22, v22;
	(erf) = vrcp.f32 v44;
	v27 =	vmul.f32 v53, v27;
	v54 =	vpop (erf)  }
0x131: {  	v46 =	vmul.f32 v46, v39;
	v36 =	vadd.f32 $3.333333430e-01, v36;
	v26 =	vmul.f32 v54, v26;
	v55 =	vpop (erf)  }
0x132: {  	v24 =	vadd.f32 v24, v24;
	v40 =	vmul.f32 v27, v27;
	v30 =	vmul.f32 v55, v30;
	v56 =	vpop (erf)  }
0x133: {  	v27 =	vadd.f32 v27, v27;
	v36 =	vmul.f32 v36, v43;
	v57 =	vpop (erf);
	v31 =	vmul.f32 v56, v31  }
0x134: {  	v46 =	vadd.f32 $3.333333430e-01, v46;
	v61 =	vmul.f32 v26, v26;
	v32 =	vmul.f32 v57, v32  }
0x135: {  	v26 =	vadd.f32 v26, v26;
	v58 =	vpop (erf);
	v41 =	vmul.f32 v30, v30;
	v48 =	vmul.f32 $1.428571490e-01, v40  }
0x136: {  	v39 =	vmul.f32 v46, v39;
	v30 =	vadd.f32 v30, v30;
	v33 =	vmul.f32 v58, v33  }
0x137: {  	v36 =	vadd.f32 $1.000000000e+00, v36;
	v59 =	vpop (erf);
	v63 =	vmul.f32 v31, v31;
	v49 =	vmul.f32 $1.428571490e-01, v61  }
0x138: {  	v31 =	vadd.f32 v31, v31;
	v34 =	vmul.f32 v59, v34;
	v42 =	vmul.f32 v32, v32  }
0x139: {  	v60 =	vpop (erf);
	v50 =	vmul.f32 $1.428571490e-01, v41;
	v48 =	vadd.f32 $2.000000030e-01, v48;
	v39 =	vadd.f32 $1.000000000e+00, v39  }
0x13a: {  	v32 =	vadd.f32 v32, v32;
	v22 =	vmul.f32 v36, v22;
	v35 =	vmul.f32 v60, v35  }
0x13b: {  	v62 =	vpop (erf);
	v43 =	vmul.f32 v33, v33;
	v51 =	vmul.f32 $1.428571490e-01, v63;
	v49 =	vadd.f32 $2.000000030e-01, v49  }
0x13c: {  	v33 =	vadd.f32 v33, v33;
	v36 =	vmul.f32 v62, v37;
	v44 =	vmul.f32 v34, v34  }
0x13d: {  	v52 =	vmul.f32 $1.428571490e-01, v42;
	v50 =	vadd.f32 $2.000000030e-01, v50;
	v48 =	vmul.f32 v48, v40  }
0x13e: {  	v24 =	vmul.f32 v39, v24;
	v34 =	vadd.f32 v34, v34;
	v45 =	vmul.f32 v35, v35  }
0x13f: {  	v53 =	vmul.f32 $1.428571490e-01, v43;
	v51 =	vadd.f32 $2.000000030e-01, v51;
	v49 =	vmul.f32 v49, v61  }
0x140: {  	v35 =	vadd.f32 v35, v35;
	v15 =	vadd.f32 v22, v15;
	v47 =	vmul.f32 v36, v36  }
0x141: {  	v54 =	vmul.f32 $1.428571490e-01, v44;
	v52 =	vadd.f32 $2.000000030e-01, v52;
	v50 =	vmul.f32 v50, v41  }
0x142: {  	v48 =	vadd.f32 $3.333333430e-01, v48;
	v36 =	vadd.f32 v36, v36;
	v55 =	vmul.f32 $1.428571490e-01, v45  }
0x143: {  	v53 =	vadd.f32 $2.000000030e-01, v53;
	v51 =	vmul.f32 v51, v63;
	v49 =	vadd.f32 $3.333333430e-01, v49  }
0x144: {  	v56 =	vmul.f32 $1.428571490e-01, v47;
	v52 =	vmul.f32 v52, v42;
	v57 =	vadd.f32 $3.333333430e-01, v50  }
0x145: {  	v40 =	vmul.f32 v48, v40;
	v50 =	vadd.f32 $-8.802969360e+01, v15;
	v15 =	vmul.f32 $6.931471820e-01, v17  }
0x146: {  	v54 =	vadd.f32 $2.000000030e-01, v54;
	v17 =	vmul.f32 $6.931471820e-01, v18;
	v18 =	vmul.f32 $6.931471820e-01, v19  }
0x147: {  	v19 =	vadd.f32 v24, v16;
	v16 =	vmul.f32 $6.931471820e-01, v20;
	v20 =	vmul.f32 $6.931471820e-01, v21  }
0x148: {  	v24 =	vmul.f32 $6.931471820e-01, v25;
	v55 =	vadd.f32 $2.000000030e-01, v55;
	v53 =	vmul.f32 v53, v43  }
0x149: {  	v58 =	vadd.f32 $3.333333430e-01, v51;
	v38 =	vmul.f32 v49, v61;
	v56 =	vadd.f32 $2.000000030e-01, v56  }
0x14a: {  	v54 =	vmul.f32 v54, v44;
	v59 =	vadd.f32 $3.333333430e-01, v52;
	v41 =	vmul.f32 v57, v41  }
0x14b: {  	v40 =	vadd.f32 $1.000000000e+00, v40;
	v19 =	vadd.f32 $-8.802969360e+01, v19;
	v55 =	vmul.f32 v55, v45  }
0x14c: {  	v60 =	vadd.f32 $3.333333430e-01, v53;
	v37 =	vmul.f32 v58, v63;
	v38 =	vadd.f32 $1.000000000e+00, v38  }
0x14d: {  	v56 =	vmul.f32 v56, v47;
	v61 =	vadd.f32 $3.333333430e-01, v54;
	v42 =	vmul.f32 v59, v42  }
0x14e: {  	v41 =	vadd.f32 $1.000000000e+00, v41;
	v27 =	vmul.f32 v40, v27;
	v62 =	vadd.f32 $3.333333430e-01, v55  }
0x14f: {  	v43 =	vmul.f32 v60, v43;
	v37 =	vadd.f32 $1.000000000e+00, v37;
	v26 =	vmul.f32 v38, v26  }
0x150: {  	v63 =	vadd.f32 $3.333333430e-01, v56;
	v44 =	vmul.f32 v61, v44;
	v42 =	vadd.f32 $1.000000000e+00, v42  }
0x151: {  	v30 =	vmul.f32 v41, v30;
	v21 =	vadd.f32 v27, v15;
	v15 =	vmul.f32 $6.931471820e-01, v23  }
0x152: {  	s16 =	sadd.s32 $0xB0, s3;
	[dreg:$0xe] =	wrdreg s3;
	v45 =	vmul.f32 v62, v45;
	v43 =	vadd.f32 $1.000000000e+00, v43;
	v31 =	vmul.f32 v37, v31  }
0x153: {  	v23 =	vld [tilespmem:s16+$0x50];
	v17 =	vadd.f32 v26, v17;
	v46 =	vmul.f32 v63, v47;
	v44 =	vadd.f32 $1.000000000e+00, v44  }
0x154: {  	v32 =	vmul.f32 v42, v32;
	v26 =	vadd.f32 v30, v18;
	v18 =	vmul.f32 $6.931471820e-01, v28  }
0x155: {  	v28 =	vmul.f32 $6.931471820e-01, v29;
	v21 =	vadd.f32 $-8.802969360e+01, v21;
	v45 =	vadd.f32 $1.000000000e+00, v45  }
0x156: {  	v51 =	vld [tilespmem:s16+$0xFFFFFFE0];
	v33 =	vmul.f32 v43, v33;
	v27 =	vadd.f32 v31, v16;
	v31 =	vadd.f32 $-8.802969360e+01, v17  }
0x157: {  	v29 =	vld [tilespmem:s16+$0xFFFFFFB0];
	v46 =	vadd.f32 $1.000000000e+00, v46;
	v22 =	vmul.f32 v44, v34;
	v20 =	vadd.f32 v32, v20  }
0x158: {  	v30 =	vld [tilespmem:s16+$0xFFFFFFC0];
	v48 =	vmul.f32 v45, v35;
	v25 =	vadd.f32 v33, v15;
	v33 =	vadd.f32 $9.999999960e-13, v23  }
0x159: {  	v23 =	vmul.f32 v19, v14;
	v19 =	vadd.f32 $-8.802969360e+01, v26;
	v26 =	vadd.f32 $-8.802969360e+01, v27  }
0x15a: {  	v49 =	vmul.f32 v46, v36;
	v15 =	vadd.f32 v22, v24;
	v24 =	vmul.f32 v50, v14  }
0x15b: {  	v45 =	vadd.f32 $9.999999960e-13, v51;
	v22 =	vmul.f32 v21, v14;
	v21 =	vmul.f32 v31, v14  }
0x15c: {  	v16 =	vadd.f32 v48, v18;
	v17 =	vand.u32 $0x7FFFFF, v33;
	v34 =	vadd.f32 $9.999999960e-13, v29  }
0x15d: {  	s14 =	simm.s32 $0x0;
	s15 =	simm.s32 $0x80;
	s30 =	simm.s32 $0x0;
	v27 =	vld [tilespmem:s16+$0xFFFFFFF0];
	v19 =	vmul.f32 v19, v14;
	v38 =	vadd.f32 $9.999999960e-13, v30;
	v54 =	vand.u32 $0x7FFFFF, v45  }
0x15e: {  	s30 =	sand.u32 $0x70, s30;
	s12 =	sshll.u32 s1, $0x7;
	s13 =	sand.u32 $0xFFFFE000, s11;
	v33 =	vshrl.u32 v33, $0x17;
	v45 =	vshrl.u32 v45, $0x17;
	v18 =	vadd.f32 v49, v28  }
0x15f: {  	s1 =	sand.u32 $0x1C00, s14;
	s31 =	sand.u32 $0x380, s12;
	s0 =	sadd.s32 $0x8000, s13;
	v31 =	vld [tilespmem:s16+$0x10];
	v52 =	vor.u32 $0x3F800000, v17;
	v17 =	vadd.f32 $-8.802969360e+01, v20;
	v41 =	vor.u32 $0x3F800000, v54  }
0x160: {  	s2 =	sand.u32 $0x3C00, s15;
	s12 =	simm.s32 $0x10;
	s1 =	sadd.s32 s1, s0;
	v29 =	vld [tilespmem:s16+$0x0];
	v45 =	vcvt.s32.f32 v45;
	v15 =	vadd.f32 $-8.802969360e+01, v15;
	v20 =	vadd.f32 $1.000000000e+00, v52  }
0x161: {  	s12 =	sand.u32 $0x70, s12;
	s2 =	sadd.s32 s2, s0;
	s26 =	sadd.s32 s30, s1;
	v53 =	vld [tilespmem:s16+$0x20];
	v30 =	vand.u32 $0x7FFFFF, v34;
	v36 =	vadd.f32 $-1.000000000e+00, v52;
	v62 =	vadd.f32 $1.000000000e+00, v41  }
0x162: {  	s2 =	sadd.s32 s12, s2;
	s12 =	sadd.s32 s31, s26;
	v28 =	vld [tilespmem:s16+$0xFFFFFFD0];
	v16 =	vadd.f32 $-8.802969360e+01, v16;
	v40 =	vor.u32 $0x3F800000, v30;
	v35 =	vadd.f32 $9.999999960e-13, v27  }
0x163: {  	s7 =	simm.s32 $0x200;
	[tilespmem:s12+$0x0] =	vst.add.f32.msk $0xffff, v23;
	v23 =	vadd.f32 $-8.802969360e+01, v18;
	(erf) = vrcp.f32 v20;
	v20 =	vmul.f32 v26, v14  }
0x164: {  	s7 =	sand.u32 $0x3C00, s7;
	s15 =	simm.s32 $0x40;
	v26 =	vand.u32 $0x7FFFFF, v38;
	v57 =	vadd.f32 $1.000000000e+00, v40;
	v40 =	vadd.f32 $-1.000000000e+00, v40  }
0x165: {  	s15 =	sand.u32 $0x70, s15;
	s7 =	sadd.s32 s7, s0;
	v27 =	vld [tilespmem:s16+$0x40];
	v32 =	vadd.f32 $9.999999960e-13, v29;
	v42 =	vor.u32 $0x3F800000, v26;
	v29 =	vadd.f32 $9.999999960e-13, v31  }
0x166: {  	s22 =	sadd.s32 s15, s7;
	v26 =	vand.u32 $0x7FFFFF, v35;
	v31 =	vadd.f32 $9.999999960e-13, v53;
	v35 =	vshrl.u32 v35, $0x17  }
0x167: {  	s7 =	sadd.s32 s31, s2;
	s2 =	sadd.s32 s31, s22;
	v39 =	vadd.f32 $9.999999960e-13, v28;
	(erf) = vrcp.f32 v57;
	v35 =	vcvt.s32.f32 v35  }
0x168: {  	[tilespmem:s2+$0x0] =	vst.add.f32.msk $0xffff, v20;
	v20 =	vmul.f32 v17, v14;
	v55 =	vand.u32 $0x7FFFFF, v32;
	v56 =	vand.u32 $0x7FFFFF, v29  }
0x169: {  	v28 =	vld [tilespmem:s16+$0x30];
	v32 =	vshrl.u32 v32, $0x17;
	v29 =	vshrl.u32 v29, $0x17;
	v30 =	vand.u32 $0x7FFFFF, v39  }
0x16a: {  	v27 =	vadd.f32 $9.999999960e-13, v27;
	v37 =	vor.u32 $0x3F800000, v55;
	v44 =	vor.u32 $0x3F800000, v56  }
0x16b: {  	v32 =	vcvt.s32.f32 v32;
	v63 =	vadd.f32 $1.000000000e+00, v37;
	v56 =	vadd.f32 $1.000000000e+00, v44  }
0x16c: {  	v43 =	vor.u32 $0x3F800000, v30;
	v37 =	vadd.f32 $-1.000000000e+00, v37;
	v44 =	vadd.f32 $-1.000000000e+00, v44  }
0x16d: {  	v60 =	vadd.f32 $1.000000000e+00, v43;
	v61 =	vand.u32 $0x7FFFFF, v27;
	v43 =	vadd.f32 $-1.000000000e+00, v43  }
0x16e: {  	v30 =	vadd.f32 $9.999999960e-13, v28;
	v28 =	vor.u32 $0x3F800000, v26;
	v26 =	vand.u32 $0x7FFFFF, v31  }
0x16f: {  	v46 =	vor.u32 $0x3F800000, v61;
	v48 =	vor.u32 $0x3F800000, v26;
	v26 =	vadd.f32 $1.000000000e+00, v42;
	v59 =	vpop (erf)  }
0x170: {  	v61 =	vadd.f32 $-1.000000000e+00, v42;
	v31 =	vshrl.u32 v31, $0x17;
	v36 =	vmul.f32 v59, v36  }
0x171: {  	v31 =	vcvt.s32.f32 v31;
	v58 =	vand.u32 $0x7FFFFF, v30;
	(erf) = vrcp.f32 v26  }
0x172: {  	v30 =	vshrl.u32 v30, $0x17;
	(erf) = vrcp.f32 v60;
	v51 =	vmul.f32 v36, v36  }
0x173: {  	v47 =	vor.u32 $0x3F800000, v58;
	v26 =	vadd.f32 $1.000000000e+00, v28;
	v58 =	vadd.f32 $1.000000000e+00, v48  }
0x174: {  	v48 =	vadd.f32 $-1.000000000e+00, v48;
	(erf) = vrcp.f32 v62;
	v57 =	vmul.f32 $1.428571490e-01, v51  }
0x175: {  	v30 =	vcvt.s32.f32 v30;
	v59 =	vadd.f32 $1.000000000e+00, v47;
	(erf) = vrcp.f32 v26  }
0x176: {  	v60 =	vadd.f32 $1.000000000e+00, v46;
	(erf) = vrcp.f32 v63;
	v52 =	vadd.f32 $2.000000030e-01, v57  }
0x177: {  	v47 =	vadd.f32 $-1.000000000e+00, v47;
	v46 =	vadd.f32 $-1.000000000e+00, v46;
	v63 =	vpop (erf);
	(erf) = vrcp.f32 v56  }
0x178: {  	v56 =	vadd.f32 $-1.000000000e+00, v41;
	v41 =	vmul.f32 v63, v40;
	v62 =	vmul.f32 v52, v51  }
0x179: {  	v30 =	vmul.f32 $6.931471820e-01, v30;
	(erf) = vrcp.f32 v58;
	v57 =	vadd.f32 $-1.000000000e+00, v28  }
0x17a: {  	(erf) = vrcp.f32 v59;
	v50 =	vmul.f32 v41, v41;
	v58 =	vpop (erf);
	v28 =	vadd.f32 $3.333333430e-01, v62  }
0x17b: {  	v26 =	vshrl.u32 v34, $0x17;
	v42 =	vmul.f32 v58, v61;
	v59 =	vpop (erf);
	v62 =	vcvt.s32.f32 v33  }
0x17c: {  	s5 =	simm.s32 $0xA0;
	s18 =	simm.s32 $0x500;
	v63 =	vadd.f32 v36, v36;
	v40 =	vmul.f32 v59, v43;
	v59 =	vmul.f32 $1.428571490e-01, v50  }
0x17d: {  	s19 =	simm.s32 $0x180;
	s8 =	simm.s32 $0x280;
	s9 =	simm.s32 $0x300;
	(erf) = vrcp.f32 v60;
	v43 =	vshrl.u32 v38, $0x17;
	v60 =	vmul.f32 v28, v51  }
0x17e: {  	s17 =	simm.s32 $0x100;
	s20 =	simm.s32 $0x380;
	s21 =	simm.s32 $0x480;
	v51 =	vmul.f32 v42, v42;
	v49 =	vmul.f32 $6.931471820e-01, v62;
	v53 =	vadd.f32 $2.000000030e-01, v59;
	v28 =	vpop (erf)  }
0x17f: {  	s28 =	simm.s32 $0x600;
	s29 =	simm.s32 $0x680;
	s5 =	sand.u32 $0x70, s5;
	v43 =	vcvt.s32.f32 v43;
	v34 =	vadd.f32 $1.000000000e+00, v60;
	v28 =	vmul.f32 v28, v56;
	v61 =	vpop (erf)  }
0x180: {  	s6 =	sand.u32 $0x3C00, s19;
	s8 =	sand.u32 $0x3C00, s8;
	s19 =	simm.s32 $0x70;
	v41 =	vadd.f32 v41, v41;
	v53 =	vmul.f32 v53, v50;
	v55 =	vpop (erf);
	v36 =	vmul.f32 v61, v57  }
0x181: {  	s9 =	sand.u32 $0x3C00, s9;
	s19 =	sand.u32 $0x70, s19;
	s4 =	sand.u32 $0x3C00, s18;
	v42 =	vadd.f32 v42, v42;
	v52 =	vmul.f32 v34, v63;
	v61 =	vmul.f32 $1.428571490e-01, v51;
	v56 =	vpop (erf)  }
0x182: {  	s18 =	simm.s32 $0x60;
	s14 =	simm.s32 $0x30;
	s11 =	simm.s32 $0x400;
	v33 =	vmul.f32 v55, v37;
	v53 =	vadd.f32 $3.333333430e-01, v53;
	v37 =	vmul.f32 v56, v44  }
0x183: {  	s18 =	sand.u32 $0x70, s18;
	s14 =	sand.u32 $0x70, s14;
	s11 =	sand.u32 $0x3C00, s11;
	v57 =	vpop (erf);
	v44 =	vshrl.u32 v39, $0x17;
	v62 =	vmul.f32 v36, v36;
	v49 =	vadd.f32 v52, v49  }
0x184: {  	s13 =	simm.s32 $0x20;
	s4 =	sadd.s32 s4, s0;
	s6 =	sadd.s32 s6, s0;
	v36 =	vadd.f32 v36, v36;
	v34 =	vmul.f32 v57, v48;
	v48 =	vmul.f32 v40, v40  }
0x185: {  	s8 =	sadd.s32 s8, s0;
	s9 =	sadd.s32 s9, s0;
	s11 =	sadd.s32 s11, s0;
	v58 =	vpop (erf);
	v55 =	vmul.f32 v33, v33;
	v50 =	vmul.f32 v53, v50;
	v40 =	vadd.f32 v40, v40  }
0x186: {  	s13 =	sand.u32 $0x70, s13;
	s4 =	sadd.s32 s5, s4;
	s5 =	sand.u32 $0x3C00, s20;
	v44 =	vcvt.s32.f32 v44;
	v33 =	vadd.f32 v33, v33;
	v38 =	vmul.f32 v58, v47  }
0x187: {  	s20 =	simm.s32 $0x90;
	s6 =	sadd.s32 s14, s6;
	s9 =	sadd.s32 s18, s9;
	v60 =	vpop (erf);
	v47 =	vmul.f32 v28, v28;
	v58 =	vmul.f32 $1.428571490e-01, v62;
	v49 =	vadd.f32 $-8.802969360e+01, v49  }
0x188: {  	s23 =	sadd.s32 s30, s11;
	s14 =	sand.u32 $0x3C00, s28;
	s18 =	sand.u32 $0x3C00, s29;
	v28 =	vadd.f32 v28, v28;
	v39 =	vmul.f32 v60, v46;
	v63 =	vmul.f32 $1.428571490e-01, v48  }
0x189: {  	s28 =	simm.s32 $0xC0;
	s29 =	simm.s32 $0xE0;
	s10 =	sadd.s32 s31, s4;
	v46 =	vadd.f32 $2.000000030e-01, v61;
	v60 =	vmul.f32 v37, v37;
	v59 =	vmul.f32 $1.428571490e-01, v55  }
0x18a: {  	s4 =	sand.u32 $0x3C00, s21;
	s20 =	sand.u32 $0x70, s20;
	s11 =	sadd.s32 s31, s9;
	v50 =	vadd.f32 $1.000000000e+00, v50;
	v18 =	vmul.f32 $6.931471820e-01, v44;
	v57 =	vmul.f32 $1.428571490e-01, v47  }
0x18b: {  	s1 =	sadd.s32 s31, s23;
	s9 =	simm.s32 $0x150;
	s23 =	simm.s32 $0x780;
	v58 =	vadd.f32 $2.000000030e-01, v58;
	v56 =	vadd.f32 $2.000000030e-01, v63;
	v46 =	vmul.f32 v46, v51  }
0x18c: {  	s5 =	sadd.s32 s5, s0;
	s26 =	simm.s32 $0x800;
	s21 =	simm.s32 $0x880;
	v61 =	vmul.f32 $1.428571490e-01, v60;
	v59 =	vadd.f32 $2.000000030e-01, v59;
	v41 =	vmul.f32 v50, v41  }
0x18d: {  	s14 =	sadd.s32 s14, s0;
	s18 =	sadd.s32 s18, s0;
	s4 =	sadd.s32 s4, s0;
	v57 =	vadd.f32 $2.000000030e-01, v57;
	v58 =	vmul.f32 v58, v62;
	v46 =	vadd.f32 $3.333333430e-01, v46  }
0x18e: {  	s5 =	sadd.s32 s19, s5;
	s19 =	simm.s32 $0xA80;
	s23 =	sand.u32 $0x3C00, s23;
	v56 =	vmul.f32 v56, v48;
	v53 =	vadd.f32 $2.000000030e-01, v61;
	v59 =	vmul.f32 v59, v55  }
0x18f: {  	s30 =	sand.u32 $0x3C00, s26;
	s21 =	sand.u32 $0x3C00, s21;
	s26 =	simm.s32 $0xD0;
	v57 =	vmul.f32 v57, v47;
	v58 =	vadd.f32 $3.333333430e-01, v58;
	v46 =	vmul.f32 v46, v51  }
0x190: {  	s24 =	sadd.s32 s20, s4;
	s15 =	sadd.s32 s31, s5;
	s20 =	simm.s32 $0x700;
	v56 =	vadd.f32 $3.333333430e-01, v56;
	v51 =	vmul.f32 v34, v34;
	v53 =	vmul.f32 v53, v60  }
0x191: {  	s22 =	sand.u32 $0x3C00, s19;
	s26 =	sand.u32 $0x70, s26;
	s21 =	sadd.s32 s21, s0;
	v59 =	vadd.f32 $3.333333430e-01, v59;
	v34 =	vadd.f32 v34, v34;
	v54 =	vmul.f32 v58, v62  }
0x192: {  	s5 =	sadd.s32 s31, s24;
	s24 =	sand.u32 $0x70, s9;
	s19 =	sand.u32 $0x3C00, s20;
	v57 =	vadd.f32 $3.333333430e-01, v57;
	v48 =	vmul.f32 v56, v48;
	v56 =	vmul.f32 v38, v38  }
0x193: {  	s20 =	sand.u32 $0x70, s28;
	s28 =	sand.u32 $0x70, s29;
	s29 =	sadd.s32 s23, s0;
	v62 =	vmul.f32 $1.428571490e-01, v51;
	v53 =	vadd.f32 $3.333333430e-01, v53;
	v55 =	vmul.f32 v59, v55  }
0x194: {  	s14 =	sadd.s32 s20, s14;
	s19 =	sadd.s32 s19, s0;
	s20 =	sadd.s32 s26, s18;
	v46 =	vadd.f32 $1.000000000e+00, v46;
	v38 =	vadd.f32 v38, v38;
	v47 =	vmul.f32 v57, v47  }
0x195: {  	s26 =	simm.s32 $0x110;
	s18 =	sadd.s32 s28, s19;
	s28 =	simm.s32 $0x100;
	v57 =	vmul.f32 v39, v39;
	v39 =	vadd.f32 v39, v39;
	v63 =	vmul.f32 $1.428571490e-01, v56  }
0x196: {  	s23 =	sand.u32 $0x70, s26;
	s14 =	sadd.s32 s31, s14;
	s3 =	sand.u32 $0x3C00, s17;
	v52 =	vmul.f32 v53, v60;
	v58 =	vadd.f32 $2.000000030e-01, v62;
	v48 =	vadd.f32 $1.000000000e+00, v48  }
0x197: {  	s28 =	sand.u32 $0x70, s28;
	s17 =	simm.s32 $0x50;
	s3 =	sadd.s32 s3, s0;
	v62 =	vcvt.s32.f32 v26;
	v26 =	vadd.f32 $1.000000000e+00, v54;
	v42 =	vmul.f32 v46, v42  }
0x198: {  	s21 =	sadd.s32 s23, s21;
	s17 =	sand.u32 $0x70, s17;
	s3 =	sadd.s32 s13, s3;
	v60 =	vmul.f32 $1.428571490e-01, v57;
	v59 =	vadd.f32 $2.000000030e-01, v63;
	v58 =	vmul.f32 v58, v51  }
0x199: {  	s8 =	sadd.s32 s17, s8;
	s13 =	sadd.s32 s22, s0;
	s17 =	simm.s32 $0x980;
	v63 =	vadd.f32 $1.000000000e+00, v55;
	v52 =	vadd.f32 $1.000000000e+00, v52;
	v55 =	vcvt.s32.f32 v29  }
0x19a: {  	s22 =	simm.s32 $0xF0;
	s4 =	sadd.s32 s31, s3;
	s3 =	sadd.s32 s31, s6;
	v29 =	vadd.f32 v37, v37;
	v40 =	vmul.f32 v48, v40;
	v36 =	vmul.f32 v26, v36  }
0x19b: {  	s6 =	sadd.s32 s31, s8;
	s8 =	simm.s32 $0x580;
	s13 =	sadd.s32 s24, s13;
	[tilespmem:s10+$0x0] =	vst.add.f32.msk $0xffff, v24;
	v24 =	vmul.f32 $6.931471820e-01, v62;
	v62 =	vmul.f32 $6.931471820e-01, v35;
	v53 =	vadd.f32 $2.000000030e-01, v60  }
0x19c: {  	s24 =	simm.s32 $0x900;
	s22 =	sand.u32 $0x70, s22;
	s17 =	sand.u32 $0x3C00, s17;
	v60 =	vshrl.u32 v27, $0x17;
	v27 =	vmul.f32 v49, v14;
	v59 =	vmul.f32 v59, v56  }
0x19d: {  	s24 =	sand.u32 $0x3C00, s24;
	s19 =	sadd.s32 s22, s29;
	s29 =	sadd.s32 s30, s0;
	v47 =	vadd.f32 $1.000000000e+00, v47;
	v37 =	vcvt.s32.f32 v60;
	v60 =	vmul.f32 v52, v29  }
0x19e: {  	s30 =	simm.s32 $0x120;
	s22 =	simm.s32 $0xA00;
	s17 =	sadd.s32 s17, s0;
	[tilespmem:s4+$0x0] =	vst.add.f32.msk $0xffff, v21;
	v58 =	vadd.f32 $3.333333430e-01, v58;
	v29 =	vmul.f32 $6.931471820e-01, v43;
	v21 =	vmul.f32 $6.931471820e-01, v55  }
0x19f: {  	s26 =	sadd.s32 s28, s29;
	s24 =	sadd.s32 s24, s0;
	s28 =	sand.u32 $0x70, s30;
	[tilespmem:s7+$0x0] =	vst.add.f32.msk $0xffff, v22;
	v22 =	vadd.f32 v41, v24;
	v24 =	vmul.f32 $6.931471820e-01, v31;
	v53 =	vmul.f32 v53, v57  }
0x1a0: {  	s23 =	sand.u32 $0x3C00, s22;
	s29 =	simm.s32 $0x140;
	s22 =	simm.s32 $0xB0;
	v31 =	vadd.f32 v40, v18;
	v61 =	vadd.f32 $3.333333430e-01, v59;
	v51 =	vmul.f32 v58, v51  }
0x1a1: {  	s24 =	sadd.s32 s28, s24;
	s23 =	sadd.s32 s23, s0;
	s28 =	sand.u32 $0x70, s29;
	v58 =	vmul.f32 v63, v33;
	v59 =	vadd.f32 $-8.802969360e+01, v25;
	v53 =	vadd.f32 $3.333333430e-01, v53  }
0x1a2: {  	s29 =	sadd.s32 s31, s13;
	s23 =	sadd.s32 s28, s23;
	s28 =	sand.u32 $0x70, s22;
	v63 =	vmul.f32 $6.931471820e-01, v32;
	v29 =	vadd.f32 v42, v29;
	v49 =	vmul.f32 v61, v56  }
0x1a3: {  	s30 =	sand.u32 $0x1C00, s8;
	s13 =	sadd.s32 s31, s19;
	s17 =	sadd.s32 s28, s17;
	[tilespmem:s29+$0x0] =	vst.add.f32.msk $0xffff, v27;
	v32 =	vadd.f32 v36, v62;
	v27 =	vadd.f32 v60, v21;
	v53 =	vmul.f32 v53, v57  }
0x1a4: {  	s12 =	sadd.s32 s31, s24;
	s10 =	sadd.s32 s30, s0;
	s7 =	sadd.s32 s31, s20;
	[tilespmem:s3+$0x0] =	vst.add.f32.msk $0xffff, v19;
	v19 =	vmul.f32 $6.931471820e-01, v37;
	v51 =	vadd.f32 $1.000000000e+00, v51;
	v49 =	vadd.f32 $1.000000000e+00, v49  }
0x1a5: {  	s4 =	sadd.s32 s31, s21;
	s28 =	sadd.s32 s28, s10;
	s10 =	simm.s32 $0xB;
	v61 =	vmul.f32 $6.931471820e-01, v45;
	v57 =	vmul.f32 v47, v28;
	v53 =	vadd.f32 $1.000000000e+00, v53  }
0x1a6: {  	s3 =	sadd.s32 s31, s18;
	s18 =	sadd.s32 s31, s26;
	s20 =	sadd.s32 s31, s28;
	v18 =	vadd.f32 v58, v63;
	v26 =	vmul.f32 v51, v34;
	v28 =	vmul.f32 v49, v38  }
0x1a7: {  	s2 =	sadd.s32 s31, s17;
	s17 =	sadd.s32 s31, s23;
	s16 =	sadd.s32 $0xB0, s16;
	v21 =	vmul.f32 v59, v14;
	v33 =	vadd.f32 v57, v61;
	v25 =	vmul.f32 v53, v39  }
.LBB2_8:
0x1a8: {  	v34 =	vld [tilespmem:s16+$0x50];
	s10 =	sadd.s32 $0xB, s10;
	v24 =	vadd.f32 v26, v24;
	v28 =	vadd.f32 v28, v30;
	v30 =	vmul.f32 v15, v14  }
0x1a9: {  	v15 =	vadd.f32 $-8.802969360e+01, v22;
	v19 =	vadd.f32 v25, v19;
	v22 =	vmul.f32 v16, v14;
	v35 =	vld [tilespmem:s16+$0xFFFFFFB0];
	p0 =	slt.u32 s10, $0x2C  }
0x1aa: {  	v16 =	vadd.f32 $-8.802969360e+01, v29;
	v29 =	vadd.f32 $-8.802969360e+01, v31;
	v23 =	vmul.f32 v23, v14;
	v25 =	vld [tilespmem:s16+$0xFFFFFFC0]  }
0x1ab: {  	v33 =	vadd.f32 $-8.802969360e+01, v33;
	v32 =	vadd.f32 $-8.802969360e+01, v32;
	v36 =	vmul.f32 v15, v14;
	v31 =	vld [tilespmem:s16+$0xFFFFFFD0]  }
0x1ac: {  	v18 =	vadd.f32 $-8.802969360e+01, v18;
	v17 =	vadd.f32 $-8.802969360e+01, v27;
	v38 =	vmul.f32 v16, v14;
	v37 =	vld [tilespmem:s16+$0xFFFFFFE0]  }
0x1ad: {  	v29 =	vmul.f32 v29, v14;
	v15 =	vadd.f32 $-8.802969360e+01, v24;
	v27 =	vld [tilespmem:s16+$0xFFFFFFF0];
	v26 =	vadd.f32 $9.999999960e-13, v34  }
0x1ae: {  	v33 =	vmul.f32 v33, v14;
	v16 =	vadd.f32 $-8.802969360e+01, v28;
	v24 =	vadd.f32 $9.999999960e-13, v35;
	v34 =	vld [tilespmem:s16+$0x0]  }
0x1af: {  	v32 =	vmul.f32 v32, v14;
	v25 =	vadd.f32 $9.999999960e-13, v25;
	v28 =	vld [tilespmem:s16+$0x10];
	v35 =	vand.u32 $0x7FFFFF, v26  }
0x1b0: {  	v39 =	vand.u32 $0x7FFFFF, v24;
	v31 =	vadd.f32 $9.999999960e-13, v31;
	v40 =	vld [tilespmem:s16+$0x20];
	v35 =	vor.u32 $0x3F800000, v35  }
0x1b1: {  	v41 =	vand.u32 $0x7FFFFF, v25;
	v37 =	vadd.f32 $9.999999960e-13, v37;
	v42 =	vld [tilespmem:s16+$0x30];
	v43 =	vadd.f32 $1.000000000e+00, v35  }
0x1b2: {  	v39 =	vor.u32 $0x3F800000, v39;
	v44 =	vand.u32 $0x7FFFFF, v31;
	v27 =	vadd.f32 $9.999999960e-13, v27;
	v45 =	vld [tilespmem:s16+$0x40]  }
0x1b3: {  	v46 =	vand.u32 $0x7FFFFF, v37;
	v47 =	vadd.f32 $9.999999960e-13, v34;
	(erf) = vrcp.f32 v43;
	[tilespmem:s20+$0x0] =	vst.add.f32.msk $0xffff, v36  }
0x1b4: {  	v41 =	vor.u32 $0x3F800000, v41;
	v36 =	vand.u32 $0x7FFFFF, v27;
	v43 =	vadd.f32 $9.999999960e-13, v28;
	[tilespmem:s14+$0x0] =	vst.add.f32.msk $0xffff, v38  }
0x1b5: {  	v28 =	vor.u32 $0x3F800000, v44;
	v38 =	vand.u32 $0x7FFFFF, v47;
	v44 =	vadd.f32 $9.999999960e-13, v40;
	[tilespmem:s7+$0x0] =	vst.add.f32.msk $0xffff, v29  }
0x1b6: {  	v29 =	vor.u32 $0x3F800000, v46;
	v40 =	vand.u32 $0x7FFFFF, v43;
	v34 =	vadd.f32 $9.999999960e-13, v42;
	[tilespmem:s3+$0x0] =	vst.add.f32.msk $0xffff, v33  }
0x1b7: {  	v33 =	vor.u32 $0x3F800000, v36;
	v42 =	vand.u32 $0x7FFFFF, v44;
	v36 =	vadd.f32 $9.999999960e-13, v45;
	[tilespmem:s13+$0x0] =	vst.add.f32.msk $0xffff, v32  }
0x1b8: {  	v32 =	vor.u32 $0x3F800000, v38;
	v38 =	vor.u32 $0x3F800000, v40;
	v40 =	vand.u32 $0x7FFFFF, v34;
	[tilespmem:s6+$0x0] =	vst.add.f32.msk $0xffff, v20;
	s6 =	smov.u32 s18  }
0x1b9: {  	v42 =	vor.u32 $0x3F800000, v42;
	v40 =	vor.u32 $0x3F800000, v40;
	v20 =	vand.u32 $0x7FFFFF, v36;
	[tilespmem:s11+$0x0] =	vst.add.f32.msk $0xffff, v21;
	s11 =	smov.u32 s4  }
0x1ba: {  	v48 =	vadd.f32 $1.000000000e+00, v39;
	v45 =	vadd.f32 $1.000000000e+00, v41;
	v46 =	vor.u32 $0x3F800000, v20;
	[tilespmem:s15+$0x0] =	vst.add.f32.msk $0xffff, v30;
	s15 =	smov.u32 s12  }
0x1bb: {  	v20 =	vshrl.u32 v24, $0x17;
	v24 =	vadd.f32 $1.000000000e+00, v28;
	v30 =	vadd.f32 $-1.000000000e+00, v35;
	[tilespmem:s1+$0x0] =	vst.add.f32.msk $0xffff, v22;
	s1 =	smov.u32 s2  }
0x1bc: {  	v35 =	vadd.f32 $1.000000000e+00, v33;
	v22 =	vadd.f32 $1.000000000e+00, v29;
	(erf) = vrcp.f32 v48;
	v21 =	vpop (erf);
	[tilespmem:s5+$0x0] =	vst.add.f32.msk $0xffff, v23;
	s5 =	smov.u32 s17  }
0x1bd: {  	v23 =	vadd.f32 $1.000000000e+00, v32;
	v48 =	vadd.f32 $1.000000000e+00, v38;
	v30 =	vmul.f32 v21, v30  }
0x1be: {  	v49 =	vadd.f32 $1.000000000e+00, v40;
	v21 =	vadd.f32 $1.000000000e+00, v42;
	(erf) = vrcp.f32 v45  }
0x1bf: {  	v45 =	vadd.f32 $1.000000000e+00, v46;
	v50 =	vmul.f32 v30, v30;
	(erf) = vrcp.f32 v24  }
0x1c0: {  	v24 =	vadd.f32 $-1.000000000e+00, v39;
	v39 =	vadd.f32 $-1.000000000e+00, v41;
	(erf) = vrcp.f32 v22  }
0x1c1: {  	v28 =	vadd.f32 $-1.000000000e+00, v28;
	v22 =	vmul.f32 $1.428571490e-01, v50;
	(erf) = vrcp.f32 v35  }
0x1c2: {  	v33 =	vadd.f32 $-1.000000000e+00, v33;
	v29 =	vadd.f32 $-1.000000000e+00, v29;
	(erf) = vrcp.f32 v23  }
0x1c3: {  	v32 =	vadd.f32 $-1.000000000e+00, v32;
	v22 =	vadd.f32 $2.000000030e-01, v22;
	(erf) = vrcp.f32 v48  }
0x1c4: {  	v35 =	vadd.f32 $-1.000000000e+00, v38;
	v38 =	vadd.f32 $-1.000000000e+00, v42;
	(erf) = vrcp.f32 v21  }
0x1c5: {  	v42 =	vadd.f32 $-1.000000000e+00, v40;
	v41 =	vmul.f32 v22, v50;
	v21 =	vpop (erf);
	(erf) = vrcp.f32 v49  }
0x1c6: {  	v46 =	vadd.f32 $-1.000000000e+00, v46;
	v48 =	vmul.f32 v21, v24;
	(erf) = vrcp.f32 v45  }
0x1c7: {  	v24 =	vshrl.u32 v25, $0x17;
	v21 =	vshrl.u32 v31, $0x17;
	v31 =	vadd.f32 $3.333333430e-01, v41;
	v22 =	vpop (erf)  }
0x1c8: {  	v40 =	vmul.f32 v48, v48;
	v39 =	vmul.f32 v22, v39;
	v22 =	vshrl.u32 v37, $0x17;
	v23 =	vpop (erf)  }
0x1c9: {  	v49 =	vmul.f32 v23, v28;
	v23 =	vshrl.u32 v27, $0x17;
	v45 =	vmul.f32 v31, v50;
	v25 =	vpop (erf)  }
0x1ca: {  	v26 =	vshrl.u32 v26, $0x17;
	v41 =	vmul.f32 v39, v39;
	v25 =	vmul.f32 v25, v29;
	v28 =	vpop (erf)  }
0x1cb: {  	v30 =	vadd.f32 v30, v30;
	v50 =	vcvt.s32.f32 v26;
	v37 =	vadd.f32 $1.000000000e+00, v45;
	v27 =	vpop (erf)  }
0x1cc: {  	v26 =	vshrl.u32 v47, $0x17;
	v29 =	vmul.f32 v28, v33;
	v28 =	vmul.f32 v27, v32;
	v32 =	vpop (erf)  }
0x1cd: {  	v45 =	vmul.f32 $6.931471820e-01, v50;
	v27 =	vshrl.u32 v43, $0x17;
	v37 =	vmul.f32 v37, v30;
	v31 =	vpop (erf)  }
0x1ce: {  	v32 =	vmul.f32 v32, v35;
	v30 =	vshrl.u32 v44, $0x17;
	v31 =	vmul.f32 v31, v38;
	v33 =	vpop (erf)  }
0x1cf: {  	s8 =	sadd.s32 $0x580, s8;
	v43 =	vmul.f32 v49, v49;
	v33 =	vmul.f32 v33, v42;
	v37 =	vadd.f32 v37, v45;
	v35 =	vpop (erf)  }
0x1d0: {  	s3 =	sadd.s32 $0x100, s8;
	v34 =	vshrl.u32 v34, $0x17;
	s4 =	sadd.s32 $0x500, s8;
	s2 =	sadd.s32 $0x80, s8;
	v45 =	vmul.f32 v25, v25;
	v35 =	vmul.f32 v35, v46  }
0x1d1: {  	s9 =	sadd.s32 $0xB0, s9;
	s7 =	sadd.s32 $0x180, s8;
	s4 =	sand.u32 $0x3C00, s4;
	v47 =	vmul.f32 v29, v29;
	v44 =	vmul.f32 v28, v28;
	v38 =	vadd.f32 $-8.802969360e+01, v37  }
0x1d2: {  	s13 =	sand.u32 $0x70, s9;
	v36 =	vshrl.u32 v36, $0x17;
	s12 =	sadd.s32 $0x200, s8;
	s4 =	sadd.s32 s4, s0;
	v50 =	vmul.f32 v32, v32;
	v42 =	vmul.f32 v31, v31  }
0x1d3: {  	s14 =	sadd.s32 $0x280, s8;
	s17 =	sadd.s32 $0x300, s8;
	s4 =	sadd.s32 s13, s4;
	v37 =	vadd.f32 v48, v48;
	v46 =	vmul.f32 v33, v33;
	v48 =	vmul.f32 v38, v14  }
0x1d4: {  	s18 =	sadd.s32 $0x400, s8;
	s13 =	sadd.s32 $0x380, s8;
	s4 =	sadd.s32 s31, s4;
	v51 =	vmul.f32 $1.428571490e-01, v40;
	v52 =	vmul.f32 v35, v35;
	v38 =	vadd.f32 v39, v39  }
0x1d5: {  	s19 =	sadd.s32 $0x480, s8;
	s3 =	sand.u32 $0x3C00, s3;
	s2 =	sand.u32 $0x3C00, s2;
	v53 =	vmul.f32 $1.428571490e-01, v41;
	v54 =	vmul.f32 $1.428571490e-01, v43;
	v39 =	vadd.f32 v49, v49;
	[tilespmem:s4+$0x0] =	vst.add.f32.msk $0xffff, v48  }
0x1d6: {  	v49 =	vmul.f32 $1.428571490e-01, v45;
	v48 =	vadd.f32 $2.000000030e-01, v51;
	s4 =	sand.u32 $0x3C00, s7;
	v51 =	vmul.f32 $1.428571490e-01, v47;
	s7 =	sand.u32 $0x3C00, s12;
	s12 =	sand.u32 $0x3C00, s14  }
0x1d7: {  	s13 =	sand.u32 $0x3C00, s13;
	v53 =	vadd.f32 $2.000000030e-01, v53;
	v55 =	vmul.f32 $1.428571490e-01, v44;
	v56 =	vmul.f32 $1.428571490e-01, v50;
	s14 =	sand.u32 $0x3C00, s17;
	s17 =	sand.u32 $0x3C00, s18  }
0x1d8: {  	s19 =	sand.u32 $0x3C00, s19;
	s2 =	sadd.s32 s2, s0;
	v54 =	vadd.f32 $2.000000030e-01, v54;
	v57 =	vmul.f32 $1.428571490e-01, v42;
	v58 =	vmul.f32 $1.428571490e-01, v46;
	s18 =	sand.u32 $0x1C00, s8  }
0x1d9: {  	s21 =	sadd.s32 $0xFFFFFF80, s9;
	s20 =	sadd.s32 $0xFFFFFF70, s9;
	s3 =	sadd.s32 s3, s0;
	v59 =	vmul.f32 $1.428571490e-01, v52;
	v49 =	vadd.f32 $2.000000030e-01, v49;
	v51 =	vadd.f32 $2.000000030e-01, v51  }
0x1da: {  	s23 =	sadd.s32 $0xFFFFFF90, s9;
	s24 =	sadd.s32 $0xFFFFFFA0, s9;
	s26 =	sadd.s32 $0xFFFFFFB0, s9;
	v55 =	vadd.f32 $2.000000030e-01, v55;
	v56 =	vadd.f32 $2.000000030e-01, v56;
	v48 =	vmul.f32 v48, v40  }
0x1db: {  	s28 =	sadd.s32 $0xFFFFFFC0, s9;
	s30 =	sadd.s32 $0xFFFFFFD0, s9;
	s29 =	sadd.s32 $0xFFFFFFF0, s9;
	v53 =	vmul.f32 v53, v41;
	v57 =	vadd.f32 $2.000000030e-01, v57;
	v58 =	vadd.f32 $2.000000030e-01, v58  }
0x1dc: {  	s22 =	sadd.s32 $0xFFFFFF60, s9;
	v54 =	vmul.f32 v54, v43;
	s4 =	sadd.s32 s4, s0;
	s7 =	sadd.s32 s7, s0;
	v59 =	vadd.f32 $2.000000030e-01, v59;
	v49 =	vmul.f32 v49, v45  }
0x1dd: {  	s13 =	sadd.s32 s13, s0;
	v55 =	vmul.f32 v55, v44;
	s12 =	sadd.s32 s12, s0;
	s14 =	sadd.s32 s14, s0;
	v48 =	vadd.f32 $3.333333430e-01, v48;
	v51 =	vmul.f32 v51, v47  }
0x1de: {  	s22 =	sand.u32 $0x70, s22;
	s19 =	sadd.s32 s19, s0;
	v53 =	vadd.f32 $3.333333430e-01, v53;
	v56 =	vmul.f32 v56, v50;
	v57 =	vmul.f32 v57, v42;
	s17 =	sadd.s32 s17, s0  }
0x1df: {  	s21 =	sand.u32 $0x70, s21;
	s20 =	sand.u32 $0x70, s20;
	v54 =	vadd.f32 $3.333333430e-01, v54;
	s18 =	sadd.s32 s18, s0;
	v58 =	vmul.f32 v58, v46;
	v59 =	vmul.f32 v59, v52  }
0x1e0: {  	s23 =	sand.u32 $0x70, s23;
	s24 =	sand.u32 $0x70, s24;
	s26 =	sand.u32 $0x70, s26;
	v40 =	vmul.f32 v48, v40;
	v48 =	vadd.f32 $3.333333430e-01, v49;
	v49 =	vadd.f32 $3.333333430e-01, v51  }
0x1e1: {  	s28 =	sand.u32 $0x70, s28;
	s30 =	sand.u32 $0x70, s30;
	s29 =	sand.u32 $0x70, s29;
	v41 =	vmul.f32 v53, v41;
	v53 =	vadd.f32 $3.333333430e-01, v56;
	v51 =	vadd.f32 $3.333333430e-01, v55  }
0x1e2: {  	s3 =	sadd.s32 s21, s3;
	s2 =	sadd.s32 s20, s2;
	v43 =	vmul.f32 v54, v43;
	s4 =	sadd.s32 s23, s4;
	v54 =	vadd.f32 $3.333333430e-01, v57;
	v55 =	vadd.f32 $3.333333430e-01, v58  }
0x1e3: {  	s20 =	sadd.s32 s24, s7;
	s12 =	sadd.s32 s26, s12;
	s21 =	sadd.s32 s28, s14;
	v45 =	vmul.f32 v48, v45;
	v47 =	vmul.f32 v49, v47;
	v48 =	vadd.f32 $3.333333430e-01, v59  }
0x1e4: {  	s19 =	sadd.s32 s29, s19;
	s23 =	sadd.s32 s30, s13;
	s17 =	sadd.s32 s22, s17;
	v40 =	vadd.f32 $1.000000000e+00, v40;
	v44 =	vmul.f32 v51, v44;
	v49 =	vmul.f32 v53, v50  }
0x1e5: {  	v41 =	vadd.f32 $1.000000000e+00, v41;
	s22 =	sadd.s32 s22, s18;
	s14 =	sadd.s32 s31, s2;
	s7 =	sadd.s32 s31, s3;
	v42 =	vmul.f32 v54, v42;
	v46 =	vmul.f32 v55, v46  }
0x1e6: {  	v43 =	vadd.f32 $1.000000000e+00, v43;
	s3 =	sadd.s32 s31, s4;
	s13 =	sadd.s32 s31, s20;
	s18 =	sadd.s32 s31, s12;
	v45 =	vadd.f32 $1.000000000e+00, v45;
	v48 =	vmul.f32 v48, v52  }
0x1e7: {  	v20 =	vcvt.s32.f32 v20;
	s4 =	sadd.s32 s31, s21;
	s12 =	sadd.s32 s31, s23;
	s2 =	sadd.s32 s31, s17;
	v47 =	vadd.f32 $1.000000000e+00, v47;
	v44 =	vadd.f32 $1.000000000e+00, v44  }
0x1e8: {  	v24 =	vcvt.s32.f32 v24;
	s20 =	sadd.s32 s31, s22;
	s17 =	sadd.s32 s31, s19;
	v42 =	vadd.f32 $1.000000000e+00, v42;
	v49 =	vadd.f32 $1.000000000e+00, v49  }
0x1e9: {  	v21 =	vcvt.s32.f32 v21;
	v46 =	vadd.f32 $1.000000000e+00, v46;
	v48 =	vadd.f32 $1.000000000e+00, v48  }
0x1ea: {  	v22 =	vcvt.s32.f32 v22;
	v29 =	vadd.f32 v29, v29;
	v25 =	vadd.f32 v25, v25  }
0x1eb: {  	v28 =	vadd.f32 v28, v28;
	v32 =	vadd.f32 v32, v32;
	v50 =	vcvt.s32.f32 v23  }
0x1ec: {  	v51 =	vcvt.s32.f32 v26;
	v26 =	vadd.f32 v31, v31;
	v31 =	vadd.f32 v33, v33  }
0x1ed: {  	v27 =	vcvt.s32.f32 v27;
	v30 =	vcvt.s32.f32 v30;
	v33 =	vadd.f32 v35, v35  }
0x1ee: {  	v34 =	vcvt.s32.f32 v34;
	v35 =	vcvt.s32.f32 v36;
	v23 =	vadd.f32 $-8.802969360e+01, v19  }
0x1ef: {  	v36 =	vmul.f32 v41, v38;
	v19 =	vmul.f32 v40, v37  }
0x1f0: {  	v37 =	vmul.f32 v43, v39;
	v38 =	vmul.f32 v45, v25  }
0x1f1: {  	v39 =	vmul.f32 v47, v29;
	v40 =	vmul.f32 v44, v28  }
0x1f2: {  	v26 =	vmul.f32 v42, v26;
	v41 =	vmul.f32 v49, v32  }
0x1f3: {  	v28 =	vmul.f32 v46, v31;
	v25 =	vmul.f32 v48, v33  }
0x1f4: {  	v20 =	vmul.f32 $6.931471820e-01, v20;
	v24 =	vmul.f32 $6.931471820e-01, v24  }
0x1f5: {  	v21 =	vmul.f32 $6.931471820e-01, v21;
	v32 =	vmul.f32 $6.931471820e-01, v22  }
.Ltmp2:
0x1f6: {  	v42 =	vmul.f32 $6.931471820e-01, v51;
	v22 =	vadd.f32 v19, v20;
	v20 =	vmul.f32 $6.931471820e-01, v50;
	(pc) =	sbr.rel @p0 .LBB2_8-.Ltmp2, $4  }
0x1f7: {  	v27 =	vmul.f32 $6.931471820e-01, v27;
	v29 =	vadd.f32 v36, v24;
	v24 =	vmul.f32 $6.931471820e-01, v30  }
0x1f8: {  	v31 =	vadd.f32 v37, v21;
	v30 =	vmul.f32 $6.931471820e-01, v34;
	v19 =	vmul.f32 $6.931471820e-01, v35  }
0x1f9: {  	v33 =	vadd.f32 v38, v32;
	v32 =	vadd.f32 v39, v20;
	v20 =	vmul.f32 v18, v14  }
0x1fa: {  	s16 =	sadd.s32 $0xB0, s16;
	v21 =	vmul.f32 v17, v14;
	v18 =	vadd.f32 v40, v42;
	v27 =	vadd.f32 v41, v27  }
0x1fb: {  	v15 =	vmul.f32 v15, v14;
	[tilespmem:s6+$0x0] =	vst.add.f32.msk $0xffff, v20  }
0x1fc: {  	v17 =	vadd.f32 $-8.802969360e+01, v22;
	v16 =	vmul.f32 v16, v14;
	[tilespmem:s11+$0x0] =	vst.add.f32.msk $0xffff, v21  }
0x1fd: {  	v51 =	vadd.f32 $-8.802969360e+01, v29;
	v58 =	vmul.f32 v23, v14;
	[tilespmem:s15+$0x0] =	vst.add.f32.msk $0xffff, v15  }
0x1fe: {  	v52 =	vadd.f32 $-8.802969360e+01, v31;
	v17 =	vmul.f32 v17, v14;
	[tilespmem:s1+$0x0] =	vst.add.f32.msk $0xffff, v16  }
0x1ff: {  	v53 =	vadd.f32 $-8.802969360e+01, v33;
	v22 =	vmul.f32 v51, v14;
	[tilespmem:s5+$0x0] =	vst.add.f32.msk $0xffff, v58  }
0x200: {  	v32 =	vadd.f32 $-8.802969360e+01, v32;
	v29 =	vmul.f32 v52, v14;
	[tilespmem:s20+$0x0] =	vst.add.f32.msk $0xffff, v17  }
0x201: {  	v57 =	vadd.f32 v28, v30;
	v18 =	vadd.f32 $-8.802969360e+01, v18;
	v54 =	vmul.f32 v53, v14;
	[tilespmem:s14+$0x0] =	vst.add.f32.msk $0xffff, v22  }
0x202: {  	v56 =	vadd.f32 v26, v24;
	v59 =	vadd.f32 $-8.802969360e+01, v27;
	v55 =	vmul.f32 v32, v14;
	[tilespmem:s7+$0x0] =	vst.add.f32.msk $0xffff, v29  }
0x203: {  	v15 =	vadd.f32 v25, v19;
	v61 =	vadd.f32 $-8.802969360e+01, v57;
	v60 =	vmul.f32 v18, v14;
	[tilespmem:s3+$0x0] =	vst.add.f32.msk $0xffff, v54  }
0x204: {  	v62 =	vmul.f32 v59, v14;
	[tilespmem:s13+$0x0] =	vst.add.f32.msk $0xffff, v55;
	v17 =	vadd.f32 $-8.802969360e+01, v56  }
0x205: {  	v15 =	vadd.f32 $-8.802969360e+01, v15;
	v63 =	vmul.f32 v61, v14;
	[tilespmem:s18+$0x0] =	vst.add.f32.msk $0xffff, v60  }
0x206: {  	[tilespmem:s4+$0x0] =	vst.add.f32.msk $0xffff, v62;
	v17 =	vmul.f32 v17, v14  }
0x207: {  	v15 =	vmul.f32 v15, v14;
	[tilespmem:s2+$0x0] =	vst.add.f32.msk $0xffff, v63  }
0x208: {  	[tilespmem:s12+$0x0] =	vst.add.f32.msk $0xffff, v17  }
0x209: {  	s0 =	sadd.s32 s31, s0;
	[tilespmem:s17+$0x0] =	vst.add.f32.msk $0xffff, v15  }
0x20a: {  	s1 =	simm.s32 $0x370;
	s2 =	simm.s32 $0x1B80;
	s3 =	rddreg [dreg:$0x10]  }
.LBB2_10:
0x20b: {  	v15 =	vld [tilespmem:s3+$0x0];
	_ =	sdelay $0x4  }
0x20c: {  	v15 =	vadd.f32 $9.999999960e-13, v15;
	_ =	sdelay $0x1  }
0x20d: {  	v16 =	vand.u32 $0x7FFFFF, v15  }
0x20e: {  	v16 =	vor.u32 $0x3F800000, v16  }
0x20f: {  	v17 =	vadd.f32 $1.000000000e+00, v16;
	_ =	sdelay $0x1  }
0x210: {  	(erf) = vrcp.f32 v17;
	_ =	sdelay $0x7  }
0x211: {  	v16 =	vadd.f32 $-1.000000000e+00, v16  }
0x212: {  	v17 =	vpop (erf)  }
0x213: {  	v16 =	vmul.f32 v17, v16;
	_ =	sdelay $0x1  }
0x214: {  	v17 =	vmul.f32 v16, v16;
	_ =	sdelay $0x1  }
0x215: {  	v18 =	vmul.f32 $1.428571490e-01, v17;
	_ =	sdelay $0x1  }
0x216: {  	v18 =	vadd.f32 $2.000000030e-01, v18;
	_ =	sdelay $0x1  }
0x217: {  	v18 =	vmul.f32 v18, v17;
	_ =	sdelay $0x1  }
0x218: {  	v18 =	vadd.f32 $3.333333430e-01, v18;
	_ =	sdelay $0x1  }
0x219: {  	v17 =	vmul.f32 v18, v17  }
0x21a: {  	v15 =	vshrl.u32 v15, $0x17  }
0x21b: {  	v15 =	vcvt.s32.f32 v15;
	v16 =	vadd.f32 v16, v16;
	v17 =	vadd.f32 $1.000000000e+00, v17;
	_ =	sdelay $0x1  }
0x21c: {  	v15 =	vmul.f32 $6.931471820e-01, v15;
	v16 =	vmul.f32 v17, v16;
	_ =	sdelay $0x1  }
0x21d: {  	v15 =	vadd.f32 v16, v15  }
0x21e: {  	p0 =	sne.s32 s1, $0x3D0  }
.Ltmp3:
0x21f: {  	v15 =	vadd.f32 $-8.802969360e+01, v15;
	(pc) =	sbr.rel @p0 .LBB2_10-.Ltmp3, $4  }
0x220: {  	s4 =	sand.u32 $0x1C00, s2  }
0x221: {  	s5 =	sand.u32 $0x70, s1;
	s4 =	sadd.s32 s4, s0;
	v15 =	vmul.f32 v15, v14  }
0x222: {  	s4 =	sadd.s32 s5, s4  }
0x223: {  	s2 =	sadd.s32 $0x80, s2;
	s3 =	sadd.s32 $0x10, s3;
	s1 =	sadd.s32 $0x10, s1;
	[tilespmem:s4+$0x0] =	vst.add.f32.msk $0xffff, v15  }
0x224: {  	s0 =	rddreg [dreg:$0x19]  }
0x225: {  	v15 =	vld [tilespmem:s0+$0x5E0];
	_ =	sdelay $0x4  }
0x226: {  	v15 =	vadd.f32 $9.999999960e-13, v15;
	_ =	sdelay $0x1  }
0x227: {  	v16 =	vand.u32 $0x7FFFFF, v15  }
0x228: {  	v16 =	vor.u32 $0x3F800000, v16  }
0x229: {  	v17 =	vadd.f32 $1.000000000e+00, v16;
	_ =	sdelay $0x1  }
0x22a: {  	(erf) = vrcp.f32 v17;
	_ =	sdelay $0x7  }
0x22b: {  	v16 =	vadd.f32 $-1.000000000e+00, v16  }
0x22c: {  	v17 =	vpop (erf)  }
0x22d: {  	v16 =	vmul.f32 v17, v16;
	_ =	sdelay $0x1  }
0x22e: {  	v17 =	vmul.f32 v16, v16;
	_ =	sdelay $0x1  }
0x22f: {  	v18 =	vmul.f32 $1.428571490e-01, v17;
	_ =	sdelay $0x1  }
0x230: {  	v18 =	vadd.f32 $2.000000030e-01, v18;
	_ =	sdelay $0x1  }
0x231: {  	v18 =	vmul.f32 v18, v17;
	_ =	sdelay $0x1  }
0x232: {  	v18 =	vadd.f32 $3.333333430e-01, v18;
	_ =	sdelay $0x1  }
0x233: {  	s29 =	rddreg [dreg:$0x18];
	v15 =	vshrl.u32 v15, $0x17;
	v17 =	vmul.f32 v18, v17  }
0x234: {  	s0 =	sor.u32 $0x1, s29;
	v15 =	vcvt.s32.f32 v15  }
0x235: {  	v16 =	vadd.f32 v16, v16;
	v18 =	vmov s0;
	v17 =	vadd.f32 $1.000000000e+00, v17  }
0x236: {  	vm1 =	veq.s32 v18, v1  }
0x237: {  	v15 =	vmul.f32 $6.931471820e-01, v15;
	v16 =	vmul.f32 v17, v16;
	v17 =	vnsel vm1, $0x0, v13  }
0x238: {  	v18 =	vperm.xlane v17, v2  }
0x239: {  	v15 =	vadd.f32 v16, v15  }
0x23a: {  	v16 =	vadd.s32 v17, v18  }
0x23b: {  	s1 =	rddreg [dreg:$0x12];
	v17 =	vadd.f32 $-8.802969360e+01, v15;
	v18 =	vperm.xlane v16, v3  }
0x23c: {  	v15 =	vmov s1  }
0x23d: {  	s30 =	rddreg [dreg:$0x1d];
	v14 =	vmul.f32 v17, v14;
	v16 =	vadd.s32 v18, v16  }
0x23e: {  	s0 =	smul.u32 $0xFA0, s0;
	s1 =	sor.u32 s30, s31;
	v17 =	vperm.xlane v16, v4  }
0x23f: {  	s1 =	sor.u32 $0x1C60, s1;
	v14 =	vnsel vm0, $0x0, v14  }
0x240: {  	s2 =	simm.s32 $0x0;
	s3 =	sshra.s32 s0, $0x2;
	[tilespmem:s1+$0x8000] =	vst.add.f32.msk $0xffff, v14;
	v14 =	vadd.s32 v17, v16  }
0x241: {  	s0 =	sadd.s32 $0x200, s3;
	v16 =	vimm.f32 $-1.000000000e+00;
	s1 =	simm.s32 $0x40;
	v18 =	vld.idx.msk [tilespmem:v15+s2+$0x0 ss:$0x1], $0xffff;
	v17 =	vperm.xlane v14, v5  }
.LBB2_12:
0x242: {  	p0 =	sne.s32 s1, $0xF40  }
.Ltmp4:
0x243: {  	_ = 	snop;
	(pc) =	sbr.rel @p0 .LBB2_12-.Ltmp4, $3  }
0x244: {  	_ =	sdelay $0x1  }
0x245: {  	s2 =	sshra.s32 s1, $0x2;
	s1 =	sadd.s32 $0x40, s1  }
0x246: {  	v16 =	vmax.f32 v16, v18;
	v18 =	vld.idx.msk [tilespmem:v15+s2+$0x0 ss:$0x1], $0xffff  }
0x247: {  	v14 =	vadd.s32 v17, v14  }
0x248: {  	(v2sf) =	vpush v14, $0x0;
	_ =	sdelay $0x3  }
0x249: {  	v15 =	vld [tilespmem:s3+$0x5E0];
	_ =	sdelay $0x4  }
0x24a: {  	v16 =	vmax.f32 v16, v18;
	v15 =	vnsel vm0, $0xBF800000, v15  }
0x24b: {  	v15 =	vmax.f32 v16, v15  }
0x24c: {  	v16 =	vperm.xlane v15, v6;
	_ =	sdelay $0x1  }
0x24d: {  	v15 =	vmax.f32 v15, v16  }
0x24e: {  	v16 =	vperm.xlane v15, v7  }
0x24f: {  	s1 =	spop (v2sf)  }
0x250: {  	v15 =	vmax.f32 v15, v16;
	s2 =	sand.u32 $0xFFFFFFF0, s1  }
0x251: {  	v18 =	vld [tilespmem:s3+$0x200];
	v16 =	vperm.xlane v15, v8;
	s0 =	sadd.s32 s2, s0  }
0x252: {  	v17 =	vld [tilespmem:s0+$0x0]  }
0x253: {  	v15 =	vmax.f32 v15, v16;
	v16 =	vld [tilespmem:s3+$0x210]  }
0x254: {  	v19 =	vperm.xlane v15, v5;
	s16 =	sand.u32 $0xF, s1  }
0x255: {  	v20 =	vld [tilespmem:s3+$0x220];
	v14 =	vbroadcast v14, $0x0;
	v21 =	vmov s16  }
0x256: {  	v15 =	vmax.f32 v15, v19;
	vm1 =	veq.s32 v21, v1  }
0x257: {  	v22 =	vld [tilespmem:s3+$0x230];
	vm2 =	veq.f32 v18, v15;
	v17 =	vnsel vm1, $0x0, v17;
	vm1 =	vgt.s32 v14, v1  }
0x258: {  	vm3 =	vgt.s32 v14, v10;
	vm1 =	vmand vm1, vm2;
	vm2 =	veq.f32 v16, v15  }
0x259: {  	v16 =	vsel vm1, $0x1, v9;
	vm2 =	vmand vm3, vm2  }
0x25a: {  	vm1 =	veq.f32 v20, v15;
	v18 =	vsel vm2, $0x1, v9;
	vm2 =	vgt.s32 v14, v11  }
0x25b: {  	[dreg:$0x1a] =	wrdreg s3;
	s17 =	sshll.u32 s1, $0xA;
	vm1 =	vmand vm2, vm1;
	vm2 =	vgt.s32 v14, v12;
	v14 =	vperm.xlane v17, v6  }
0x25c: {  	[dreg:$0x1f] =	wrdreg s17;
	vm3 =	veq.f32 v22, v15;
	v16 =	vadd.s32 v16, v18  }
0x25d: {  	v19 =	vld [tilespmem:s25+$0xFFFFFF90];
	vm2 =	vmand vm2, vm3;
	v18 =	vsel vm1, $0x1, v9;
	v14 =	vadd.f32 v14, v17  }
0x25e: {  	v21 =	vld [tilespmem:s25+$0xFFFFFFB0];
	v16 =	vadd.s32 v18, v16;
	v17 =	vsel vm2, $0x1, v9  }
0x25f: {  	v23 =	vld [tilespmem:s25+$0xFFFFFFC0];
	v16 =	vadd.s32 v17, v16;
	v17 =	vperm.xlane v14, v7  }
0x260: {  	v25 =	vld [tilespmem:s25+$0xFFFFFFD0];
	v18 =	vperm.xlane v16, v6  }
0x261: {  	v28 =	vld [tilespmem:s25+$0xFFFFFFE0];
	v14 =	vadd.f32 v17, v14  }
0x262: {  	v29 =	vld [tilespmem:s25+$0xFFFFFFF0];
	v16 =	vadd.s32 v18, v16  }
0x263: {  	v17 =	vperm.xlane v16, v7;
	v18 =	vperm.xlane v14, v8  }
0x264: {  	v19 =	vadd.f32 $9.999999960e-13, v19;
	v21 =	vadd.f32 $9.999999960e-13, v21  }
0x265: {  	v23 =	vadd.f32 $9.999999960e-13, v23;
	v16 =	vadd.s32 v17, v16;
	v14 =	vadd.f32 v18, v14  }
0x266: {  	v25 =	vadd.f32 $9.999999960e-13, v25;
	v28 =	vadd.f32 $9.999999960e-13, v28;
	v17 =	vperm.xlane v16, v8  }
0x267: {  	v29 =	vadd.f32 $9.999999960e-13, v29;
	v30 =	vand.u32 $0x7FFFFF, v19;
	v18 =	vperm.xlane v14, v5  }
0x268: {  	v32 =	vand.u32 $0x7FFFFF, v21;
	v33 =	vand.u32 $0x7FFFFF, v23;
	v16 =	vadd.s32 v17, v16  }
0x269: {  	v34 =	vand.u32 $0x7FFFFF, v25;
	v17 =	vperm.xlane v16, v5;
	v14 =	vadd.f32 v18, v14  }
0x26a: {  	v35 =	vand.u32 $0x7FFFFF, v28;
	v37 =	vand.u32 $0x7FFFFF, v29;
	v19 =	vshrl.u32 v19, $0x17  }
0x26b: {  	v21 =	vshrl.u32 v21, $0x17;
	v17 =	vsub.s32 $0x0, v17;
	vm1 =	veq.f32 v14, v15;
	v15 =	vld [tilespmem:s25+$0x0]  }
0x26c: {  	v23 =	vshrl.u32 v23, $0x17;
	v25 =	vshrl.u32 v25, $0x17;
	vm2 =	veq.s32 v16, v17;
	v16 =	vld [tilespmem:s25+$0xFFFFFF60]  }
0x26d: {  	v28 =	vshrl.u32 v28, $0x17;
	v29 =	vshrl.u32 v29, $0x17;
	v30 =	vor.u32 $0x3F800000, v30  }
0x26e: {  	v32 =	vor.u32 $0x3F800000, v32;
	v33 =	vor.u32 $0x3F800000, v33;
	v34 =	vor.u32 $0x3F800000, v34  }
0x26f: {  	v35 =	vor.u32 $0x3F800000, v35;
	v37 =	vor.u32 $0x3F800000, v37;
	v19 =	vcvt.s32.f32 v19  }
0x270: {  	v21 =	vcvt.s32.f32 v21;
	v23 =	vcvt.s32.f32 v23;
	v15 =	vadd.f32 $9.999999960e-13, v15  }
0x271: {  	v25 =	vcvt.s32.f32 v25;
	v40 =	vadd.f32 $1.000000000e+00, v30;
	v16 =	vadd.f32 $9.999999960e-13, v16  }
0x272: {  	v20 =	vld [tilespmem:s25+$0xFFFFFFA0];
	v63 =	vadd.f32 $1.000000000e+00, v32;
	v42 =	vadd.f32 $1.000000000e+00, v33;
	v22 =	vand.u32 $0x7FFFFF, v15  }
0x273: {  	v48 =	vadd.f32 $1.000000000e+00, v34;
	v24 =	vand.u32 $0x7FFFFF, v16;
	v22 =	vor.u32 $0x3F800000, v22  }
0x274: {  	v49 =	vadd.f32 $1.000000000e+00, v35;
	v17 =	vld [tilespmem:s25+$0xFFFFFF70];
	v24 =	vor.u32 $0x3F800000, v24;
	v26 =	vadd.f32 $1.000000000e+00, v22  }
0x275: {  	v28 =	vcvt.s32.f32 v28;
	v44 =	vadd.f32 $1.000000000e+00, v37;
	v18 =	vld [tilespmem:s25+$0xFFFFFF80];
	v36 =	vadd.f32 $1.000000000e+00, v24  }
0x276: {  	v30 =	vadd.f32 $-1.000000000e+00, v30;
	v32 =	vadd.f32 $-1.000000000e+00, v32;
	(erf) = vrcp.f32 v26  }
0x277: {  	v33 =	vadd.f32 $-1.000000000e+00, v33;
	v20 =	vadd.f32 $9.999999960e-13, v20;
	(erf) = vrcp.f32 v36  }
0x278: {  	v29 =	vcvt.s32.f32 v29;
	v34 =	vadd.f32 $-1.000000000e+00, v34;
	v35 =	vadd.f32 $-1.000000000e+00, v35  }
0x279: {  	v31 =	vand.u32 $0x7FFFFF, v20;
	v20 =	vshrl.u32 v20, $0x17;
	v17 =	vadd.f32 $9.999999960e-13, v17  }
0x27a: {  	v31 =	vor.u32 $0x3F800000, v31;
	v20 =	vcvt.s32.f32 v20;
	v18 =	vadd.f32 $9.999999960e-13, v18  }
0x27b: {  	v27 =	vand.u32 $0x7FFFFF, v17;
	v16 =	vshrl.u32 v16, $0x17;
	v17 =	vshrl.u32 v17, $0x17  }
0x27c: {  	v15 =	vshrl.u32 v15, $0x17;
	v27 =	vor.u32 $0x3F800000, v27;
	v26 =	vand.u32 $0x7FFFFF, v18  }
0x27d: {  	v15 =	vcvt.s32.f32 v15;
	v38 =	vadd.f32 $1.000000000e+00, v27;
	v26 =	vor.u32 $0x3F800000, v26  }
0x27e: {  	v16 =	vcvt.s32.f32 v16;
	v22 =	vadd.f32 $-1.000000000e+00, v22;
	v39 =	vadd.f32 $1.000000000e+00, v26  }
0x27f: {  	v17 =	vcvt.s32.f32 v17;
	v24 =	vadd.f32 $-1.000000000e+00, v24;
	v62 =	vpop (erf);
	(erf) = vrcp.f32 v38  }
0x280: {  	v41 =	vadd.f32 $1.000000000e+00, v31;
	v22 =	vmul.f32 v62, v22;
	(erf) = vrcp.f32 v39;
	v52 =	vpop (erf)  }
0x281: {  	v37 =	vadd.f32 $-1.000000000e+00, v37;
	(erf) = vrcp.f32 v40;
	v24 =	vmul.f32 v52, v24  }
0x282: {  	v31 =	vadd.f32 $-1.000000000e+00, v31;
	v43 =	vmul.f32 v22, v22;
	(erf) = vrcp.f32 v41  }
0x283: {  	vm1 =	vmand vm1, vm2;
	v15 =	vmul.f32 $6.931471820e-01, v15;
	(erf) = vrcp.f32 v63  }
0x284: {  	v14 =	vnsel vm1, $0x3F800000, v14;
	v39 =	vmul.f32 v24, v24;
	v50 =	vmul.f32 $1.428571490e-01, v43  }
0x285: {  	v27 =	vadd.f32 $-1.000000000e+00, v27;
	v16 =	vmul.f32 $6.931471820e-01, v16;
	(erf) = vrcp.f32 v42  }
0x286: {  	v18 =	vshrl.u32 v18, $0x17;
	v46 =	vmul.f32 $1.428571490e-01, v39;
	v51 =	vadd.f32 $2.000000030e-01, v50  }
0x287: {  	v18 =	vcvt.s32.f32 v18;
	v26 =	vadd.f32 $-1.000000000e+00, v26;
	(erf) = vrcp.f32 v48  }
0x288: {  	(erf) = vrcp.f32 v49;
	v46 =	vadd.f32 $2.000000030e-01, v46;
	v36 =	vmul.f32 v51, v43;
	v53 =	vpop (erf)  }
0x289: {  	v22 =	vadd.f32 v22, v22;
	(erf) = vrcp.f32 v44;
	v27 =	vmul.f32 v53, v27;
	v54 =	vpop (erf)  }
0x28a: {  	v46 =	vmul.f32 v46, v39;
	v36 =	vadd.f32 $3.333333430e-01, v36;
	v26 =	vmul.f32 v54, v26;
	v55 =	vpop (erf)  }
0x28b: {  	v24 =	vadd.f32 v24, v24;
	v40 =	vmul.f32 v27, v27;
	v30 =	vmul.f32 v55, v30;
	v56 =	vpop (erf)  }
0x28c: {  	v27 =	vadd.f32 v27, v27;
	v36 =	vmul.f32 v36, v43;
	v57 =	vpop (erf);
	v31 =	vmul.f32 v56, v31  }
0x28d: {  	v46 =	vadd.f32 $3.333333430e-01, v46;
	v61 =	vmul.f32 v26, v26;
	v32 =	vmul.f32 v57, v32  }
0x28e: {  	v26 =	vadd.f32 v26, v26;
	v58 =	vpop (erf);
	v41 =	vmul.f32 v30, v30;
	v48 =	vmul.f32 $1.428571490e-01, v40  }
0x28f: {  	v39 =	vmul.f32 v46, v39;
	v30 =	vadd.f32 v30, v30;
	v33 =	vmul.f32 v58, v33  }
0x290: {  	v36 =	vadd.f32 $1.000000000e+00, v36;
	v59 =	vpop (erf);
	v63 =	vmul.f32 v31, v31;
	v49 =	vmul.f32 $1.428571490e-01, v61  }
0x291: {  	v31 =	vadd.f32 v31, v31;
	v34 =	vmul.f32 v59, v34;
	v42 =	vmul.f32 v32, v32  }
0x292: {  	v60 =	vpop (erf);
	v50 =	vmul.f32 $1.428571490e-01, v41;
	v48 =	vadd.f32 $2.000000030e-01, v48;
	v39 =	vadd.f32 $1.000000000e+00, v39  }
0x293: {  	v32 =	vadd.f32 v32, v32;
	v22 =	vmul.f32 v36, v22;
	v35 =	vmul.f32 v60, v35  }
0x294: {  	v62 =	vpop (erf);
	v43 =	vmul.f32 v33, v33;
	v51 =	vmul.f32 $1.428571490e-01, v63;
	v49 =	vadd.f32 $2.000000030e-01, v49  }
0x295: {  	v33 =	vadd.f32 v33, v33;
	v36 =	vmul.f32 v62, v37;
	v44 =	vmul.f32 v34, v34  }
0x296: {  	v52 =	vmul.f32 $1.428571490e-01, v42;
	v50 =	vadd.f32 $2.000000030e-01, v50;
	v48 =	vmul.f32 v48, v40  }
0x297: {  	v24 =	vmul.f32 v39, v24;
	v34 =	vadd.f32 v34, v34;
	v45 =	vmul.f32 v35, v35  }
0x298: {  	v53 =	vmul.f32 $1.428571490e-01, v43;
	v51 =	vadd.f32 $2.000000030e-01, v51;
	v49 =	vmul.f32 v49, v61  }
0x299: {  	v35 =	vadd.f32 v35, v35;
	v15 =	vadd.f32 v22, v15;
	v47 =	vmul.f32 v36, v36  }
0x29a: {  	v54 =	vmul.f32 $1.428571490e-01, v44;
	v52 =	vadd.f32 $2.000000030e-01, v52;
	v50 =	vmul.f32 v50, v41  }
0x29b: {  	v48 =	vadd.f32 $3.333333430e-01, v48;
	v36 =	vadd.f32 v36, v36;
	v55 =	vmul.f32 $1.428571490e-01, v45  }
0x29c: {  	v53 =	vadd.f32 $2.000000030e-01, v53;
	v51 =	vmul.f32 v51, v63;
	v49 =	vadd.f32 $3.333333430e-01, v49  }
0x29d: {  	v56 =	vmul.f32 $1.428571490e-01, v47;
	v52 =	vmul.f32 v52, v42;
	v57 =	vadd.f32 $3.333333430e-01, v50  }
0x29e: {  	v40 =	vmul.f32 v48, v40;
	v50 =	vadd.f32 $-8.802969360e+01, v15;
	v15 =	vmul.f32 $6.931471820e-01, v17  }
0x29f: {  	v54 =	vadd.f32 $2.000000030e-01, v54;
	v17 =	vmul.f32 $6.931471820e-01, v18;
	v18 =	vmul.f32 $6.931471820e-01, v19  }
0x2a0: {  	v19 =	vadd.f32 v24, v16;
	v16 =	vmul.f32 $6.931471820e-01, v20;
	v20 =	vmul.f32 $6.931471820e-01, v21  }
0x2a1: {  	v24 =	vmul.f32 $6.931471820e-01, v25;
	v55 =	vadd.f32 $2.000000030e-01, v55;
	v53 =	vmul.f32 v53, v43  }
0x2a2: {  	v58 =	vadd.f32 $3.333333430e-01, v51;
	v38 =	vmul.f32 v49, v61;
	v56 =	vadd.f32 $2.000000030e-01, v56  }
0x2a3: {  	v54 =	vmul.f32 v54, v44;
	v59 =	vadd.f32 $3.333333430e-01, v52;
	v41 =	vmul.f32 v57, v41  }
0x2a4: {  	v40 =	vadd.f32 $1.000000000e+00, v40;
	v19 =	vadd.f32 $-8.802969360e+01, v19;
	v55 =	vmul.f32 v55, v45  }
0x2a5: {  	v60 =	vadd.f32 $3.333333430e-01, v53;
	v37 =	vmul.f32 v58, v63;
	v38 =	vadd.f32 $1.000000000e+00, v38  }
0x2a6: {  	v56 =	vmul.f32 v56, v47;
	v61 =	vadd.f32 $3.333333430e-01, v54;
	v42 =	vmul.f32 v59, v42  }
0x2a7: {  	v41 =	vadd.f32 $1.000000000e+00, v41;
	v27 =	vmul.f32 v40, v27;
	v62 =	vadd.f32 $3.333333430e-01, v55  }
0x2a8: {  	v43 =	vmul.f32 v60, v43;
	v37 =	vadd.f32 $1.000000000e+00, v37;
	v26 =	vmul.f32 v38, v26  }
0x2a9: {  	v63 =	vadd.f32 $3.333333430e-01, v56;
	v44 =	vmul.f32 v61, v44;
	v42 =	vadd.f32 $1.000000000e+00, v42  }
0x2aa: {  	v30 =	vmul.f32 v41, v30;
	v21 =	vadd.f32 v27, v15;
	v15 =	vmul.f32 $6.931471820e-01, v23  }
0x2ab: {  	s16 =	sadd.s32 $0xB0, s25;
	v45 =	vmul.f32 v62, v45;
	v43 =	vadd.f32 $1.000000000e+00, v43;
	v31 =	vmul.f32 v37, v31  }
0x2ac: {  	v23 =	vld [tilespmem:s16+$0x0];
	v17 =	vadd.f32 v26, v17;
	v46 =	vmul.f32 v63, v47;
	v44 =	vadd.f32 $1.000000000e+00, v44  }
0x2ad: {  	v32 =	vmul.f32 v42, v32;
	v26 =	vadd.f32 v30, v18;
	v18 =	vmul.f32 $6.931471820e-01, v28  }
0x2ae: {  	v28 =	vmul.f32 $6.931471820e-01, v29;
	v21 =	vadd.f32 $-8.802969360e+01, v21;
	v45 =	vadd.f32 $1.000000000e+00, v45  }
0x2af: {  	v51 =	vld [tilespmem:s16+$0xFFFFFF90];
	v33 =	vmul.f32 v43, v33;
	v27 =	vadd.f32 v31, v16;
	v31 =	vadd.f32 $-8.802969360e+01, v17  }
0x2b0: {  	v29 =	vld [tilespmem:s16+$0xFFFFFF60];
	v46 =	vadd.f32 $1.000000000e+00, v46;
	v22 =	vmul.f32 v44, v34;
	v20 =	vadd.f32 v32, v20  }
0x2b1: {  	v30 =	vld [tilespmem:s16+$0xFFFFFF70];
	v48 =	vmul.f32 v45, v35;
	v25 =	vadd.f32 v33, v15;
	v33 =	vadd.f32 $9.999999960e-13, v23  }
0x2b2: {  	v23 =	vmul.f32 v19, v14;
	v19 =	vadd.f32 $-8.802969360e+01, v26;
	v26 =	vadd.f32 $-8.802969360e+01, v27  }
0x2b3: {  	s9 =	simm.s32 $0x300;
	v49 =	vmul.f32 v46, v36;
	v15 =	vadd.f32 v22, v24;
	v24 =	vmul.f32 v50, v14  }
0x2b4: {  	s20 =	simm.s32 $0x0;
	s12 =	simm.s32 $0x10;
	s9 =	sand.u32 $0x3C00, s9;
	v45 =	vadd.f32 $9.999999960e-13, v51;
	v22 =	vmul.f32 v21, v14;
	v21 =	vmul.f32 v31, v14  }
0x2b5: {  	s12 =	sand.u32 $0x70, s12;
	s18 =	sshll.u32 s1, $0x7;
	s1 =	sand.u32 $0x1C00, s20;
	v16 =	vadd.f32 v48, v18;
	v17 =	vand.u32 $0x7FFFFF, v33;
	v34 =	vadd.f32 $9.999999960e-13, v29  }
0x2b6: {  	s21 =	simm.s32 $0x80;
	s19 =	sand.u32 $0xFFFFE000, s17;
	v27 =	vld [tilespmem:s16+$0xFFFFFFA0];
	v19 =	vmul.f32 v19, v14;
	v38 =	vadd.f32 $9.999999960e-13, v30;
	v54 =	vand.u32 $0x7FFFFF, v45  }
0x2b7: {  	s31 =	sand.u32 $0x380, s18;
	s2 =	sand.u32 $0x3C00, s21;
	s21 =	simm.s32 $0x0;
	v33 =	vshrl.u32 v33, $0x17;
	v45 =	vshrl.u32 v45, $0x17;
	v18 =	vadd.f32 v49, v28  }
0x2b8: {  	s18 =	simm.s32 $0x60;
	s0 =	sadd.s32 $0x8000, s19;
	s21 =	sand.u32 $0x70, s21;
	v31 =	vld [tilespmem:s16+$0xFFFFFFC0];
	v52 =	vor.u32 $0x3F800000, v17;
	v17 =	vadd.f32 $-8.802969360e+01, v20;
	v41 =	vor.u32 $0x3F800000, v54  }
0x2b9: {  	s18 =	sand.u32 $0x70, s18;
	s9 =	sadd.s32 s9, s0;
	s1 =	sadd.s32 s1, s0;
	v29 =	vld [tilespmem:s16+$0xFFFFFFB0];
	v45 =	vcvt.s32.f32 v45;
	v15 =	vadd.f32 $-8.802969360e+01, v15;
	v20 =	vadd.f32 $1.000000000e+00, v52  }
0x2ba: {  	s2 =	sadd.s32 s2, s0;
	s9 =	sadd.s32 s18, s9;
	s18 =	sadd.s32 s21, s1;
	v53 =	vld [tilespmem:s16+$0xFFFFFFD0];
	v30 =	vand.u32 $0x7FFFFF, v34;
	v36 =	vadd.f32 $-1.000000000e+00, v52;
	v62 =	vadd.f32 $1.000000000e+00, v41  }
0x2bb: {  	s2 =	sadd.s32 s12, s2;
	s12 =	sadd.s32 s31, s18;
	v28 =	vld [tilespmem:s16+$0xFFFFFF80];
	v16 =	vadd.f32 $-8.802969360e+01, v16;
	v40 =	vor.u32 $0x3F800000, v30;
	v35 =	vadd.f32 $9.999999960e-13, v27  }
0x2bc: {  	s7 =	simm.s32 $0x200;
	[tilespmem:s12+$0x0] =	vst.add.f32.msk $0xffff, v23;
	v23 =	vadd.f32 $-8.802969360e+01, v18;
	(erf) = vrcp.f32 v20;
	v20 =	vmul.f32 v26, v14  }
0x2bd: {  	s15 =	simm.s32 $0x40;
	s7 =	sand.u32 $0x3C00, s7;
	v26 =	vand.u32 $0x7FFFFF, v38;
	v57 =	vadd.f32 $1.000000000e+00, v40;
	v40 =	vadd.f32 $-1.000000000e+00, v40  }
0x2be: {  	s15 =	sand.u32 $0x70, s15;
	s7 =	sadd.s32 s7, s0;
	v27 =	vld [tilespmem:s16+$0xFFFFFFF0];
	v32 =	vadd.f32 $9.999999960e-13, v29;
	v42 =	vor.u32 $0x3F800000, v26;
	v29 =	vadd.f32 $9.999999960e-13, v31  }
0x2bf: {  	s26 =	sadd.s32 s15, s7;
	v26 =	vand.u32 $0x7FFFFF, v35;
	v31 =	vadd.f32 $9.999999960e-13, v53;
	v35 =	vshrl.u32 v35, $0x17  }
0x2c0: {  	s7 =	sadd.s32 s31, s2;
	s2 =	sadd.s32 s31, s26;
	v39 =	vadd.f32 $9.999999960e-13, v28;
	(erf) = vrcp.f32 v57;
	v35 =	vcvt.s32.f32 v35  }
0x2c1: {  	[tilespmem:s2+$0x0] =	vst.add.f32.msk $0xffff, v20;
	v20 =	vmul.f32 v17, v14;
	v55 =	vand.u32 $0x7FFFFF, v32;
	v56 =	vand.u32 $0x7FFFFF, v29  }
0x2c2: {  	v28 =	vld [tilespmem:s16+$0xFFFFFFE0];
	v32 =	vshrl.u32 v32, $0x17;
	v29 =	vshrl.u32 v29, $0x17;
	v30 =	vand.u32 $0x7FFFFF, v39  }
0x2c3: {  	v27 =	vadd.f32 $9.999999960e-13, v27;
	v37 =	vor.u32 $0x3F800000, v55;
	v44 =	vor.u32 $0x3F800000, v56  }
0x2c4: {  	v32 =	vcvt.s32.f32 v32;
	v63 =	vadd.f32 $1.000000000e+00, v37;
	v56 =	vadd.f32 $1.000000000e+00, v44  }
0x2c5: {  	v43 =	vor.u32 $0x3F800000, v30;
	v37 =	vadd.f32 $-1.000000000e+00, v37;
	v44 =	vadd.f32 $-1.000000000e+00, v44  }
0x2c6: {  	v60 =	vadd.f32 $1.000000000e+00, v43;
	v61 =	vand.u32 $0x7FFFFF, v27;
	v43 =	vadd.f32 $-1.000000000e+00, v43  }
0x2c7: {  	v30 =	vadd.f32 $9.999999960e-13, v28;
	v28 =	vor.u32 $0x3F800000, v26;
	v26 =	vand.u32 $0x7FFFFF, v31  }
0x2c8: {  	v46 =	vor.u32 $0x3F800000, v61;
	v48 =	vor.u32 $0x3F800000, v26;
	v26 =	vadd.f32 $1.000000000e+00, v42;
	v59 =	vpop (erf)  }
0x2c9: {  	v61 =	vadd.f32 $-1.000000000e+00, v42;
	v31 =	vshrl.u32 v31, $0x17;
	v36 =	vmul.f32 v59, v36  }
0x2ca: {  	v31 =	vcvt.s32.f32 v31;
	v58 =	vand.u32 $0x7FFFFF, v30;
	(erf) = vrcp.f32 v26  }
0x2cb: {  	v30 =	vshrl.u32 v30, $0x17;
	(erf) = vrcp.f32 v60;
	v51 =	vmul.f32 v36, v36  }
0x2cc: {  	v47 =	vor.u32 $0x3F800000, v58;
	v26 =	vadd.f32 $1.000000000e+00, v28;
	v58 =	vadd.f32 $1.000000000e+00, v48  }
0x2cd: {  	v48 =	vadd.f32 $-1.000000000e+00, v48;
	(erf) = vrcp.f32 v62;
	v57 =	vmul.f32 $1.428571490e-01, v51  }
0x2ce: {  	v30 =	vcvt.s32.f32 v30;
	v59 =	vadd.f32 $1.000000000e+00, v47;
	(erf) = vrcp.f32 v26  }
0x2cf: {  	v60 =	vadd.f32 $1.000000000e+00, v46;
	(erf) = vrcp.f32 v63;
	v52 =	vadd.f32 $2.000000030e-01, v57  }
0x2d0: {  	v47 =	vadd.f32 $-1.000000000e+00, v47;
	v46 =	vadd.f32 $-1.000000000e+00, v46;
	v63 =	vpop (erf);
	(erf) = vrcp.f32 v56  }
0x2d1: {  	v56 =	vadd.f32 $-1.000000000e+00, v41;
	v41 =	vmul.f32 v63, v40;
	v62 =	vmul.f32 v52, v51  }
0x2d2: {  	v30 =	vmul.f32 $6.931471820e-01, v30;
	(erf) = vrcp.f32 v58;
	v57 =	vadd.f32 $-1.000000000e+00, v28  }
0x2d3: {  	(erf) = vrcp.f32 v59;
	v50 =	vmul.f32 v41, v41;
	v58 =	vpop (erf);
	v28 =	vadd.f32 $3.333333430e-01, v62  }
0x2d4: {  	v26 =	vshrl.u32 v34, $0x17;
	v42 =	vmul.f32 v58, v61;
	v59 =	vpop (erf);
	v62 =	vcvt.s32.f32 v33  }
0x2d5: {  	v63 =	vadd.f32 v36, v36;
	v40 =	vmul.f32 v59, v43;
	v59 =	vmul.f32 $1.428571490e-01, v50  }
0x2d6: {  	(erf) = vrcp.f32 v60;
	v43 =	vshrl.u32 v38, $0x17;
	v60 =	vmul.f32 v28, v51  }
0x2d7: {  	s5 =	simm.s32 $0xA0;
	s22 =	simm.s32 $0x100;
	v51 =	vmul.f32 v42, v42;
	v49 =	vmul.f32 $6.931471820e-01, v62;
	v53 =	vadd.f32 $2.000000030e-01, v59;
	v28 =	vpop (erf)  }
0x2d8: {  	s4 =	simm.s32 $0x500;
	s6 =	simm.s32 $0x180;
	s8 =	simm.s32 $0x280;
	v43 =	vcvt.s32.f32 v43;
	v34 =	vadd.f32 $1.000000000e+00, v60;
	v28 =	vmul.f32 v28, v56;
	v61 =	vpop (erf)  }
0x2d9: {  	s23 =	simm.s32 $0x380;
	s11 =	simm.s32 $0x400;
	s24 =	simm.s32 $0x480;
	v41 =	vadd.f32 v41, v41;
	v53 =	vmul.f32 v53, v50;
	v55 =	vpop (erf);
	v36 =	vmul.f32 v61, v57  }
0x2da: {  	s13 =	simm.s32 $0x20;
	s14 =	simm.s32 $0x30;
	s4 =	sand.u32 $0x3C00, s4;
	v42 =	vadd.f32 v42, v42;
	v52 =	vmul.f32 v34, v63;
	v61 =	vmul.f32 $1.428571490e-01, v51;
	v56 =	vpop (erf)  }
0x2db: {  	s5 =	sand.u32 $0x70, s5;
	s6 =	sand.u32 $0x3C00, s6;
	s8 =	sand.u32 $0x3C00, s8;
	v33 =	vmul.f32 v55, v37;
	v53 =	vadd.f32 $3.333333430e-01, v53;
	v37 =	vmul.f32 v56, v44  }
0x2dc: {  	s11 =	sand.u32 $0x3C00, s11;
	s13 =	sand.u32 $0x70, s13;
	s14 =	sand.u32 $0x70, s14;
	v57 =	vpop (erf);
	v44 =	vshrl.u32 v39, $0x17;
	v62 =	vmul.f32 v36, v36;
	v49 =	vadd.f32 v52, v49  }
0x2dd: {  	s3 =	sand.u32 $0x3C00, s22;
	s22 =	simm.s32 $0x880;
	s20 =	simm.s32 $0x90;
	v36 =	vadd.f32 v36, v36;
	v34 =	vmul.f32 v57, v48;
	v48 =	vmul.f32 v40, v40  }
0x2de: {  	s22 =	sand.u32 $0x3C00, s22;
	s17 =	simm.s32 $0x50;
	s20 =	sand.u32 $0x70, s20;
	v58 =	vpop (erf);
	v55 =	vmul.f32 v33, v33;
	v50 =	vmul.f32 v53, v50;
	v40 =	vadd.f32 v40, v40  }
0x2df: {  	s19 =	simm.s32 $0x70;
	s17 =	sand.u32 $0x70, s17;
	s4 =	sadd.s32 s4, s0;
	v44 =	vcvt.s32.f32 v44;
	v33 =	vadd.f32 v33, v33;
	v38 =	vmul.f32 v58, v47  }
0x2e0: {  	s3 =	sadd.s32 s3, s0;
	s6 =	sadd.s32 s6, s0;
	s8 =	sadd.s32 s8, s0;
	v60 =	vpop (erf);
	v47 =	vmul.f32 v28, v28;
	v58 =	vmul.f32 $1.428571490e-01, v62;
	v49 =	vadd.f32 $-8.802969360e+01, v49  }
0x2e1: {  	s11 =	sadd.s32 s11, s0;
	s19 =	sand.u32 $0x70, s19;
	s22 =	sadd.s32 s22, s0;
	v28 =	vadd.f32 v28, v28;
	v39 =	vmul.f32 v60, v46;
	v63 =	vmul.f32 $1.428571490e-01, v48  }
0x2e2: {  	s4 =	sadd.s32 s5, s4;
	s5 =	sand.u32 $0x3C00, s23;
	s3 =	sadd.s32 s13, s3;
	v46 =	vadd.f32 $2.000000030e-01, v61;
	v60 =	vmul.f32 v37, v37;
	v59 =	vmul.f32 $1.428571490e-01, v55  }
0x2e3: {  	s6 =	sadd.s32 s14, s6;
	s8 =	sadd.s32 s17, s8;
	s29 =	sadd.s32 s21, s11;
	v50 =	vadd.f32 $1.000000000e+00, v50;
	v18 =	vmul.f32 $6.931471820e-01, v44;
	v57 =	vmul.f32 $1.428571490e-01, v47  }
0x2e4: {  	s21 =	simm.s32 $0x780;
	s23 =	simm.s32 $0x900;
	s17 =	simm.s32 $0x980;
	v58 =	vadd.f32 $2.000000030e-01, v58;
	v56 =	vadd.f32 $2.000000030e-01, v63;
	v46 =	vmul.f32 v46, v51  }
0x2e5: {  	s10 =	sadd.s32 s31, s4;
	s4 =	sand.u32 $0x3C00, s24;
	s5 =	sadd.s32 s5, s0;
	v61 =	vmul.f32 $1.428571490e-01, v60;
	v59 =	vadd.f32 $2.000000030e-01, v59;
	v41 =	vmul.f32 v50, v41  }
0x2e6: {  	s3 =	sadd.s32 s31, s3;
	s1 =	sadd.s32 s31, s29;
	s29 =	simm.s32 $0xA80;
	v57 =	vadd.f32 $2.000000030e-01, v57;
	v58 =	vmul.f32 v58, v62;
	v46 =	vadd.f32 $3.333333430e-01, v46  }
0x2e7: {  	s26 =	simm.s32 $0x800;
	s23 =	sand.u32 $0x3C00, s23;
	s17 =	sand.u32 $0x3C00, s17;
	v56 =	vmul.f32 v56, v48;
	v53 =	vadd.f32 $2.000000030e-01, v61;
	v59 =	vmul.f32 v59, v55  }
0x2e8: {  	s4 =	sadd.s32 s4, s0;
	s28 =	sadd.s32 s19, s5;
	s5 =	sadd.s32 s31, s9;
	v57 =	vmul.f32 v57, v47;
	v58 =	vadd.f32 $3.333333430e-01, v58;
	v46 =	vmul.f32 v46, v51  }
0x2e9: {  	s19 =	simm.s32 $0x600;
	s9 =	simm.s32 $0x150;
	s23 =	sadd.s32 s23, s0;
	v56 =	vadd.f32 $3.333333430e-01, v56;
	v51 =	vmul.f32 v34, v34;
	v53 =	vmul.f32 v53, v60  }
0x2ea: {  	s30 =	sadd.s32 s20, s4;
	s4 =	sadd.s32 s31, s6;
	s6 =	sadd.s32 s31, s8;
	v59 =	vadd.f32 $3.333333430e-01, v59;
	v34 =	vadd.f32 v34, v34;
	v54 =	vmul.f32 v58, v62  }
0x2eb: {  	s11 =	sadd.s32 s31, s28;
	s8 =	simm.s32 $0x580;
	s28 =	simm.s32 $0x680;
	v57 =	vadd.f32 $3.333333430e-01, v57;
	v48 =	vmul.f32 v56, v48;
	v56 =	vmul.f32 v38, v38  }
0x2ec: {  	s17 =	sadd.s32 s17, s0;
	s20 =	sand.u32 $0x3C00, s29;
	s24 =	sand.u32 $0x70, s9;
	v62 =	vmul.f32 $1.428571490e-01, v51;
	v53 =	vadd.f32 $3.333333430e-01, v53;
	v55 =	vmul.f32 v59, v55  }
0x2ed: {  	s14 =	sand.u32 $0x3C00, s19;
	s29 =	simm.s32 $0xE0;
	s15 =	sadd.s32 s31, s30;
	v46 =	vadd.f32 $1.000000000e+00, v46;
	v38 =	vadd.f32 v38, v38;
	v47 =	vmul.f32 v57, v47  }
0x2ee: {  	s30 =	simm.s32 $0x700;
	s13 =	sadd.s32 s20, s0;
	s18 =	sand.u32 $0x3C00, s28;
	v57 =	vmul.f32 v39, v39;
	v39 =	vadd.f32 v39, v39;
	v63 =	vmul.f32 $1.428571490e-01, v56  }
0x2ef: {  	s28 =	simm.s32 $0xC0;
	s14 =	sadd.s32 s14, s0;
	s13 =	sadd.s32 s24, s13;
	v52 =	vmul.f32 v53, v60;
	v58 =	vadd.f32 $2.000000030e-01, v62;
	v48 =	vadd.f32 $1.000000000e+00, v48  }
0x2f0: {  	s19 =	sand.u32 $0x3C00, s30;
	s24 =	sand.u32 $0x3C00, s21;
	s21 =	sand.u32 $0x3C00, s26;
	v62 =	vcvt.s32.f32 v26;
	v26 =	vadd.f32 $1.000000000e+00, v54;
	v42 =	vmul.f32 v46, v42  }
0x2f1: {  	s26 =	simm.s32 $0xD0;
	s20 =	sand.u32 $0x70, s28;
	s18 =	sadd.s32 s18, s0;
	v60 =	vmul.f32 $1.428571490e-01, v57;
	v59 =	vadd.f32 $2.000000030e-01, v63;
	v58 =	vmul.f32 v58, v51  }
0x2f2: {  	s28 =	sand.u32 $0x70, s29;
	s30 =	simm.s32 $0xF0;
	s14 =	sadd.s32 s20, s14;
	v63 =	vadd.f32 $1.000000000e+00, v55;
	v52 =	vadd.f32 $1.000000000e+00, v52;
	v55 =	vcvt.s32.f32 v29  }
0x2f3: {  	s19 =	sadd.s32 s19, s0;
	s26 =	sand.u32 $0x70, s26;
	s29 =	sadd.s32 s24, s0;
	v29 =	vadd.f32 v37, v37;
	v40 =	vmul.f32 v48, v40;
	v36 =	vmul.f32 v26, v36  }
0x2f4: {  	s30 =	sand.u32 $0x70, s30;
	s21 =	sadd.s32 s21, s0;
	s20 =	sadd.s32 s26, s18;
	[tilespmem:s10+$0x0] =	vst.add.f32.msk $0xffff, v24;
	v24 =	vmul.f32 $6.931471820e-01, v62;
	v62 =	vmul.f32 $6.931471820e-01, v35;
	v53 =	vadd.f32 $2.000000030e-01, v60  }
0x2f5: {  	s18 =	sadd.s32 s28, s19;
	s28 =	simm.s32 $0x100;
	s19 =	sadd.s32 s30, s29;
	v60 =	vshrl.u32 v27, $0x17;
	v27 =	vmul.f32 v49, v14;
	v59 =	vmul.f32 v59, v56  }
0x2f6: {  	s26 =	simm.s32 $0x110;
	s30 =	simm.s32 $0x120;
	s29 =	sand.u32 $0x70, s28;
	v47 =	vadd.f32 $1.000000000e+00, v47;
	v37 =	vcvt.s32.f32 v60;
	v60 =	vmul.f32 v52, v29  }
0x2f7: {  	s24 =	sand.u32 $0x70, s26;
	s28 =	simm.s32 $0xA00;
	s26 =	sand.u32 $0x70, s30;
	[tilespmem:s3+$0x0] =	vst.add.f32.msk $0xffff, v21;
	v58 =	vadd.f32 $3.333333430e-01, v58;
	v29 =	vmul.f32 $6.931471820e-01, v43;
	v21 =	vmul.f32 $6.931471820e-01, v55  }
0x2f8: {  	s30 =	sand.u32 $0x1C00, s8;
	s21 =	sadd.s32 s29, s21;
	s22 =	sadd.s32 s24, s22;
	[tilespmem:s7+$0x0] =	vst.add.f32.msk $0xffff, v22;
	v22 =	vadd.f32 v41, v24;
	v24 =	vmul.f32 $6.931471820e-01, v31;
	v53 =	vmul.f32 v53, v57  }
0x2f9: {  	s24 =	sand.u32 $0x3C00, s28;
	s23 =	sadd.s32 s26, s23;
	s29 =	simm.s32 $0x140;
	v31 =	vadd.f32 v40, v18;
	v61 =	vadd.f32 $3.333333430e-01, v59;
	v51 =	vmul.f32 v58, v51  }
0x2fa: {  	s28 =	simm.s32 $0xB0;
	s24 =	sadd.s32 s24, s0;
	s26 =	sand.u32 $0x70, s29;
	v58 =	vmul.f32 v63, v33;
	v59 =	vadd.f32 $-8.802969360e+01, v25;
	v53 =	vadd.f32 $3.333333430e-01, v53  }
0x2fb: {  	s29 =	sand.u32 $0x70, s28;
	s10 =	sadd.s32 s30, s0;
	s30 =	sadd.s32 s31, s13;
	v63 =	vmul.f32 $6.931471820e-01, v32;
	v29 =	vadd.f32 v42, v29;
	v49 =	vmul.f32 v61, v56  }
0x2fc: {  	s24 =	sadd.s32 s26, s24;
	s17 =	sadd.s32 s29, s17;
	s12 =	sadd.s32 s31, s23;
	[tilespmem:s30+$0x0] =	vst.add.f32.msk $0xffff, v27;
	v32 =	vadd.f32 v36, v62;
	v27 =	vadd.f32 v60, v21;
	v53 =	vmul.f32 v53, v57  }
0x2fd: {  	s3 =	sadd.s32 s31, s14;
	s7 =	sadd.s32 s31, s20;
	s14 =	sadd.s32 s31, s18;
	[tilespmem:s4+$0x0] =	vst.add.f32.msk $0xffff, v19;
	v19 =	vmul.f32 $6.931471820e-01, v37;
	v51 =	vadd.f32 $1.000000000e+00, v51;
	v49 =	vadd.f32 $1.000000000e+00, v49  }
0x2fe: {  	s13 =	sadd.s32 s31, s19;
	s18 =	sadd.s32 s31, s21;
	s26 =	sadd.s32 s29, s10;
	v61 =	vmul.f32 $6.931471820e-01, v45;
	v57 =	vmul.f32 v47, v28;
	v53 =	vadd.f32 $1.000000000e+00, v53  }
0x2ff: {  	s10 =	simm.s32 $0xB;
	s4 =	sadd.s32 s31, s22;
	s20 =	sadd.s32 s31, s26;
	v18 =	vadd.f32 v58, v63;
	v26 =	vmul.f32 v51, v34;
	v28 =	vmul.f32 v49, v38  }
0x300: {  	s2 =	sadd.s32 s31, s17;
	s17 =	sadd.s32 s31, s24;
	s16 =	sadd.s32 $0xB0, s16;
	v21 =	vmul.f32 v59, v14;
	v33 =	vadd.f32 v57, v61;
	v25 =	vmul.f32 v53, v39  }
.LBB2_14:
0x301: {  	v34 =	vld [tilespmem:s16+$0x0];
	s10 =	sadd.s32 $0xB, s10;
	v24 =	vadd.f32 v26, v24;
	v28 =	vadd.f32 v28, v30;
	v30 =	vmul.f32 v15, v14  }
0x302: {  	v15 =	vadd.f32 $-8.802969360e+01, v22;
	v19 =	vadd.f32 v25, v19;
	v22 =	vmul.f32 v16, v14;
	v35 =	vld [tilespmem:s16+$0xFFFFFF60];
	p0 =	slt.u32 s10, $0x2C  }
0x303: {  	v16 =	vadd.f32 $-8.802969360e+01, v29;
	v29 =	vadd.f32 $-8.802969360e+01, v31;
	v23 =	vmul.f32 v23, v14;
	v25 =	vld [tilespmem:s16+$0xFFFFFF70]  }
0x304: {  	v33 =	vadd.f32 $-8.802969360e+01, v33;
	v32 =	vadd.f32 $-8.802969360e+01, v32;
	v36 =	vmul.f32 v15, v14;
	v31 =	vld [tilespmem:s16+$0xFFFFFF80]  }
0x305: {  	v18 =	vadd.f32 $-8.802969360e+01, v18;
	v17 =	vadd.f32 $-8.802969360e+01, v27;
	v38 =	vmul.f32 v16, v14;
	v37 =	vld [tilespmem:s16+$0xFFFFFF90]  }
0x306: {  	v29 =	vmul.f32 v29, v14;
	v15 =	vadd.f32 $-8.802969360e+01, v24;
	v27 =	vld [tilespmem:s16+$0xFFFFFFA0];
	v26 =	vadd.f32 $9.999999960e-13, v34  }
0x307: {  	v33 =	vmul.f32 v33, v14;
	v16 =	vadd.f32 $-8.802969360e+01, v28;
	v24 =	vadd.f32 $9.999999960e-13, v35;
	v34 =	vld [tilespmem:s16+$0xFFFFFFB0]  }
0x308: {  	v32 =	vmul.f32 v32, v14;
	v25 =	vadd.f32 $9.999999960e-13, v25;
	v28 =	vld [tilespmem:s16+$0xFFFFFFC0];
	v35 =	vand.u32 $0x7FFFFF, v26  }
0x309: {  	v39 =	vand.u32 $0x7FFFFF, v24;
	v31 =	vadd.f32 $9.999999960e-13, v31;
	v40 =	vld [tilespmem:s16+$0xFFFFFFD0];
	v35 =	vor.u32 $0x3F800000, v35  }
0x30a: {  	v41 =	vand.u32 $0x7FFFFF, v25;
	v37 =	vadd.f32 $9.999999960e-13, v37;
	v42 =	vld [tilespmem:s16+$0xFFFFFFE0];
	v43 =	vadd.f32 $1.000000000e+00, v35  }
0x30b: {  	v39 =	vor.u32 $0x3F800000, v39;
	v44 =	vand.u32 $0x7FFFFF, v31;
	v27 =	vadd.f32 $9.999999960e-13, v27;
	v45 =	vld [tilespmem:s16+$0xFFFFFFF0]  }
0x30c: {  	v46 =	vand.u32 $0x7FFFFF, v37;
	v47 =	vadd.f32 $9.999999960e-13, v34;
	(erf) = vrcp.f32 v43;
	[tilespmem:s20+$0x0] =	vst.add.f32.msk $0xffff, v36  }
0x30d: {  	v41 =	vor.u32 $0x3F800000, v41;
	v36 =	vand.u32 $0x7FFFFF, v27;
	v43 =	vadd.f32 $9.999999960e-13, v28;
	[tilespmem:s3+$0x0] =	vst.add.f32.msk $0xffff, v38  }
0x30e: {  	v28 =	vor.u32 $0x3F800000, v44;
	v38 =	vand.u32 $0x7FFFFF, v47;
	v44 =	vadd.f32 $9.999999960e-13, v40;
	[tilespmem:s7+$0x0] =	vst.add.f32.msk $0xffff, v29  }
0x30f: {  	v29 =	vor.u32 $0x3F800000, v46;
	v40 =	vand.u32 $0x7FFFFF, v43;
	v34 =	vadd.f32 $9.999999960e-13, v42;
	[tilespmem:s14+$0x0] =	vst.add.f32.msk $0xffff, v33  }
0x310: {  	v33 =	vor.u32 $0x3F800000, v36;
	v42 =	vand.u32 $0x7FFFFF, v44;
	v36 =	vadd.f32 $9.999999960e-13, v45;
	[tilespmem:s13+$0x0] =	vst.add.f32.msk $0xffff, v32  }
0x311: {  	v32 =	vor.u32 $0x3F800000, v38;
	v38 =	vor.u32 $0x3F800000, v40;
	v40 =	vand.u32 $0x7FFFFF, v34;
	[tilespmem:s6+$0x0] =	vst.add.f32.msk $0xffff, v20;
	s6 =	smov.u32 s18  }
0x312: {  	v42 =	vor.u32 $0x3F800000, v42;
	v40 =	vor.u32 $0x3F800000, v40;
	v20 =	vand.u32 $0x7FFFFF, v36;
	[tilespmem:s5+$0x0] =	vst.add.f32.msk $0xffff, v21;
	s5 =	smov.u32 s4  }
0x313: {  	v48 =	vadd.f32 $1.000000000e+00, v39;
	v45 =	vadd.f32 $1.000000000e+00, v41;
	v46 =	vor.u32 $0x3F800000, v20;
	[tilespmem:s11+$0x0] =	vst.add.f32.msk $0xffff, v30;
	s11 =	smov.u32 s12  }
0x314: {  	v20 =	vshrl.u32 v24, $0x17;
	v24 =	vadd.f32 $1.000000000e+00, v28;
	v30 =	vadd.f32 $-1.000000000e+00, v35;
	[tilespmem:s1+$0x0] =	vst.add.f32.msk $0xffff, v22;
	s1 =	smov.u32 s2  }
0x315: {  	v35 =	vadd.f32 $1.000000000e+00, v33;
	v22 =	vadd.f32 $1.000000000e+00, v29;
	(erf) = vrcp.f32 v48;
	v21 =	vpop (erf);
	[tilespmem:s15+$0x0] =	vst.add.f32.msk $0xffff, v23;
	s15 =	smov.u32 s17  }
0x316: {  	v23 =	vadd.f32 $1.000000000e+00, v32;
	v48 =	vadd.f32 $1.000000000e+00, v38;
	v30 =	vmul.f32 v21, v30  }
0x317: {  	v49 =	vadd.f32 $1.000000000e+00, v40;
	v21 =	vadd.f32 $1.000000000e+00, v42;
	(erf) = vrcp.f32 v45  }
0x318: {  	v45 =	vadd.f32 $1.000000000e+00, v46;
	v50 =	vmul.f32 v30, v30;
	(erf) = vrcp.f32 v24  }
0x319: {  	v24 =	vadd.f32 $-1.000000000e+00, v39;
	v39 =	vadd.f32 $-1.000000000e+00, v41;
	(erf) = vrcp.f32 v22  }
0x31a: {  	v28 =	vadd.f32 $-1.000000000e+00, v28;
	v22 =	vmul.f32 $1.428571490e-01, v50;
	(erf) = vrcp.f32 v35  }
0x31b: {  	v33 =	vadd.f32 $-1.000000000e+00, v33;
	v29 =	vadd.f32 $-1.000000000e+00, v29;
	(erf) = vrcp.f32 v23  }
0x31c: {  	v32 =	vadd.f32 $-1.000000000e+00, v32;
	v22 =	vadd.f32 $2.000000030e-01, v22;
	(erf) = vrcp.f32 v48  }
0x31d: {  	v35 =	vadd.f32 $-1.000000000e+00, v38;
	v38 =	vadd.f32 $-1.000000000e+00, v42;
	(erf) = vrcp.f32 v21  }
0x31e: {  	v42 =	vadd.f32 $-1.000000000e+00, v40;
	v41 =	vmul.f32 v22, v50;
	v21 =	vpop (erf);
	(erf) = vrcp.f32 v49  }
0x31f: {  	v46 =	vadd.f32 $-1.000000000e+00, v46;
	v48 =	vmul.f32 v21, v24;
	(erf) = vrcp.f32 v45  }
0x320: {  	v24 =	vshrl.u32 v25, $0x17;
	v21 =	vshrl.u32 v31, $0x17;
	v31 =	vadd.f32 $3.333333430e-01, v41;
	v22 =	vpop (erf)  }
0x321: {  	v40 =	vmul.f32 v48, v48;
	v39 =	vmul.f32 v22, v39;
	v22 =	vshrl.u32 v37, $0x17;
	v23 =	vpop (erf)  }
0x322: {  	v49 =	vmul.f32 v23, v28;
	v23 =	vshrl.u32 v27, $0x17;
	v45 =	vmul.f32 v31, v50;
	v25 =	vpop (erf)  }
0x323: {  	v26 =	vshrl.u32 v26, $0x17;
	v41 =	vmul.f32 v39, v39;
	v25 =	vmul.f32 v25, v29;
	v28 =	vpop (erf)  }
0x324: {  	v30 =	vadd.f32 v30, v30;
	v50 =	vcvt.s32.f32 v26;
	v37 =	vadd.f32 $1.000000000e+00, v45;
	v27 =	vpop (erf)  }
0x325: {  	v26 =	vshrl.u32 v47, $0x17;
	v29 =	vmul.f32 v28, v33;
	v28 =	vmul.f32 v27, v32;
	v32 =	vpop (erf)  }
0x326: {  	v45 =	vmul.f32 $6.931471820e-01, v50;
	v27 =	vshrl.u32 v43, $0x17;
	v37 =	vmul.f32 v37, v30;
	v31 =	vpop (erf)  }
0x327: {  	v32 =	vmul.f32 v32, v35;
	v30 =	vshrl.u32 v44, $0x17;
	v31 =	vmul.f32 v31, v38;
	v33 =	vpop (erf)  }
0x328: {  	s8 =	sadd.s32 $0x580, s8;
	v43 =	vmul.f32 v49, v49;
	v33 =	vmul.f32 v33, v42;
	v37 =	vadd.f32 v37, v45;
	v35 =	vpop (erf)  }
0x329: {  	s3 =	sadd.s32 $0x100, s8;
	v34 =	vshrl.u32 v34, $0x17;
	s4 =	sadd.s32 $0x500, s8;
	s2 =	sadd.s32 $0x80, s8;
	v45 =	vmul.f32 v25, v25;
	v35 =	vmul.f32 v35, v46  }
0x32a: {  	s9 =	sadd.s32 $0xB0, s9;
	s7 =	sadd.s32 $0x180, s8;
	s4 =	sand.u32 $0x3C00, s4;
	v47 =	vmul.f32 v29, v29;
	v44 =	vmul.f32 v28, v28;
	v38 =	vadd.f32 $-8.802969360e+01, v37  }
0x32b: {  	s13 =	sand.u32 $0x70, s9;
	v36 =	vshrl.u32 v36, $0x17;
	s12 =	sadd.s32 $0x200, s8;
	s4 =	sadd.s32 s4, s0;
	v50 =	vmul.f32 v32, v32;
	v42 =	vmul.f32 v31, v31  }
0x32c: {  	s14 =	sadd.s32 $0x280, s8;
	s17 =	sadd.s32 $0x300, s8;
	s4 =	sadd.s32 s13, s4;
	v37 =	vadd.f32 v48, v48;
	v46 =	vmul.f32 v33, v33;
	v48 =	vmul.f32 v38, v14  }
0x32d: {  	s18 =	sadd.s32 $0x400, s8;
	s13 =	sadd.s32 $0x380, s8;
	s4 =	sadd.s32 s31, s4;
	v51 =	vmul.f32 $1.428571490e-01, v40;
	v52 =	vmul.f32 v35, v35;
	v38 =	vadd.f32 v39, v39  }
0x32e: {  	s19 =	sadd.s32 $0x480, s8;
	s3 =	sand.u32 $0x3C00, s3;
	s2 =	sand.u32 $0x3C00, s2;
	v53 =	vmul.f32 $1.428571490e-01, v41;
	v54 =	vmul.f32 $1.428571490e-01, v43;
	v39 =	vadd.f32 v49, v49;
	[tilespmem:s4+$0x0] =	vst.add.f32.msk $0xffff, v48  }
0x32f: {  	v49 =	vmul.f32 $1.428571490e-01, v45;
	v48 =	vadd.f32 $2.000000030e-01, v51;
	s4 =	sand.u32 $0x3C00, s7;
	v51 =	vmul.f32 $1.428571490e-01, v47;
	s7 =	sand.u32 $0x3C00, s12;
	s12 =	sand.u32 $0x3C00, s14  }
0x330: {  	s13 =	sand.u32 $0x3C00, s13;
	v53 =	vadd.f32 $2.000000030e-01, v53;
	v55 =	vmul.f32 $1.428571490e-01, v44;
	v56 =	vmul.f32 $1.428571490e-01, v50;
	s14 =	sand.u32 $0x3C00, s17;
	s17 =	sand.u32 $0x3C00, s18  }
0x331: {  	s19 =	sand.u32 $0x3C00, s19;
	s2 =	sadd.s32 s2, s0;
	v54 =	vadd.f32 $2.000000030e-01, v54;
	v57 =	vmul.f32 $1.428571490e-01, v42;
	v58 =	vmul.f32 $1.428571490e-01, v46;
	s18 =	sand.u32 $0x1C00, s8  }
0x332: {  	s21 =	sadd.s32 $0xFFFFFF80, s9;
	s20 =	sadd.s32 $0xFFFFFF70, s9;
	s3 =	sadd.s32 s3, s0;
	v59 =	vmul.f32 $1.428571490e-01, v52;
	v49 =	vadd.f32 $2.000000030e-01, v49;
	v51 =	vadd.f32 $2.000000030e-01, v51  }
0x333: {  	s22 =	sadd.s32 $0xFFFFFF90, s9;
	s23 =	sadd.s32 $0xFFFFFFA0, s9;
	s24 =	sadd.s32 $0xFFFFFFB0, s9;
	v55 =	vadd.f32 $2.000000030e-01, v55;
	v56 =	vadd.f32 $2.000000030e-01, v56;
	v48 =	vmul.f32 v48, v40  }
0x334: {  	s26 =	sadd.s32 $0xFFFFFFC0, s9;
	s28 =	sadd.s32 $0xFFFFFFD0, s9;
	s30 =	sadd.s32 $0xFFFFFFF0, s9;
	v53 =	vmul.f32 v53, v41;
	v57 =	vadd.f32 $2.000000030e-01, v57;
	v58 =	vadd.f32 $2.000000030e-01, v58  }
0x335: {  	s29 =	sadd.s32 $0xFFFFFF60, s9;
	v54 =	vmul.f32 v54, v43;
	s4 =	sadd.s32 s4, s0;
	s7 =	sadd.s32 s7, s0;
	v59 =	vadd.f32 $2.000000030e-01, v59;
	v49 =	vmul.f32 v49, v45  }
0x336: {  	s13 =	sadd.s32 s13, s0;
	v55 =	vmul.f32 v55, v44;
	s12 =	sadd.s32 s12, s0;
	s14 =	sadd.s32 s14, s0;
	v48 =	vadd.f32 $3.333333430e-01, v48;
	v51 =	vmul.f32 v51, v47  }
0x337: {  	s29 =	sand.u32 $0x70, s29;
	s19 =	sadd.s32 s19, s0;
	v53 =	vadd.f32 $3.333333430e-01, v53;
	v56 =	vmul.f32 v56, v50;
	v57 =	vmul.f32 v57, v42;
	s17 =	sadd.s32 s17, s0  }
0x338: {  	s21 =	sand.u32 $0x70, s21;
	s20 =	sand.u32 $0x70, s20;
	v54 =	vadd.f32 $3.333333430e-01, v54;
	s18 =	sadd.s32 s18, s0;
	v58 =	vmul.f32 v58, v46;
	v59 =	vmul.f32 v59, v52  }
0x339: {  	s22 =	sand.u32 $0x70, s22;
	s23 =	sand.u32 $0x70, s23;
	s24 =	sand.u32 $0x70, s24;
	v40 =	vmul.f32 v48, v40;
	v48 =	vadd.f32 $3.333333430e-01, v49;
	v49 =	vadd.f32 $3.333333430e-01, v51  }
0x33a: {  	s26 =	sand.u32 $0x70, s26;
	s28 =	sand.u32 $0x70, s28;
	s30 =	sand.u32 $0x70, s30;
	v41 =	vmul.f32 v53, v41;
	v53 =	vadd.f32 $3.333333430e-01, v56;
	v51 =	vadd.f32 $3.333333430e-01, v55  }
0x33b: {  	s2 =	sadd.s32 s20, s2;
	s20 =	sadd.s32 s21, s3;
	v43 =	vmul.f32 v54, v43;
	s4 =	sadd.s32 s22, s4;
	v54 =	vadd.f32 $3.333333430e-01, v57;
	v55 =	vadd.f32 $3.333333430e-01, v58  }
0x33c: {  	s21 =	sadd.s32 s23, s7;
	s12 =	sadd.s32 s24, s12;
	s22 =	sadd.s32 s26, s14;
	v45 =	vmul.f32 v48, v45;
	v47 =	vmul.f32 v49, v47;
	v48 =	vadd.f32 $3.333333430e-01, v59  }
0x33d: {  	s19 =	sadd.s32 s30, s19;
	s23 =	sadd.s32 s28, s13;
	s17 =	sadd.s32 s29, s17;
	v40 =	vadd.f32 $1.000000000e+00, v40;
	v44 =	vmul.f32 v51, v44;
	v49 =	vmul.f32 v53, v50  }
0x33e: {  	s3 =	sadd.s32 s31, s2;
	v41 =	vadd.f32 $1.000000000e+00, v41;
	s24 =	sadd.s32 s29, s18;
	s7 =	sadd.s32 s31, s20;
	v42 =	vmul.f32 v54, v42;
	v46 =	vmul.f32 v55, v46  }
0x33f: {  	v43 =	vadd.f32 $1.000000000e+00, v43;
	s14 =	sadd.s32 s31, s4;
	s13 =	sadd.s32 s31, s21;
	s18 =	sadd.s32 s31, s12;
	v45 =	vadd.f32 $1.000000000e+00, v45;
	v48 =	vmul.f32 v48, v52  }
0x340: {  	v20 =	vcvt.s32.f32 v20;
	s4 =	sadd.s32 s31, s22;
	s12 =	sadd.s32 s31, s23;
	s2 =	sadd.s32 s31, s17;
	v47 =	vadd.f32 $1.000000000e+00, v47;
	v44 =	vadd.f32 $1.000000000e+00, v44  }
0x341: {  	v24 =	vcvt.s32.f32 v24;
	s20 =	sadd.s32 s31, s24;
	s17 =	sadd.s32 s31, s19;
	v42 =	vadd.f32 $1.000000000e+00, v42;
	v49 =	vadd.f32 $1.000000000e+00, v49  }
0x342: {  	v21 =	vcvt.s32.f32 v21;
	v46 =	vadd.f32 $1.000000000e+00, v46;
	v48 =	vadd.f32 $1.000000000e+00, v48  }
0x343: {  	v22 =	vcvt.s32.f32 v22;
	v29 =	vadd.f32 v29, v29;
	v25 =	vadd.f32 v25, v25  }
0x344: {  	v28 =	vadd.f32 v28, v28;
	v32 =	vadd.f32 v32, v32;
	v50 =	vcvt.s32.f32 v23  }
0x345: {  	v51 =	vcvt.s32.f32 v26;
	v26 =	vadd.f32 v31, v31;
	v31 =	vadd.f32 v33, v33  }
0x346: {  	v27 =	vcvt.s32.f32 v27;
	v30 =	vcvt.s32.f32 v30;
	v33 =	vadd.f32 v35, v35  }
0x347: {  	v34 =	vcvt.s32.f32 v34;
	v35 =	vcvt.s32.f32 v36;
	v23 =	vadd.f32 $-8.802969360e+01, v19  }
0x348: {  	v36 =	vmul.f32 v41, v38;
	v19 =	vmul.f32 v40, v37  }
0x349: {  	v37 =	vmul.f32 v43, v39;
	v38 =	vmul.f32 v45, v25  }
0x34a: {  	v39 =	vmul.f32 v47, v29;
	v40 =	vmul.f32 v44, v28  }
0x34b: {  	v26 =	vmul.f32 v42, v26;
	v41 =	vmul.f32 v49, v32  }
0x34c: {  	v28 =	vmul.f32 v46, v31;
	v25 =	vmul.f32 v48, v33  }
0x34d: {  	v20 =	vmul.f32 $6.931471820e-01, v20;
	v24 =	vmul.f32 $6.931471820e-01, v24  }
0x34e: {  	v21 =	vmul.f32 $6.931471820e-01, v21;
	v32 =	vmul.f32 $6.931471820e-01, v22  }
.Ltmp5:
0x34f: {  	v42 =	vmul.f32 $6.931471820e-01, v51;
	v22 =	vadd.f32 v19, v20;
	v20 =	vmul.f32 $6.931471820e-01, v50;
	(pc) =	sbr.rel @p0 .LBB2_14-.Ltmp5, $4  }
0x350: {  	v27 =	vmul.f32 $6.931471820e-01, v27;
	v29 =	vadd.f32 v36, v24;
	v24 =	vmul.f32 $6.931471820e-01, v30  }
0x351: {  	v31 =	vadd.f32 v37, v21;
	v30 =	vmul.f32 $6.931471820e-01, v34;
	v19 =	vmul.f32 $6.931471820e-01, v35  }
0x352: {  	v33 =	vadd.f32 v38, v32;
	v32 =	vadd.f32 v39, v20;
	v20 =	vmul.f32 v18, v14  }
0x353: {  	s16 =	sadd.s32 $0xB0, s16;
	v21 =	vmul.f32 v17, v14;
	v18 =	vadd.f32 v40, v42;
	v27 =	vadd.f32 v41, v27  }
0x354: {  	v15 =	vmul.f32 v15, v14;
	[tilespmem:s6+$0x0] =	vst.add.f32.msk $0xffff, v20  }
0x355: {  	v17 =	vadd.f32 $-8.802969360e+01, v22;
	v16 =	vmul.f32 v16, v14;
	[tilespmem:s5+$0x0] =	vst.add.f32.msk $0xffff, v21  }
0x356: {  	v51 =	vadd.f32 $-8.802969360e+01, v29;
	v58 =	vmul.f32 v23, v14;
	[tilespmem:s11+$0x0] =	vst.add.f32.msk $0xffff, v15  }
0x357: {  	v52 =	vadd.f32 $-8.802969360e+01, v31;
	v17 =	vmul.f32 v17, v14;
	[tilespmem:s1+$0x0] =	vst.add.f32.msk $0xffff, v16  }
0x358: {  	v53 =	vadd.f32 $-8.802969360e+01, v33;
	v22 =	vmul.f32 v51, v14;
	[tilespmem:s15+$0x0] =	vst.add.f32.msk $0xffff, v58  }
0x359: {  	v32 =	vadd.f32 $-8.802969360e+01, v32;
	v29 =	vmul.f32 v52, v14;
	[tilespmem:s20+$0x0] =	vst.add.f32.msk $0xffff, v17  }
0x35a: {  	v57 =	vadd.f32 v28, v30;
	v18 =	vadd.f32 $-8.802969360e+01, v18;
	v54 =	vmul.f32 v53, v14;
	[tilespmem:s3+$0x0] =	vst.add.f32.msk $0xffff, v22  }
0x35b: {  	v56 =	vadd.f32 v26, v24;
	v59 =	vadd.f32 $-8.802969360e+01, v27;
	v55 =	vmul.f32 v32, v14;
	[tilespmem:s7+$0x0] =	vst.add.f32.msk $0xffff, v29  }
0x35c: {  	v15 =	vadd.f32 v25, v19;
	v61 =	vadd.f32 $-8.802969360e+01, v57;
	v60 =	vmul.f32 v18, v14;
	[tilespmem:s14+$0x0] =	vst.add.f32.msk $0xffff, v54  }
0x35d: {  	v62 =	vmul.f32 v59, v14;
	[tilespmem:s13+$0x0] =	vst.add.f32.msk $0xffff, v55;
	v17 =	vadd.f32 $-8.802969360e+01, v56  }
0x35e: {  	v15 =	vadd.f32 $-8.802969360e+01, v15;
	v63 =	vmul.f32 v61, v14;
	[tilespmem:s18+$0x0] =	vst.add.f32.msk $0xffff, v60  }
0x35f: {  	[tilespmem:s4+$0x0] =	vst.add.f32.msk $0xffff, v62;
	v17 =	vmul.f32 v17, v14  }
0x360: {  	v15 =	vmul.f32 v15, v14;
	[tilespmem:s2+$0x0] =	vst.add.f32.msk $0xffff, v63  }
0x361: {  	[tilespmem:s12+$0x0] =	vst.add.f32.msk $0xffff, v17  }
0x362: {  	[tilespmem:s17+$0x0] =	vst.add.f32.msk $0xffff, v15  }
0x363: {  	s0 =	sadd.s32 s31, s0;
	s6 =	rddreg [dreg:$0x16]  }
0x364: {  	s1 =	simm.s32 $0x370;
	s2 =	simm.s32 $0x1B80;
	s3 =	smov.u32 s6  }
.LBB2_16:
0x365: {  	v15 =	vld [tilespmem:s3+$0x0];
	_ =	sdelay $0x4  }
0x366: {  	v15 =	vadd.f32 $9.999999960e-13, v15;
	_ =	sdelay $0x1  }
0x367: {  	v16 =	vand.u32 $0x7FFFFF, v15  }
0x368: {  	v16 =	vor.u32 $0x3F800000, v16  }
0x369: {  	v17 =	vadd.f32 $1.000000000e+00, v16;
	_ =	sdelay $0x1  }
0x36a: {  	(erf) = vrcp.f32 v17;
	_ =	sdelay $0x7  }
0x36b: {  	v16 =	vadd.f32 $-1.000000000e+00, v16  }
0x36c: {  	v17 =	vpop (erf)  }
0x36d: {  	v16 =	vmul.f32 v17, v16;
	_ =	sdelay $0x1  }
0x36e: {  	v17 =	vmul.f32 v16, v16;
	_ =	sdelay $0x1  }
0x36f: {  	v18 =	vmul.f32 $1.428571490e-01, v17;
	_ =	sdelay $0x1  }
0x370: {  	v18 =	vadd.f32 $2.000000030e-01, v18;
	_ =	sdelay $0x1  }
0x371: {  	v18 =	vmul.f32 v18, v17;
	_ =	sdelay $0x1  }
0x372: {  	v18 =	vadd.f32 $3.333333430e-01, v18;
	_ =	sdelay $0x1  }
0x373: {  	v17 =	vmul.f32 v18, v17  }
0x374: {  	v15 =	vshrl.u32 v15, $0x17  }
0x375: {  	v15 =	vcvt.s32.f32 v15;
	v16 =	vadd.f32 v16, v16;
	v17 =	vadd.f32 $1.000000000e+00, v17;
	_ =	sdelay $0x1  }
0x376: {  	v15 =	vmul.f32 $6.931471820e-01, v15;
	v16 =	vmul.f32 v17, v16;
	_ =	sdelay $0x1  }
0x377: {  	v15 =	vadd.f32 v16, v15  }
0x378: {  	p0 =	sne.s32 s1, $0x3D0  }
.Ltmp6:
0x379: {  	v15 =	vadd.f32 $-8.802969360e+01, v15;
	(pc) =	sbr.rel @p0 .LBB2_16-.Ltmp6, $4  }
0x37a: {  	s4 =	sand.u32 $0x1C00, s2  }
0x37b: {  	s5 =	sand.u32 $0x70, s1;
	s4 =	sadd.s32 s4, s0;
	v15 =	vmul.f32 v15, v14  }
0x37c: {  	s4 =	sadd.s32 s5, s4  }
0x37d: {  	s2 =	sadd.s32 $0x80, s2;
	s3 =	sadd.s32 $0x10, s3;
	s1 =	sadd.s32 $0x10, s1;
	[tilespmem:s4+$0x0] =	vst.add.f32.msk $0xffff, v15  }
0x37e: {  	s0 =	rddreg [dreg:$0x1a]  }
0x37f: {  	v15 =	vld [tilespmem:s0+$0x5E0];
	_ =	sdelay $0x4  }
0x380: {  	v15 =	vadd.f32 $9.999999960e-13, v15;
	_ =	sdelay $0x1  }
0x381: {  	v16 =	vand.u32 $0x7FFFFF, v15  }
0x382: {  	v16 =	vor.u32 $0x3F800000, v16  }
0x383: {  	v17 =	vadd.f32 $1.000000000e+00, v16;
	_ =	sdelay $0x1  }
0x384: {  	(erf) = vrcp.f32 v17;
	_ =	sdelay $0x7  }
0x385: {  	v16 =	vadd.f32 $-1.000000000e+00, v16  }
0x386: {  	v17 =	vpop (erf)  }
0x387: {  	v16 =	vmul.f32 v17, v16;
	_ =	sdelay $0x1  }
0x388: {  	v17 =	vmul.f32 v16, v16;
	_ =	sdelay $0x1  }
0x389: {  	v18 =	vmul.f32 $1.428571490e-01, v17;
	_ =	sdelay $0x1  }
0x38a: {  	v18 =	vadd.f32 $2.000000030e-01, v18;
	_ =	sdelay $0x1  }
0x38b: {  	v18 =	vmul.f32 v18, v17;
	_ =	sdelay $0x1  }
0x38c: {  	v18 =	vadd.f32 $3.333333430e-01, v18;
	_ =	sdelay $0x1  }
0x38d: {  	v17 =	vmul.f32 v18, v17  }
0x38e: {  	v15 =	vshrl.u32 v15, $0x17  }
0x38f: {  	v15 =	vcvt.s32.f32 v15;
	v16 =	vadd.f32 v16, v16;
	v17 =	vadd.f32 $1.000000000e+00, v17;
	_ =	sdelay $0x1  }
0x390: {  	v15 =	vmul.f32 $6.931471820e-01, v15;
	v16 =	vmul.f32 v17, v16;
	_ =	sdelay $0x1  }
0x391: {  	s30 =	rddreg [dreg:$0x1f];
	v15 =	vadd.f32 v16, v15  }
0x392: {  	s5 =	rddreg [dreg:$0x18]  }
0x393: {  	s2 =	rddreg [dreg:$0xd];
	v15 =	vadd.f32 $-8.802969360e+01, v15  }
0x394: {  	s3 =	rddreg [dreg:$0xe];
	p0 =	slt.u32 s5, $0xE  }
.Ltmp7:
0x395: {  	s4 =	rddreg [dreg:$0x10];
	v14 =	vmul.f32 v15, v14;
	(pc) =	sbr.rel @p0 .LBB2_5-.Ltmp7, $4  }
0x396: {  	s25 =	sadd.s32 $0x7D0, s25;
	s6 =	sadd.s32 $0x7D0, s6;
	s0 =	sor.u32 s30, s31  }
0x397: {  	s4 =	sadd.s32 $0x7D0, s4;
	s31 =	rddreg [dreg:$0x12];
	s0 =	sor.u32 $0x1C60, s0;
	v14 =	vnsel vm0, $0x0, v14  }
0x398: {  	s1 =	sadd.s32 $0x2, s5;
	[dreg:$0x10] =	wrdreg s4;
	[tilespmem:s0+$0x8000] =	vst.add.f32.msk $0xffff, v14;
	s0 =	sadd.s32 $0x7D0, s31  }
0x399: {  	s2 =	sadd.s32 $0x7D0, s2;
	s3 =	sadd.s32 $0x7D0, s3;
	[dreg:$0x12] =	wrdreg s0  }
0x39a: {  	s0 =	rddreg [dreg:$0xb]  }
0x39b: {  	p0 =	seq.s32 s0, $0xF  }
0x39c: {  	s1 =	rddreg [dreg:$0x7];
	s0 =	sshll.u32 @!p0 s0, $0x5  }
0x39d: {  	s0 =	sadd.s32 @!p0 s0, s1  }
0x39e: {  	s28 =	simm.s32 $0x2;
	s0 =	smul.u32 @!p0 $0x7D, s0  }
0x39f: {  	s4 =	simm.s32 $0x0;
	s3 =	simm.s32 $0x4150;
	s1 =	rddreg [dreg:$0x3]  }
0x3a0: {  	s2 =	simm.s32 @!p0 $0x200;
	s0 =	sadd.s32 @!p0 s1, s0;
	s1 =	simm.s32 @!p0 $0x0  }
0x3a1: {  	[tilespmem:s2], [sflag:$0x1] =	stream.linear.gather @!p0 [hbm4b:s0+s1], $0x3E80, $0x38;
	[tilespmem:$0x18000] =	vst v63  }
0x3a2: {  	s30 =	simm.s32 $0x4470;
	s31 =	simm.s32 $0x44E8;
	_ =	swait.ge [sflag:s28], $0x3E80  }
0x3a3: {  	s25 =	simm.s32 $0x4588;
	[sflag:s28] =	ssyncset.done $0x0;
	s29 =	rddreg [dreg:$0xc]  }
0x3a4: {  	[dreg:$0x13] =	wrdreg s30;
	[sflag:s28] =	ssyncadd.s32 $0xFFFFC180;
	s0 =	sand.u32 $0x3FFFFFF0, s29  }
0x3a5: {  	s6 =	simm.s32 $0x4858;
	s2 =	simm.s32 $0x4100;
	[dreg:$0x14] =	wrdreg s31;
	v13 =	vld [tilespmem:s0+$0x0]  }
.LBB2_19:
0x3a6: {  	_ =	sdelay $0x1  }
0x3a7: {  	v14 =	vmov s4  }
0x3a8: {  	vm1 =	veq.s32 v14, v1  }
0x3a9: {  	v14 =	vnsel vm1, $0x0, v13  }
0x3aa: {  	v15 =	vperm.xlane v14, v2;
	_ =	sdelay $0x1  }
0x3ab: {  	v15 =	vadd.s32 v14, v15  }
0x3ac: {  	v16 =	vperm.xlane v15, v3  }
0x3ad: {  	v14 =	vmov s2  }
0x3ae: {  	v15 =	vadd.s32 v16, v15  }
0x3af: {  	s0 =	smul.u32 $0xFA0, s4;
	v16 =	vperm.xlane v15, v4;
	_ =	sdelay $0x1  }
0x3b0: {  	[dreg:$0x15] =	wrdreg s4;
	s31 =	simm.s32 $0x0;
	s4 =	sshra.s32 s0, $0x2;
	v15 =	vadd.s32 v16, v15  }
0x3b1: {  	[dreg:$0xf] =	wrdreg s2;
	s1 =	simm.s32 $0x40;
	s0 =	sadd.s32 $0x4100, s4;
	v18 =	vld.idx.msk [tilespmem:v14+s31+$0x0 ss:$0x1], $0xffff;
	v16 =	vimm.f32 $-1.000000000e+00;
	v17 =	vperm.xlane v15, v5  }
.LBB2_20:
0x3b2: {  	p0 =	sne.s32 s1, $0xF40  }
.Ltmp8:
0x3b3: {  	_ = 	snop;
	(pc) =	sbr.rel @p0 .LBB2_20-.Ltmp8, $3  }
0x3b4: {  	_ =	sdelay $0x1  }
0x3b5: {  	s2 =	sshra.s32 s1, $0x2;
	s1 =	sadd.s32 $0x40, s1  }
0x3b6: {  	v16 =	vmax.f32 v16, v18;
	v18 =	vld.idx.msk [tilespmem:v14+s2+$0x0 ss:$0x1], $0xffff  }
0x3b7: {  	v14 =	vadd.s32 v17, v15  }
0x3b8: {  	(v2sf) =	vpush v14, $0x0;
	_ =	sdelay $0x3  }
0x3b9: {  	v15 =	vld [tilespmem:s4+$0x44E0];
	_ =	sdelay $0x4  }
0x3ba: {  	v16 =	vmax.f32 v16, v18;
	v15 =	vnsel vm0, $0xBF800000, v15  }
0x3bb: {  	v15 =	vmax.f32 v16, v15  }
0x3bc: {  	v16 =	vperm.xlane v15, v6;
	_ =	sdelay $0x1  }
0x3bd: {  	v15 =	vmax.f32 v15, v16  }
0x3be: {  	v16 =	vperm.xlane v15, v7  }
0x3bf: {  	s1 =	spop (v2sf)  }
0x3c0: {  	v15 =	vmax.f32 v15, v16;
	s2 =	sand.u32 $0xFFFFFFF0, s1  }
0x3c1: {  	v18 =	vld [tilespmem:s4+$0x4100];
	v16 =	vperm.xlane v15, v8;
	s0 =	sadd.s32 s2, s0  }
0x3c2: {  	v17 =	vld [tilespmem:s0+$0x0]  }
0x3c3: {  	v15 =	vmax.f32 v15, v16;
	v16 =	vld [tilespmem:s4+$0x4110]  }
0x3c4: {  	v19 =	vperm.xlane v15, v5;
	s11 =	sand.u32 $0xF, s1  }
0x3c5: {  	v20 =	vld [tilespmem:s4+$0x4120];
	v14 =	vbroadcast v14, $0x0;
	v21 =	vmov s11  }
0x3c6: {  	v15 =	vmax.f32 v15, v19;
	vm1 =	veq.s32 v21, v1  }
0x3c7: {  	v22 =	vld [tilespmem:s4+$0x4130];
	vm2 =	veq.f32 v18, v15;
	v17 =	vnsel vm1, $0x0, v17;
	vm1 =	vgt.s32 v14, v1  }
0x3c8: {  	vm3 =	vgt.s32 v14, v10;
	vm1 =	vmand vm1, vm2;
	vm2 =	veq.f32 v16, v15  }
0x3c9: {  	v16 =	vsel vm1, $0x1, v9;
	vm2 =	vmand vm3, vm2  }
0x3ca: {  	[dreg:$0x17] =	wrdreg s6;
	vm1 =	veq.f32 v20, v15;
	v18 =	vsel vm2, $0x1, v9;
	vm2 =	vgt.s32 v14, v11  }
0x3cb: {  	[dreg:$0x1b] =	wrdreg s4;
	s12 =	sshll.u32 s1, $0xA;
	vm1 =	vmand vm2, vm1;
	vm2 =	vgt.s32 v14, v12;
	v14 =	vperm.xlane v17, v6  }
0x3cc: {  	[dreg:$0x1e] =	wrdreg s12;
	vm3 =	veq.f32 v22, v15;
	v16 =	vadd.s32 v16, v18  }
0x3cd: {  	v19 =	vld [tilespmem:s3+$0xFFFFFFE0];
	vm2 =	vmand vm2, vm3;
	v18 =	vsel vm1, $0x1, v9;
	v14 =	vadd.f32 v14, v17  }
0x3ce: {  	v21 =	vld [tilespmem:s3+$0x0];
	v16 =	vadd.s32 v18, v16;
	v17 =	vsel vm2, $0x1, v9  }
0x3cf: {  	v23 =	vld [tilespmem:s3+$0x10];
	v16 =	vadd.s32 v17, v16;
	v17 =	vperm.xlane v14, v7  }
0x3d0: {  	v25 =	vld [tilespmem:s3+$0x20];
	v18 =	vperm.xlane v16, v6  }
0x3d1: {  	v28 =	vld [tilespmem:s3+$0x30];
	v14 =	vadd.f32 v17, v14  }
0x3d2: {  	v29 =	vld [tilespmem:s3+$0x40];
	v16 =	vadd.s32 v18, v16  }
0x3d3: {  	v17 =	vperm.xlane v16, v7;
	v18 =	vperm.xlane v14, v8  }
0x3d4: {  	v19 =	vadd.f32 $9.999999960e-13, v19;
	v21 =	vadd.f32 $9.999999960e-13, v21  }
0x3d5: {  	v23 =	vadd.f32 $9.999999960e-13, v23;
	v16 =	vadd.s32 v17, v16;
	v14 =	vadd.f32 v18, v14  }
0x3d6: {  	v25 =	vadd.f32 $9.999999960e-13, v25;
	v28 =	vadd.f32 $9.999999960e-13, v28;
	v17 =	vperm.xlane v16, v8  }
0x3d7: {  	v29 =	vadd.f32 $9.999999960e-13, v29;
	v30 =	vand.u32 $0x7FFFFF, v19;
	v18 =	vperm.xlane v14, v5  }
0x3d8: {  	v32 =	vand.u32 $0x7FFFFF, v21;
	v33 =	vand.u32 $0x7FFFFF, v23;
	v16 =	vadd.s32 v17, v16  }
0x3d9: {  	v34 =	vand.u32 $0x7FFFFF, v25;
	v17 =	vperm.xlane v16, v5;
	v14 =	vadd.f32 v18, v14  }
0x3da: {  	v35 =	vand.u32 $0x7FFFFF, v28;
	v37 =	vand.u32 $0x7FFFFF, v29;
	v19 =	vshrl.u32 v19, $0x17  }
0x3db: {  	v21 =	vshrl.u32 v21, $0x17;
	v17 =	vsub.s32 $0x0, v17;
	vm1 =	veq.f32 v14, v15;
	v15 =	vld [tilespmem:s3+$0x50]  }
0x3dc: {  	v23 =	vshrl.u32 v23, $0x17;
	v25 =	vshrl.u32 v25, $0x17;
	vm2 =	veq.s32 v16, v17;
	v16 =	vld [tilespmem:s3+$0xFFFFFFB0]  }
0x3dd: {  	v28 =	vshrl.u32 v28, $0x17;
	v29 =	vshrl.u32 v29, $0x17;
	v30 =	vor.u32 $0x3F800000, v30  }
0x3de: {  	v32 =	vor.u32 $0x3F800000, v32;
	v33 =	vor.u32 $0x3F800000, v33;
	v34 =	vor.u32 $0x3F800000, v34  }
0x3df: {  	v35 =	vor.u32 $0x3F800000, v35;
	v37 =	vor.u32 $0x3F800000, v37;
	v19 =	vcvt.s32.f32 v19  }
0x3e0: {  	v21 =	vcvt.s32.f32 v21;
	v23 =	vcvt.s32.f32 v23;
	v15 =	vadd.f32 $9.999999960e-13, v15  }
0x3e1: {  	v25 =	vcvt.s32.f32 v25;
	v40 =	vadd.f32 $1.000000000e+00, v30;
	v16 =	vadd.f32 $9.999999960e-13, v16  }
0x3e2: {  	v20 =	vld [tilespmem:s3+$0xFFFFFFF0];
	v63 =	vadd.f32 $1.000000000e+00, v32;
	v42 =	vadd.f32 $1.000000000e+00, v33;
	v22 =	vand.u32 $0x7FFFFF, v15  }
0x3e3: {  	v48 =	vadd.f32 $1.000000000e+00, v34;
	v24 =	vand.u32 $0x7FFFFF, v16;
	v22 =	vor.u32 $0x3F800000, v22  }
0x3e4: {  	v49 =	vadd.f32 $1.000000000e+00, v35;
	v17 =	vld [tilespmem:s3+$0xFFFFFFC0];
	v24 =	vor.u32 $0x3F800000, v24;
	v26 =	vadd.f32 $1.000000000e+00, v22  }
0x3e5: {  	v28 =	vcvt.s32.f32 v28;
	v44 =	vadd.f32 $1.000000000e+00, v37;
	v18 =	vld [tilespmem:s3+$0xFFFFFFD0];
	v36 =	vadd.f32 $1.000000000e+00, v24  }
0x3e6: {  	v30 =	vadd.f32 $-1.000000000e+00, v30;
	v32 =	vadd.f32 $-1.000000000e+00, v32;
	(erf) = vrcp.f32 v26  }
0x3e7: {  	v33 =	vadd.f32 $-1.000000000e+00, v33;
	v20 =	vadd.f32 $9.999999960e-13, v20;
	(erf) = vrcp.f32 v36  }
0x3e8: {  	v29 =	vcvt.s32.f32 v29;
	v34 =	vadd.f32 $-1.000000000e+00, v34;
	v35 =	vadd.f32 $-1.000000000e+00, v35  }
0x3e9: {  	v31 =	vand.u32 $0x7FFFFF, v20;
	v20 =	vshrl.u32 v20, $0x17;
	v17 =	vadd.f32 $9.999999960e-13, v17  }
0x3ea: {  	v31 =	vor.u32 $0x3F800000, v31;
	v20 =	vcvt.s32.f32 v20;
	v18 =	vadd.f32 $9.999999960e-13, v18  }
0x3eb: {  	v27 =	vand.u32 $0x7FFFFF, v17;
	v16 =	vshrl.u32 v16, $0x17;
	v17 =	vshrl.u32 v17, $0x17  }
0x3ec: {  	v15 =	vshrl.u32 v15, $0x17;
	v27 =	vor.u32 $0x3F800000, v27;
	v26 =	vand.u32 $0x7FFFFF, v18  }
0x3ed: {  	v15 =	vcvt.s32.f32 v15;
	v38 =	vadd.f32 $1.000000000e+00, v27;
	v26 =	vor.u32 $0x3F800000, v26  }
0x3ee: {  	v16 =	vcvt.s32.f32 v16;
	v22 =	vadd.f32 $-1.000000000e+00, v22;
	v39 =	vadd.f32 $1.000000000e+00, v26  }
0x3ef: {  	v17 =	vcvt.s32.f32 v17;
	v24 =	vadd.f32 $-1.000000000e+00, v24;
	v62 =	vpop (erf);
	(erf) = vrcp.f32 v38  }
0x3f0: {  	v41 =	vadd.f32 $1.000000000e+00, v31;
	v22 =	vmul.f32 v62, v22;
	(erf) = vrcp.f32 v39;
	v52 =	vpop (erf)  }
0x3f1: {  	v37 =	vadd.f32 $-1.000000000e+00, v37;
	(erf) = vrcp.f32 v40;
	v24 =	vmul.f32 v52, v24  }
0x3f2: {  	v31 =	vadd.f32 $-1.000000000e+00, v31;
	v43 =	vmul.f32 v22, v22;
	(erf) = vrcp.f32 v41  }
0x3f3: {  	vm1 =	vmand vm1, vm2;
	v15 =	vmul.f32 $6.931471820e-01, v15;
	(erf) = vrcp.f32 v63  }
0x3f4: {  	v14 =	vnsel vm1, $0x3F800000, v14;
	v39 =	vmul.f32 v24, v24;
	v50 =	vmul.f32 $1.428571490e-01, v43  }
0x3f5: {  	v27 =	vadd.f32 $-1.000000000e+00, v27;
	v16 =	vmul.f32 $6.931471820e-01, v16;
	(erf) = vrcp.f32 v42  }
0x3f6: {  	v18 =	vshrl.u32 v18, $0x17;
	v46 =	vmul.f32 $1.428571490e-01, v39;
	v51 =	vadd.f32 $2.000000030e-01, v50  }
0x3f7: {  	v18 =	vcvt.s32.f32 v18;
	v26 =	vadd.f32 $-1.000000000e+00, v26;
	(erf) = vrcp.f32 v48  }
0x3f8: {  	(erf) = vrcp.f32 v49;
	v46 =	vadd.f32 $2.000000030e-01, v46;
	v36 =	vmul.f32 v51, v43;
	v53 =	vpop (erf)  }
0x3f9: {  	v22 =	vadd.f32 v22, v22;
	(erf) = vrcp.f32 v44;
	v27 =	vmul.f32 v53, v27;
	v54 =	vpop (erf)  }
0x3fa: {  	v46 =	vmul.f32 v46, v39;
	v36 =	vadd.f32 $3.333333430e-01, v36;
	v26 =	vmul.f32 v54, v26;
	v55 =	vpop (erf)  }
0x3fb: {  	v24 =	vadd.f32 v24, v24;
	v40 =	vmul.f32 v27, v27;
	v30 =	vmul.f32 v55, v30;
	v56 =	vpop (erf)  }
0x3fc: {  	v27 =	vadd.f32 v27, v27;
	v36 =	vmul.f32 v36, v43;
	v57 =	vpop (erf);
	v31 =	vmul.f32 v56, v31  }
0x3fd: {  	v46 =	vadd.f32 $3.333333430e-01, v46;
	v61 =	vmul.f32 v26, v26;
	v32 =	vmul.f32 v57, v32  }
0x3fe: {  	v26 =	vadd.f32 v26, v26;
	v58 =	vpop (erf);
	v41 =	vmul.f32 v30, v30;
	v48 =	vmul.f32 $1.428571490e-01, v40  }
0x3ff: {  	v39 =	vmul.f32 v46, v39;
	v30 =	vadd.f32 v30, v30;
	v33 =	vmul.f32 v58, v33  }
0x400: {  	v36 =	vadd.f32 $1.000000000e+00, v36;
	v59 =	vpop (erf);
	v63 =	vmul.f32 v31, v31;
	v49 =	vmul.f32 $1.428571490e-01, v61  }
0x401: {  	v31 =	vadd.f32 v31, v31;
	v34 =	vmul.f32 v59, v34;
	v42 =	vmul.f32 v32, v32  }
0x402: {  	v60 =	vpop (erf);
	v50 =	vmul.f32 $1.428571490e-01, v41;
	v48 =	vadd.f32 $2.000000030e-01, v48;
	v39 =	vadd.f32 $1.000000000e+00, v39  }
0x403: {  	v32 =	vadd.f32 v32, v32;
	v22 =	vmul.f32 v36, v22;
	v35 =	vmul.f32 v60, v35  }
0x404: {  	v62 =	vpop (erf);
	v43 =	vmul.f32 v33, v33;
	v51 =	vmul.f32 $1.428571490e-01, v63;
	v49 =	vadd.f32 $2.000000030e-01, v49  }
0x405: {  	v33 =	vadd.f32 v33, v33;
	v36 =	vmul.f32 v62, v37;
	v44 =	vmul.f32 v34, v34  }
0x406: {  	v52 =	vmul.f32 $1.428571490e-01, v42;
	v50 =	vadd.f32 $2.000000030e-01, v50;
	v48 =	vmul.f32 v48, v40  }
0x407: {  	v24 =	vmul.f32 v39, v24;
	v34 =	vadd.f32 v34, v34;
	v45 =	vmul.f32 v35, v35  }
0x408: {  	v53 =	vmul.f32 $1.428571490e-01, v43;
	v51 =	vadd.f32 $2.000000030e-01, v51;
	v49 =	vmul.f32 v49, v61  }
0x409: {  	v35 =	vadd.f32 v35, v35;
	v15 =	vadd.f32 v22, v15;
	v47 =	vmul.f32 v36, v36  }
0x40a: {  	v54 =	vmul.f32 $1.428571490e-01, v44;
	v52 =	vadd.f32 $2.000000030e-01, v52;
	v50 =	vmul.f32 v50, v41  }
0x40b: {  	v48 =	vadd.f32 $3.333333430e-01, v48;
	v36 =	vadd.f32 v36, v36;
	v55 =	vmul.f32 $1.428571490e-01, v45  }
0x40c: {  	v53 =	vadd.f32 $2.000000030e-01, v53;
	v51 =	vmul.f32 v51, v63;
	v49 =	vadd.f32 $3.333333430e-01, v49  }
0x40d: {  	v56 =	vmul.f32 $1.428571490e-01, v47;
	v52 =	vmul.f32 v52, v42;
	v57 =	vadd.f32 $3.333333430e-01, v50  }
0x40e: {  	v40 =	vmul.f32 v48, v40;
	v50 =	vadd.f32 $-8.802969360e+01, v15;
	v15 =	vmul.f32 $6.931471820e-01, v17  }
0x40f: {  	v54 =	vadd.f32 $2.000000030e-01, v54;
	v17 =	vmul.f32 $6.931471820e-01, v18;
	v18 =	vmul.f32 $6.931471820e-01, v19  }
0x410: {  	v19 =	vadd.f32 v24, v16;
	v16 =	vmul.f32 $6.931471820e-01, v20;
	v20 =	vmul.f32 $6.931471820e-01, v21  }
0x411: {  	v24 =	vmul.f32 $6.931471820e-01, v25;
	v55 =	vadd.f32 $2.000000030e-01, v55;
	v53 =	vmul.f32 v53, v43  }
0x412: {  	v58 =	vadd.f32 $3.333333430e-01, v51;
	v38 =	vmul.f32 v49, v61;
	v56 =	vadd.f32 $2.000000030e-01, v56  }
0x413: {  	v54 =	vmul.f32 v54, v44;
	v59 =	vadd.f32 $3.333333430e-01, v52;
	v41 =	vmul.f32 v57, v41  }
0x414: {  	v40 =	vadd.f32 $1.000000000e+00, v40;
	v19 =	vadd.f32 $-8.802969360e+01, v19;
	v55 =	vmul.f32 v55, v45  }
0x415: {  	v60 =	vadd.f32 $3.333333430e-01, v53;
	v37 =	vmul.f32 v58, v63;
	v38 =	vadd.f32 $1.000000000e+00, v38  }
0x416: {  	v56 =	vmul.f32 v56, v47;
	v61 =	vadd.f32 $3.333333430e-01, v54;
	v42 =	vmul.f32 v59, v42  }
0x417: {  	v41 =	vadd.f32 $1.000000000e+00, v41;
	v27 =	vmul.f32 v40, v27;
	v62 =	vadd.f32 $3.333333430e-01, v55  }
0x418: {  	v43 =	vmul.f32 v60, v43;
	v37 =	vadd.f32 $1.000000000e+00, v37;
	v26 =	vmul.f32 v38, v26  }
0x419: {  	v63 =	vadd.f32 $3.333333430e-01, v56;
	v44 =	vmul.f32 v61, v44;
	v42 =	vadd.f32 $1.000000000e+00, v42  }
0x41a: {  	v30 =	vmul.f32 v41, v30;
	v21 =	vadd.f32 v27, v15;
	v15 =	vmul.f32 $6.931471820e-01, v23  }
0x41b: {  	s16 =	sadd.s32 $0xB0, s3;
	[dreg:$0x11] =	wrdreg s3;
	v45 =	vmul.f32 v62, v45;
	v43 =	vadd.f32 $1.000000000e+00, v43;
	v31 =	vmul.f32 v37, v31  }
0x41c: {  	v23 =	vld [tilespmem:s16+$0x50];
	v17 =	vadd.f32 v26, v17;
	v46 =	vmul.f32 v63, v47;
	v44 =	vadd.f32 $1.000000000e+00, v44  }
0x41d: {  	v32 =	vmul.f32 v42, v32;
	v26 =	vadd.f32 v30, v18;
	v18 =	vmul.f32 $6.931471820e-01, v28  }
0x41e: {  	v28 =	vmul.f32 $6.931471820e-01, v29;
	v21 =	vadd.f32 $-8.802969360e+01, v21;
	v45 =	vadd.f32 $1.000000000e+00, v45  }
0x41f: {  	v51 =	vld [tilespmem:s16+$0xFFFFFFE0];
	v33 =	vmul.f32 v43, v33;
	v27 =	vadd.f32 v31, v16;
	v31 =	vadd.f32 $-8.802969360e+01, v17  }
0x420: {  	v29 =	vld [tilespmem:s16+$0xFFFFFFB0];
	v46 =	vadd.f32 $1.000000000e+00, v46;
	v22 =	vmul.f32 v44, v34;
	v20 =	vadd.f32 v32, v20  }
0x421: {  	v30 =	vld [tilespmem:s16+$0xFFFFFFC0];
	v48 =	vmul.f32 v45, v35;
	v25 =	vadd.f32 v33, v15;
	v33 =	vadd.f32 $9.999999960e-13, v23  }
0x422: {  	v23 =	vmul.f32 v19, v14;
	v19 =	vadd.f32 $-8.802969360e+01, v26;
	v26 =	vadd.f32 $-8.802969360e+01, v27  }
0x423: {  	v49 =	vmul.f32 v46, v36;
	v15 =	vadd.f32 v22, v24;
	v24 =	vmul.f32 v50, v14  }
0x424: {  	s15 =	simm.s32 $0x0;
	s29 =	simm.s32 $0x0;
	v45 =	vadd.f32 $9.999999960e-13, v51;
	v22 =	vmul.f32 v21, v14;
	v21 =	vmul.f32 v31, v14  }
0x425: {  	s29 =	sand.u32 $0x70, s29;
	s13 =	sshll.u32 s1, $0x7;
	s1 =	sand.u32 $0x1C00, s15;
	v16 =	vadd.f32 v48, v18;
	v17 =	vand.u32 $0x7FFFFF, v33;
	v34 =	vadd.f32 $9.999999960e-13, v29  }
0x426: {  	s17 =	simm.s32 $0x80;
	s14 =	sand.u32 $0xFFFFE000, s12;
	v27 =	vld [tilespmem:s16+$0xFFFFFFF0];
	v19 =	vmul.f32 v19, v14;
	v38 =	vadd.f32 $9.999999960e-13, v30;
	v54 =	vand.u32 $0x7FFFFF, v45  }
0x427: {  	s30 =	sand.u32 $0x380, s13;
	s11 =	simm.s32 $0x400;
	s2 =	sand.u32 $0x3C00, s17;
	v33 =	vshrl.u32 v33, $0x17;
	v45 =	vshrl.u32 v45, $0x17;
	v18 =	vadd.f32 v49, v28  }
0x428: {  	s12 =	simm.s32 $0x10;
	s0 =	sadd.s32 $0x8000, s14;
	s11 =	sand.u32 $0x3C00, s11;
	v31 =	vld [tilespmem:s16+$0x10];
	v52 =	vor.u32 $0x3F800000, v17;
	v17 =	vadd.f32 $-8.802969360e+01, v20;
	v41 =	vor.u32 $0x3F800000, v54  }
0x429: {  	s12 =	sand.u32 $0x70, s12;
	s11 =	sadd.s32 s11, s0;
	s1 =	sadd.s32 s1, s0;
	v29 =	vld [tilespmem:s16+$0x0];
	v45 =	vcvt.s32.f32 v45;
	v15 =	vadd.f32 $-8.802969360e+01, v15;
	v20 =	vadd.f32 $1.000000000e+00, v52  }
0x42a: {  	s2 =	sadd.s32 s2, s0;
	s26 =	sadd.s32 s29, s11;
	s29 =	sadd.s32 s29, s1;
	v53 =	vld [tilespmem:s16+$0x20];
	v30 =	vand.u32 $0x7FFFFF, v34;
	v36 =	vadd.f32 $-1.000000000e+00, v52;
	v62 =	vadd.f32 $1.000000000e+00, v41  }
0x42b: {  	s2 =	sadd.s32 s12, s2;
	s12 =	sadd.s32 s30, s29;
	v28 =	vld [tilespmem:s16+$0xFFFFFFD0];
	v16 =	vadd.f32 $-8.802969360e+01, v16;
	v40 =	vor.u32 $0x3F800000, v30;
	v35 =	vadd.f32 $9.999999960e-13, v27  }
0x42c: {  	s7 =	simm.s32 $0x200;
	[tilespmem:s12+$0x0] =	vst.add.f32.msk $0xffff, v23;
	v23 =	vadd.f32 $-8.802969360e+01, v18;
	(erf) = vrcp.f32 v20;
	v20 =	vmul.f32 v26, v14  }
0x42d: {  	s7 =	sand.u32 $0x3C00, s7;
	s15 =	simm.s32 $0x40;
	v26 =	vand.u32 $0x7FFFFF, v38;
	v57 =	vadd.f32 $1.000000000e+00, v40;
	v40 =	vadd.f32 $-1.000000000e+00, v40  }
0x42e: {  	s15 =	sand.u32 $0x70, s15;
	s7 =	sadd.s32 s7, s0;
	v27 =	vld [tilespmem:s16+$0x40];
	v32 =	vadd.f32 $9.999999960e-13, v29;
	v42 =	vor.u32 $0x3F800000, v26;
	v29 =	vadd.f32 $9.999999960e-13, v31  }
0x42f: {  	s23 =	sadd.s32 s15, s7;
	v26 =	vand.u32 $0x7FFFFF, v35;
	v31 =	vadd.f32 $9.999999960e-13, v53;
	v35 =	vshrl.u32 v35, $0x17  }
0x430: {  	s7 =	sadd.s32 s30, s2;
	s2 =	sadd.s32 s30, s23;
	v39 =	vadd.f32 $9.999999960e-13, v28;
	(erf) = vrcp.f32 v57;
	v35 =	vcvt.s32.f32 v35  }
0x431: {  	[tilespmem:s2+$0x0] =	vst.add.f32.msk $0xffff, v20;
	v20 =	vmul.f32 v17, v14;
	v55 =	vand.u32 $0x7FFFFF, v32;
	v56 =	vand.u32 $0x7FFFFF, v29  }
0x432: {  	v28 =	vld [tilespmem:s16+$0x30];
	v32 =	vshrl.u32 v32, $0x17;
	v29 =	vshrl.u32 v29, $0x17;
	v30 =	vand.u32 $0x7FFFFF, v39  }
0x433: {  	v27 =	vadd.f32 $9.999999960e-13, v27;
	v37 =	vor.u32 $0x3F800000, v55;
	v44 =	vor.u32 $0x3F800000, v56  }
0x434: {  	v32 =	vcvt.s32.f32 v32;
	v63 =	vadd.f32 $1.000000000e+00, v37;
	v56 =	vadd.f32 $1.000000000e+00, v44  }
0x435: {  	v43 =	vor.u32 $0x3F800000, v30;
	v37 =	vadd.f32 $-1.000000000e+00, v37;
	v44 =	vadd.f32 $-1.000000000e+00, v44  }
0x436: {  	v60 =	vadd.f32 $1.000000000e+00, v43;
	v61 =	vand.u32 $0x7FFFFF, v27;
	v43 =	vadd.f32 $-1.000000000e+00, v43  }
0x437: {  	v30 =	vadd.f32 $9.999999960e-13, v28;
	v28 =	vor.u32 $0x3F800000, v26;
	v26 =	vand.u32 $0x7FFFFF, v31  }
0x438: {  	v46 =	vor.u32 $0x3F800000, v61;
	v48 =	vor.u32 $0x3F800000, v26;
	v26 =	vadd.f32 $1.000000000e+00, v42;
	v59 =	vpop (erf)  }
0x439: {  	v61 =	vadd.f32 $-1.000000000e+00, v42;
	v31 =	vshrl.u32 v31, $0x17;
	v36 =	vmul.f32 v59, v36  }
0x43a: {  	v31 =	vcvt.s32.f32 v31;
	v58 =	vand.u32 $0x7FFFFF, v30;
	(erf) = vrcp.f32 v26  }
0x43b: {  	v30 =	vshrl.u32 v30, $0x17;
	(erf) = vrcp.f32 v60;
	v51 =	vmul.f32 v36, v36  }
0x43c: {  	v47 =	vor.u32 $0x3F800000, v58;
	v26 =	vadd.f32 $1.000000000e+00, v28;
	v58 =	vadd.f32 $1.000000000e+00, v48  }
0x43d: {  	v48 =	vadd.f32 $-1.000000000e+00, v48;
	(erf) = vrcp.f32 v62;
	v57 =	vmul.f32 $1.428571490e-01, v51  }
0x43e: {  	v30 =	vcvt.s32.f32 v30;
	v59 =	vadd.f32 $1.000000000e+00, v47;
	(erf) = vrcp.f32 v26  }
0x43f: {  	v60 =	vadd.f32 $1.000000000e+00, v46;
	(erf) = vrcp.f32 v63;
	v52 =	vadd.f32 $2.000000030e-01, v57  }
0x440: {  	v47 =	vadd.f32 $-1.000000000e+00, v47;
	v46 =	vadd.f32 $-1.000000000e+00, v46;
	v63 =	vpop (erf);
	(erf) = vrcp.f32 v56  }
0x441: {  	v56 =	vadd.f32 $-1.000000000e+00, v41;
	v41 =	vmul.f32 v63, v40;
	v62 =	vmul.f32 v52, v51  }
0x442: {  	v30 =	vmul.f32 $6.931471820e-01, v30;
	(erf) = vrcp.f32 v58;
	v57 =	vadd.f32 $-1.000000000e+00, v28  }
0x443: {  	(erf) = vrcp.f32 v59;
	v50 =	vmul.f32 v41, v41;
	v58 =	vpop (erf);
	v28 =	vadd.f32 $3.333333430e-01, v62  }
0x444: {  	v26 =	vshrl.u32 v34, $0x17;
	v42 =	vmul.f32 v58, v61;
	v59 =	vpop (erf);
	v62 =	vcvt.s32.f32 v33  }
0x445: {  	v63 =	vadd.f32 v36, v36;
	v40 =	vmul.f32 v59, v43;
	v59 =	vmul.f32 $1.428571490e-01, v50  }
0x446: {  	s5 =	simm.s32 $0xA0;
	(erf) = vrcp.f32 v60;
	v43 =	vshrl.u32 v38, $0x17;
	v60 =	vmul.f32 v28, v51  }
0x447: {  	s18 =	simm.s32 $0x100;
	s19 =	simm.s32 $0x500;
	s20 =	simm.s32 $0x180;
	v51 =	vmul.f32 v42, v42;
	v49 =	vmul.f32 $6.931471820e-01, v62;
	v53 =	vadd.f32 $2.000000030e-01, v59;
	v28 =	vpop (erf)  }
0x448: {  	s8 =	simm.s32 $0x280;
	s9 =	simm.s32 $0x300;
	s21 =	simm.s32 $0x380;
	v43 =	vcvt.s32.f32 v43;
	v34 =	vadd.f32 $1.000000000e+00, v60;
	v28 =	vmul.f32 v28, v56;
	v61 =	vpop (erf)  }
0x449: {  	s22 =	simm.s32 $0x480;
	s31 =	simm.s32 $0x90;
	s5 =	sand.u32 $0x70, s5;
	v41 =	vadd.f32 v41, v41;
	v53 =	vmul.f32 v53, v50;
	v55 =	vpop (erf);
	v36 =	vmul.f32 v61, v57  }
0x44a: {  	s6 =	sand.u32 $0x3C00, s20;
	s8 =	sand.u32 $0x3C00, s8;
	s9 =	sand.u32 $0x3C00, s9;
	v42 =	vadd.f32 v42, v42;
	v52 =	vmul.f32 v34, v63;
	v61 =	vmul.f32 $1.428571490e-01, v51;
	v56 =	vpop (erf)  }
0x44b: {  	s20 =	simm.s32 $0x880;
	s4 =	sand.u32 $0x3C00, s19;
	s19 =	simm.s32 $0x70;
	v33 =	vmul.f32 v55, v37;
	v53 =	vadd.f32 $3.333333430e-01, v53;
	v37 =	vmul.f32 v56, v44  }
0x44c: {  	s31 =	sand.u32 $0x70, s31;
	s20 =	sand.u32 $0x3C00, s20;
	s19 =	sand.u32 $0x70, s19;
	v57 =	vpop (erf);
	v44 =	vshrl.u32 v39, $0x17;
	v62 =	vmul.f32 v36, v36;
	v49 =	vadd.f32 v52, v49  }
0x44d: {  	s13 =	simm.s32 $0x20;
	s17 =	simm.s32 $0x50;
	s14 =	simm.s32 $0x30;
	v36 =	vadd.f32 v36, v36;
	v34 =	vmul.f32 v57, v48;
	v48 =	vmul.f32 v40, v40  }
0x44e: {  	s13 =	sand.u32 $0x70, s13;
	s17 =	sand.u32 $0x70, s17;
	s4 =	sadd.s32 s4, s0;
	v58 =	vpop (erf);
	v55 =	vmul.f32 v33, v33;
	v50 =	vmul.f32 v53, v50;
	v40 =	vadd.f32 v40, v40  }
0x44f: {  	s6 =	sadd.s32 s6, s0;
	s8 =	sadd.s32 s8, s0;
	s9 =	sadd.s32 s9, s0;
	v44 =	vcvt.s32.f32 v44;
	v33 =	vadd.f32 v33, v33;
	v38 =	vmul.f32 v58, v47  }
0x450: {  	s14 =	sand.u32 $0x70, s14;
	s20 =	sadd.s32 s20, s0;
	s4 =	sadd.s32 s5, s4;
	v60 =	vpop (erf);
	v47 =	vmul.f32 v28, v28;
	v58 =	vmul.f32 $1.428571490e-01, v62;
	v49 =	vadd.f32 $-8.802969360e+01, v49  }
0x451: {  	s5 =	sand.u32 $0x3C00, s21;
	s6 =	sadd.s32 s14, s6;
	s8 =	sadd.s32 s17, s8;
	v28 =	vadd.f32 v28, v28;
	v39 =	vmul.f32 v60, v46;
	v63 =	vmul.f32 $1.428571490e-01, v48  }
0x452: {  	s21 =	simm.s32 $0xA80;
	s17 =	simm.s32 $0x980;
	s10 =	sadd.s32 s30, s4;
	v46 =	vadd.f32 $2.000000030e-01, v61;
	v60 =	vmul.f32 v37, v37;
	v59 =	vmul.f32 $1.428571490e-01, v55  }
0x453: {  	s4 =	sand.u32 $0x3C00, s22;
	s5 =	sadd.s32 s5, s0;
	s1 =	sadd.s32 s30, s26;
	v50 =	vadd.f32 $1.000000000e+00, v50;
	v18 =	vmul.f32 $6.931471820e-01, v44;
	v57 =	vmul.f32 $1.428571490e-01, v47  }
0x454: {  	s22 =	simm.s32 $0x700;
	s23 =	sand.u32 $0x3C00, s21;
	s17 =	sand.u32 $0x3C00, s17;
	v58 =	vadd.f32 $2.000000030e-01, v58;
	v56 =	vadd.f32 $2.000000030e-01, v63;
	v46 =	vmul.f32 v46, v51  }
0x455: {  	s4 =	sadd.s32 s4, s0;
	s24 =	sadd.s32 s19, s5;
	s19 =	simm.s32 $0x680;
	v61 =	vmul.f32 $1.428571490e-01, v60;
	v59 =	vadd.f32 $2.000000030e-01, v59;
	v41 =	vmul.f32 v50, v41  }
0x456: {  	s17 =	sadd.s32 s17, s0;
	s28 =	sadd.s32 s31, s4;
	s4 =	sadd.s32 s30, s6;
	v57 =	vadd.f32 $2.000000030e-01, v57;
	v58 =	vmul.f32 v58, v62;
	v46 =	vadd.f32 $3.333333430e-01, v46  }
0x457: {  	s6 =	sadd.s32 s30, s8;
	s11 =	sadd.s32 s30, s24;
	s8 =	simm.s32 $0x580;
	v56 =	vmul.f32 v56, v48;
	v53 =	vadd.f32 $2.000000030e-01, v61;
	v59 =	vmul.f32 v59, v55  }
0x458: {  	s24 =	simm.s32 $0x780;
	s31 =	simm.s32 $0x800;
	s15 =	sadd.s32 s30, s28;
	v57 =	vmul.f32 v57, v47;
	v58 =	vadd.f32 $3.333333430e-01, v58;
	v46 =	vmul.f32 v46, v51  }
0x459: {  	s29 =	sand.u32 $0x3C00, s24;
	s28 =	simm.s32 $0xF0;
	s3 =	sand.u32 $0x3C00, s18;
	v56 =	vadd.f32 $3.333333430e-01, v56;
	v51 =	vmul.f32 v34, v34;
	v53 =	vmul.f32 v53, v60  }
0x45a: {  	s21 =	sadd.s32 s29, s0;
	s18 =	simm.s32 $0x60;
	s3 =	sadd.s32 s3, s0;
	v59 =	vadd.f32 $3.333333430e-01, v59;
	v34 =	vadd.f32 v34, v34;
	v54 =	vmul.f32 v58, v62  }
0x45b: {  	s29 =	simm.s32 $0x120;
	s18 =	sand.u32 $0x70, s18;
	s3 =	sadd.s32 s13, s3;
	v57 =	vadd.f32 $3.333333430e-01, v57;
	v48 =	vmul.f32 v56, v48;
	v56 =	vmul.f32 v38, v38  }
0x45c: {  	s9 =	sadd.s32 s18, s9;
	s18 =	simm.s32 $0x600;
	s13 =	sadd.s32 s23, s0;
	v62 =	vmul.f32 $1.428571490e-01, v51;
	v53 =	vadd.f32 $3.333333430e-01, v53;
	v55 =	vmul.f32 v59, v55  }
0x45d: {  	s23 =	simm.s32 $0x900;
	s3 =	sadd.s32 s30, s3;
	s5 =	sadd.s32 s30, s9;
	v46 =	vadd.f32 $1.000000000e+00, v46;
	v38 =	vadd.f32 v38, v38;
	v47 =	vmul.f32 v57, v47  }
0x45e: {  	s9 =	simm.s32 $0x150;
	s14 =	sand.u32 $0x3C00, s18;
	s18 =	sand.u32 $0x3C00, s19;
	v57 =	vmul.f32 v39, v39;
	v39 =	vadd.f32 v39, v39;
	v63 =	vmul.f32 $1.428571490e-01, v56  }
0x45f: {  	s19 =	sand.u32 $0x3C00, s22;
	s22 =	sand.u32 $0x3C00, s31;
	s23 =	sand.u32 $0x3C00, s23;
	v52 =	vmul.f32 v53, v60;
	v58 =	vadd.f32 $2.000000030e-01, v62;
	v48 =	vadd.f32 $1.000000000e+00, v48  }
0x460: {  	s31 =	simm.s32 $0xC0;
	s26 =	sand.u32 $0x70, s9;
	s14 =	sadd.s32 s14, s0;
	v62 =	vcvt.s32.f32 v26;
	v26 =	vadd.f32 $1.000000000e+00, v54;
	v42 =	vmul.f32 v46, v42  }
0x461: {  	s31 =	sand.u32 $0x70, s31;
	s18 =	sadd.s32 s18, s0;
	s13 =	sadd.s32 s26, s13;
	v60 =	vmul.f32 $1.428571490e-01, v57;
	v59 =	vadd.f32 $2.000000030e-01, v63;
	v58 =	vmul.f32 v58, v51  }
0x462: {  	s26 =	simm.s32 $0xD0;
	s14 =	sadd.s32 s31, s14;
	s31 =	simm.s32 $0xE0;
	v63 =	vadd.f32 $1.000000000e+00, v55;
	v52 =	vadd.f32 $1.000000000e+00, v52;
	v55 =	vcvt.s32.f32 v29  }
0x463: {  	s19 =	sadd.s32 s19, s0;
	s26 =	sand.u32 $0x70, s26;
	s24 =	sand.u32 $0x70, s31;
	v29 =	vadd.f32 v37, v37;
	v40 =	vmul.f32 v48, v40;
	v36 =	vmul.f32 v26, v36  }
0x464: {  	s22 =	sadd.s32 s22, s0;
	s31 =	sadd.s32 s26, s18;
	s18 =	sadd.s32 s24, s19;
	[tilespmem:s10+$0x0] =	vst.add.f32.msk $0xffff, v24;
	v24 =	vmul.f32 $6.931471820e-01, v62;
	v62 =	vmul.f32 $6.931471820e-01, v35;
	v53 =	vadd.f32 $2.000000030e-01, v60  }
0x465: {  	s24 =	simm.s32 $0x100;
	s26 =	sand.u32 $0x70, s28;
	s28 =	simm.s32 $0x110;
	v60 =	vshrl.u32 v27, $0x17;
	v27 =	vmul.f32 v49, v14;
	v59 =	vmul.f32 v59, v56  }
0x466: {  	s19 =	sadd.s32 s26, s21;
	s24 =	sand.u32 $0x70, s24;
	s26 =	sand.u32 $0x70, s28;
	v47 =	vadd.f32 $1.000000000e+00, v47;
	v37 =	vcvt.s32.f32 v60;
	v60 =	vmul.f32 v52, v29  }
0x467: {  	s23 =	sadd.s32 s23, s0;
	s21 =	simm.s32 $0xA00;
	s28 =	simm.s32 $0x140;
	[tilespmem:s3+$0x0] =	vst.add.f32.msk $0xffff, v21;
	v58 =	vadd.f32 $3.333333430e-01, v58;
	v29 =	vmul.f32 $6.931471820e-01, v43;
	v21 =	vmul.f32 $6.931471820e-01, v55  }
0x468: {  	s22 =	sadd.s32 s24, s22;
	s20 =	sadd.s32 s26, s20;
	s24 =	sand.u32 $0x70, s29;
	[tilespmem:s7+$0x0] =	vst.add.f32.msk $0xffff, v22;
	v22 =	vadd.f32 v41, v24;
	v24 =	vmul.f32 $6.931471820e-01, v31;
	v53 =	vmul.f32 v53, v57  }
0x469: {  	s26 =	sand.u32 $0x3C00, s21;
	s29 =	sand.u32 $0x1C00, s8;
	s21 =	simm.s32 $0xB0;
	v31 =	vadd.f32 v40, v18;
	v61 =	vadd.f32 $3.333333430e-01, v59;
	v51 =	vmul.f32 v58, v51  }
0x46a: {  	s23 =	sadd.s32 s24, s23;
	s26 =	sadd.s32 s26, s0;
	s24 =	sand.u32 $0x70, s28;
	v58 =	vmul.f32 v63, v33;
	v59 =	vadd.f32 $-8.802969360e+01, v25;
	v53 =	vadd.f32 $3.333333430e-01, v53  }
0x46b: {  	s28 =	sadd.s32 s30, s13;
	s24 =	sadd.s32 s24, s26;
	s26 =	sand.u32 $0x70, s21;
	v63 =	vmul.f32 $6.931471820e-01, v32;
	v29 =	vadd.f32 v42, v29;
	v49 =	vmul.f32 v61, v56  }
0x46c: {  	s13 =	sadd.s32 s30, s19;
	s17 =	sadd.s32 s26, s17;
	s12 =	sadd.s32 s30, s23;
	[tilespmem:s28+$0x0] =	vst.add.f32.msk $0xffff, v27;
	v32 =	vadd.f32 v36, v62;
	v27 =	vadd.f32 v60, v21;
	v53 =	vmul.f32 v53, v57  }
0x46d: {  	s10 =	sadd.s32 s29, s0;
	s3 =	sadd.s32 s30, s14;
	s7 =	sadd.s32 s30, s31;
	[tilespmem:s4+$0x0] =	vst.add.f32.msk $0xffff, v19;
	v19 =	vmul.f32 $6.931471820e-01, v37;
	v51 =	vadd.f32 $1.000000000e+00, v51;
	v49 =	vadd.f32 $1.000000000e+00, v49  }
0x46e: {  	s14 =	sadd.s32 s30, s18;
	s18 =	sadd.s32 s30, s22;
	s26 =	sadd.s32 s26, s10;
	v61 =	vmul.f32 $6.931471820e-01, v45;
	v57 =	vmul.f32 v47, v28;
	v53 =	vadd.f32 $1.000000000e+00, v53  }
0x46f: {  	s10 =	simm.s32 $0xB;
	s4 =	sadd.s32 s30, s20;
	s31 =	sadd.s32 s30, s26;
	v18 =	vadd.f32 v58, v63;
	v26 =	vmul.f32 v51, v34;
	v28 =	vmul.f32 v49, v38  }
0x470: {  	s2 =	sadd.s32 s30, s17;
	s17 =	sadd.s32 s30, s24;
	s16 =	sadd.s32 $0xB0, s16;
	v21 =	vmul.f32 v59, v14;
	v33 =	vadd.f32 v57, v61;
	v25 =	vmul.f32 v53, v39  }
.LBB2_22:
0x471: {  	v34 =	vld [tilespmem:s16+$0x50];
	s10 =	sadd.s32 $0xB, s10;
	v24 =	vadd.f32 v26, v24;
	v28 =	vadd.f32 v28, v30;
	v30 =	vmul.f32 v15, v14  }
0x472: {  	v15 =	vadd.f32 $-8.802969360e+01, v22;
	v19 =	vadd.f32 v25, v19;
	v22 =	vmul.f32 v16, v14;
	v35 =	vld [tilespmem:s16+$0xFFFFFFB0];
	p0 =	slt.u32 s10, $0x2C  }
0x473: {  	v16 =	vadd.f32 $-8.802969360e+01, v29;
	v29 =	vadd.f32 $-8.802969360e+01, v31;
	v23 =	vmul.f32 v23, v14;
	v25 =	vld [tilespmem:s16+$0xFFFFFFC0]  }
0x474: {  	v33 =	vadd.f32 $-8.802969360e+01, v33;
	v32 =	vadd.f32 $-8.802969360e+01, v32;
	v36 =	vmul.f32 v15, v14;
	v31 =	vld [tilespmem:s16+$0xFFFFFFD0]  }
0x475: {  	v18 =	vadd.f32 $-8.802969360e+01, v18;
	v17 =	vadd.f32 $-8.802969360e+01, v27;
	v38 =	vmul.f32 v16, v14;
	v37 =	vld [tilespmem:s16+$0xFFFFFFE0]  }
0x476: {  	v29 =	vmul.f32 v29, v14;
	v15 =	vadd.f32 $-8.802969360e+01, v24;
	v27 =	vld [tilespmem:s16+$0xFFFFFFF0];
	v26 =	vadd.f32 $9.999999960e-13, v34  }
0x477: {  	v33 =	vmul.f32 v33, v14;
	v16 =	vadd.f32 $-8.802969360e+01, v28;
	v24 =	vadd.f32 $9.999999960e-13, v35;
	v34 =	vld [tilespmem:s16+$0x0]  }
0x478: {  	v32 =	vmul.f32 v32, v14;
	v25 =	vadd.f32 $9.999999960e-13, v25;
	v28 =	vld [tilespmem:s16+$0x10];
	v35 =	vand.u32 $0x7FFFFF, v26  }
0x479: {  	v39 =	vand.u32 $0x7FFFFF, v24;
	v31 =	vadd.f32 $9.999999960e-13, v31;
	v40 =	vld [tilespmem:s16+$0x20];
	v35 =	vor.u32 $0x3F800000, v35  }
0x47a: {  	v41 =	vand.u32 $0x7FFFFF, v25;
	v37 =	vadd.f32 $9.999999960e-13, v37;
	v42 =	vld [tilespmem:s16+$0x30];
	v43 =	vadd.f32 $1.000000000e+00, v35  }
0x47b: {  	v39 =	vor.u32 $0x3F800000, v39;
	v44 =	vand.u32 $0x7FFFFF, v31;
	v27 =	vadd.f32 $9.999999960e-13, v27;
	v45 =	vld [tilespmem:s16+$0x40]  }
0x47c: {  	v46 =	vand.u32 $0x7FFFFF, v37;
	v47 =	vadd.f32 $9.999999960e-13, v34;
	(erf) = vrcp.f32 v43;
	[tilespmem:s31+$0x0] =	vst.add.f32.msk $0xffff, v36  }
0x47d: {  	v41 =	vor.u32 $0x3F800000, v41;
	v36 =	vand.u32 $0x7FFFFF, v27;
	v43 =	vadd.f32 $9.999999960e-13, v28;
	[tilespmem:s3+$0x0] =	vst.add.f32.msk $0xffff, v38  }
0x47e: {  	v28 =	vor.u32 $0x3F800000, v44;
	v38 =	vand.u32 $0x7FFFFF, v47;
	v44 =	vadd.f32 $9.999999960e-13, v40;
	[tilespmem:s7+$0x0] =	vst.add.f32.msk $0xffff, v29  }
0x47f: {  	v29 =	vor.u32 $0x3F800000, v46;
	v40 =	vand.u32 $0x7FFFFF, v43;
	v34 =	vadd.f32 $9.999999960e-13, v42;
	[tilespmem:s14+$0x0] =	vst.add.f32.msk $0xffff, v33  }
0x480: {  	v33 =	vor.u32 $0x3F800000, v36;
	v42 =	vand.u32 $0x7FFFFF, v44;
	v36 =	vadd.f32 $9.999999960e-13, v45;
	[tilespmem:s13+$0x0] =	vst.add.f32.msk $0xffff, v32  }
0x481: {  	v32 =	vor.u32 $0x3F800000, v38;
	v38 =	vor.u32 $0x3F800000, v40;
	v40 =	vand.u32 $0x7FFFFF, v34;
	[tilespmem:s6+$0x0] =	vst.add.f32.msk $0xffff, v20;
	s6 =	smov.u32 s18  }
0x482: {  	v42 =	vor.u32 $0x3F800000, v42;
	v40 =	vor.u32 $0x3F800000, v40;
	v20 =	vand.u32 $0x7FFFFF, v36;
	[tilespmem:s5+$0x0] =	vst.add.f32.msk $0xffff, v21;
	s5 =	smov.u32 s4  }
0x483: {  	v48 =	vadd.f32 $1.000000000e+00, v39;
	v45 =	vadd.f32 $1.000000000e+00, v41;
	v46 =	vor.u32 $0x3F800000, v20;
	[tilespmem:s11+$0x0] =	vst.add.f32.msk $0xffff, v30;
	s11 =	smov.u32 s12  }
0x484: {  	v20 =	vshrl.u32 v24, $0x17;
	v24 =	vadd.f32 $1.000000000e+00, v28;
	v30 =	vadd.f32 $-1.000000000e+00, v35;
	[tilespmem:s1+$0x0] =	vst.add.f32.msk $0xffff, v22;
	s1 =	smov.u32 s2  }
0x485: {  	v35 =	vadd.f32 $1.000000000e+00, v33;
	v22 =	vadd.f32 $1.000000000e+00, v29;
	(erf) = vrcp.f32 v48;
	v21 =	vpop (erf);
	[tilespmem:s15+$0x0] =	vst.add.f32.msk $0xffff, v23;
	s15 =	smov.u32 s17  }
0x486: {  	v23 =	vadd.f32 $1.000000000e+00, v32;
	v48 =	vadd.f32 $1.000000000e+00, v38;
	v30 =	vmul.f32 v21, v30  }
0x487: {  	v49 =	vadd.f32 $1.000000000e+00, v40;
	v21 =	vadd.f32 $1.000000000e+00, v42;
	(erf) = vrcp.f32 v45  }
0x488: {  	v45 =	vadd.f32 $1.000000000e+00, v46;
	v50 =	vmul.f32 v30, v30;
	(erf) = vrcp.f32 v24  }
0x489: {  	v24 =	vadd.f32 $-1.000000000e+00, v39;
	v39 =	vadd.f32 $-1.000000000e+00, v41;
	(erf) = vrcp.f32 v22  }
0x48a: {  	v28 =	vadd.f32 $-1.000000000e+00, v28;
	v22 =	vmul.f32 $1.428571490e-01, v50;
	(erf) = vrcp.f32 v35  }
0x48b: {  	v33 =	vadd.f32 $-1.000000000e+00, v33;
	v29 =	vadd.f32 $-1.000000000e+00, v29;
	(erf) = vrcp.f32 v23  }
0x48c: {  	v32 =	vadd.f32 $-1.000000000e+00, v32;
	v22 =	vadd.f32 $2.000000030e-01, v22;
	(erf) = vrcp.f32 v48  }
0x48d: {  	v35 =	vadd.f32 $-1.000000000e+00, v38;
	v38 =	vadd.f32 $-1.000000000e+00, v42;
	(erf) = vrcp.f32 v21  }
0x48e: {  	v42 =	vadd.f32 $-1.000000000e+00, v40;
	v41 =	vmul.f32 v22, v50;
	v21 =	vpop (erf);
	(erf) = vrcp.f32 v49  }
0x48f: {  	v46 =	vadd.f32 $-1.000000000e+00, v46;
	v48 =	vmul.f32 v21, v24;
	(erf) = vrcp.f32 v45  }
0x490: {  	v24 =	vshrl.u32 v25, $0x17;
	v21 =	vshrl.u32 v31, $0x17;
	v31 =	vadd.f32 $3.333333430e-01, v41;
	v22 =	vpop (erf)  }
0x491: {  	v40 =	vmul.f32 v48, v48;
	v39 =	vmul.f32 v22, v39;
	v22 =	vshrl.u32 v37, $0x17;
	v23 =	vpop (erf)  }
0x492: {  	v49 =	vmul.f32 v23, v28;
	v23 =	vshrl.u32 v27, $0x17;
	v45 =	vmul.f32 v31, v50;
	v25 =	vpop (erf)  }
0x493: {  	v26 =	vshrl.u32 v26, $0x17;
	v41 =	vmul.f32 v39, v39;
	v25 =	vmul.f32 v25, v29;
	v28 =	vpop (erf)  }
0x494: {  	v30 =	vadd.f32 v30, v30;
	v50 =	vcvt.s32.f32 v26;
	v37 =	vadd.f32 $1.000000000e+00, v45;
	v27 =	vpop (erf)  }
0x495: {  	v26 =	vshrl.u32 v47, $0x17;
	v29 =	vmul.f32 v28, v33;
	v28 =	vmul.f32 v27, v32;
	v32 =	vpop (erf)  }
0x496: {  	v45 =	vmul.f32 $6.931471820e-01, v50;
	v27 =	vshrl.u32 v43, $0x17;
	v37 =	vmul.f32 v37, v30;
	v31 =	vpop (erf)  }
0x497: {  	v32 =	vmul.f32 v32, v35;
	v30 =	vshrl.u32 v44, $0x17;
	v31 =	vmul.f32 v31, v38;
	v33 =	vpop (erf)  }
0x498: {  	s8 =	sadd.s32 $0x580, s8;
	v43 =	vmul.f32 v49, v49;
	v33 =	vmul.f32 v33, v42;
	v37 =	vadd.f32 v37, v45;
	v35 =	vpop (erf)  }
0x499: {  	s3 =	sadd.s32 $0x100, s8;
	v34 =	vshrl.u32 v34, $0x17;
	s4 =	sadd.s32 $0x500, s8;
	s2 =	sadd.s32 $0x80, s8;
	v45 =	vmul.f32 v25, v25;
	v35 =	vmul.f32 v35, v46  }
0x49a: {  	s9 =	sadd.s32 $0xB0, s9;
	s7 =	sadd.s32 $0x180, s8;
	s4 =	sand.u32 $0x3C00, s4;
	v47 =	vmul.f32 v29, v29;
	v44 =	vmul.f32 v28, v28;
	v38 =	vadd.f32 $-8.802969360e+01, v37  }
0x49b: {  	s13 =	sand.u32 $0x70, s9;
	v36 =	vshrl.u32 v36, $0x17;
	s12 =	sadd.s32 $0x200, s8;
	s4 =	sadd.s32 s4, s0;
	v50 =	vmul.f32 v32, v32;
	v42 =	vmul.f32 v31, v31  }
0x49c: {  	s14 =	sadd.s32 $0x280, s8;
	s17 =	sadd.s32 $0x300, s8;
	s4 =	sadd.s32 s13, s4;
	v37 =	vadd.f32 v48, v48;
	v46 =	vmul.f32 v33, v33;
	v48 =	vmul.f32 v38, v14  }
0x49d: {  	s18 =	sadd.s32 $0x400, s8;
	s13 =	sadd.s32 $0x380, s8;
	s4 =	sadd.s32 s30, s4;
	v51 =	vmul.f32 $1.428571490e-01, v40;
	v52 =	vmul.f32 v35, v35;
	v38 =	vadd.f32 v39, v39  }
0x49e: {  	s19 =	sadd.s32 $0x480, s8;
	s3 =	sand.u32 $0x3C00, s3;
	s2 =	sand.u32 $0x3C00, s2;
	v53 =	vmul.f32 $1.428571490e-01, v41;
	v54 =	vmul.f32 $1.428571490e-01, v43;
	v39 =	vadd.f32 v49, v49;
	[tilespmem:s4+$0x0] =	vst.add.f32.msk $0xffff, v48  }
0x49f: {  	v49 =	vmul.f32 $1.428571490e-01, v45;
	v48 =	vadd.f32 $2.000000030e-01, v51;
	s4 =	sand.u32 $0x3C00, s7;
	v51 =	vmul.f32 $1.428571490e-01, v47;
	s7 =	sand.u32 $0x3C00, s12;
	s12 =	sand.u32 $0x3C00, s14  }
0x4a0: {  	s13 =	sand.u32 $0x3C00, s13;
	v53 =	vadd.f32 $2.000000030e-01, v53;
	v55 =	vmul.f32 $1.428571490e-01, v44;
	v56 =	vmul.f32 $1.428571490e-01, v50;
	s14 =	sand.u32 $0x3C00, s17;
	s17 =	sand.u32 $0x3C00, s18  }
0x4a1: {  	s19 =	sand.u32 $0x3C00, s19;
	s2 =	sadd.s32 s2, s0;
	v54 =	vadd.f32 $2.000000030e-01, v54;
	v57 =	vmul.f32 $1.428571490e-01, v42;
	v58 =	vmul.f32 $1.428571490e-01, v46;
	s18 =	sand.u32 $0x1C00, s8  }
0x4a2: {  	s20 =	sadd.s32 $0xFFFFFF70, s9;
	s22 =	sadd.s32 $0xFFFFFF80, s9;
	s3 =	sadd.s32 s3, s0;
	v59 =	vmul.f32 $1.428571490e-01, v52;
	v49 =	vadd.f32 $2.000000030e-01, v49;
	v51 =	vadd.f32 $2.000000030e-01, v51  }
0x4a3: {  	s23 =	sadd.s32 $0xFFFFFF90, s9;
	s24 =	sadd.s32 $0xFFFFFFA0, s9;
	s26 =	sadd.s32 $0xFFFFFFB0, s9;
	v55 =	vadd.f32 $2.000000030e-01, v55;
	v56 =	vadd.f32 $2.000000030e-01, v56;
	v48 =	vmul.f32 v48, v40  }
0x4a4: {  	s29 =	sadd.s32 $0xFFFFFFC0, s9;
	s28 =	sadd.s32 $0xFFFFFFF0, s9;
	s31 =	sadd.s32 $0xFFFFFFD0, s9;
	v53 =	vmul.f32 v53, v41;
	v57 =	vadd.f32 $2.000000030e-01, v57;
	v58 =	vadd.f32 $2.000000030e-01, v58  }
0x4a5: {  	s21 =	sadd.s32 $0xFFFFFF60, s9;
	v54 =	vmul.f32 v54, v43;
	s4 =	sadd.s32 s4, s0;
	s7 =	sadd.s32 s7, s0;
	v59 =	vadd.f32 $2.000000030e-01, v59;
	v49 =	vmul.f32 v49, v45  }
0x4a6: {  	s13 =	sadd.s32 s13, s0;
	v55 =	vmul.f32 v55, v44;
	s12 =	sadd.s32 s12, s0;
	s14 =	sadd.s32 s14, s0;
	v48 =	vadd.f32 $3.333333430e-01, v48;
	v51 =	vmul.f32 v51, v47  }
0x4a7: {  	s21 =	sand.u32 $0x70, s21;
	s19 =	sadd.s32 s19, s0;
	v53 =	vadd.f32 $3.333333430e-01, v53;
	v56 =	vmul.f32 v56, v50;
	v57 =	vmul.f32 v57, v42;
	s17 =	sadd.s32 s17, s0  }
0x4a8: {  	s20 =	sand.u32 $0x70, s20;
	s22 =	sand.u32 $0x70, s22;
	v54 =	vadd.f32 $3.333333430e-01, v54;
	s18 =	sadd.s32 s18, s0;
	v58 =	vmul.f32 v58, v46;
	v59 =	vmul.f32 v59, v52  }
0x4a9: {  	s23 =	sand.u32 $0x70, s23;
	s24 =	sand.u32 $0x70, s24;
	s26 =	sand.u32 $0x70, s26;
	v40 =	vmul.f32 v48, v40;
	v48 =	vadd.f32 $3.333333430e-01, v49;
	v49 =	vadd.f32 $3.333333430e-01, v51  }
0x4aa: {  	s29 =	sand.u32 $0x70, s29;
	s28 =	sand.u32 $0x70, s28;
	s31 =	sand.u32 $0x70, s31;
	v41 =	vmul.f32 v53, v41;
	v53 =	vadd.f32 $3.333333430e-01, v56;
	v51 =	vadd.f32 $3.333333430e-01, v55  }
0x4ab: {  	s2 =	sadd.s32 s20, s2;
	s20 =	sadd.s32 s22, s3;
	v43 =	vmul.f32 v54, v43;
	s4 =	sadd.s32 s23, s4;
	v54 =	vadd.f32 $3.333333430e-01, v57;
	v55 =	vadd.f32 $3.333333430e-01, v58  }
0x4ac: {  	s22 =	sadd.s32 s24, s7;
	s12 =	sadd.s32 s26, s12;
	s23 =	sadd.s32 s29, s14;
	v45 =	vmul.f32 v48, v45;
	v47 =	vmul.f32 v49, v47;
	v48 =	vadd.f32 $3.333333430e-01, v59  }
0x4ad: {  	s19 =	sadd.s32 s28, s19;
	s24 =	sadd.s32 s31, s13;
	s17 =	sadd.s32 s21, s17;
	v40 =	vadd.f32 $1.000000000e+00, v40;
	v44 =	vmul.f32 v51, v44;
	v49 =	vmul.f32 v53, v50  }
0x4ae: {  	s3 =	sadd.s32 s30, s2;
	v41 =	vadd.f32 $1.000000000e+00, v41;
	s21 =	sadd.s32 s21, s18;
	s7 =	sadd.s32 s30, s20;
	v42 =	vmul.f32 v54, v42;
	v46 =	vmul.f32 v55, v46  }
0x4af: {  	v43 =	vadd.f32 $1.000000000e+00, v43;
	s14 =	sadd.s32 s30, s4;
	s13 =	sadd.s32 s30, s22;
	s18 =	sadd.s32 s30, s12;
	v45 =	vadd.f32 $1.000000000e+00, v45;
	v48 =	vmul.f32 v48, v52  }
0x4b0: {  	v20 =	vcvt.s32.f32 v20;
	s4 =	sadd.s32 s30, s23;
	s12 =	sadd.s32 s30, s24;
	s2 =	sadd.s32 s30, s17;
	v47 =	vadd.f32 $1.000000000e+00, v47;
	v44 =	vadd.f32 $1.000000000e+00, v44  }
0x4b1: {  	v24 =	vcvt.s32.f32 v24;
	s31 =	sadd.s32 s30, s21;
	s17 =	sadd.s32 s30, s19;
	v42 =	vadd.f32 $1.000000000e+00, v42;
	v49 =	vadd.f32 $1.000000000e+00, v49  }
0x4b2: {  	v21 =	vcvt.s32.f32 v21;
	v46 =	vadd.f32 $1.000000000e+00, v46;
	v48 =	vadd.f32 $1.000000000e+00, v48  }
0x4b3: {  	v22 =	vcvt.s32.f32 v22;
	v29 =	vadd.f32 v29, v29;
	v25 =	vadd.f32 v25, v25  }
0x4b4: {  	v28 =	vadd.f32 v28, v28;
	v32 =	vadd.f32 v32, v32;
	v50 =	vcvt.s32.f32 v23  }
0x4b5: {  	v51 =	vcvt.s32.f32 v26;
	v26 =	vadd.f32 v31, v31;
	v31 =	vadd.f32 v33, v33  }
0x4b6: {  	v27 =	vcvt.s32.f32 v27;
	v30 =	vcvt.s32.f32 v30;
	v33 =	vadd.f32 v35, v35  }
0x4b7: {  	v34 =	vcvt.s32.f32 v34;
	v35 =	vcvt.s32.f32 v36;
	v23 =	vadd.f32 $-8.802969360e+01, v19  }
0x4b8: {  	v36 =	vmul.f32 v41, v38;
	v19 =	vmul.f32 v40, v37  }
0x4b9: {  	v37 =	vmul.f32 v43, v39;
	v38 =	vmul.f32 v45, v25  }
0x4ba: {  	v39 =	vmul.f32 v47, v29;
	v40 =	vmul.f32 v44, v28  }
0x4bb: {  	v26 =	vmul.f32 v42, v26;
	v41 =	vmul.f32 v49, v32  }
0x4bc: {  	v28 =	vmul.f32 v46, v31;
	v25 =	vmul.f32 v48, v33  }
0x4bd: {  	v20 =	vmul.f32 $6.931471820e-01, v20;
	v24 =	vmul.f32 $6.931471820e-01, v24  }
0x4be: {  	v21 =	vmul.f32 $6.931471820e-01, v21;
	v32 =	vmul.f32 $6.931471820e-01, v22  }
.Ltmp9:
0x4bf: {  	v42 =	vmul.f32 $6.931471820e-01, v51;
	v22 =	vadd.f32 v19, v20;
	v20 =	vmul.f32 $6.931471820e-01, v50;
	(pc) =	sbr.rel @p0 .LBB2_22-.Ltmp9, $4  }
0x4c0: {  	v27 =	vmul.f32 $6.931471820e-01, v27;
	v29 =	vadd.f32 v36, v24;
	v24 =	vmul.f32 $6.931471820e-01, v30  }
0x4c1: {  	v31 =	vadd.f32 v37, v21;
	v30 =	vmul.f32 $6.931471820e-01, v34;
	v19 =	vmul.f32 $6.931471820e-01, v35  }
0x4c2: {  	v33 =	vadd.f32 v38, v32;
	v32 =	vadd.f32 v39, v20;
	v20 =	vmul.f32 v18, v14  }
0x4c3: {  	s16 =	sadd.s32 $0xB0, s16;
	v21 =	vmul.f32 v17, v14;
	v18 =	vadd.f32 v40, v42;
	v27 =	vadd.f32 v41, v27  }
0x4c4: {  	v15 =	vmul.f32 v15, v14;
	[tilespmem:s6+$0x0] =	vst.add.f32.msk $0xffff, v20  }
0x4c5: {  	v17 =	vadd.f32 $-8.802969360e+01, v22;
	v16 =	vmul.f32 v16, v14;
	[tilespmem:s5+$0x0] =	vst.add.f32.msk $0xffff, v21  }
0x4c6: {  	v51 =	vadd.f32 $-8.802969360e+01, v29;
	v58 =	vmul.f32 v23, v14;
	[tilespmem:s11+$0x0] =	vst.add.f32.msk $0xffff, v15  }
0x4c7: {  	v52 =	vadd.f32 $-8.802969360e+01, v31;
	v17 =	vmul.f32 v17, v14;
	[tilespmem:s1+$0x0] =	vst.add.f32.msk $0xffff, v16  }
0x4c8: {  	v53 =	vadd.f32 $-8.802969360e+01, v33;
	v22 =	vmul.f32 v51, v14;
	[tilespmem:s15+$0x0] =	vst.add.f32.msk $0xffff, v58  }
0x4c9: {  	v32 =	vadd.f32 $-8.802969360e+01, v32;
	v29 =	vmul.f32 v52, v14;
	[tilespmem:s31+$0x0] =	vst.add.f32.msk $0xffff, v17  }
0x4ca: {  	v57 =	vadd.f32 v28, v30;
	v18 =	vadd.f32 $-8.802969360e+01, v18;
	v54 =	vmul.f32 v53, v14;
	[tilespmem:s3+$0x0] =	vst.add.f32.msk $0xffff, v22  }
0x4cb: {  	v56 =	vadd.f32 v26, v24;
	v59 =	vadd.f32 $-8.802969360e+01, v27;
	v55 =	vmul.f32 v32, v14;
	[tilespmem:s7+$0x0] =	vst.add.f32.msk $0xffff, v29  }
0x4cc: {  	v15 =	vadd.f32 v25, v19;
	v61 =	vadd.f32 $-8.802969360e+01, v57;
	v60 =	vmul.f32 v18, v14;
	[tilespmem:s14+$0x0] =	vst.add.f32.msk $0xffff, v54  }
0x4cd: {  	v62 =	vmul.f32 v59, v14;
	[tilespmem:s13+$0x0] =	vst.add.f32.msk $0xffff, v55;
	v17 =	vadd.f32 $-8.802969360e+01, v56  }
0x4ce: {  	v15 =	vadd.f32 $-8.802969360e+01, v15;
	v63 =	vmul.f32 v61, v14;
	[tilespmem:s18+$0x0] =	vst.add.f32.msk $0xffff, v60  }
0x4cf: {  	[tilespmem:s4+$0x0] =	vst.add.f32.msk $0xffff, v62;
	v17 =	vmul.f32 v17, v14  }
0x4d0: {  	v15 =	vmul.f32 v15, v14;
	[tilespmem:s2+$0x0] =	vst.add.f32.msk $0xffff, v63  }
0x4d1: {  	[tilespmem:s12+$0x0] =	vst.add.f32.msk $0xffff, v17  }
0x4d2: {  	s0 =	sadd.s32 s30, s0;
	[tilespmem:s17+$0x0] =	vst.add.f32.msk $0xffff, v15  }
0x4d3: {  	s1 =	simm.s32 $0x370;
	s2 =	simm.s32 $0x1B80;
	s3 =	rddreg [dreg:$0x13]  }
.LBB2_24:
0x4d4: {  	v15 =	vld [tilespmem:s3+$0x0];
	_ =	sdelay $0x4  }
0x4d5: {  	v15 =	vadd.f32 $9.999999960e-13, v15;
	_ =	sdelay $0x1  }
0x4d6: {  	v16 =	vand.u32 $0x7FFFFF, v15  }
0x4d7: {  	v16 =	vor.u32 $0x3F800000, v16  }
0x4d8: {  	v17 =	vadd.f32 $1.000000000e+00, v16;
	_ =	sdelay $0x1  }
0x4d9: {  	(erf) = vrcp.f32 v17;
	_ =	sdelay $0x7  }
0x4da: {  	v16 =	vadd.f32 $-1.000000000e+00, v16  }
0x4db: {  	v17 =	vpop (erf)  }
0x4dc: {  	v16 =	vmul.f32 v17, v16;
	_ =	sdelay $0x1  }
0x4dd: {  	v17 =	vmul.f32 v16, v16;
	_ =	sdelay $0x1  }
0x4de: {  	v18 =	vmul.f32 $1.428571490e-01, v17;
	_ =	sdelay $0x1  }
0x4df: {  	v18 =	vadd.f32 $2.000000030e-01, v18;
	_ =	sdelay $0x1  }
0x4e0: {  	v18 =	vmul.f32 v18, v17;
	_ =	sdelay $0x1  }
0x4e1: {  	v18 =	vadd.f32 $3.333333430e-01, v18;
	_ =	sdelay $0x1  }
0x4e2: {  	v17 =	vmul.f32 v18, v17  }
0x4e3: {  	v15 =	vshrl.u32 v15, $0x17  }
0x4e4: {  	v15 =	vcvt.s32.f32 v15;
	v16 =	vadd.f32 v16, v16;
	v17 =	vadd.f32 $1.000000000e+00, v17;
	_ =	sdelay $0x1  }
0x4e5: {  	v15 =	vmul.f32 $6.931471820e-01, v15;
	v16 =	vmul.f32 v17, v16;
	_ =	sdelay $0x1  }
0x4e6: {  	v15 =	vadd.f32 v16, v15  }
0x4e7: {  	p0 =	sne.s32 s1, $0x3D0  }
.Ltmp10:
0x4e8: {  	v15 =	vadd.f32 $-8.802969360e+01, v15;
	(pc) =	sbr.rel @p0 .LBB2_24-.Ltmp10, $4  }
0x4e9: {  	s4 =	sand.u32 $0x1C00, s2  }
0x4ea: {  	s5 =	sand.u32 $0x70, s1;
	s4 =	sadd.s32 s4, s0;
	v15 =	vmul.f32 v15, v14  }
0x4eb: {  	s4 =	sadd.s32 s5, s4  }
0x4ec: {  	s2 =	sadd.s32 $0x80, s2;
	s3 =	sadd.s32 $0x10, s3;
	s1 =	sadd.s32 $0x10, s1;
	[tilespmem:s4+$0x0] =	vst.add.f32.msk $0xffff, v15  }
0x4ed: {  	s0 =	rddreg [dreg:$0x1b]  }
0x4ee: {  	v15 =	vld [tilespmem:s0+$0x44E0];
	_ =	sdelay $0x4  }
0x4ef: {  	v15 =	vadd.f32 $9.999999960e-13, v15;
	_ =	sdelay $0x1  }
0x4f0: {  	v16 =	vand.u32 $0x7FFFFF, v15  }
0x4f1: {  	v16 =	vor.u32 $0x3F800000, v16  }
0x4f2: {  	v17 =	vadd.f32 $1.000000000e+00, v16;
	_ =	sdelay $0x1  }
0x4f3: {  	(erf) = vrcp.f32 v17;
	_ =	sdelay $0x7  }
0x4f4: {  	v16 =	vadd.f32 $-1.000000000e+00, v16  }
0x4f5: {  	v17 =	vpop (erf)  }
0x4f6: {  	v16 =	vmul.f32 v17, v16;
	_ =	sdelay $0x1  }
0x4f7: {  	v17 =	vmul.f32 v16, v16;
	_ =	sdelay $0x1  }
0x4f8: {  	v18 =	vmul.f32 $1.428571490e-01, v17;
	_ =	sdelay $0x1  }
0x4f9: {  	v18 =	vadd.f32 $2.000000030e-01, v18;
	_ =	sdelay $0x1  }
0x4fa: {  	v18 =	vmul.f32 v18, v17;
	_ =	sdelay $0x1  }
0x4fb: {  	v18 =	vadd.f32 $3.333333430e-01, v18;
	_ =	sdelay $0x1  }
0x4fc: {  	s29 =	rddreg [dreg:$0x15];
	v15 =	vshrl.u32 v15, $0x17;
	v17 =	vmul.f32 v18, v17  }
0x4fd: {  	s0 =	sor.u32 $0x1, s29;
	v15 =	vcvt.s32.f32 v15  }
0x4fe: {  	v16 =	vadd.f32 v16, v16;
	v18 =	vmov s0;
	v17 =	vadd.f32 $1.000000000e+00, v17  }
0x4ff: {  	vm1 =	veq.s32 v18, v1  }
0x500: {  	v15 =	vmul.f32 $6.931471820e-01, v15;
	v16 =	vmul.f32 v17, v16;
	v17 =	vnsel vm1, $0x0, v13  }
0x501: {  	v18 =	vperm.xlane v17, v2  }
0x502: {  	v15 =	vadd.f32 v16, v15  }
0x503: {  	v16 =	vadd.s32 v17, v18  }
0x504: {  	s1 =	rddreg [dreg:$0x14];
	v17 =	vadd.f32 $-8.802969360e+01, v15;
	v18 =	vperm.xlane v16, v3  }
0x505: {  	v15 =	vmov s1  }
0x506: {  	s31 =	rddreg [dreg:$0x1e];
	v14 =	vmul.f32 v17, v14;
	v16 =	vadd.s32 v18, v16  }
0x507: {  	s0 =	smul.u32 $0xFA0, s0;
	s1 =	sor.u32 s31, s30;
	v17 =	vperm.xlane v16, v4  }
0x508: {  	s1 =	sor.u32 $0x1C60, s1;
	v14 =	vnsel vm0, $0x0, v14  }
0x509: {  	s2 =	simm.s32 $0x0;
	s3 =	sshra.s32 s0, $0x2;
	[tilespmem:s1+$0x8000] =	vst.add.f32.msk $0xffff, v14;
	v14 =	vadd.s32 v17, v16  }
0x50a: {  	s0 =	sadd.s32 $0x4100, s3;
	v16 =	vimm.f32 $-1.000000000e+00;
	s1 =	simm.s32 $0x40;
	v18 =	vld.idx.msk [tilespmem:v15+s2+$0x0 ss:$0x1], $0xffff;
	v17 =	vperm.xlane v14, v5  }
.LBB2_26:
0x50b: {  	p0 =	sne.s32 s1, $0xF40  }
.Ltmp11:
0x50c: {  	_ = 	snop;
	(pc) =	sbr.rel @p0 .LBB2_26-.Ltmp11, $3  }
0x50d: {  	_ =	sdelay $0x1  }
0x50e: {  	s2 =	sshra.s32 s1, $0x2;
	s1 =	sadd.s32 $0x40, s1  }
0x50f: {  	v16 =	vmax.f32 v16, v18;
	v18 =	vld.idx.msk [tilespmem:v15+s2+$0x0 ss:$0x1], $0xffff  }
0x510: {  	v14 =	vadd.s32 v17, v14  }
0x511: {  	(v2sf) =	vpush v14, $0x0;
	_ =	sdelay $0x3  }
0x512: {  	v15 =	vld [tilespmem:s3+$0x44E0];
	_ =	sdelay $0x4  }
0x513: {  	v16 =	vmax.f32 v16, v18;
	v15 =	vnsel vm0, $0xBF800000, v15  }
0x514: {  	v15 =	vmax.f32 v16, v15  }
0x515: {  	v16 =	vperm.xlane v15, v6;
	_ =	sdelay $0x1  }
0x516: {  	v15 =	vmax.f32 v15, v16  }
0x517: {  	v16 =	vperm.xlane v15, v7  }
0x518: {  	s1 =	spop (v2sf)  }
0x519: {  	v15 =	vmax.f32 v15, v16;
	s2 =	sand.u32 $0xFFFFFFF0, s1  }
0x51a: {  	v18 =	vld [tilespmem:s3+$0x4100];
	v16 =	vperm.xlane v15, v8;
	s0 =	sadd.s32 s2, s0  }
0x51b: {  	v17 =	vld [tilespmem:s0+$0x0]  }
0x51c: {  	v15 =	vmax.f32 v15, v16;
	v16 =	vld [tilespmem:s3+$0x4110]  }
0x51d: {  	v19 =	vperm.xlane v15, v5;
	s14 =	sand.u32 $0xF, s1  }
0x51e: {  	v20 =	vld [tilespmem:s3+$0x4120];
	v14 =	vbroadcast v14, $0x0;
	v21 =	vmov s14  }
0x51f: {  	v15 =	vmax.f32 v15, v19;
	vm1 =	veq.s32 v21, v1  }
0x520: {  	v22 =	vld [tilespmem:s3+$0x4130];
	vm2 =	veq.f32 v18, v15;
	v17 =	vnsel vm1, $0x0, v17;
	vm1 =	vgt.s32 v14, v1  }
0x521: {  	vm3 =	vgt.s32 v14, v10;
	vm1 =	vmand vm1, vm2;
	vm2 =	veq.f32 v16, v15  }
0x522: {  	v16 =	vsel vm1, $0x1, v9;
	vm2 =	vmand vm3, vm2  }
0x523: {  	vm1 =	veq.f32 v20, v15;
	v18 =	vsel vm2, $0x1, v9;
	vm2 =	vgt.s32 v14, v11  }
0x524: {  	[dreg:$0x1c] =	wrdreg s3;
	s15 =	sshll.u32 s1, $0xA;
	vm1 =	vmand vm2, vm1;
	vm2 =	vgt.s32 v14, v12;
	v14 =	vperm.xlane v17, v6  }
0x525: {  	[smem:$0x7FD] =	sst s15;
	vm3 =	veq.f32 v22, v15;
	v16 =	vadd.s32 v16, v18  }
0x526: {  	v19 =	vld [tilespmem:s25+$0xFFFFFF90];
	vm2 =	vmand vm2, vm3;
	v18 =	vsel vm1, $0x1, v9;
	v14 =	vadd.f32 v14, v17  }
0x527: {  	v21 =	vld [tilespmem:s25+$0xFFFFFFB0];
	v16 =	vadd.s32 v18, v16;
	v17 =	vsel vm2, $0x1, v9  }
0x528: {  	v23 =	vld [tilespmem:s25+$0xFFFFFFC0];
	v16 =	vadd.s32 v17, v16;
	v17 =	vperm.xlane v14, v7  }
0x529: {  	v25 =	vld [tilespmem:s25+$0xFFFFFFD0];
	v18 =	vperm.xlane v16, v6  }
0x52a: {  	v28 =	vld [tilespmem:s25+$0xFFFFFFE0];
	v14 =	vadd.f32 v17, v14  }
0x52b: {  	v29 =	vld [tilespmem:s25+$0xFFFFFFF0];
	v16 =	vadd.s32 v18, v16  }
0x52c: {  	v17 =	vperm.xlane v16, v7;
	v18 =	vperm.xlane v14, v8  }
0x52d: {  	v19 =	vadd.f32 $9.999999960e-13, v19;
	v21 =	vadd.f32 $9.999999960e-13, v21  }
0x52e: {  	v23 =	vadd.f32 $9.999999960e-13, v23;
	v16 =	vadd.s32 v17, v16;
	v14 =	vadd.f32 v18, v14  }
0x52f: {  	v25 =	vadd.f32 $9.999999960e-13, v25;
	v28 =	vadd.f32 $9.999999960e-13, v28;
	v17 =	vperm.xlane v16, v8  }
0x530: {  	v29 =	vadd.f32 $9.999999960e-13, v29;
	v30 =	vand.u32 $0x7FFFFF, v19;
	v18 =	vperm.xlane v14, v5  }
0x531: {  	v32 =	vand.u32 $0x7FFFFF, v21;
	v33 =	vand.u32 $0x7FFFFF, v23;
	v16 =	vadd.s32 v17, v16  }
0x532: {  	v34 =	vand.u32 $0x7FFFFF, v25;
	v17 =	vperm.xlane v16, v5;
	v14 =	vadd.f32 v18, v14  }
0x533: {  	v35 =	vand.u32 $0x7FFFFF, v28;
	v37 =	vand.u32 $0x7FFFFF, v29;
	v19 =	vshrl.u32 v19, $0x17  }
0x534: {  	v21 =	vshrl.u32 v21, $0x17;
	v17 =	vsub.s32 $0x0, v17;
	vm1 =	veq.f32 v14, v15;
	v15 =	vld [tilespmem:s25+$0x0]  }
0x535: {  	v23 =	vshrl.u32 v23, $0x17;
	v25 =	vshrl.u32 v25, $0x17;
	vm2 =	veq.s32 v16, v17;
	v16 =	vld [tilespmem:s25+$0xFFFFFF60]  }
0x536: {  	v28 =	vshrl.u32 v28, $0x17;
	v29 =	vshrl.u32 v29, $0x17;
	v30 =	vor.u32 $0x3F800000, v30  }
0x537: {  	v32 =	vor.u32 $0x3F800000, v32;
	v33 =	vor.u32 $0x3F800000, v33;
	v34 =	vor.u32 $0x3F800000, v34  }
0x538: {  	v35 =	vor.u32 $0x3F800000, v35;
	v37 =	vor.u32 $0x3F800000, v37;
	v19 =	vcvt.s32.f32 v19  }
0x539: {  	v21 =	vcvt.s32.f32 v21;
	v23 =	vcvt.s32.f32 v23;
	v15 =	vadd.f32 $9.999999960e-13, v15  }
0x53a: {  	v25 =	vcvt.s32.f32 v25;
	v40 =	vadd.f32 $1.000000000e+00, v30;
	v16 =	vadd.f32 $9.999999960e-13, v16  }
0x53b: {  	v20 =	vld [tilespmem:s25+$0xFFFFFFA0];
	v63 =	vadd.f32 $1.000000000e+00, v32;
	v42 =	vadd.f32 $1.000000000e+00, v33;
	v22 =	vand.u32 $0x7FFFFF, v15  }
0x53c: {  	v48 =	vadd.f32 $1.000000000e+00, v34;
	v24 =	vand.u32 $0x7FFFFF, v16;
	v22 =	vor.u32 $0x3F800000, v22  }
0x53d: {  	v49 =	vadd.f32 $1.000000000e+00, v35;
	v17 =	vld [tilespmem:s25+$0xFFFFFF70];
	v24 =	vor.u32 $0x3F800000, v24;
	v26 =	vadd.f32 $1.000000000e+00, v22  }
0x53e: {  	v28 =	vcvt.s32.f32 v28;
	v44 =	vadd.f32 $1.000000000e+00, v37;
	v18 =	vld [tilespmem:s25+$0xFFFFFF80];
	v36 =	vadd.f32 $1.000000000e+00, v24  }
0x53f: {  	v30 =	vadd.f32 $-1.000000000e+00, v30;
	v32 =	vadd.f32 $-1.000000000e+00, v32;
	(erf) = vrcp.f32 v26  }
0x540: {  	v33 =	vadd.f32 $-1.000000000e+00, v33;
	v20 =	vadd.f32 $9.999999960e-13, v20;
	(erf) = vrcp.f32 v36  }
0x541: {  	v29 =	vcvt.s32.f32 v29;
	v34 =	vadd.f32 $-1.000000000e+00, v34;
	v35 =	vadd.f32 $-1.000000000e+00, v35  }
0x542: {  	v31 =	vand.u32 $0x7FFFFF, v20;
	v20 =	vshrl.u32 v20, $0x17;
	v17 =	vadd.f32 $9.999999960e-13, v17  }
0x543: {  	v31 =	vor.u32 $0x3F800000, v31;
	v20 =	vcvt.s32.f32 v20;
	v18 =	vadd.f32 $9.999999960e-13, v18  }
0x544: {  	v27 =	vand.u32 $0x7FFFFF, v17;
	v16 =	vshrl.u32 v16, $0x17;
	v17 =	vshrl.u32 v17, $0x17  }
0x545: {  	v15 =	vshrl.u32 v15, $0x17;
	v27 =	vor.u32 $0x3F800000, v27;
	v26 =	vand.u32 $0x7FFFFF, v18  }
0x546: {  	v15 =	vcvt.s32.f32 v15;
	v38 =	vadd.f32 $1.000000000e+00, v27;
	v26 =	vor.u32 $0x3F800000, v26  }
0x547: {  	v16 =	vcvt.s32.f32 v16;
	v22 =	vadd.f32 $-1.000000000e+00, v22;
	v39 =	vadd.f32 $1.000000000e+00, v26  }
0x548: {  	v17 =	vcvt.s32.f32 v17;
	v24 =	vadd.f32 $-1.000000000e+00, v24;
	v62 =	vpop (erf);
	(erf) = vrcp.f32 v38  }
0x549: {  	v41 =	vadd.f32 $1.000000000e+00, v31;
	v22 =	vmul.f32 v62, v22;
	(erf) = vrcp.f32 v39;
	v52 =	vpop (erf)  }
0x54a: {  	v37 =	vadd.f32 $-1.000000000e+00, v37;
	(erf) = vrcp.f32 v40;
	v24 =	vmul.f32 v52, v24  }
0x54b: {  	v31 =	vadd.f32 $-1.000000000e+00, v31;
	v43 =	vmul.f32 v22, v22;
	(erf) = vrcp.f32 v41  }
0x54c: {  	vm1 =	vmand vm1, vm2;
	v15 =	vmul.f32 $6.931471820e-01, v15;
	(erf) = vrcp.f32 v63  }
0x54d: {  	v14 =	vnsel vm1, $0x3F800000, v14;
	v39 =	vmul.f32 v24, v24;
	v50 =	vmul.f32 $1.428571490e-01, v43  }
0x54e: {  	v27 =	vadd.f32 $-1.000000000e+00, v27;
	v16 =	vmul.f32 $6.931471820e-01, v16;
	(erf) = vrcp.f32 v42  }
0x54f: {  	v18 =	vshrl.u32 v18, $0x17;
	v46 =	vmul.f32 $1.428571490e-01, v39;
	v51 =	vadd.f32 $2.000000030e-01, v50  }
0x550: {  	v18 =	vcvt.s32.f32 v18;
	v26 =	vadd.f32 $-1.000000000e+00, v26;
	(erf) = vrcp.f32 v48  }
0x551: {  	(erf) = vrcp.f32 v49;
	v46 =	vadd.f32 $2.000000030e-01, v46;
	v36 =	vmul.f32 v51, v43;
	v53 =	vpop (erf)  }
0x552: {  	v22 =	vadd.f32 v22, v22;
	(erf) = vrcp.f32 v44;
	v27 =	vmul.f32 v53, v27;
	v54 =	vpop (erf)  }
0x553: {  	v46 =	vmul.f32 v46, v39;
	v36 =	vadd.f32 $3.333333430e-01, v36;
	v26 =	vmul.f32 v54, v26;
	v55 =	vpop (erf)  }
0x554: {  	v24 =	vadd.f32 v24, v24;
	v40 =	vmul.f32 v27, v27;
	v30 =	vmul.f32 v55, v30;
	v56 =	vpop (erf)  }
0x555: {  	v27 =	vadd.f32 v27, v27;
	v36 =	vmul.f32 v36, v43;
	v57 =	vpop (erf);
	v31 =	vmul.f32 v56, v31  }
0x556: {  	v46 =	vadd.f32 $3.333333430e-01, v46;
	v61 =	vmul.f32 v26, v26;
	v32 =	vmul.f32 v57, v32  }
0x557: {  	v26 =	vadd.f32 v26, v26;
	v58 =	vpop (erf);
	v41 =	vmul.f32 v30, v30;
	v48 =	vmul.f32 $1.428571490e-01, v40  }
0x558: {  	v39 =	vmul.f32 v46, v39;
	v30 =	vadd.f32 v30, v30;
	v33 =	vmul.f32 v58, v33  }
0x559: {  	v36 =	vadd.f32 $1.000000000e+00, v36;
	v59 =	vpop (erf);
	v63 =	vmul.f32 v31, v31;
	v49 =	vmul.f32 $1.428571490e-01, v61  }
0x55a: {  	v31 =	vadd.f32 v31, v31;
	v34 =	vmul.f32 v59, v34;
	v42 =	vmul.f32 v32, v32  }
0x55b: {  	v60 =	vpop (erf);
	v50 =	vmul.f32 $1.428571490e-01, v41;
	v48 =	vadd.f32 $2.000000030e-01, v48;
	v39 =	vadd.f32 $1.000000000e+00, v39  }
0x55c: {  	v32 =	vadd.f32 v32, v32;
	v22 =	vmul.f32 v36, v22;
	v35 =	vmul.f32 v60, v35  }
0x55d: {  	v62 =	vpop (erf);
	v43 =	vmul.f32 v33, v33;
	v51 =	vmul.f32 $1.428571490e-01, v63;
	v49 =	vadd.f32 $2.000000030e-01, v49  }
0x55e: {  	v33 =	vadd.f32 v33, v33;
	v36 =	vmul.f32 v62, v37;
	v44 =	vmul.f32 v34, v34  }
0x55f: {  	v52 =	vmul.f32 $1.428571490e-01, v42;
	v50 =	vadd.f32 $2.000000030e-01, v50;
	v48 =	vmul.f32 v48, v40  }
0x560: {  	v24 =	vmul.f32 v39, v24;
	v34 =	vadd.f32 v34, v34;
	v45 =	vmul.f32 v35, v35  }
0x561: {  	v53 =	vmul.f32 $1.428571490e-01, v43;
	v51 =	vadd.f32 $2.000000030e-01, v51;
	v49 =	vmul.f32 v49, v61  }
0x562: {  	v35 =	vadd.f32 v35, v35;
	v15 =	vadd.f32 v22, v15;
	v47 =	vmul.f32 v36, v36  }
0x563: {  	v54 =	vmul.f32 $1.428571490e-01, v44;
	v52 =	vadd.f32 $2.000000030e-01, v52;
	v50 =	vmul.f32 v50, v41  }
0x564: {  	v48 =	vadd.f32 $3.333333430e-01, v48;
	v36 =	vadd.f32 v36, v36;
	v55 =	vmul.f32 $1.428571490e-01, v45  }
0x565: {  	v53 =	vadd.f32 $2.000000030e-01, v53;
	v51 =	vmul.f32 v51, v63;
	v49 =	vadd.f32 $3.333333430e-01, v49  }
0x566: {  	v56 =	vmul.f32 $1.428571490e-01, v47;
	v52 =	vmul.f32 v52, v42;
	v57 =	vadd.f32 $3.333333430e-01, v50  }
0x567: {  	v40 =	vmul.f32 v48, v40;
	v50 =	vadd.f32 $-8.802969360e+01, v15;
	v15 =	vmul.f32 $6.931471820e-01, v17  }
0x568: {  	v54 =	vadd.f32 $2.000000030e-01, v54;
	v17 =	vmul.f32 $6.931471820e-01, v18;
	v18 =	vmul.f32 $6.931471820e-01, v19  }
0x569: {  	v19 =	vadd.f32 v24, v16;
	v16 =	vmul.f32 $6.931471820e-01, v20;
	v20 =	vmul.f32 $6.931471820e-01, v21  }
0x56a: {  	v24 =	vmul.f32 $6.931471820e-01, v25;
	v55 =	vadd.f32 $2.000000030e-01, v55;
	v53 =	vmul.f32 v53, v43  }
0x56b: {  	v58 =	vadd.f32 $3.333333430e-01, v51;
	v38 =	vmul.f32 v49, v61;
	v56 =	vadd.f32 $2.000000030e-01, v56  }
0x56c: {  	v54 =	vmul.f32 v54, v44;
	v59 =	vadd.f32 $3.333333430e-01, v52;
	v41 =	vmul.f32 v57, v41  }
0x56d: {  	v40 =	vadd.f32 $1.000000000e+00, v40;
	v19 =	vadd.f32 $-8.802969360e+01, v19;
	v55 =	vmul.f32 v55, v45  }
0x56e: {  	v60 =	vadd.f32 $3.333333430e-01, v53;
	v37 =	vmul.f32 v58, v63;
	v38 =	vadd.f32 $1.000000000e+00, v38  }
0x56f: {  	v56 =	vmul.f32 v56, v47;
	v61 =	vadd.f32 $3.333333430e-01, v54;
	v42 =	vmul.f32 v59, v42  }
0x570: {  	v41 =	vadd.f32 $1.000000000e+00, v41;
	v27 =	vmul.f32 v40, v27;
	v62 =	vadd.f32 $3.333333430e-01, v55  }
0x571: {  	v43 =	vmul.f32 v60, v43;
	v37 =	vadd.f32 $1.000000000e+00, v37;
	v26 =	vmul.f32 v38, v26  }
0x572: {  	v63 =	vadd.f32 $3.333333430e-01, v56;
	v44 =	vmul.f32 v61, v44;
	v42 =	vadd.f32 $1.000000000e+00, v42  }
0x573: {  	s16 =	sshll.u32 s1, $0x7;
	v30 =	vmul.f32 v41, v30;
	v21 =	vadd.f32 v27, v15;
	v15 =	vmul.f32 $6.931471820e-01, v23  }
0x574: {  	s30 =	sand.u32 $0x380, s16;
	s16 =	sadd.s32 $0xB0, s25;
	v45 =	vmul.f32 v62, v45;
	v43 =	vadd.f32 $1.000000000e+00, v43;
	v31 =	vmul.f32 v37, v31  }
0x575: {  	v23 =	vld [tilespmem:s16+$0x0];
	v17 =	vadd.f32 v26, v17;
	v46 =	vmul.f32 v63, v47;
	v44 =	vadd.f32 $1.000000000e+00, v44  }
0x576: {  	v32 =	vmul.f32 v42, v32;
	v26 =	vadd.f32 v30, v18;
	v18 =	vmul.f32 $6.931471820e-01, v28  }
0x577: {  	v28 =	vmul.f32 $6.931471820e-01, v29;
	v21 =	vadd.f32 $-8.802969360e+01, v21;
	v45 =	vadd.f32 $1.000000000e+00, v45  }
0x578: {  	v51 =	vld [tilespmem:s16+$0xFFFFFF90];
	v33 =	vmul.f32 v43, v33;
	v27 =	vadd.f32 v31, v16;
	v31 =	vadd.f32 $-8.802969360e+01, v17  }
0x579: {  	v29 =	vld [tilespmem:s16+$0xFFFFFF60];
	v46 =	vadd.f32 $1.000000000e+00, v46;
	v22 =	vmul.f32 v44, v34;
	v20 =	vadd.f32 v32, v20  }
0x57a: {  	v30 =	vld [tilespmem:s16+$0xFFFFFF70];
	v48 =	vmul.f32 v45, v35;
	v25 =	vadd.f32 v33, v15;
	v33 =	vadd.f32 $9.999999960e-13, v23  }
0x57b: {  	v23 =	vmul.f32 v19, v14;
	v19 =	vadd.f32 $-8.802969360e+01, v26;
	v26 =	vadd.f32 $-8.802969360e+01, v27  }
0x57c: {  	v49 =	vmul.f32 v46, v36;
	v15 =	vadd.f32 v22, v24;
	v24 =	vmul.f32 v50, v14  }
0x57d: {  	s5 =	simm.s32 $0xA0;
	s4 =	simm.s32 $0x500;
	s21 =	simm.s32 $0x380;
	v45 =	vadd.f32 $9.999999960e-13, v51;
	v22 =	vmul.f32 v21, v14;
	v21 =	vmul.f32 v31, v14  }
0x57e: {  	s18 =	simm.s32 $0x0;
	s4 =	sand.u32 $0x3C00, s4;
	s17 =	sand.u32 $0xFFFFE000, s15;
	v16 =	vadd.f32 v48, v18;
	v17 =	vand.u32 $0x7FFFFF, v33;
	v34 =	vadd.f32 $9.999999960e-13, v29  }
0x57f: {  	s19 =	simm.s32 $0x80;
	s12 =	simm.s32 $0x10;
	s0 =	sadd.s32 $0x8000, s17;
	v27 =	vld [tilespmem:s16+$0xFFFFFFA0];
	v19 =	vmul.f32 v19, v14;
	v38 =	vadd.f32 $9.999999960e-13, v30;
	v54 =	vand.u32 $0x7FFFFF, v45  }
0x580: {  	s5 =	sand.u32 $0x70, s5;
	s1 =	sand.u32 $0x1C00, s18;
	s4 =	sadd.s32 s4, s0;
	v33 =	vshrl.u32 v33, $0x17;
	v45 =	vshrl.u32 v45, $0x17;
	v18 =	vadd.f32 v49, v28  }
0x581: {  	s4 =	sadd.s32 s5, s4;
	s5 =	sand.u32 $0x3C00, s21;
	s21 =	simm.s32 $0x0;
	v31 =	vld [tilespmem:s16+$0xFFFFFFC0];
	v52 =	vor.u32 $0x3F800000, v17;
	v17 =	vadd.f32 $-8.802969360e+01, v20;
	v41 =	vor.u32 $0x3F800000, v54  }
0x582: {  	s2 =	sand.u32 $0x3C00, s19;
	s1 =	sadd.s32 s1, s0;
	s21 =	sand.u32 $0x70, s21;
	v29 =	vld [tilespmem:s16+$0xFFFFFFB0];
	v45 =	vcvt.s32.f32 v45;
	v15 =	vadd.f32 $-8.802969360e+01, v15;
	v20 =	vadd.f32 $1.000000000e+00, v52  }
0x583: {  	s12 =	sand.u32 $0x70, s12;
	s2 =	sadd.s32 s2, s0;
	s29 =	sadd.s32 s21, s1;
	v53 =	vld [tilespmem:s16+$0xFFFFFFD0];
	v30 =	vand.u32 $0x7FFFFF, v34;
	v36 =	vadd.f32 $-1.000000000e+00, v52;
	v62 =	vadd.f32 $1.000000000e+00, v41  }
0x584: {  	s2 =	sadd.s32 s12, s2;
	s12 =	sadd.s32 s30, s29;
	v28 =	vld [tilespmem:s16+$0xFFFFFF80];
	v16 =	vadd.f32 $-8.802969360e+01, v16;
	v40 =	vor.u32 $0x3F800000, v30;
	v35 =	vadd.f32 $9.999999960e-13, v27  }
0x585: {  	s7 =	simm.s32 $0x200;
	[tilespmem:s12+$0x0] =	vst.add.f32.msk $0xffff, v23;
	v23 =	vadd.f32 $-8.802969360e+01, v18;
	(erf) = vrcp.f32 v20;
	v20 =	vmul.f32 v26, v14  }
0x586: {  	s7 =	sand.u32 $0x3C00, s7;
	s15 =	simm.s32 $0x40;
	v26 =	vand.u32 $0x7FFFFF, v38;
	v57 =	vadd.f32 $1.000000000e+00, v40;
	v40 =	vadd.f32 $-1.000000000e+00, v40  }
0x587: {  	s15 =	sand.u32 $0x70, s15;
	s7 =	sadd.s32 s7, s0;
	v27 =	vld [tilespmem:s16+$0xFFFFFFF0];
	v32 =	vadd.f32 $9.999999960e-13, v29;
	v42 =	vor.u32 $0x3F800000, v26;
	v29 =	vadd.f32 $9.999999960e-13, v31  }
0x588: {  	s23 =	sadd.s32 s15, s7;
	v26 =	vand.u32 $0x7FFFFF, v35;
	v31 =	vadd.f32 $9.999999960e-13, v53;
	v35 =	vshrl.u32 v35, $0x17  }
0x589: {  	s7 =	sadd.s32 s30, s2;
	s2 =	sadd.s32 s30, s23;
	v39 =	vadd.f32 $9.999999960e-13, v28;
	(erf) = vrcp.f32 v57;
	v35 =	vcvt.s32.f32 v35  }
0x58a: {  	[tilespmem:s2+$0x0] =	vst.add.f32.msk $0xffff, v20;
	v20 =	vmul.f32 v17, v14;
	v55 =	vand.u32 $0x7FFFFF, v32;
	v56 =	vand.u32 $0x7FFFFF, v29  }
0x58b: {  	v28 =	vld [tilespmem:s16+$0xFFFFFFE0];
	v32 =	vshrl.u32 v32, $0x17;
	v29 =	vshrl.u32 v29, $0x17;
	v30 =	vand.u32 $0x7FFFFF, v39  }
0x58c: {  	v27 =	vadd.f32 $9.999999960e-13, v27;
	v37 =	vor.u32 $0x3F800000, v55;
	v44 =	vor.u32 $0x3F800000, v56  }
0x58d: {  	v32 =	vcvt.s32.f32 v32;
	v63 =	vadd.f32 $1.000000000e+00, v37;
	v56 =	vadd.f32 $1.000000000e+00, v44  }
0x58e: {  	v43 =	vor.u32 $0x3F800000, v30;
	v37 =	vadd.f32 $-1.000000000e+00, v37;
	v44 =	vadd.f32 $-1.000000000e+00, v44  }
0x58f: {  	v60 =	vadd.f32 $1.000000000e+00, v43;
	v61 =	vand.u32 $0x7FFFFF, v27;
	v43 =	vadd.f32 $-1.000000000e+00, v43  }
0x590: {  	v30 =	vadd.f32 $9.999999960e-13, v28;
	v28 =	vor.u32 $0x3F800000, v26;
	v26 =	vand.u32 $0x7FFFFF, v31  }
0x591: {  	v46 =	vor.u32 $0x3F800000, v61;
	v48 =	vor.u32 $0x3F800000, v26;
	v26 =	vadd.f32 $1.000000000e+00, v42;
	v59 =	vpop (erf)  }
0x592: {  	v61 =	vadd.f32 $-1.000000000e+00, v42;
	v31 =	vshrl.u32 v31, $0x17;
	v36 =	vmul.f32 v59, v36  }
0x593: {  	v31 =	vcvt.s32.f32 v31;
	v58 =	vand.u32 $0x7FFFFF, v30;
	(erf) = vrcp.f32 v26  }
0x594: {  	v30 =	vshrl.u32 v30, $0x17;
	(erf) = vrcp.f32 v60;
	v51 =	vmul.f32 v36, v36  }
0x595: {  	v47 =	vor.u32 $0x3F800000, v58;
	v26 =	vadd.f32 $1.000000000e+00, v28;
	v58 =	vadd.f32 $1.000000000e+00, v48  }
0x596: {  	v48 =	vadd.f32 $-1.000000000e+00, v48;
	(erf) = vrcp.f32 v62;
	v57 =	vmul.f32 $1.428571490e-01, v51  }
0x597: {  	v30 =	vcvt.s32.f32 v30;
	v59 =	vadd.f32 $1.000000000e+00, v47;
	(erf) = vrcp.f32 v26  }
0x598: {  	v60 =	vadd.f32 $1.000000000e+00, v46;
	(erf) = vrcp.f32 v63;
	v52 =	vadd.f32 $2.000000030e-01, v57  }
0x599: {  	v47 =	vadd.f32 $-1.000000000e+00, v47;
	v46 =	vadd.f32 $-1.000000000e+00, v46;
	v63 =	vpop (erf);
	(erf) = vrcp.f32 v56  }
0x59a: {  	v56 =	vadd.f32 $-1.000000000e+00, v41;
	v41 =	vmul.f32 v63, v40;
	v62 =	vmul.f32 v52, v51  }
0x59b: {  	v30 =	vmul.f32 $6.931471820e-01, v30;
	(erf) = vrcp.f32 v58;
	v57 =	vadd.f32 $-1.000000000e+00, v28  }
0x59c: {  	(erf) = vrcp.f32 v59;
	v50 =	vmul.f32 v41, v41;
	v58 =	vpop (erf);
	v28 =	vadd.f32 $3.333333430e-01, v62  }
0x59d: {  	v26 =	vshrl.u32 v34, $0x17;
	v42 =	vmul.f32 v58, v61;
	v59 =	vpop (erf);
	v62 =	vcvt.s32.f32 v33  }
0x59e: {  	v63 =	vadd.f32 v36, v36;
	v40 =	vmul.f32 v59, v43;
	v59 =	vmul.f32 $1.428571490e-01, v50  }
0x59f: {  	(erf) = vrcp.f32 v60;
	v43 =	vshrl.u32 v38, $0x17;
	v60 =	vmul.f32 v28, v51  }
0x5a0: {  	v51 =	vmul.f32 v42, v42;
	v49 =	vmul.f32 $6.931471820e-01, v62;
	v53 =	vadd.f32 $2.000000030e-01, v59;
	v28 =	vpop (erf)  }
0x5a1: {  	s20 =	simm.s32 $0x100;
	s6 =	simm.s32 $0x180;
	s8 =	simm.s32 $0x280;
	v43 =	vcvt.s32.f32 v43;
	v34 =	vadd.f32 $1.000000000e+00, v60;
	v28 =	vmul.f32 v28, v56;
	v61 =	vpop (erf)  }
0x5a2: {  	s9 =	simm.s32 $0x300;
	s11 =	simm.s32 $0x400;
	s22 =	simm.s32 $0x480;
	v41 =	vadd.f32 v41, v41;
	v53 =	vmul.f32 v53, v50;
	v55 =	vpop (erf);
	v36 =	vmul.f32 v61, v57  }
0x5a3: {  	s13 =	simm.s32 $0x20;
	s6 =	sand.u32 $0x3C00, s6;
	s8 =	sand.u32 $0x3C00, s8;
	v42 =	vadd.f32 v42, v42;
	v52 =	vmul.f32 v34, v63;
	v61 =	vmul.f32 $1.428571490e-01, v51;
	v56 =	vpop (erf)  }
0x5a4: {  	s9 =	sand.u32 $0x3C00, s9;
	s3 =	sand.u32 $0x3C00, s20;
	s20 =	simm.s32 $0x90;
	v33 =	vmul.f32 v55, v37;
	v53 =	vadd.f32 $3.333333430e-01, v53;
	v37 =	vmul.f32 v56, v44  }
0x5a5: {  	s11 =	sand.u32 $0x3C00, s11;
	s13 =	sand.u32 $0x70, s13;
	s20 =	sand.u32 $0x70, s20;
	v57 =	vpop (erf);
	v44 =	vshrl.u32 v39, $0x17;
	v62 =	vmul.f32 v36, v36;
	v49 =	vadd.f32 v52, v49  }
0x5a6: {  	s18 =	simm.s32 $0x60;
	s14 =	simm.s32 $0x30;
	s19 =	simm.s32 $0x70;
	v36 =	vadd.f32 v36, v36;
	v34 =	vmul.f32 v57, v48;
	v48 =	vmul.f32 v40, v40  }
0x5a7: {  	s18 =	sand.u32 $0x70, s18;
	s17 =	simm.s32 $0x50;
	s14 =	sand.u32 $0x70, s14;
	v58 =	vpop (erf);
	v55 =	vmul.f32 v33, v33;
	v50 =	vmul.f32 v53, v50;
	v40 =	vadd.f32 v40, v40  }
0x5a8: {  	s19 =	sand.u32 $0x70, s19;
	s3 =	sadd.s32 s3, s0;
	s6 =	sadd.s32 s6, s0;
	v44 =	vcvt.s32.f32 v44;
	v33 =	vadd.f32 v33, v33;
	v38 =	vmul.f32 v58, v47  }
0x5a9: {  	s8 =	sadd.s32 s8, s0;
	s9 =	sadd.s32 s9, s0;
	s11 =	sadd.s32 s11, s0;
	v60 =	vpop (erf);
	v47 =	vmul.f32 v28, v28;
	v58 =	vmul.f32 $1.428571490e-01, v62;
	v49 =	vadd.f32 $-8.802969360e+01, v49  }
0x5aa: {  	s17 =	sand.u32 $0x70, s17;
	s3 =	sadd.s32 s13, s3;
	s6 =	sadd.s32 s14, s6;
	v28 =	vadd.f32 v28, v28;
	v39 =	vmul.f32 v60, v46;
	v63 =	vmul.f32 $1.428571490e-01, v48  }
0x5ab: {  	s8 =	sadd.s32 s17, s8;
	s9 =	sadd.s32 s18, s9;
	s18 =	simm.s32 $0x600;
	v46 =	vadd.f32 $2.000000030e-01, v61;
	v60 =	vmul.f32 v37, v37;
	v59 =	vmul.f32 $1.428571490e-01, v55  }
0x5ac: {  	s17 =	simm.s32 $0x980;
	s10 =	sadd.s32 s30, s4;
	s4 =	sand.u32 $0x3C00, s22;
	v50 =	vadd.f32 $1.000000000e+00, v50;
	v18 =	vmul.f32 $6.931471820e-01, v44;
	v57 =	vmul.f32 $1.428571490e-01, v47  }
0x5ad: {  	s5 =	sadd.s32 s5, s0;
	s3 =	sadd.s32 s30, s3;
	s22 =	simm.s32 $0x880;
	v58 =	vadd.f32 $2.000000030e-01, v58;
	v56 =	vadd.f32 $2.000000030e-01, v63;
	v46 =	vmul.f32 v46, v51  }
0x5ae: {  	s14 =	sand.u32 $0x3C00, s18;
	s17 =	sand.u32 $0x3C00, s17;
	s4 =	sadd.s32 s4, s0;
	v61 =	vmul.f32 $1.428571490e-01, v60;
	v59 =	vadd.f32 $2.000000030e-01, v59;
	v41 =	vmul.f32 v50, v41  }
0x5af: {  	s24 =	sadd.s32 s19, s5;
	s26 =	sadd.s32 s21, s11;
	s5 =	sadd.s32 s30, s9;
	v57 =	vadd.f32 $2.000000030e-01, v57;
	v58 =	vmul.f32 v58, v62;
	v46 =	vadd.f32 $3.333333430e-01, v46  }
0x5b0: {  	s19 =	simm.s32 $0x680;
	s21 =	simm.s32 $0x700;
	s9 =	simm.s32 $0x150;
	v56 =	vmul.f32 v56, v48;
	v53 =	vadd.f32 $2.000000030e-01, v61;
	v59 =	vmul.f32 v59, v55  }
0x5b1: {  	s22 =	sand.u32 $0x3C00, s22;
	s14 =	sadd.s32 s14, s0;
	s17 =	sadd.s32 s17, s0;
	v57 =	vmul.f32 v57, v47;
	v58 =	vadd.f32 $3.333333430e-01, v58;
	v46 =	vmul.f32 v46, v51  }
0x5b2: {  	s28 =	sadd.s32 s20, s4;
	s4 =	sadd.s32 s30, s6;
	s6 =	sadd.s32 s30, s8;
	v56 =	vadd.f32 $3.333333430e-01, v56;
	v51 =	vmul.f32 v34, v34;
	v53 =	vmul.f32 v53, v60  }
0x5b3: {  	s11 =	sadd.s32 s30, s24;
	s1 =	sadd.s32 s30, s26;
	s8 =	simm.s32 $0x580;
	v59 =	vadd.f32 $3.333333430e-01, v59;
	v34 =	vadd.f32 v34, v34;
	v54 =	vmul.f32 v58, v62  }
0x5b4: {  	s20 =	simm.s32 $0xA80;
	s24 =	simm.s32 $0x780;
	s26 =	sand.u32 $0x70, s9;
	v57 =	vadd.f32 $3.333333430e-01, v57;
	v48 =	vmul.f32 v56, v48;
	v56 =	vmul.f32 v38, v38  }
0x5b5: {  	s18 =	sand.u32 $0x3C00, s19;
	s19 =	sand.u32 $0x3C00, s21;
	s29 =	simm.s32 $0xE0;
	v62 =	vmul.f32 $1.428571490e-01, v51;
	v53 =	vadd.f32 $3.333333430e-01, v53;
	v55 =	vmul.f32 v59, v55  }
0x5b6: {  	s22 =	sadd.s32 s22, s0;
	s15 =	sadd.s32 s30, s28;
	s23 =	sand.u32 $0x3C00, s20;
	v46 =	vadd.f32 $1.000000000e+00, v46;
	v38 =	vadd.f32 v38, v38;
	v47 =	vmul.f32 v57, v47  }
0x5b7: {  	s28 =	simm.s32 $0x800;
	s20 =	sand.u32 $0x3C00, s24;
	s24 =	simm.s32 $0xC0;
	v57 =	vmul.f32 v39, v39;
	v39 =	vadd.f32 v39, v39;
	v63 =	vmul.f32 $1.428571490e-01, v56  }
0x5b8: {  	s18 =	sadd.s32 s18, s0;
	s19 =	sadd.s32 s19, s0;
	s13 =	sadd.s32 s23, s0;
	v52 =	vmul.f32 v53, v60;
	v58 =	vadd.f32 $2.000000030e-01, v62;
	v48 =	vadd.f32 $1.000000000e+00, v48  }
0x5b9: {  	s23 =	simm.s32 $0x900;
	s21 =	sand.u32 $0x3C00, s28;
	s24 =	sand.u32 $0x70, s24;
	v62 =	vcvt.s32.f32 v26;
	v26 =	vadd.f32 $1.000000000e+00, v54;
	v42 =	vmul.f32 v46, v42  }
0x5ba: {  	s28 =	simm.s32 $0xF0;
	s20 =	sadd.s32 s20, s0;
	s13 =	sadd.s32 s26, s13;
	v60 =	vmul.f32 $1.428571490e-01, v57;
	v59 =	vadd.f32 $2.000000030e-01, v63;
	v58 =	vmul.f32 v58, v51  }
0x5bb: {  	s23 =	sand.u32 $0x3C00, s23;
	s26 =	simm.s32 $0xD0;
	s14 =	sadd.s32 s24, s14;
	v63 =	vadd.f32 $1.000000000e+00, v55;
	v52 =	vadd.f32 $1.000000000e+00, v52;
	v55 =	vcvt.s32.f32 v29  }
0x5bc: {  	s24 =	sand.u32 $0x70, s29;
	s29 =	simm.s32 $0x100;
	s26 =	sand.u32 $0x70, s26;
	v29 =	vadd.f32 v37, v37;
	v40 =	vmul.f32 v48, v40;
	v36 =	vmul.f32 v26, v36  }
0x5bd: {  	s21 =	sadd.s32 s21, s0;
	s23 =	sadd.s32 s23, s0;
	s31 =	sadd.s32 s26, s18;
	[tilespmem:s10+$0x0] =	vst.add.f32.msk $0xffff, v24;
	v24 =	vmul.f32 $6.931471820e-01, v62;
	v62 =	vmul.f32 $6.931471820e-01, v35;
	v53 =	vadd.f32 $2.000000030e-01, v60  }
0x5be: {  	s18 =	sadd.s32 s24, s19;
	s26 =	sand.u32 $0x70, s28;
	s28 =	simm.s32 $0x110;
	v60 =	vshrl.u32 v27, $0x17;
	v27 =	vmul.f32 v49, v14;
	v59 =	vmul.f32 v59, v56  }
0x5bf: {  	s24 =	sand.u32 $0x70, s29;
	s29 =	simm.s32 $0x120;
	s19 =	sadd.s32 s26, s20;
	v47 =	vadd.f32 $1.000000000e+00, v47;
	v37 =	vcvt.s32.f32 v60;
	v60 =	vmul.f32 v52, v29  }
0x5c0: {  	s20 =	sand.u32 $0x70, s28;
	s21 =	sadd.s32 s24, s21;
	s26 =	simm.s32 $0xA00;
	[tilespmem:s3+$0x0] =	vst.add.f32.msk $0xffff, v21;
	v58 =	vadd.f32 $3.333333430e-01, v58;
	v29 =	vmul.f32 $6.931471820e-01, v43;
	v21 =	vmul.f32 $6.931471820e-01, v55  }
0x5c1: {  	s24 =	sand.u32 $0x70, s29;
	s28 =	simm.s32 $0x140;
	s29 =	sand.u32 $0x1C00, s8;
	[tilespmem:s7+$0x0] =	vst.add.f32.msk $0xffff, v22;
	v22 =	vadd.f32 v41, v24;
	v24 =	vmul.f32 $6.931471820e-01, v31;
	v53 =	vmul.f32 v53, v57  }
0x5c2: {  	s20 =	sadd.s32 s20, s22;
	s22 =	sand.u32 $0x3C00, s26;
	s23 =	sadd.s32 s24, s23;
	v31 =	vadd.f32 v40, v18;
	v61 =	vadd.f32 $3.333333430e-01, v59;
	v51 =	vmul.f32 v58, v51  }
0x5c3: {  	s24 =	sand.u32 $0x70, s28;
	s26 =	simm.s32 $0xB0;
	s22 =	sadd.s32 s22, s0;
	v58 =	vmul.f32 v63, v33;
	v59 =	vadd.f32 $-8.802969360e+01, v25;
	v53 =	vadd.f32 $3.333333430e-01, v53  }
0x5c4: {  	s28 =	sand.u32 $0x70, s26;
	s10 =	sadd.s32 s29, s0;
	s29 =	sadd.s32 s30, s13;
	v63 =	vmul.f32 $6.931471820e-01, v32;
	v29 =	vadd.f32 v42, v29;
	v49 =	vmul.f32 v61, v56  }
0x5c5: {  	s22 =	sadd.s32 s24, s22;
	s17 =	sadd.s32 s28, s17;
	s12 =	sadd.s32 s30, s23;
	[tilespmem:s29+$0x0] =	vst.add.f32.msk $0xffff, v27;
	v32 =	vadd.f32 v36, v62;
	v27 =	vadd.f32 v60, v21;
	v53 =	vmul.f32 v53, v57  }
0x5c6: {  	s3 =	sadd.s32 s30, s14;
	s7 =	sadd.s32 s30, s31;
	s14 =	sadd.s32 s30, s18;
	[tilespmem:s4+$0x0] =	vst.add.f32.msk $0xffff, v19;
	v19 =	vmul.f32 $6.931471820e-01, v37;
	v51 =	vadd.f32 $1.000000000e+00, v51;
	v49 =	vadd.f32 $1.000000000e+00, v49  }
0x5c7: {  	s13 =	sadd.s32 s30, s19;
	s18 =	sadd.s32 s30, s21;
	s24 =	sadd.s32 s28, s10;
	v61 =	vmul.f32 $6.931471820e-01, v45;
	v57 =	vmul.f32 v47, v28;
	v53 =	vadd.f32 $1.000000000e+00, v53  }
0x5c8: {  	s10 =	simm.s32 $0xB;
	s4 =	sadd.s32 s30, s20;
	s31 =	sadd.s32 s30, s24;
	v18 =	vadd.f32 v58, v63;
	v26 =	vmul.f32 v51, v34;
	v28 =	vmul.f32 v49, v38  }
0x5c9: {  	s2 =	sadd.s32 s30, s17;
	s17 =	sadd.s32 s30, s22;
	s16 =	sadd.s32 $0xB0, s16;
	v21 =	vmul.f32 v59, v14;
	v33 =	vadd.f32 v57, v61;
	v25 =	vmul.f32 v53, v39  }
.LBB2_28:
0x5ca: {  	v34 =	vld [tilespmem:s16+$0x0];
	s10 =	sadd.s32 $0xB, s10;
	v24 =	vadd.f32 v26, v24;
	v28 =	vadd.f32 v28, v30;
	v30 =	vmul.f32 v15, v14  }
0x5cb: {  	v15 =	vadd.f32 $-8.802969360e+01, v22;
	v19 =	vadd.f32 v25, v19;
	v22 =	vmul.f32 v16, v14;
	v35 =	vld [tilespmem:s16+$0xFFFFFF60];
	p0 =	slt.u32 s10, $0x2C  }
0x5cc: {  	v16 =	vadd.f32 $-8.802969360e+01, v29;
	v29 =	vadd.f32 $-8.802969360e+01, v31;
	v23 =	vmul.f32 v23, v14;
	v25 =	vld [tilespmem:s16+$0xFFFFFF70]  }
0x5cd: {  	v33 =	vadd.f32 $-8.802969360e+01, v33;
	v32 =	vadd.f32 $-8.802969360e+01, v32;
	v36 =	vmul.f32 v15, v14;
	v31 =	vld [tilespmem:s16+$0xFFFFFF80]  }
0x5ce: {  	v18 =	vadd.f32 $-8.802969360e+01, v18;
	v17 =	vadd.f32 $-8.802969360e+01, v27;
	v38 =	vmul.f32 v16, v14;
	v37 =	vld [tilespmem:s16+$0xFFFFFF90]  }
0x5cf: {  	v29 =	vmul.f32 v29, v14;
	v15 =	vadd.f32 $-8.802969360e+01, v24;
	v27 =	vld [tilespmem:s16+$0xFFFFFFA0];
	v26 =	vadd.f32 $9.999999960e-13, v34  }
0x5d0: {  	v33 =	vmul.f32 v33, v14;
	v16 =	vadd.f32 $-8.802969360e+01, v28;
	v24 =	vadd.f32 $9.999999960e-13, v35;
	v34 =	vld [tilespmem:s16+$0xFFFFFFB0]  }
0x5d1: {  	v32 =	vmul.f32 v32, v14;
	v25 =	vadd.f32 $9.999999960e-13, v25;
	v28 =	vld [tilespmem:s16+$0xFFFFFFC0];
	v35 =	vand.u32 $0x7FFFFF, v26  }
0x5d2: {  	v39 =	vand.u32 $0x7FFFFF, v24;
	v31 =	vadd.f32 $9.999999960e-13, v31;
	v40 =	vld [tilespmem:s16+$0xFFFFFFD0];
	v35 =	vor.u32 $0x3F800000, v35  }
0x5d3: {  	v41 =	vand.u32 $0x7FFFFF, v25;
	v37 =	vadd.f32 $9.999999960e-13, v37;
	v42 =	vld [tilespmem:s16+$0xFFFFFFE0];
	v43 =	vadd.f32 $1.000000000e+00, v35  }
0x5d4: {  	v39 =	vor.u32 $0x3F800000, v39;
	v44 =	vand.u32 $0x7FFFFF, v31;
	v27 =	vadd.f32 $9.999999960e-13, v27;
	v45 =	vld [tilespmem:s16+$0xFFFFFFF0]  }
0x5d5: {  	v46 =	vand.u32 $0x7FFFFF, v37;
	v47 =	vadd.f32 $9.999999960e-13, v34;
	(erf) = vrcp.f32 v43;
	[tilespmem:s31+$0x0] =	vst.add.f32.msk $0xffff, v36  }
0x5d6: {  	v41 =	vor.u32 $0x3F800000, v41;
	v36 =	vand.u32 $0x7FFFFF, v27;
	v43 =	vadd.f32 $9.999999960e-13, v28;
	[tilespmem:s3+$0x0] =	vst.add.f32.msk $0xffff, v38  }
0x5d7: {  	v28 =	vor.u32 $0x3F800000, v44;
	v38 =	vand.u32 $0x7FFFFF, v47;
	v44 =	vadd.f32 $9.999999960e-13, v40;
	[tilespmem:s7+$0x0] =	vst.add.f32.msk $0xffff, v29  }
0x5d8: {  	v29 =	vor.u32 $0x3F800000, v46;
	v40 =	vand.u32 $0x7FFFFF, v43;
	v34 =	vadd.f32 $9.999999960e-13, v42;
	[tilespmem:s14+$0x0] =	vst.add.f32.msk $0xffff, v33  }
0x5d9: {  	v33 =	vor.u32 $0x3F800000, v36;
	v42 =	vand.u32 $0x7FFFFF, v44;
	v36 =	vadd.f32 $9.999999960e-13, v45;
	[tilespmem:s13+$0x0] =	vst.add.f32.msk $0xffff, v32  }
0x5da: {  	v32 =	vor.u32 $0x3F800000, v38;
	v38 =	vor.u32 $0x3F800000, v40;
	v40 =	vand.u32 $0x7FFFFF, v34;
	[tilespmem:s6+$0x0] =	vst.add.f32.msk $0xffff, v20;
	s6 =	smov.u32 s18  }
0x5db: {  	v42 =	vor.u32 $0x3F800000, v42;
	v40 =	vor.u32 $0x3F800000, v40;
	v20 =	vand.u32 $0x7FFFFF, v36;
	[tilespmem:s5+$0x0] =	vst.add.f32.msk $0xffff, v21;
	s5 =	smov.u32 s4  }
0x5dc: {  	v48 =	vadd.f32 $1.000000000e+00, v39;
	v45 =	vadd.f32 $1.000000000e+00, v41;
	v46 =	vor.u32 $0x3F800000, v20;
	[tilespmem:s11+$0x0] =	vst.add.f32.msk $0xffff, v30;
	s11 =	smov.u32 s12  }
0x5dd: {  	v20 =	vshrl.u32 v24, $0x17;
	v24 =	vadd.f32 $1.000000000e+00, v28;
	v30 =	vadd.f32 $-1.000000000e+00, v35;
	[tilespmem:s1+$0x0] =	vst.add.f32.msk $0xffff, v22;
	s1 =	smov.u32 s2  }
0x5de: {  	v35 =	vadd.f32 $1.000000000e+00, v33;
	v22 =	vadd.f32 $1.000000000e+00, v29;
	(erf) = vrcp.f32 v48;
	v21 =	vpop (erf);
	[tilespmem:s15+$0x0] =	vst.add.f32.msk $0xffff, v23;
	s15 =	smov.u32 s17  }
0x5df: {  	v23 =	vadd.f32 $1.000000000e+00, v32;
	v48 =	vadd.f32 $1.000000000e+00, v38;
	v30 =	vmul.f32 v21, v30  }
0x5e0: {  	v49 =	vadd.f32 $1.000000000e+00, v40;
	v21 =	vadd.f32 $1.000000000e+00, v42;
	(erf) = vrcp.f32 v45  }
0x5e1: {  	v45 =	vadd.f32 $1.000000000e+00, v46;
	v50 =	vmul.f32 v30, v30;
	(erf) = vrcp.f32 v24  }
0x5e2: {  	v24 =	vadd.f32 $-1.000000000e+00, v39;
	v39 =	vadd.f32 $-1.000000000e+00, v41;
	(erf) = vrcp.f32 v22  }
0x5e3: {  	v28 =	vadd.f32 $-1.000000000e+00, v28;
	v22 =	vmul.f32 $1.428571490e-01, v50;
	(erf) = vrcp.f32 v35  }
0x5e4: {  	v33 =	vadd.f32 $-1.000000000e+00, v33;
	v29 =	vadd.f32 $-1.000000000e+00, v29;
	(erf) = vrcp.f32 v23  }
0x5e5: {  	v32 =	vadd.f32 $-1.000000000e+00, v32;
	v22 =	vadd.f32 $2.000000030e-01, v22;
	(erf) = vrcp.f32 v48  }
0x5e6: {  	v35 =	vadd.f32 $-1.000000000e+00, v38;
	v38 =	vadd.f32 $-1.000000000e+00, v42;
	(erf) = vrcp.f32 v21  }
0x5e7: {  	v42 =	vadd.f32 $-1.000000000e+00, v40;
	v41 =	vmul.f32 v22, v50;
	v21 =	vpop (erf);
	(erf) = vrcp.f32 v49  }
0x5e8: {  	v46 =	vadd.f32 $-1.000000000e+00, v46;
	v48 =	vmul.f32 v21, v24;
	(erf) = vrcp.f32 v45  }
0x5e9: {  	v24 =	vshrl.u32 v25, $0x17;
	v21 =	vshrl.u32 v31, $0x17;
	v31 =	vadd.f32 $3.333333430e-01, v41;
	v22 =	vpop (erf)  }
0x5ea: {  	v40 =	vmul.f32 v48, v48;
	v39 =	vmul.f32 v22, v39;
	v22 =	vshrl.u32 v37, $0x17;
	v23 =	vpop (erf)  }
0x5eb: {  	v49 =	vmul.f32 v23, v28;
	v23 =	vshrl.u32 v27, $0x17;
	v45 =	vmul.f32 v31, v50;
	v25 =	vpop (erf)  }
0x5ec: {  	v26 =	vshrl.u32 v26, $0x17;
	v41 =	vmul.f32 v39, v39;
	v25 =	vmul.f32 v25, v29;
	v28 =	vpop (erf)  }
0x5ed: {  	v30 =	vadd.f32 v30, v30;
	v50 =	vcvt.s32.f32 v26;
	v37 =	vadd.f32 $1.000000000e+00, v45;
	v27 =	vpop (erf)  }
0x5ee: {  	v26 =	vshrl.u32 v47, $0x17;
	v29 =	vmul.f32 v28, v33;
	v28 =	vmul.f32 v27, v32;
	v32 =	vpop (erf)  }
0x5ef: {  	v45 =	vmul.f32 $6.931471820e-01, v50;
	v27 =	vshrl.u32 v43, $0x17;
	v37 =	vmul.f32 v37, v30;
	v31 =	vpop (erf)  }
0x5f0: {  	v32 =	vmul.f32 v32, v35;
	v30 =	vshrl.u32 v44, $0x17;
	v31 =	vmul.f32 v31, v38;
	v33 =	vpop (erf)  }
0x5f1: {  	s8 =	sadd.s32 $0x580, s8;
	v43 =	vmul.f32 v49, v49;
	v33 =	vmul.f32 v33, v42;
	v37 =	vadd.f32 v37, v45;
	v35 =	vpop (erf)  }
0x5f2: {  	s3 =	sadd.s32 $0x100, s8;
	v34 =	vshrl.u32 v34, $0x17;
	s4 =	sadd.s32 $0x500, s8;
	s2 =	sadd.s32 $0x80, s8;
	v45 =	vmul.f32 v25, v25;
	v35 =	vmul.f32 v35, v46  }
0x5f3: {  	s9 =	sadd.s32 $0xB0, s9;
	s7 =	sadd.s32 $0x180, s8;
	s4 =	sand.u32 $0x3C00, s4;
	v47 =	vmul.f32 v29, v29;
	v44 =	vmul.f32 v28, v28;
	v38 =	vadd.f32 $-8.802969360e+01, v37  }
0x5f4: {  	s13 =	sand.u32 $0x70, s9;
	v36 =	vshrl.u32 v36, $0x17;
	s12 =	sadd.s32 $0x200, s8;
	s4 =	sadd.s32 s4, s0;
	v50 =	vmul.f32 v32, v32;
	v42 =	vmul.f32 v31, v31  }
0x5f5: {  	s14 =	sadd.s32 $0x280, s8;
	s17 =	sadd.s32 $0x300, s8;
	s4 =	sadd.s32 s13, s4;
	v37 =	vadd.f32 v48, v48;
	v46 =	vmul.f32 v33, v33;
	v48 =	vmul.f32 v38, v14  }
0x5f6: {  	s18 =	sadd.s32 $0x400, s8;
	s13 =	sadd.s32 $0x380, s8;
	s4 =	sadd.s32 s30, s4;
	v51 =	vmul.f32 $1.428571490e-01, v40;
	v52 =	vmul.f32 v35, v35;
	v38 =	vadd.f32 v39, v39  }
0x5f7: {  	s19 =	sadd.s32 $0x480, s8;
	s3 =	sand.u32 $0x3C00, s3;
	s2 =	sand.u32 $0x3C00, s2;
	v53 =	vmul.f32 $1.428571490e-01, v41;
	v54 =	vmul.f32 $1.428571490e-01, v43;
	v39 =	vadd.f32 v49, v49;
	[tilespmem:s4+$0x0] =	vst.add.f32.msk $0xffff, v48  }
0x5f8: {  	v49 =	vmul.f32 $1.428571490e-01, v45;
	v48 =	vadd.f32 $2.000000030e-01, v51;
	s4 =	sand.u32 $0x3C00, s7;
	v51 =	vmul.f32 $1.428571490e-01, v47;
	s7 =	sand.u32 $0x3C00, s12;
	s12 =	sand.u32 $0x3C00, s14  }
0x5f9: {  	s13 =	sand.u32 $0x3C00, s13;
	v53 =	vadd.f32 $2.000000030e-01, v53;
	v55 =	vmul.f32 $1.428571490e-01, v44;
	v56 =	vmul.f32 $1.428571490e-01, v50;
	s14 =	sand.u32 $0x3C00, s17;
	s17 =	sand.u32 $0x3C00, s18  }
0x5fa: {  	s19 =	sand.u32 $0x3C00, s19;
	s2 =	sadd.s32 s2, s0;
	v54 =	vadd.f32 $2.000000030e-01, v54;
	v57 =	vmul.f32 $1.428571490e-01, v42;
	v58 =	vmul.f32 $1.428571490e-01, v46;
	s18 =	sand.u32 $0x1C00, s8  }
0x5fb: {  	s20 =	sadd.s32 $0xFFFFFF70, s9;
	s21 =	sadd.s32 $0xFFFFFF80, s9;
	s3 =	sadd.s32 s3, s0;
	v59 =	vmul.f32 $1.428571490e-01, v52;
	v49 =	vadd.f32 $2.000000030e-01, v49;
	v51 =	vadd.f32 $2.000000030e-01, v51  }
0x5fc: {  	s22 =	sadd.s32 $0xFFFFFF90, s9;
	s23 =	sadd.s32 $0xFFFFFFA0, s9;
	s24 =	sadd.s32 $0xFFFFFFB0, s9;
	v55 =	vadd.f32 $2.000000030e-01, v55;
	v56 =	vadd.f32 $2.000000030e-01, v56;
	v48 =	vmul.f32 v48, v40  }
0x5fd: {  	s26 =	sadd.s32 $0xFFFFFFC0, s9;
	s29 =	sadd.s32 $0xFFFFFFF0, s9;
	s31 =	sadd.s32 $0xFFFFFFD0, s9;
	v53 =	vmul.f32 v53, v41;
	v57 =	vadd.f32 $2.000000030e-01, v57;
	v58 =	vadd.f32 $2.000000030e-01, v58  }
0x5fe: {  	s28 =	sadd.s32 $0xFFFFFF60, s9;
	v54 =	vmul.f32 v54, v43;
	s4 =	sadd.s32 s4, s0;
	s7 =	sadd.s32 s7, s0;
	v59 =	vadd.f32 $2.000000030e-01, v59;
	v49 =	vmul.f32 v49, v45  }
0x5ff: {  	s13 =	sadd.s32 s13, s0;
	v55 =	vmul.f32 v55, v44;
	s12 =	sadd.s32 s12, s0;
	s14 =	sadd.s32 s14, s0;
	v48 =	vadd.f32 $3.333333430e-01, v48;
	v51 =	vmul.f32 v51, v47  }
0x600: {  	s28 =	sand.u32 $0x70, s28;
	s19 =	sadd.s32 s19, s0;
	v53 =	vadd.f32 $3.333333430e-01, v53;
	v56 =	vmul.f32 v56, v50;
	v57 =	vmul.f32 v57, v42;
	s17 =	sadd.s32 s17, s0  }
0x601: {  	s20 =	sand.u32 $0x70, s20;
	s21 =	sand.u32 $0x70, s21;
	v54 =	vadd.f32 $3.333333430e-01, v54;
	s18 =	sadd.s32 s18, s0;
	v58 =	vmul.f32 v58, v46;
	v59 =	vmul.f32 v59, v52  }
0x602: {  	s22 =	sand.u32 $0x70, s22;
	s23 =	sand.u32 $0x70, s23;
	s24 =	sand.u32 $0x70, s24;
	v40 =	vmul.f32 v48, v40;
	v48 =	vadd.f32 $3.333333430e-01, v49;
	v49 =	vadd.f32 $3.333333430e-01, v51  }
0x603: {  	s26 =	sand.u32 $0x70, s26;
	s29 =	sand.u32 $0x70, s29;
	s31 =	sand.u32 $0x70, s31;
	v41 =	vmul.f32 v53, v41;
	v53 =	vadd.f32 $3.333333430e-01, v56;
	v51 =	vadd.f32 $3.333333430e-01, v55  }
0x604: {  	s2 =	sadd.s32 s20, s2;
	s20 =	sadd.s32 s21, s3;
	v43 =	vmul.f32 v54, v43;
	s4 =	sadd.s32 s22, s4;
	v54 =	vadd.f32 $3.333333430e-01, v57;
	v55 =	vadd.f32 $3.333333430e-01, v58  }
0x605: {  	s21 =	sadd.s32 s23, s7;
	s12 =	sadd.s32 s24, s12;
	s22 =	sadd.s32 s26, s14;
	v45 =	vmul.f32 v48, v45;
	v47 =	vmul.f32 v49, v47;
	v48 =	vadd.f32 $3.333333430e-01, v59  }
0x606: {  	s19 =	sadd.s32 s29, s19;
	s23 =	sadd.s32 s31, s13;
	s17 =	sadd.s32 s28, s17;
	v40 =	vadd.f32 $1.000000000e+00, v40;
	v44 =	vmul.f32 v51, v44;
	v49 =	vmul.f32 v53, v50  }
0x607: {  	s3 =	sadd.s32 s30, s2;
	v41 =	vadd.f32 $1.000000000e+00, v41;
	s24 =	sadd.s32 s28, s18;
	s7 =	sadd.s32 s30, s20;
	v42 =	vmul.f32 v54, v42;
	v46 =	vmul.f32 v55, v46  }
0x608: {  	v43 =	vadd.f32 $1.000000000e+00, v43;
	s14 =	sadd.s32 s30, s4;
	s13 =	sadd.s32 s30, s21;
	s18 =	sadd.s32 s30, s12;
	v45 =	vadd.f32 $1.000000000e+00, v45;
	v48 =	vmul.f32 v48, v52  }
0x609: {  	v20 =	vcvt.s32.f32 v20;
	s4 =	sadd.s32 s30, s22;
	s12 =	sadd.s32 s30, s23;
	s2 =	sadd.s32 s30, s17;
	v47 =	vadd.f32 $1.000000000e+00, v47;
	v44 =	vadd.f32 $1.000000000e+00, v44  }
0x60a: {  	v24 =	vcvt.s32.f32 v24;
	s31 =	sadd.s32 s30, s24;
	s17 =	sadd.s32 s30, s19;
	v42 =	vadd.f32 $1.000000000e+00, v42;
	v49 =	vadd.f32 $1.000000000e+00, v49  }
0x60b: {  	v21 =	vcvt.s32.f32 v21;
	v46 =	vadd.f32 $1.000000000e+00, v46;
	v48 =	vadd.f32 $1.000000000e+00, v48  }
0x60c: {  	v22 =	vcvt.s32.f32 v22;
	v29 =	vadd.f32 v29, v29;
	v25 =	vadd.f32 v25, v25  }
0x60d: {  	v28 =	vadd.f32 v28, v28;
	v32 =	vadd.f32 v32, v32;
	v50 =	vcvt.s32.f32 v23  }
0x60e: {  	v51 =	vcvt.s32.f32 v26;
	v26 =	vadd.f32 v31, v31;
	v31 =	vadd.f32 v33, v33  }
0x60f: {  	v27 =	vcvt.s32.f32 v27;
	v30 =	vcvt.s32.f32 v30;
	v33 =	vadd.f32 v35, v35  }
0x610: {  	v34 =	vcvt.s32.f32 v34;
	v35 =	vcvt.s32.f32 v36;
	v23 =	vadd.f32 $-8.802969360e+01, v19  }
0x611: {  	v36 =	vmul.f32 v41, v38;
	v19 =	vmul.f32 v40, v37  }
0x612: {  	v37 =	vmul.f32 v43, v39;
	v38 =	vmul.f32 v45, v25  }
0x613: {  	v39 =	vmul.f32 v47, v29;
	v40 =	vmul.f32 v44, v28  }
0x614: {  	v26 =	vmul.f32 v42, v26;
	v41 =	vmul.f32 v49, v32  }
0x615: {  	v28 =	vmul.f32 v46, v31;
	v25 =	vmul.f32 v48, v33  }
0x616: {  	v20 =	vmul.f32 $6.931471820e-01, v20;
	v24 =	vmul.f32 $6.931471820e-01, v24  }
0x617: {  	v21 =	vmul.f32 $6.931471820e-01, v21;
	v32 =	vmul.f32 $6.931471820e-01, v22  }
.Ltmp12:
0x618: {  	v42 =	vmul.f32 $6.931471820e-01, v51;
	v22 =	vadd.f32 v19, v20;
	v20 =	vmul.f32 $6.931471820e-01, v50;
	(pc) =	sbr.rel @p0 .LBB2_28-.Ltmp12, $4  }
0x619: {  	v27 =	vmul.f32 $6.931471820e-01, v27;
	v29 =	vadd.f32 v36, v24;
	v24 =	vmul.f32 $6.931471820e-01, v30  }
0x61a: {  	v31 =	vadd.f32 v37, v21;
	v30 =	vmul.f32 $6.931471820e-01, v34;
	v19 =	vmul.f32 $6.931471820e-01, v35  }
0x61b: {  	v33 =	vadd.f32 v38, v32;
	v32 =	vadd.f32 v39, v20;
	v20 =	vmul.f32 v18, v14  }
0x61c: {  	s16 =	sadd.s32 $0xB0, s16;
	v21 =	vmul.f32 v17, v14;
	v18 =	vadd.f32 v40, v42;
	v27 =	vadd.f32 v41, v27  }
0x61d: {  	v15 =	vmul.f32 v15, v14;
	[tilespmem:s6+$0x0] =	vst.add.f32.msk $0xffff, v20  }
0x61e: {  	v17 =	vadd.f32 $-8.802969360e+01, v22;
	v16 =	vmul.f32 v16, v14;
	[tilespmem:s5+$0x0] =	vst.add.f32.msk $0xffff, v21  }
0x61f: {  	v51 =	vadd.f32 $-8.802969360e+01, v29;
	v58 =	vmul.f32 v23, v14;
	[tilespmem:s11+$0x0] =	vst.add.f32.msk $0xffff, v15  }
0x620: {  	v52 =	vadd.f32 $-8.802969360e+01, v31;
	v17 =	vmul.f32 v17, v14;
	[tilespmem:s1+$0x0] =	vst.add.f32.msk $0xffff, v16  }
0x621: {  	v53 =	vadd.f32 $-8.802969360e+01, v33;
	v22 =	vmul.f32 v51, v14;
	[tilespmem:s15+$0x0] =	vst.add.f32.msk $0xffff, v58  }
0x622: {  	v32 =	vadd.f32 $-8.802969360e+01, v32;
	v29 =	vmul.f32 v52, v14;
	[tilespmem:s31+$0x0] =	vst.add.f32.msk $0xffff, v17  }
0x623: {  	v57 =	vadd.f32 v28, v30;
	v18 =	vadd.f32 $-8.802969360e+01, v18;
	v54 =	vmul.f32 v53, v14;
	[tilespmem:s3+$0x0] =	vst.add.f32.msk $0xffff, v22  }
0x624: {  	v56 =	vadd.f32 v26, v24;
	v59 =	vadd.f32 $-8.802969360e+01, v27;
	v55 =	vmul.f32 v32, v14;
	[tilespmem:s7+$0x0] =	vst.add.f32.msk $0xffff, v29  }
0x625: {  	v15 =	vadd.f32 v25, v19;
	v61 =	vadd.f32 $-8.802969360e+01, v57;
	v60 =	vmul.f32 v18, v14;
	[tilespmem:s14+$0x0] =	vst.add.f32.msk $0xffff, v54  }
0x626: {  	v62 =	vmul.f32 v59, v14;
	[tilespmem:s13+$0x0] =	vst.add.f32.msk $0xffff, v55;
	v17 =	vadd.f32 $-8.802969360e+01, v56  }
0x627: {  	v15 =	vadd.f32 $-8.802969360e+01, v15;
	v63 =	vmul.f32 v61, v14;
	[tilespmem:s18+$0x0] =	vst.add.f32.msk $0xffff, v60  }
0x628: {  	[tilespmem:s4+$0x0] =	vst.add.f32.msk $0xffff, v62;
	v17 =	vmul.f32 v17, v14  }
0x629: {  	v15 =	vmul.f32 v15, v14;
	[tilespmem:s2+$0x0] =	vst.add.f32.msk $0xffff, v63  }
0x62a: {  	[tilespmem:s12+$0x0] =	vst.add.f32.msk $0xffff, v17  }
0x62b: {  	[tilespmem:s17+$0x0] =	vst.add.f32.msk $0xffff, v15  }
0x62c: {  	s0 =	sadd.s32 s30, s0;
	s6 =	rddreg [dreg:$0x17]  }
0x62d: {  	s1 =	simm.s32 $0x370;
	s2 =	simm.s32 $0x1B80;
	s3 =	smov.u32 s6  }
.LBB2_30:
0x62e: {  	v15 =	vld [tilespmem:s3+$0x0];
	_ =	sdelay $0x4  }
0x62f: {  	v15 =	vadd.f32 $9.999999960e-13, v15;
	_ =	sdelay $0x1  }
0x630: {  	v16 =	vand.u32 $0x7FFFFF, v15  }
0x631: {  	v16 =	vor.u32 $0x3F800000, v16  }
0x632: {  	v17 =	vadd.f32 $1.000000000e+00, v16;
	_ =	sdelay $0x1  }
0x633: {  	(erf) = vrcp.f32 v17;
	_ =	sdelay $0x7  }
0x634: {  	v16 =	vadd.f32 $-1.000000000e+00, v16  }
0x635: {  	v17 =	vpop (erf)  }
0x636: {  	v16 =	vmul.f32 v17, v16;
	_ =	sdelay $0x1  }
0x637: {  	v17 =	vmul.f32 v16, v16;
	_ =	sdelay $0x1  }
0x638: {  	v18 =	vmul.f32 $1.428571490e-01, v17;
	_ =	sdelay $0x1  }
0x639: {  	v18 =	vadd.f32 $2.000000030e-01, v18;
	_ =	sdelay $0x1  }
0x63a: {  	v18 =	vmul.f32 v18, v17;
	_ =	sdelay $0x1  }
0x63b: {  	v18 =	vadd.f32 $3.333333430e-01, v18;
	_ =	sdelay $0x1  }
0x63c: {  	v17 =	vmul.f32 v18, v17  }
0x63d: {  	v15 =	vshrl.u32 v15, $0x17  }
0x63e: {  	v15 =	vcvt.s32.f32 v15;
	v16 =	vadd.f32 v16, v16;
	v17 =	vadd.f32 $1.000000000e+00, v17;
	_ =	sdelay $0x1  }
0x63f: {  	v15 =	vmul.f32 $6.931471820e-01, v15;
	v16 =	vmul.f32 v17, v16;
	_ =	sdelay $0x1  }
0x640: {  	v15 =	vadd.f32 v16, v15  }
0x641: {  	p0 =	sne.s32 s1, $0x3D0  }
.Ltmp13:
0x642: {  	v15 =	vadd.f32 $-8.802969360e+01, v15;
	(pc) =	sbr.rel @p0 .LBB2_30-.Ltmp13, $4  }
0x643: {  	s4 =	sand.u32 $0x1C00, s2  }
0x644: {  	s5 =	sand.u32 $0x70, s1;
	s4 =	sadd.s32 s4, s0;
	v15 =	vmul.f32 v15, v14  }
0x645: {  	s4 =	sadd.s32 s5, s4  }
0x646: {  	s2 =	sadd.s32 $0x80, s2;
	s3 =	sadd.s32 $0x10, s3;
	s1 =	sadd.s32 $0x10, s1;
	[tilespmem:s4+$0x0] =	vst.add.f32.msk $0xffff, v15  }
0x647: {  	s0 =	rddreg [dreg:$0x1c]  }
0x648: {  	v15 =	vld [tilespmem:s0+$0x44E0];
	_ =	sdelay $0x4  }
0x649: {  	v15 =	vadd.f32 $9.999999960e-13, v15;
	_ =	sdelay $0x1  }
0x64a: {  	v16 =	vand.u32 $0x7FFFFF, v15  }
0x64b: {  	v16 =	vor.u32 $0x3F800000, v16  }
0x64c: {  	v17 =	vadd.f32 $1.000000000e+00, v16;
	_ =	sdelay $0x1  }
0x64d: {  	(erf) = vrcp.f32 v17;
	_ =	sdelay $0x7  }
0x64e: {  	v16 =	vadd.f32 $-1.000000000e+00, v16  }
0x64f: {  	v17 =	vpop (erf)  }
0x650: {  	v16 =	vmul.f32 v17, v16;
	_ =	sdelay $0x1  }
0x651: {  	v17 =	vmul.f32 v16, v16;
	_ =	sdelay $0x1  }
0x652: {  	v18 =	vmul.f32 $1.428571490e-01, v17;
	_ =	sdelay $0x1  }
0x653: {  	v18 =	vadd.f32 $2.000000030e-01, v18;
	_ =	sdelay $0x1  }
0x654: {  	v18 =	vmul.f32 v18, v17;
	_ =	sdelay $0x1  }
0x655: {  	v18 =	vadd.f32 $3.333333430e-01, v18;
	_ =	sdelay $0x1  }
0x656: {  	v17 =	vmul.f32 v18, v17  }
0x657: {  	v15 =	vshrl.u32 v15, $0x17  }
0x658: {  	v15 =	vcvt.s32.f32 v15;
	v16 =	vadd.f32 v16, v16;
	v17 =	vadd.f32 $1.000000000e+00, v17;
	_ =	sdelay $0x1  }
0x659: {  	v15 =	vmul.f32 $6.931471820e-01, v15;
	v16 =	vmul.f32 v17, v16  }
0x65a: {  	s29 =	sld [smem:$0x7FD]  }
0x65b: {  	s5 =	rddreg [dreg:$0x15];
	v15 =	vadd.f32 v16, v15  }
0x65c: {  	s2 =	rddreg [dreg:$0xf]  }
0x65d: {  	s3 =	rddreg [dreg:$0x11];
	v15 =	vadd.f32 $-8.802969360e+01, v15  }
0x65e: {  	s4 =	rddreg [dreg:$0x13];
	p0 =	slt.u32 s5, $0xE  }
.Ltmp14:
0x65f: {  	s31 =	rddreg [dreg:$0x14];
	v14 =	vmul.f32 v15, v14;
	(pc) =	sbr.rel @p0 .LBB2_19-.Ltmp14, $4  }
0x660: {  	s25 =	sadd.s32 $0x7D0, s25;
	s6 =	sadd.s32 $0x7D0, s6;
	s0 =	sor.u32 s29, s30  }
0x661: {  	s1 =	sadd.s32 $0x2, s5;
	s4 =	sadd.s32 $0x7D0, s4;
	s0 =	sor.u32 $0x1C60, s0;
	v14 =	vnsel vm0, $0x0, v14  }
0x662: {  	s2 =	sadd.s32 $0x7D0, s2;
	[dreg:$0x13] =	wrdreg s4;
	[tilespmem:s0+$0x8000] =	vst.add.f32.msk $0xffff, v14;
	s0 =	sadd.s32 $0x7D0, s31  }
0x663: {  	s3 =	sadd.s32 $0x7D0, s3;
	s4 =	smov.u32 s1;
	[dreg:$0x14] =	wrdreg s0  }
0x664: {  	s3 =	rddreg [dreg:$0xb]  }
0x665: {  	s3 =	sadd.s32 $0x1, s3  }
0x666: {  	p0 =	sne.s32 s3, $0x10  }
.Ltmp15:
0x667: {  	_ = 	snop;
	(pc) =	sbr.rel @p0 .LBB2_4-.Ltmp15, $1  }
0x668: {  	_ =	sdelay $0x3  }
0x669: {  	s7 =	simm.s32 $0x0  }
0x66a: {  	s0 =	rddreg [dreg:$0x8];
	s1 =	simm.s32 $0x8000;
	s30 =	simm.s32 $0x4  }
0x66b: {  	[hbm4b:s0+s7] =	stream.linear.scatter [tilespmem:s1], [sflag:$0x4], $0x10000, $0x38;
	[tilespmem:$0x18000] =	vst v63  }
0x66c: {  	_ =	swait.ge [sflag:s30], $0x10000  }
0x66d: {  	s2 =	rddreg [dreg:$0xa]  }
0x66e: {  	s31 =	rddreg [dreg:$0x9];
	s2 =	sadd.s32 $0x1, s2  }
0x66f: {  	p0 =	sne.s32 s2, s31  }
.Ltmp16:
0x670: {  	_ = 	snop;
	(pc) =	sbr.rel @p0 .LBB2_1-.Ltmp16, $3  }
0x671: {  	_ =	sdelay $0x1  }
0x672: {  	[sflag:s30] =	ssyncset.done $0x0  }
0x673: {  	[sflag:s30] =	ssyncadd.s32 $0xFFFF0000  }
0x674: {  	_ =	sfence.sel $0x180000  }
0x675: {  	[bflag:$0x0] =	sbarrier.arrive $0xFFFF  }
0x676: {  	_ =	strace $0x90000047  }
0x677: {  	s0 =	stileid.u32;
	[bflag:$0x2] =	sbarrier.arrive $0xFFFF  }
0x678: {  	p0 =	sne.s32 s0, $0x0;
	s0 =	rddreg [dreg:$0x2]  }
0x679: {  	s0 =	sadd.s32 @!p0 $0x100000, s0  }
0x67a: {  	[sflag:s0] =	ssyncadd.tile.s32 @!p0 $0x1;
	_ =	shalt  }
.Lfunc_end2:
_tile_overlayer_lowered:
.L_overlay_start_2:
0x67b: {  	(tag) =	ssettag $0x2  }
0x67c: {  	s0 =	rddreg [dreg:$0x0];
	s2 =	stileid.u32  }
0x67d: {  	s1 =	rddreg [dreg:$0x1];
	p0 =	sne.s32 s2, $0x0  }
0x67e: {  	s3 =	rddreg [dreg:$0x2];
	[bflag:$0x3] =	sbarrier.arrive $0xFFFF;
	s2 =	simm.s32 @!p0 $0x1C04  }
0x67f: {  	[timem:s3], [sflag:s2] =	dma.local @!p0 [hbm:s0], s1  }
0x680: {  	s0 =	simm.s32 @!p0 $0x4  }
0x681: {  	_ =	swait.ge @!p0 [sflag:s0], s1  }
0x682: {  	s1 =	ssub.s32 @!p0 $0x0, s1;
	[sflag:s0] =	ssyncset.done @!p0 $0x0  }
0x683: {  	[sflag:s0] =	ssyncadd.s32 @!p0 s1  }
0x684: {  	[bflag:$0x3] =	sbarrier.arrive $0xFFFF  }
0x685: {  	_ =	shalt  }

</sc_bundles>
